<compile_context>
chip_gen: v7x
topology: tpu7x:2x2x1
jax: 0.10.2.dev20260603
libtpu: 0.0.44.dev20260713+nightly
codegen_flags: <defaults>
</compile_context>

<pallas_src>
import functools

import jax
import jax.numpy as jnp
import numpy as np
from jax import lax
from jax.experimental import pallas as pl
from jax.experimental.pallas import tpu as pltpu
from jax.experimental.pallas import tpu_sc as plsc

B = 4096
L = 20
NTAB = 26
VOCAB = 100000
M = 32
NC = 2
NS = 16
NW = NC * NS
BAGS_W = B // NW
CH = BAGS_W // 2
CH_ROWS = CH * L
NSUB = CH_ROWS // 128


def _sc_embed_body(idx_hbm, emb_hbm, out_hbm,
                   idx_v0, idx_v1, rows0, rows1, out_v, sem0, sem1,
                   g0, ng):
    w = lax.axis_index("s") * NC + lax.axis_index("c")

    def fire(chunk, idx_v, rows, sem):
        pltpu.sync_copy(idx_hbm.at[chunk], idx_v)
        for c in range(NSUB):
            pltpu.async_copy(emb_hbm.at[idx_v.at[c]],
                             rows.at[pl.ds(c * 128, 128)], sem)

    def drain(idx_v, rows, sem):
        for c in range(NSUB):
            pltpu.make_async_copy(emb_hbm.at[idx_v.at[0]],
                                  rows.at[pl.ds(c * 128, 128)], sem).wait()

    hi_mask = jnp.full((16,), -65536, jnp.int32)
    sh16 = jnp.full((16,), 16, jnp.int32)

    def split_row(vi):
        even = lax.bitcast_convert_type(lax.shift_left(vi, sh16), jnp.float32)
        odd = lax.bitcast_convert_type(jnp.bitwise_and(vi, hi_mask), jnp.float32)
        return even, odd

    def pool(rows, out_base):
        def bag_body(b, carry):
            base = b * L
            e0, o0 = split_row(rows[base, :])
            e1, o1 = split_row(rows[base + 1, :])
            for r in range(2, L, 2):
                c0, c1 = split_row(rows[base + r, :])
                d0, d1 = split_row(rows[base + r + 1, :])
                e0 = e0 + c0
                o0 = o0 + c1
                e1 = e1 + d0
                o1 = o1 + d1
            out_v[out_base + b, pl.ds(0, 16)] = e0 + e1
            out_v[out_base + b, pl.ds(16, 16)] = o0 + o1
            return carry
        lax.fori_loop(0, CH, bag_body, 0, unroll=False)

    fire((g0 * NW + w) * 2, idx_v0, rows0, sem0)

    def table_body(t, carry):
        tw2 = ((g0 + t) * NW + w) * 2
        fire(tw2 + 1, idx_v1, rows1, sem1)
        drain(idx_v0, rows0, sem0)
        pool(rows0, 0)

        @pl.when(t < ng - 1)
        def _():
            fire(tw2 + 2 * NW, idx_v0, rows0, sem0)

        drain(idx_v1, rows1, sem1)
        pool(rows1, CH)
        pltpu.sync_copy(out_v,
                        out_hbm.at[t, pl.ds(w * BAGS_W, BAGS_W), pl.ds(0, M)])
        return carry

    lax.fori_loop(0, ng, table_body, 0, unroll=False)


def _sc_embed(idx4, emb_flat, g0, ng):
    mesh = plsc.VectorSubcoreMesh(core_axis_name="c", subcore_axis_name="s")
    kfn = pl.kernel(
        functools.partial(_sc_embed_body, g0=g0, ng=ng),
        out_type=jax.ShapeDtypeStruct((ng, B, 128), jnp.float32),
        mesh=mesh,
        scratch_types=[
            pltpu.VMEM((NSUB, 128), jnp.int32),
            pltpu.VMEM((NSUB, 128), jnp.int32),
            pltpu.VMEM((CH_ROWS, M // 2), jnp.int32),
            pltpu.VMEM((CH_ROWS, M // 2), jnp.int32),
            pltpu.VMEM((BAGS_W, M), jnp.float32),
            pltpu.SemaphoreType.DMA,
            pltpu.SemaphoreType.DMA,
        ],
        compiler_params=pltpu.CompilerParams(use_tc_tiling_on_sc=False),
    )
    return kfn(idx4, emb_flat)


JB = VOCAB
D8 = 8
SEG = JB // D8
SEGP = SEG + 4


def _tc_transpose_body(src_ref, out_ref):
    x = src_ref[0]
    v = lax.bitcast_convert_type(x, jnp.int32)
    rnd = v + 32768
    lo = lax.shift_right_logical(rnd[:M // 2], 16)
    hi = jnp.bitwise_and(rnd[M // 2:], -65536)
    w = jnp.bitwise_or(lo, hi)
    ch = SEG // 4
    for c in range(4):
        xs = jnp.concatenate(
            [w[:, dq * SEG + c * ch:dq * SEG + (c + 1) * ch] for dq in range(D8)],
            axis=0)
        out_ref[0, c * ch:(c + 1) * ch, :] = xs.T


def _tc_transpose(emb_t, g0, ng):
    return pl.pallas_call(
        _tc_transpose_body,
        grid=(ng,),
        in_specs=[pl.BlockSpec((1, M, JB), lambda t: (g0 + t, 0, 0))],
        out_specs=pl.BlockSpec((1, SEGP, 128), lambda t: (t, 0, 0)),
        out_shape=jax.ShapeDtypeStruct((ng, SEGP, 128), jnp.int32),
        compiler_params=pltpu.CompilerParams(vmem_limit_bytes=100 * 1024 * 1024),
    )(emb_t)


def _permute_idx(idx):
    return (idx % SEG) * D8 + idx // SEG


def _tc_dense_body(dense_t, ly_a, ly_b,
                   w0, b0, w1, b1, w2, b2,
                   tw0, tb0, tw1, tb1, tw2, tb2, out_ref):
    d = dense_t[...]
    x = jax.nn.relu(jnp.dot(w0[...], d, preferred_element_type=jnp.float32)
                    + b0[...][:, None])
    x = jax.nn.relu(jnp.dot(w1[...], x, preferred_element_type=jnp.float32)
                    + b1[...][:, None])
    x = jax.nn.relu(jnp.dot(w2[...], x, preferred_element_type=jnp.float32)
                    + b2[...][:, None])
    ly3 = jnp.concatenate([ly_a[...][:, :, :M], ly_b[...][:, :, :M]],
                          axis=0)
    ly_t = jnp.transpose(ly3, (0, 2, 1)).reshape(NTAB * M, ly3.shape[1])
    r = jnp.concatenate([x, ly_t], axis=0)
    blk = r.shape[1]
    pieces = [x]
    for i in range(1, NTAB + 1):
        u = r[i * M:(i + 1) * M]
        r3 = r[:i * M].reshape(i, M, blk)
        pi = (r3 * u[None]).sum(axis=1)
        pieces.append(pi)
    z = jnp.concatenate(pieces, axis=0)
    h = jax.nn.relu(jnp.dot(tw0[...], z, preferred_element_type=jnp.float32)
                    + tb0[...][:, None])
    h = jax.nn.relu(jnp.dot(tw1[...], h, preferred_element_type=jnp.float32)
                    + tb1[...][:, None])
    p = jax.nn.sigmoid(jnp.dot(tw2[...], h, preferred_element_type=jnp.float32)
                       + tb2[...][:, None])
    out_ref[...] = p.T


def _tc_dense(dense_t, ly_a, ly_b, weights):
    blk = 512
    grid = (B // blk,)
    full = lambda shape: pl.BlockSpec(shape, lambda i: (0,) * len(shape))
    in_specs = [
        pl.BlockSpec((13, blk), lambda i: (0, i)),
        pl.BlockSpec((NTAB // 2, blk, 128), lambda i: (0, i, 0)),
        pl.BlockSpec((NTAB // 2, blk, 128), lambda i: (0, i, 0)),
    ] + [full(w.shape) for w in weights]
    out_specs = pl.BlockSpec((blk, 1), lambda i: (i, 0))
    return pl.pallas_call(
        _tc_dense_body,
        grid=grid,
        in_specs=in_specs,
        out_specs=out_specs,
        out_shape=jax.ShapeDtypeStruct((B, 1), jnp.float32),
        compiler_params=pltpu.CompilerParams(vmem_limit_bytes=100 * 1024 * 1024),
    )(dense_t, ly_a, ly_b, *weights)


def kernel(dense_x, lS_i, lS_o, emb_tables,
           bot_W0, bot_b0, bot_W1, bot_b1, bot_W2, bot_b2,
           top_W0, top_b0, top_W1, top_b1, top_W2, top_b2):
    del lS_o
    NG = NTAB // 2
    offs = ((jnp.arange(NTAB, dtype=jnp.int32) % NG) * (SEGP * D8))[:, None]
    idx4 = _permute_idx(lS_i) + offs
    idx4 = idx4.reshape(NTAB, NW, 2, NSUB, 128).reshape(
        NTAB * NW * 2, NSUB, 128)
    emb_t = jnp.transpose(emb_tables, (0, 2, 1))
    ly_parts = []
    for g in range(2):
        ef = _tc_transpose(emb_t, g * NG, NG).reshape(NG * SEGP * D8, M // 2)
        ly_parts.append(_sc_embed(idx4, ef, g * NG, NG))
    dense_t = dense_x.T
    weights = (bot_W0, bot_b0, bot_W1, bot_b1, bot_W2, bot_b2,
               top_W0, top_b0, top_W1, top_b1, top_W2, top_b2)
    return _tc_dense(dense_t, ly_parts[0], ly_parts[1], weights)

# --- scband reference (transcript-rebuilt; emitter-appended) ---
"""Pipeline reference for scband-dlrm-net-32280974197063 (READ-ONLY COPY).

The authoritative reference and input builder live on the scoring server;
editing this copy changes nothing except your own understanding.
"""

import jax, jax.numpy as jnp
import numpy as np

B = 4096
L = 20
NTAB = 26
VOCAB = 100000
M = 32
LN_BOT = [13, 512, 256, 32]
LN_TOP = [383, 512, 256, 1]


def _mlp_params(key, ln):
    params = []
    for i in range(len(ln) - 1):
        n, m = ln[i], ln[i + 1]
        key, k1, k2 = jax.random.split(key, 3)
        W = jax.random.normal(k1, (m, n), dtype=jnp.float32) * np.sqrt(2.0 / (m + n))
        b = jax.random.normal(k2, (m,), dtype=jnp.float32) * np.sqrt(1.0 / m)
        params += [W, b]
    return params


def setup_inputs(seed: int = 0):
    key = jax.random.key(seed)
    ks = jax.random.split(key, 6)
    dense_x = jax.random.normal(ks[0], (B, 13), dtype=jnp.float32)
    lS_i = jax.random.randint(ks[1], (NTAB, B * L), 0, VOCAB, dtype=jnp.int32)
    lS_o = jnp.tile(jnp.arange(0, B * L, L, dtype=jnp.int32)[None, :], (NTAB, 1))
    bound = float(1.0 / np.sqrt(VOCAB))
    emb_tables = jax.random.uniform(ks[2], (NTAB, VOCAB, M), minval=-bound, maxval=bound, dtype=jnp.float32)
    bot = _mlp_params(ks[3], LN_BOT)
    top = _mlp_params(ks[4], LN_TOP)
    inp = {"dense_x": dense_x, "lS_i": lS_i, "lS_o": lS_o, "emb_tables": emb_tables}
    for nm, p in zip(["bot_W0", "bot_b0", "bot_W1", "bot_b1", "bot_W2", "bot_b2"], bot):
        inp[nm] = p
    for nm, p in zip(["top_W0", "top_b0", "top_W1", "top_b1", "top_W2", "top_b2"], top):
        inp[nm] = p
    return inp


def reference(dense_x, lS_i, lS_o, emb_tables,
              bot_W0, bot_b0, bot_W1, bot_b1, bot_W2, bot_b2,
              top_W0, top_b0, top_W1, top_b1, top_W2, top_b2):
    # bottom MLP (all ReLU, sigmoid_bot=-1)
    x = dense_x
    for W, b in ((bot_W0, bot_b0), (bot_W1, bot_b1), (bot_W2, bot_b2)):
        x = jax.nn.relu(x @ W.T + b)
    # embedding bag (sum pooling, fixed L lookups per bag; lS_o encodes bag
    # boundaries at stride L, equivalent to the reshape below)
    idx = lS_i.reshape(NTAB, B, L)
    ly = jax.vmap(lambda tbl, ix: jnp.take(tbl, ix, axis=0).sum(axis=1))(emb_tables, idx)  # [NTAB, B, M]
    # dot interaction (arch_interaction_op='dot', itself=False)
    T = jnp.transpose(jnp.concatenate([x[None, :, :], ly], axis=0), (1, 0, 2))  # [B, NTAB+1, M]
    Z = jnp.einsum('bim,bjm->bij', T, T)
    li, lj = np.tril_indices(NTAB + 1, k=-1)
    Zflat = Z[:, li, lj]  # [B, 351]
    z = jnp.concatenate([x, Zflat], axis=1)  # [B, 383]
    # top MLP (ReLU, ReLU, Sigmoid at i==sigmoid_top==2)
    for W, b in ((top_W0, top_b0), (top_W1, top_b1)):
        z = jax.nn.relu(z @ W.T + b)
    p = jax.nn.sigmoid(z @ top_W2.T + top_b2)
    return p

if __name__ == "__main__":
    import jax
    _d = setup_inputs()
    print(jax.jit(kernel)(*tuple(_d.values())))

</pallas_src>

<mosaic_0001>
#map = affine_map<(d0, d1) -> (0, 0, 0)>
#map1 = affine_map<(d0, d1) -> (0, 0)>
module attributes {stable_mosaic.version = 14 : i64} {
  func.func @_sc_embed_body(%arg0: i32, %arg1: i32, %arg2: memref<1664x10x128xi32, #tpu.memory_space<hbm>>, %arg3: memref<1300416x16xi32, #tpu.memory_space<hbm>>, %arg4: memref<13x4096x128xf32, #tpu.memory_space<hbm>>, %arg5: memref<10x128xi32, #tpu.memory_space<vmem>>, %arg6: memref<10x128xi32, #tpu.memory_space<vmem>>, %arg7: memref<1280x16xi32, #tpu.memory_space<vmem>>, %arg8: memref<1280x16xi32, #tpu.memory_space<vmem>>, %arg9: memref<128x32xf32, #tpu.memory_space<vmem>>, %arg10: memref<!tpu.dma_semaphore, #tpu.memory_space<semaphore_mem>>, %arg11: memref<!tpu.dma_semaphore, #tpu.memory_space<semaphore_mem>>) attributes {dimension_semantics = [#tpu.dimension_semantics<core_parallel>, #tpu.dimension_semantics<subcore_parallel>], iteration_bounds = array<i64: 2, 16>, scalar_prefetch = 0 : i64, scratch_operands = 7 : i64, tpu.core_type = #tpu.core_type<sc_vector_subcore>, window_params = [{transform_indices = #map}, {transform_indices = #map1}, {transform_indices = #map}]} {
    %mul3A = arith.constant 2 : i32
    %mul3A_0 = arith.muli %arg1, %mul3A : i32
    %add3A = arith.addi %mul3A_0, %arg0 : i32
    %broadcast_in_dim3A = arith.constant -65536 : i32
    %broadcast_in_dim3A_1 = vector.broadcast %broadcast_in_dim3A : i32 to vector<16xi32>
    %broadcast_in_dim3A_2 = arith.constant 16 : i32
    %broadcast_in_dim3A_3 = vector.broadcast %broadcast_in_dim3A_2 : i32 to vector<16xi32>
    %add3A_4 = arith.constant 0 : i32
    %add3A_5 = arith.addi %add3A_4, %add3A : i32
    %mul3A_6 = arith.constant 2 : i32
    %mul3A_7 = arith.muli %add3A_5, %mul3A_6 : i32
    "tpu.region"() ({
      %run_scoped3A = tpu.sem_alloc : memref<!tpu.dma_semaphore, #tpu.memory_space<semaphore_mem>>
      %dma_start3A_112 = arith.constant 0 : i32
      %dma_start3A_113 = arith.constant 0 : i32
      %dma_start3A_114 = tpu.memref_slice %arg2[%mul3A_7, %dma_start3A_112, %dma_start3A_113] : memref<1664x10x128xi32, #tpu.memory_space<hbm>> -> memref<1x10x128xi32, #tpu.memory_space<hbm>>
      %dma_start3A_115 = tpu.memref_squeeze %dma_start3A_114 : memref<1x10x128xi32, #tpu.memory_space<hbm>> -> memref<10x128xi32, #tpu.memory_space<hbm>>
      %dma_start3A_116 = arith.constant 0 : i32
      %dma_start3A_117 = arith.constant 0 : i32
      %dma_start3A_118 = tpu.memref_slice %arg2[%mul3A_7, %dma_start3A_116, %dma_start3A_117] : memref<1664x10x128xi32, #tpu.memory_space<hbm>> -> memref<1x10x128xi32, #tpu.memory_space<hbm>>
      %dma_start3A_119 = tpu.memref_squeeze %dma_start3A_118 : memref<1x10x128xi32, #tpu.memory_space<hbm>> -> memref<10x128xi32, #tpu.memory_space<hbm>>
      tpu.enqueue_dma source(%dma_start3A_119 : memref<10x128xi32, #tpu.memory_space<hbm>>) target(%arg5 : memref<10x128xi32, #tpu.memory_space<vmem>>) target_semaphore(%run_scoped3A : memref<!tpu.dma_semaphore, #tpu.memory_space<semaphore_mem>>)
      %dma_wait3A = arith.constant 0 : i32
      %dma_wait3A_120 = arith.constant 0 : i32
      %dma_wait3A_121 = tpu.memref_slice %arg2[%mul3A_7, %dma_wait3A, %dma_wait3A_120] : memref<1664x10x128xi32, #tpu.memory_space<hbm>> -> memref<1x10x128xi32, #tpu.memory_space<hbm>>
      %dma_wait3A_122 = tpu.memref_squeeze %dma_wait3A_121 : memref<1x10x128xi32, #tpu.memory_space<hbm>> -> memref<10x128xi32, #tpu.memory_space<hbm>>
      %dma_wait3A_123 = arith.constant 0 : i32
      %dma_wait3A_124 = arith.constant 0 : i32
      %dma_wait3A_125 = tpu.memref_slice %arg2[%mul3A_7, %dma_wait3A_123, %dma_wait3A_124] : memref<1664x10x128xi32, #tpu.memory_space<hbm>> -> memref<1x10x128xi32, #tpu.memory_space<hbm>>
      %dma_wait3A_126 = tpu.memref_squeeze %dma_wait3A_125 : memref<1x10x128xi32, #tpu.memory_space<hbm>> -> memref<10x128xi32, #tpu.memory_space<hbm>>
      tpu.wait_dma2 semaphore(%run_scoped3A : memref<!tpu.dma_semaphore, #tpu.memory_space<semaphore_mem>>) src(%dma_wait3A_126 : memref<10x128xi32, #tpu.memory_space<hbm>>) dst(%arg5 : memref<10x128xi32, #tpu.memory_space<vmem>>)
      tpu.yield
    }) : () -> ()
    %dma_start3A = arith.constant 0 : i32
    %dma_start3A_8 = arith.constant 0 : i32
    %dma_start3A_9 = arith.constant 0 : i32
    %dma_start3A_10 = tpu.memref_slice %arg7[%dma_start3A_8, %dma_start3A_9] : memref<1280x16xi32, #tpu.memory_space<vmem>> -> memref<128x16xi32, #tpu.memory_space<vmem>>
    %dma_start3A_11 = arith.constant 0 : i32
    %dma_start3A_12 = tpu.memref_slice %arg5[%dma_start3A, %dma_start3A_11] : memref<10x128xi32, #tpu.memory_space<vmem>> -> memref<1x128xi32, #tpu.memory_space<vmem>>
    %dma_start3A_13 = tpu.memref_squeeze %dma_start3A_12 : memref<1x128xi32, #tpu.memory_space<vmem>> -> memref<128xi32, #tpu.memory_space<vmem>>
    %dma_start3A_14 = arith.constant 0 : i32
    %dma_start3A_15 = arith.constant 0 : i32
    %dma_start3A_16 = tpu.memref_slice %arg3[%dma_start3A_14, %dma_start3A_15] : memref<1300416x16xi32, #tpu.memory_space<hbm>> -> memref<1300416x16xi32, #tpu.memory_space<hbm>>
    tpu.enqueue_indirect_dma source(%dma_start3A_16 : memref<1300416x16xi32, #tpu.memory_space<hbm>>) target(%dma_start3A_10 : memref<128x16xi32, #tpu.memory_space<vmem>>) offsets(%dma_start3A_13 : memref<128xi32, #tpu.memory_space<vmem>>) semaphore(%arg10 : memref<!tpu.dma_semaphore, #tpu.memory_space<semaphore_mem>>)
    %dma_start3A_17 = arith.constant 1 : i32
    %dma_start3A_18 = arith.constant 128 : i32
    %dma_start3A_19 = arith.constant 0 : i32
    %dma_start3A_20 = tpu.memref_slice %arg7[%dma_start3A_18, %dma_start3A_19] : memref<1280x16xi32, #tpu.memory_space<vmem>> -> memref<128x16xi32, #tpu.memory_space<vmem>>
    %dma_start3A_21 = arith.constant 0 : i32
    %dma_start3A_22 = tpu.memref_slice %arg5[%dma_start3A_17, %dma_start3A_21] : memref<10x128xi32, #tpu.memory_space<vmem>> -> memref<1x128xi32, #tpu.memory_space<vmem>>
    %dma_start3A_23 = tpu.memref_squeeze %dma_start3A_22 : memref<1x128xi32, #tpu.memory_space<vmem>> -> memref<128xi32, #tpu.memory_space<vmem>>
    %dma_start3A_24 = arith.constant 0 : i32
    %dma_start3A_25 = arith.constant 0 : i32
    %dma_start3A_26 = tpu.memref_slice %arg3[%dma_start3A_24, %dma_start3A_25] : memref<1300416x16xi32, #tpu.memory_space<hbm>> -> memref<1300416x16xi32, #tpu.memory_space<hbm>>
    tpu.enqueue_indirect_dma source(%dma_start3A_26 : memref<1300416x16xi32, #tpu.memory_space<hbm>>) target(%dma_start3A_20 : memref<128x16xi32, #tpu.memory_space<vmem>>) offsets(%dma_start3A_23 : memref<128xi32, #tpu.memory_space<vmem>>) semaphore(%arg10 : memref<!tpu.dma_semaphore, #tpu.memory_space<semaphore_mem>>)
    %dma_start3A_27 = arith.constant 2 : i32
    %dma_start3A_28 = arith.constant 256 : i32
    %dma_start3A_29 = arith.constant 0 : i32
    %dma_start3A_30 = tpu.memref_slice %arg7[%dma_start3A_28, %dma_start3A_29] : memref<1280x16xi32, #tpu.memory_space<vmem>> -> memref<128x16xi32, #tpu.memory_space<vmem>>
    %dma_start3A_31 = arith.constant 0 : i32
    %dma_start3A_32 = tpu.memref_slice %arg5[%dma_start3A_27, %dma_start3A_31] : memref<10x128xi32, #tpu.memory_space<vmem>> -> memref<1x128xi32, #tpu.memory_space<vmem>>
    %dma_start3A_33 = tpu.memref_squeeze %dma_start3A_32 : memref<1x128xi32, #tpu.memory_space<vmem>> -> memref<128xi32, #tpu.memory_space<vmem>>
    %dma_start3A_34 = arith.constant 0 : i32
    %dma_start3A_35 = arith.constant 0 : i32
    %dma_start3A_36 = tpu.memref_slice %arg3[%dma_start3A_34, %dma_start3A_35] : memref<1300416x16xi32, #tpu.memory_space<hbm>> -> memref<1300416x16xi32, #tpu.memory_space<hbm>>
    tpu.enqueue_indirect_dma source(%dma_start3A_36 : memref<1300416x16xi32, #tpu.memory_space<hbm>>) target(%dma_start3A_30 : memref<128x16xi32, #tpu.memory_space<vmem>>) offsets(%dma_start3A_33 : memref<128xi32, #tpu.memory_space<vmem>>) semaphore(%arg10 : memref<!tpu.dma_semaphore, #tpu.memory_space<semaphore_mem>>)
    %dma_start3A_37 = arith.constant 3 : i32
    %dma_start3A_38 = arith.constant 384 : i32
    %dma_start3A_39 = arith.constant 0 : i32
    %dma_start3A_40 = tpu.memref_slice %arg7[%dma_start3A_38, %dma_start3A_39] : memref<1280x16xi32, #tpu.memory_space<vmem>> -> memref<128x16xi32, #tpu.memory_space<vmem>>
    %dma_start3A_41 = arith.constant 0 : i32
    %dma_start3A_42 = tpu.memref_slice %arg5[%dma_start3A_37, %dma_start3A_41] : memref<10x128xi32, #tpu.memory_space<vmem>> -> memref<1x128xi32, #tpu.memory_space<vmem>>
    %dma_start3A_43 = tpu.memref_squeeze %dma_start3A_42 : memref<1x128xi32, #tpu.memory_space<vmem>> -> memref<128xi32, #tpu.memory_space<vmem>>
    %dma_start3A_44 = arith.constant 0 : i32
    %dma_start3A_45 = arith.constant 0 : i32
    %dma_start3A_46 = tpu.memref_slice %arg3[%dma_start3A_44, %dma_start3A_45] : memref<1300416x16xi32, #tpu.memory_space<hbm>> -> memref<1300416x16xi32, #tpu.memory_space<hbm>>
    tpu.enqueue_indirect_dma source(%dma_start3A_46 : memref<1300416x16xi32, #tpu.memory_space<hbm>>) target(%dma_start3A_40 : memref<128x16xi32, #tpu.memory_space<vmem>>) offsets(%dma_start3A_43 : memref<128xi32, #tpu.memory_space<vmem>>) semaphore(%arg10 : memref<!tpu.dma_semaphore, #tpu.memory_space<semaphore_mem>>)
    %dma_start3A_47 = arith.constant 4 : i32
    %dma_start3A_48 = arith.constant 512 : i32
    %dma_start3A_49 = arith.constant 0 : i32
    %dma_start3A_50 = tpu.memref_slice %arg7[%dma_start3A_48, %dma_start3A_49] : memref<1280x16xi32, #tpu.memory_space<vmem>> -> memref<128x16xi32, #tpu.memory_space<vmem>>
    %dma_start3A_51 = arith.constant 0 : i32
    %dma_start3A_52 = tpu.memref_slice %arg5[%dma_start3A_47, %dma_start3A_51] : memref<10x128xi32, #tpu.memory_space<vmem>> -> memref<1x128xi32, #tpu.memory_space<vmem>>
    %dma_start3A_53 = tpu.memref_squeeze %dma_start3A_52 : memref<1x128xi32, #tpu.memory_space<vmem>> -> memref<128xi32, #tpu.memory_space<vmem>>
    %dma_start3A_54 = arith.constant 0 : i32
    %dma_start3A_55 = arith.constant 0 : i32
    %dma_start3A_56 = tpu.memref_slice %arg3[%dma_start3A_54, %dma_start3A_55] : memref<1300416x16xi32, #tpu.memory_space<hbm>> -> memref<1300416x16xi32, #tpu.memory_space<hbm>>
    tpu.enqueue_indirect_dma source(%dma_start3A_56 : memref<1300416x16xi32, #tpu.memory_space<hbm>>) target(%dma_start3A_50 : memref<128x16xi32, #tpu.memory_space<vmem>>) offsets(%dma_start3A_53 : memref<128xi32, #tpu.memory_space<vmem>>) semaphore(%arg10 : memref<!tpu.dma_semaphore, #tpu.memory_space<semaphore_mem>>)
    %dma_start3A_57 = arith.constant 5 : i32
    %dma_start3A_58 = arith.constant 640 : i32
    %dma_start3A_59 = arith.constant 0 : i32
    %dma_start3A_60 = tpu.memref_slice %arg7[%dma_start3A_58, %dma_start3A_59] : memref<1280x16xi32, #tpu.memory_space<vmem>> -> memref<128x16xi32, #tpu.memory_space<vmem>>
    %dma_start3A_61 = arith.constant 0 : i32
    %dma_start3A_62 = tpu.memref_slice %arg5[%dma_start3A_57, %dma_start3A_61] : memref<10x128xi32, #tpu.memory_space<vmem>> -> memref<1x128xi32, #tpu.memory_space<vmem>>
    %dma_start3A_63 = tpu.memref_squeeze %dma_start3A_62 : memref<1x128xi32, #tpu.memory_space<vmem>> -> memref<128xi32, #tpu.memory_space<vmem>>
    %dma_start3A_64 = arith.constant 0 : i32
    %dma_start3A_65 = arith.constant 0 : i32
    %dma_start3A_66 = tpu.memref_slice %arg3[%dma_start3A_64, %dma_start3A_65] : memref<1300416x16xi32, #tpu.memory_space<hbm>> -> memref<1300416x16xi32, #tpu.memory_space<hbm>>
    tpu.enqueue_indirect_dma source(%dma_start3A_66 : memref<1300416x16xi32, #tpu.memory_space<hbm>>) target(%dma_start3A_60 : memref<128x16xi32, #tpu.memory_space<vmem>>) offsets(%dma_start3A_63 : memref<128xi32, #tpu.memory_space<vmem>>) semaphore(%arg10 : memref<!tpu.dma_semaphore, #tpu.memory_space<semaphore_mem>>)
    %dma_start3A_67 = arith.constant 6 : i32
    %dma_start3A_68 = arith.constant 768 : i32
    %dma_start3A_69 = arith.constant 0 : i32
    %dma_start3A_70 = tpu.memref_slice %arg7[%dma_start3A_68, %dma_start3A_69] : memref<1280x16xi32, #tpu.memory_space<vmem>> -> memref<128x16xi32, #tpu.memory_space<vmem>>
    %dma_start3A_71 = arith.constant 0 : i32
    %dma_start3A_72 = tpu.memref_slice %arg5[%dma_start3A_67, %dma_start3A_71] : memref<10x128xi32, #tpu.memory_space<vmem>> -> memref<1x128xi32, #tpu.memory_space<vmem>>
    %dma_start3A_73 = tpu.memref_squeeze %dma_start3A_72 : memref<1x128xi32, #tpu.memory_space<vmem>> -> memref<128xi32, #tpu.memory_space<vmem>>
    %dma_start3A_74 = arith.constant 0 : i32
    %dma_start3A_75 = arith.constant 0 : i32
    %dma_start3A_76 = tpu.memref_slice %arg3[%dma_start3A_74, %dma_start3A_75] : memref<1300416x16xi32, #tpu.memory_space<hbm>> -> memref<1300416x16xi32, #tpu.memory_space<hbm>>
    tpu.enqueue_indirect_dma source(%dma_start3A_76 : memref<1300416x16xi32, #tpu.memory_space<hbm>>) target(%dma_start3A_70 : memref<128x16xi32, #tpu.memory_space<vmem>>) offsets(%dma_start3A_73 : memref<128xi32, #tpu.memory_space<vmem>>) semaphore(%arg10 : memref<!tpu.dma_semaphore, #tpu.memory_space<semaphore_mem>>)
    %dma_start3A_77 = arith.constant 7 : i32
    %dma_start3A_78 = arith.constant 896 : i32
    %dma_start3A_79 = arith.constant 0 : i32
    %dma_start3A_80 = tpu.memref_slice %arg7[%dma_start3A_78, %dma_start3A_79] : memref<1280x16xi32, #tpu.memory_space<vmem>> -> memref<128x16xi32, #tpu.memory_space<vmem>>
    %dma_start3A_81 = arith.constant 0 : i32
    %dma_start3A_82 = tpu.memref_slice %arg5[%dma_start3A_77, %dma_start3A_81] : memref<10x128xi32, #tpu.memory_space<vmem>> -> memref<1x128xi32, #tpu.memory_space<vmem>>
    %dma_start3A_83 = tpu.memref_squeeze %dma_start3A_82 : memref<1x128xi32, #tpu.memory_space<vmem>> -> memref<128xi32, #tpu.memory_space<vmem>>
    %dma_start3A_84 = arith.constant 0 : i32
    %dma_start3A_85 = arith.constant 0 : i32
    %dma_start3A_86 = tpu.memref_slice %arg3[%dma_start3A_84, %dma_start3A_85] : memref<1300416x16xi32, #tpu.memory_space<hbm>> -> memref<1300416x16xi32, #tpu.memory_space<hbm>>
    tpu.enqueue_indirect_dma source(%dma_start3A_86 : memref<1300416x16xi32, #tpu.memory_space<hbm>>) target(%dma_start3A_80 : memref<128x16xi32, #tpu.memory_space<vmem>>) offsets(%dma_start3A_83 : memref<128xi32, #tpu.memory_space<vmem>>) semaphore(%arg10 : memref<!tpu.dma_semaphore, #tpu.memory_space<semaphore_mem>>)
    %dma_start3A_87 = arith.constant 8 : i32
    %dma_start3A_88 = arith.constant 1024 : i32
    %dma_start3A_89 = arith.constant 0 : i32
    %dma_start3A_90 = tpu.memref_slice %arg7[%dma_start3A_88, %dma_start3A_89] : memref<1280x16xi32, #tpu.memory_space<vmem>> -> memref<128x16xi32, #tpu.memory_space<vmem>>
    %dma_start3A_91 = arith.constant 0 : i32
    %dma_start3A_92 = tpu.memref_slice %arg5[%dma_start3A_87, %dma_start3A_91] : memref<10x128xi32, #tpu.memory_space<vmem>> -> memref<1x128xi32, #tpu.memory_space<vmem>>
    %dma_start3A_93 = tpu.memref_squeeze %dma_start3A_92 : memref<1x128xi32, #tpu.memory_space<vmem>> -> memref<128xi32, #tpu.memory_space<vmem>>
    %dma_start3A_94 = arith.constant 0 : i32
    %dma_start3A_95 = arith.constant 0 : i32
    %dma_start3A_96 = tpu.memref_slice %arg3[%dma_start3A_94, %dma_start3A_95] : memref<1300416x16xi32, #tpu.memory_space<hbm>> -> memref<1300416x16xi32, #tpu.memory_space<hbm>>
    tpu.enqueue_indirect_dma source(%dma_start3A_96 : memref<1300416x16xi32, #tpu.memory_space<hbm>>) target(%dma_start3A_90 : memref<128x16xi32, #tpu.memory_space<vmem>>) offsets(%dma_start3A_93 : memref<128xi32, #tpu.memory_space<vmem>>) semaphore(%arg10 : memref<!tpu.dma_semaphore, #tpu.memory_space<semaphore_mem>>)
    %dma_start3A_97 = arith.constant 9 : i32
    %dma_start3A_98 = arith.constant 1152 : i32
    %dma_start3A_99 = arith.constant 0 : i32
    %dma_start3A_100 = tpu.memref_slice %arg7[%dma_start3A_98, %dma_start3A_99] : memref<1280x16xi32, #tpu.memory_space<vmem>> -> memref<128x16xi32, #tpu.memory_space<vmem>>
    %dma_start3A_101 = arith.constant 0 : i32
    %dma_start3A_102 = tpu.memref_slice %arg5[%dma_start3A_97, %dma_start3A_101] : memref<10x128xi32, #tpu.memory_space<vmem>> -> memref<1x128xi32, #tpu.memory_space<vmem>>
    %dma_start3A_103 = tpu.memref_squeeze %dma_start3A_102 : memref<1x128xi32, #tpu.memory_space<vmem>> -> memref<128xi32, #tpu.memory_space<vmem>>
    %dma_start3A_104 = arith.constant 0 : i32
    %dma_start3A_105 = arith.constant 0 : i32
    %dma_start3A_106 = tpu.memref_slice %arg3[%dma_start3A_104, %dma_start3A_105] : memref<1300416x16xi32, #tpu.memory_space<hbm>> -> memref<1300416x16xi32, #tpu.memory_space<hbm>>
    tpu.enqueue_indirect_dma source(%dma_start3A_106 : memref<1300416x16xi32, #tpu.memory_space<hbm>>) target(%dma_start3A_100 : memref<128x16xi32, #tpu.memory_space<vmem>>) offsets(%dma_start3A_103 : memref<128xi32, #tpu.memory_space<vmem>>) semaphore(%arg10 : memref<!tpu.dma_semaphore, #tpu.memory_space<semaphore_mem>>)
    %scan3A = arith.constant 0 : i32
    %scan3A_107 = arith.constant 0 : i32
    %scan3A_108 = arith.constant 13 : i32
    %scan3A_109 = arith.addi %scan3A_107, %scan3A_108 : i32
    %scan3A_110 = arith.constant 1 : i32
    scf.for %scan3A_112 = %scan3A_107 to %scan3A_109 step %scan3A_110  : i32 {
      %add3A_113 = arith.constant 0 : i32
      %add3A_114 = arith.addi %add3A_113, %scan3A_112 : i32
      %mul3A_115 = arith.constant 32 : i32
      %mul3A_116 = arith.muli %add3A_114, %mul3A_115 : i32
      %add3A_117 = arith.addi %mul3A_116, %add3A : i32
      %mul3A_118 = arith.constant 2 : i32
      %mul3A_119 = arith.muli %add3A_117, %mul3A_118 : i32
      %add3A_120 = arith.constant 1 : i32
      %add3A_121 = arith.addi %mul3A_119, %add3A_120 : i32
      "tpu.region"() ({
        %run_scoped3A = tpu.sem_alloc : memref<!tpu.dma_semaphore, #tpu.memory_space<semaphore_mem>>
        %dma_start3A_437 = arith.constant 0 : i32
        %dma_start3A_438 = arith.constant 0 : i32
        %dma_start3A_439 = tpu.memref_slice %arg2[%add3A_121, %dma_start3A_437, %dma_start3A_438] : memref<1664x10x128xi32, #tpu.memory_space<hbm>> -> memref<1x10x128xi32, #tpu.memory_space<hbm>>
        %dma_start3A_440 = tpu.memref_squeeze %dma_start3A_439 : memref<1x10x128xi32, #tpu.memory_space<hbm>> -> memref<10x128xi32, #tpu.memory_space<hbm>>
        %dma_start3A_441 = arith.constant 0 : i32
        %dma_start3A_442 = arith.constant 0 : i32
        %dma_start3A_443 = tpu.memref_slice %arg2[%add3A_121, %dma_start3A_441, %dma_start3A_442] : memref<1664x10x128xi32, #tpu.memory_space<hbm>> -> memref<1x10x128xi32, #tpu.memory_space<hbm>>
        %dma_start3A_444 = tpu.memref_squeeze %dma_start3A_443 : memref<1x10x128xi32, #tpu.memory_space<hbm>> -> memref<10x128xi32, #tpu.memory_space<hbm>>
        tpu.enqueue_dma source(%dma_start3A_444 : memref<10x128xi32, #tpu.memory_space<hbm>>) target(%arg6 : memref<10x128xi32, #tpu.memory_space<vmem>>) target_semaphore(%run_scoped3A : memref<!tpu.dma_semaphore, #tpu.memory_space<semaphore_mem>>)
        %dma_wait3A_445 = arith.constant 0 : i32
        %dma_wait3A_446 = arith.constant 0 : i32
        %dma_wait3A_447 = tpu.memref_slice %arg2[%add3A_121, %dma_wait3A_445, %dma_wait3A_446] : memref<1664x10x128xi32, #tpu.memory_space<hbm>> -> memref<1x10x128xi32, #tpu.memory_space<hbm>>
        %dma_wait3A_448 = tpu.memref_squeeze %dma_wait3A_447 : memref<1x10x128xi32, #tpu.memory_space<hbm>> -> memref<10x128xi32, #tpu.memory_space<hbm>>
        %dma_wait3A_449 = arith.constant 0 : i32
        %dma_wait3A_450 = arith.constant 0 : i32
        %dma_wait3A_451 = tpu.memref_slice %arg2[%add3A_121, %dma_wait3A_449, %dma_wait3A_450] : memref<1664x10x128xi32, #tpu.memory_space<hbm>> -> memref<1x10x128xi32, #tpu.memory_space<hbm>>
        %dma_wait3A_452 = tpu.memref_squeeze %dma_wait3A_451 : memref<1x10x128xi32, #tpu.memory_space<hbm>> -> memref<10x128xi32, #tpu.memory_space<hbm>>
        tpu.wait_dma2 semaphore(%run_scoped3A : memref<!tpu.dma_semaphore, #tpu.memory_space<semaphore_mem>>) src(%dma_wait3A_452 : memref<10x128xi32, #tpu.memory_space<hbm>>) dst(%arg6 : memref<10x128xi32, #tpu.memory_space<vmem>>)
        tpu.yield
      }) : () -> ()
      %dma_start3A_122 = arith.constant 0 : i32
      %dma_start3A_123 = arith.constant 0 : i32
      %dma_start3A_124 = arith.constant 0 : i32
      %dma_start3A_125 = tpu.memref_slice %arg8[%dma_start3A_123, %dma_start3A_124] : memref<1280x16xi32, #tpu.memory_space<vmem>> -> memref<128x16xi32, #tpu.memory_space<vmem>>
      %dma_start3A_126 = arith.constant 0 : i32
      %dma_start3A_127 = tpu.memref_slice %arg6[%dma_start3A_122, %dma_start3A_126] : memref<10x128xi32, #tpu.memory_space<vmem>> -> memref<1x128xi32, #tpu.memory_space<vmem>>
      %dma_start3A_128 = tpu.memref_squeeze %dma_start3A_127 : memref<1x128xi32, #tpu.memory_space<vmem>> -> memref<128xi32, #tpu.memory_space<vmem>>
      %dma_start3A_129 = arith.constant 0 : i32
      %dma_start3A_130 = arith.constant 0 : i32
      %dma_start3A_131 = tpu.memref_slice %arg3[%dma_start3A_129, %dma_start3A_130] : memref<1300416x16xi32, #tpu.memory_space<hbm>> -> memref<1300416x16xi32, #tpu.memory_space<hbm>>
      tpu.enqueue_indirect_dma source(%dma_start3A_131 : memref<1300416x16xi32, #tpu.memory_space<hbm>>) target(%dma_start3A_125 : memref<128x16xi32, #tpu.memory_space<vmem>>) offsets(%dma_start3A_128 : memref<128xi32, #tpu.memory_space<vmem>>) semaphore(%arg11 : memref<!tpu.dma_semaphore, #tpu.memory_space<semaphore_mem>>)
      %dma_start3A_132 = arith.constant 1 : i32
      %dma_start3A_133 = arith.constant 128 : i32
      %dma_start3A_134 = arith.constant 0 : i32
      %dma_start3A_135 = tpu.memref_slice %arg8[%dma_start3A_133, %dma_start3A_134] : memref<1280x16xi32, #tpu.memory_space<vmem>> -> memref<128x16xi32, #tpu.memory_space<vmem>>
      %dma_start3A_136 = arith.constant 0 : i32
      %dma_start3A_137 = tpu.memref_slice %arg6[%dma_start3A_132, %dma_start3A_136] : memref<10x128xi32, #tpu.memory_space<vmem>> -> memref<1x128xi32, #tpu.memory_space<vmem>>
      %dma_start3A_138 = tpu.memref_squeeze %dma_start3A_137 : memref<1x128xi32, #tpu.memory_space<vmem>> -> memref<128xi32, #tpu.memory_space<vmem>>
      %dma_start3A_139 = arith.constant 0 : i32
      %dma_start3A_140 = arith.constant 0 : i32
      %dma_start3A_141 = tpu.memref_slice %arg3[%dma_start3A_139, %dma_start3A_140] : memref<1300416x16xi32, #tpu.memory_space<hbm>> -> memref<1300416x16xi32, #tpu.memory_space<hbm>>
      tpu.enqueue_indirect_dma source(%dma_start3A_141 : memref<1300416x16xi32, #tpu.memory_space<hbm>>) target(%dma_start3A_135 : memref<128x16xi32, #tpu.memory_space<vmem>>) offsets(%dma_start3A_138 : memref<128xi32, #tpu.memory_space<vmem>>) semaphore(%arg11 : memref<!tpu.dma_semaphore, #tpu.memory_space<semaphore_mem>>)
      %dma_start3A_142 = arith.constant 2 : i32
      %dma_start3A_143 = arith.constant 256 : i32
      %dma_start3A_144 = arith.constant 0 : i32
      %dma_start3A_145 = tpu.memref_slice %arg8[%dma_start3A_143, %dma_start3A_144] : memref<1280x16xi32, #tpu.memory_space<vmem>> -> memref<128x16xi32, #tpu.memory_space<vmem>>
      %dma_start3A_146 = arith.constant 0 : i32
      %dma_start3A_147 = tpu.memref_slice %arg6[%dma_start3A_142, %dma_start3A_146] : memref<10x128xi32, #tpu.memory_space<vmem>> -> memref<1x128xi32, #tpu.memory_space<vmem>>
      %dma_start3A_148 = tpu.memref_squeeze %dma_start3A_147 : memref<1x128xi32, #tpu.memory_space<vmem>> -> memref<128xi32, #tpu.memory_space<vmem>>
      %dma_start3A_149 = arith.constant 0 : i32
      %dma_start3A_150 = arith.constant 0 : i32
      %dma_start3A_151 = tpu.memref_slice %arg3[%dma_start3A_149, %dma_start3A_150] : memref<1300416x16xi32, #tpu.memory_space<hbm>> -> memref<1300416x16xi32, #tpu.memory_space<hbm>>
      tpu.enqueue_indirect_dma source(%dma_start3A_151 : memref<1300416x16xi32, #tpu.memory_space<hbm>>) target(%dma_start3A_145 : memref<128x16xi32, #tpu.memory_space<vmem>>) offsets(%dma_start3A_148 : memref<128xi32, #tpu.memory_space<vmem>>) semaphore(%arg11 : memref<!tpu.dma_semaphore, #tpu.memory_space<semaphore_mem>>)
      %dma_start3A_152 = arith.constant 3 : i32
      %dma_start3A_153 = arith.constant 384 : i32
      %dma_start3A_154 = arith.constant 0 : i32
      %dma_start3A_155 = tpu.memref_slice %arg8[%dma_start3A_153, %dma_start3A_154] : memref<1280x16xi32, #tpu.memory_space<vmem>> -> memref<128x16xi32, #tpu.memory_space<vmem>>
      %dma_start3A_156 = arith.constant 0 : i32
      %dma_start3A_157 = tpu.memref_slice %arg6[%dma_start3A_152, %dma_start3A_156] : memref<10x128xi32, #tpu.memory_space<vmem>> -> memref<1x128xi32, #tpu.memory_space<vmem>>
      %dma_start3A_158 = tpu.memref_squeeze %dma_start3A_157 : memref<1x128xi32, #tpu.memory_space<vmem>> -> memref<128xi32, #tpu.memory_space<vmem>>
      %dma_start3A_159 = arith.constant 0 : i32
      %dma_start3A_160 = arith.constant 0 : i32
      %dma_start3A_161 = tpu.memref_slice %arg3[%dma_start3A_159, %dma_start3A_160] : memref<1300416x16xi32, #tpu.memory_space<hbm>> -> memref<1300416x16xi32, #tpu.memory_space<hbm>>
      tpu.enqueue_indirect_dma source(%dma_start3A_161 : memref<1300416x16xi32, #tpu.memory_space<hbm>>) target(%dma_start3A_155 : memref<128x16xi32, #tpu.memory_space<vmem>>) offsets(%dma_start3A_158 : memref<128xi32, #tpu.memory_space<vmem>>) semaphore(%arg11 : memref<!tpu.dma_semaphore, #tpu.memory_space<semaphore_mem>>)
      %dma_start3A_162 = arith.constant 4 : i32
      %dma_start3A_163 = arith.constant 512 : i32
      %dma_start3A_164 = arith.constant 0 : i32
      %dma_start3A_165 = tpu.memref_slice %arg8[%dma_start3A_163, %dma_start3A_164] : memref<1280x16xi32, #tpu.memory_space<vmem>> -> memref<128x16xi32, #tpu.memory_space<vmem>>
      %dma_start3A_166 = arith.constant 0 : i32
      %dma_start3A_167 = tpu.memref_slice %arg6[%dma_start3A_162, %dma_start3A_166] : memref<10x128xi32, #tpu.memory_space<vmem>> -> memref<1x128xi32, #tpu.memory_space<vmem>>
      %dma_start3A_168 = tpu.memref_squeeze %dma_start3A_167 : memref<1x128xi32, #tpu.memory_space<vmem>> -> memref<128xi32, #tpu.memory_space<vmem>>
      %dma_start3A_169 = arith.constant 0 : i32
      %dma_start3A_170 = arith.constant 0 : i32
      %dma_start3A_171 = tpu.memref_slice %arg3[%dma_start3A_169, %dma_start3A_170] : memref<1300416x16xi32, #tpu.memory_space<hbm>> -> memref<1300416x16xi32, #tpu.memory_space<hbm>>
      tpu.enqueue_indirect_dma source(%dma_start3A_171 : memref<1300416x16xi32, #tpu.memory_space<hbm>>) target(%dma_start3A_165 : memref<128x16xi32, #tpu.memory_space<vmem>>) offsets(%dma_start3A_168 : memref<128xi32, #tpu.memory_space<vmem>>) semaphore(%arg11 : memref<!tpu.dma_semaphore, #tpu.memory_space<semaphore_mem>>)
      %dma_start3A_172 = arith.constant 5 : i32
      %dma_start3A_173 = arith.constant 640 : i32
      %dma_start3A_174 = arith.constant 0 : i32
      %dma_start3A_175 = tpu.memref_slice %arg8[%dma_start3A_173, %dma_start3A_174] : memref<1280x16xi32, #tpu.memory_space<vmem>> -> memref<128x16xi32, #tpu.memory_space<vmem>>
      %dma_start3A_176 = arith.constant 0 : i32
      %dma_start3A_177 = tpu.memref_slice %arg6[%dma_start3A_172, %dma_start3A_176] : memref<10x128xi32, #tpu.memory_space<vmem>> -> memref<1x128xi32, #tpu.memory_space<vmem>>
      %dma_start3A_178 = tpu.memref_squeeze %dma_start3A_177 : memref<1x128xi32, #tpu.memory_space<vmem>> -> memref<128xi32, #tpu.memory_space<vmem>>
      %dma_start3A_179 = arith.constant 0 : i32
      %dma_start3A_180 = arith.constant 0 : i32
      %dma_start3A_181 = tpu.memref_slice %arg3[%dma_start3A_179, %dma_start3A_180] : memref<1300416x16xi32, #tpu.memory_space<hbm>> -> memref<1300416x16xi32, #tpu.memory_space<hbm>>
      tpu.enqueue_indirect_dma source(%dma_start3A_181 : memref<1300416x16xi32, #tpu.memory_space<hbm>>) target(%dma_start3A_175 : memref<128x16xi32, #tpu.memory_space<vmem>>) offsets(%dma_start3A_178 : memref<128xi32, #tpu.memory_space<vmem>>) semaphore(%arg11 : memref<!tpu.dma_semaphore, #tpu.memory_space<semaphore_mem>>)
      %dma_start3A_182 = arith.constant 6 : i32
      %dma_start3A_183 = arith.constant 768 : i32
      %dma_start3A_184 = arith.constant 0 : i32
      %dma_start3A_185 = tpu.memref_slice %arg8[%dma_start3A_183, %dma_start3A_184] : memref<1280x16xi32, #tpu.memory_space<vmem>> -> memref<128x16xi32, #tpu.memory_space<vmem>>
      %dma_start3A_186 = arith.constant 0 : i32
      %dma_start3A_187 = tpu.memref_slice %arg6[%dma_start3A_182, %dma_start3A_186] : memref<10x128xi32, #tpu.memory_space<vmem>> -> memref<1x128xi32, #tpu.memory_space<vmem>>
      %dma_start3A_188 = tpu.memref_squeeze %dma_start3A_187 : memref<1x128xi32, #tpu.memory_space<vmem>> -> memref<128xi32, #tpu.memory_space<vmem>>
      %dma_start3A_189 = arith.constant 0 : i32
      %dma_start3A_190 = arith.constant 0 : i32
      %dma_start3A_191 = tpu.memref_slice %arg3[%dma_start3A_189, %dma_start3A_190] : memref<1300416x16xi32, #tpu.memory_space<hbm>> -> memref<1300416x16xi32, #tpu.memory_space<hbm>>
      tpu.enqueue_indirect_dma source(%dma_start3A_191 : memref<1300416x16xi32, #tpu.memory_space<hbm>>) target(%dma_start3A_185 : memref<128x16xi32, #tpu.memory_space<vmem>>) offsets(%dma_start3A_188 : memref<128xi32, #tpu.memory_space<vmem>>) semaphore(%arg11 : memref<!tpu.dma_semaphore, #tpu.memory_space<semaphore_mem>>)
      %dma_start3A_192 = arith.constant 7 : i32
      %dma_start3A_193 = arith.constant 896 : i32
      %dma_start3A_194 = arith.constant 0 : i32
      %dma_start3A_195 = tpu.memref_slice %arg8[%dma_start3A_193, %dma_start3A_194] : memref<1280x16xi32, #tpu.memory_space<vmem>> -> memref<128x16xi32, #tpu.memory_space<vmem>>
      %dma_start3A_196 = arith.constant 0 : i32
      %dma_start3A_197 = tpu.memref_slice %arg6[%dma_start3A_192, %dma_start3A_196] : memref<10x128xi32, #tpu.memory_space<vmem>> -> memref<1x128xi32, #tpu.memory_space<vmem>>
      %dma_start3A_198 = tpu.memref_squeeze %dma_start3A_197 : memref<1x128xi32, #tpu.memory_space<vmem>> -> memref<128xi32, #tpu.memory_space<vmem>>
      %dma_start3A_199 = arith.constant 0 : i32
      %dma_start3A_200 = arith.constant 0 : i32
      %dma_start3A_201 = tpu.memref_slice %arg3[%dma_start3A_199, %dma_start3A_200] : memref<1300416x16xi32, #tpu.memory_space<hbm>> -> memref<1300416x16xi32, #tpu.memory_space<hbm>>
      tpu.enqueue_indirect_dma source(%dma_start3A_201 : memref<1300416x16xi32, #tpu.memory_space<hbm>>) target(%dma_start3A_195 : memref<128x16xi32, #tpu.memory_space<vmem>>) offsets(%dma_start3A_198 : memref<128xi32, #tpu.memory_space<vmem>>) semaphore(%arg11 : memref<!tpu.dma_semaphore, #tpu.memory_space<semaphore_mem>>)
      %dma_start3A_202 = arith.constant 8 : i32
      %dma_start3A_203 = arith.constant 1024 : i32
      %dma_start3A_204 = arith.constant 0 : i32
      %dma_start3A_205 = tpu.memref_slice %arg8[%dma_start3A_203, %dma_start3A_204] : memref<1280x16xi32, #tpu.memory_space<vmem>> -> memref<128x16xi32, #tpu.memory_space<vmem>>
      %dma_start3A_206 = arith.constant 0 : i32
      %dma_start3A_207 = tpu.memref_slice %arg6[%dma_start3A_202, %dma_start3A_206] : memref<10x128xi32, #tpu.memory_space<vmem>> -> memref<1x128xi32, #tpu.memory_space<vmem>>
      %dma_start3A_208 = tpu.memref_squeeze %dma_start3A_207 : memref<1x128xi32, #tpu.memory_space<vmem>> -> memref<128xi32, #tpu.memory_space<vmem>>
      %dma_start3A_209 = arith.constant 0 : i32
      %dma_start3A_210 = arith.constant 0 : i32
      %dma_start3A_211 = tpu.memref_slice %arg3[%dma_start3A_209, %dma_start3A_210] : memref<1300416x16xi32, #tpu.memory_space<hbm>> -> memref<1300416x16xi32, #tpu.memory_space<hbm>>
      tpu.enqueue_indirect_dma source(%dma_start3A_211 : memref<1300416x16xi32, #tpu.memory_space<hbm>>) target(%dma_start3A_205 : memref<128x16xi32, #tpu.memory_space<vmem>>) offsets(%dma_start3A_208 : memref<128xi32, #tpu.memory_space<vmem>>) semaphore(%arg11 : memref<!tpu.dma_semaphore, #tpu.memory_space<semaphore_mem>>)
      %dma_start3A_212 = arith.constant 9 : i32
      %dma_start3A_213 = arith.constant 1152 : i32
      %dma_start3A_214 = arith.constant 0 : i32
      %dma_start3A_215 = tpu.memref_slice %arg8[%dma_start3A_213, %dma_start3A_214] : memref<1280x16xi32, #tpu.memory_space<vmem>> -> memref<128x16xi32, #tpu.memory_space<vmem>>
      %dma_start3A_216 = arith.constant 0 : i32
      %dma_start3A_217 = tpu.memref_slice %arg6[%dma_start3A_212, %dma_start3A_216] : memref<10x128xi32, #tpu.memory_space<vmem>> -> memref<1x128xi32, #tpu.memory_space<vmem>>
      %dma_start3A_218 = tpu.memref_squeeze %dma_start3A_217 : memref<1x128xi32, #tpu.memory_space<vmem>> -> memref<128xi32, #tpu.memory_space<vmem>>
      %dma_start3A_219 = arith.constant 0 : i32
      %dma_start3A_220 = arith.constant 0 : i32
      %dma_start3A_221 = tpu.memref_slice %arg3[%dma_start3A_219, %dma_start3A_220] : memref<1300416x16xi32, #tpu.memory_space<hbm>> -> memref<1300416x16xi32, #tpu.memory_space<hbm>>
      tpu.enqueue_indirect_dma source(%dma_start3A_221 : memref<1300416x16xi32, #tpu.memory_space<hbm>>) target(%dma_start3A_215 : memref<128x16xi32, #tpu.memory_space<vmem>>) offsets(%dma_start3A_218 : memref<128xi32, #tpu.memory_space<vmem>>) semaphore(%arg11 : memref<!tpu.dma_semaphore, #tpu.memory_space<semaphore_mem>>)
      %dma_wait3A = arith.constant 0 : i32
      %dma_wait3A_222 = arith.constant 0 : i32
      %dma_wait3A_223 = arith.constant 0 : i32
      %dma_wait3A_224 = tpu.memref_slice %arg7[%dma_wait3A_222, %dma_wait3A_223] : memref<1280x16xi32, #tpu.memory_space<vmem>> -> memref<128x16xi32, #tpu.memory_space<vmem>>
      %dma_wait3A_225 = arith.constant 0 : i32
      %dma_wait3A_226 = tpu.memref_slice %arg5[%dma_wait3A, %dma_wait3A_225] : memref<10x128xi32, #tpu.memory_space<vmem>> -> memref<1x128xi32, #tpu.memory_space<vmem>>
      %dma_wait3A_227 = tpu.memref_squeeze %dma_wait3A_226 : memref<1x128xi32, #tpu.memory_space<vmem>> -> memref<128xi32, #tpu.memory_space<vmem>>
      %dma_wait3A_228 = arith.constant 0 : i32
      %dma_wait3A_229 = arith.constant 0 : i32
      %dma_wait3A_230 = tpu.memref_slice %arg3[%dma_wait3A_228, %dma_wait3A_229] : memref<1300416x16xi32, #tpu.memory_space<hbm>> -> memref<1300416x16xi32, #tpu.memory_space<hbm>>
      tpu.wait_indirect_dma semaphore(%arg10 : memref<!tpu.dma_semaphore, #tpu.memory_space<semaphore_mem>>) src(%dma_wait3A_230 : memref<1300416x16xi32, #tpu.memory_space<hbm>>) dst(%dma_wait3A_224 : memref<128x16xi32, #tpu.memory_space<vmem>>)
      %dma_wait3A_231 = arith.constant 0 : i32
      %dma_wait3A_232 = arith.constant 128 : i32
      %dma_wait3A_233 = arith.constant 0 : i32
      %dma_wait3A_234 = tpu.memref_slice %arg7[%dma_wait3A_232, %dma_wait3A_233] : memref<1280x16xi32, #tpu.memory_space<vmem>> -> memref<128x16xi32, #tpu.memory_space<vmem>>
      %dma_wait3A_235 = arith.constant 0 : i32
      %dma_wait3A_236 = tpu.memref_slice %arg5[%dma_wait3A_231, %dma_wait3A_235] : memref<10x128xi32, #tpu.memory_space<vmem>> -> memref<1x128xi32, #tpu.memory_space<vmem>>
      %dma_wait3A_237 = tpu.memref_squeeze %dma_wait3A_236 : memref<1x128xi32, #tpu.memory_space<vmem>> -> memref<128xi32, #tpu.memory_space<vmem>>
      %dma_wait3A_238 = arith.constant 0 : i32
      %dma_wait3A_239 = arith.constant 0 : i32
      %dma_wait3A_240 = tpu.memref_slice %arg3[%dma_wait3A_238, %dma_wait3A_239] : memref<1300416x16xi32, #tpu.memory_space<hbm>> -> memref<1300416x16xi32, #tpu.memory_space<hbm>>
      tpu.wait_indirect_dma semaphore(%arg10 : memref<!tpu.dma_semaphore, #tpu.memory_space<semaphore_mem>>) src(%dma_wait3A_240 : memref<1300416x16xi32, #tpu.memory_space<hbm>>) dst(%dma_wait3A_234 : memref<128x16xi32, #tpu.memory_space<vmem>>)
      %dma_wait3A_241 = arith.constant 0 : i32
      %dma_wait3A_242 = arith.constant 256 : i32
      %dma_wait3A_243 = arith.constant 0 : i32
      %dma_wait3A_244 = tpu.memref_slice %arg7[%dma_wait3A_242, %dma_wait3A_243] : memref<1280x16xi32, #tpu.memory_space<vmem>> -> memref<128x16xi32, #tpu.memory_space<vmem>>
      %dma_wait3A_245 = arith.constant 0 : i32
      %dma_wait3A_246 = tpu.memref_slice %arg5[%dma_wait3A_241, %dma_wait3A_245] : memref<10x128xi32, #tpu.memory_space<vmem>> -> memref<1x128xi32, #tpu.memory_space<vmem>>
      %dma_wait3A_247 = tpu.memref_squeeze %dma_wait3A_246 : memref<1x128xi32, #tpu.memory_space<vmem>> -> memref<128xi32, #tpu.memory_space<vmem>>
      %dma_wait3A_248 = arith.constant 0 : i32
      %dma_wait3A_249 = arith.constant 0 : i32
      %dma_wait3A_250 = tpu.memref_slice %arg3[%dma_wait3A_248, %dma_wait3A_249] : memref<1300416x16xi32, #tpu.memory_space<hbm>> -> memref<1300416x16xi32, #tpu.memory_space<hbm>>
      tpu.wait_indirect_dma semaphore(%arg10 : memref<!tpu.dma_semaphore, #tpu.memory_space<semaphore_mem>>) src(%dma_wait3A_250 : memref<1300416x16xi32, #tpu.memory_space<hbm>>) dst(%dma_wait3A_244 : memref<128x16xi32, #tpu.memory_space<vmem>>)
      %dma_wait3A_251 = arith.constant 0 : i32
      %dma_wait3A_252 = arith.constant 384 : i32
      %dma_wait3A_253 = arith.constant 0 : i32
      %dma_wait3A_254 = tpu.memref_slice %arg7[%dma_wait3A_252, %dma_wait3A_253] : memref<1280x16xi32, #tpu.memory_space<vmem>> -> memref<128x16xi32, #tpu.memory_space<vmem>>
      %dma_wait3A_255 = arith.constant 0 : i32
      %dma_wait3A_256 = tpu.memref_slice %arg5[%dma_wait3A_251, %dma_wait3A_255] : memref<10x128xi32, #tpu.memory_space<vmem>> -> memref<1x128xi32, #tpu.memory_space<vmem>>
      %dma_wait3A_257 = tpu.memref_squeeze %dma_wait3A_256 : memref<1x128xi32, #tpu.memory_space<vmem>> -> memref<128xi32, #tpu.memory_space<vmem>>
      %dma_wait3A_258 = arith.constant 0 : i32
      %dma_wait3A_259 = arith.constant 0 : i32
      %dma_wait3A_260 = tpu.memref_slice %arg3[%dma_wait3A_258, %dma_wait3A_259] : memref<1300416x16xi32, #tpu.memory_space<hbm>> -> memref<1300416x16xi32, #tpu.memory_space<hbm>>
      tpu.wait_indirect_dma semaphore(%arg10 : memref<!tpu.dma_semaphore, #tpu.memory_space<semaphore_mem>>) src(%dma_wait3A_260 : memref<1300416x16xi32, #tpu.memory_space<hbm>>) dst(%dma_wait3A_254 : memref<128x16xi32, #tpu.memory_space<vmem>>)
      %dma_wait3A_261 = arith.constant 0 : i32
      %dma_wait3A_262 = arith.constant 512 : i32
      %dma_wait3A_263 = arith.constant 0 : i32
      %dma_wait3A_264 = tpu.memref_slice %arg7[%dma_wait3A_262, %dma_wait3A_263] : memref<1280x16xi32, #tpu.memory_space<vmem>> -> memref<128x16xi32, #tpu.memory_space<vmem>>
      %dma_wait3A_265 = arith.constant 0 : i32
      %dma_wait3A_266 = tpu.memref_slice %arg5[%dma_wait3A_261, %dma_wait3A_265] : memref<10x128xi32, #tpu.memory_space<vmem>> -> memref<1x128xi32, #tpu.memory_space<vmem>>
      %dma_wait3A_267 = tpu.memref_squeeze %dma_wait3A_266 : memref<1x128xi32, #tpu.memory_space<vmem>> -> memref<128xi32, #tpu.memory_space<vmem>>
      %dma_wait3A_268 = arith.constant 0 : i32
      %dma_wait3A_269 = arith.constant 0 : i32
      %dma_wait3A_270 = tpu.memref_slice %arg3[%dma_wait3A_268, %dma_wait3A_269] : memref<1300416x16xi32, #tpu.memory_space<hbm>> -> memref<1300416x16xi32, #tpu.memory_space<hbm>>
      tpu.wait_indirect_dma semaphore(%arg10 : memref<!tpu.dma_semaphore, #tpu.memory_space<semaphore_mem>>) src(%dma_wait3A_270 : memref<1300416x16xi32, #tpu.memory_space<hbm>>) dst(%dma_wait3A_264 : memref<128x16xi32, #tpu.memory_space<vmem>>)
      %dma_wait3A_271 = arith.constant 0 : i32
      %dma_wait3A_272 = arith.constant 640 : i32
      %dma_wait3A_273 = arith.constant 0 : i32
      %dma_wait3A_274 = tpu.memref_slice %arg7[%dma_wait3A_272, %dma_wait3A_273] : memref<1280x16xi32, #tpu.memory_space<vmem>> -> memref<128x16xi32, #tpu.memory_space<vmem>>
      %dma_wait3A_275 = arith.constant 0 : i32
      %dma_wait3A_276 = tpu.memref_slice %arg5[%dma_wait3A_271, %dma_wait3A_275] : memref<10x128xi32, #tpu.memory_space<vmem>> -> memref<1x128xi32, #tpu.memory_space<vmem>>
      %dma_wait3A_277 = tpu.memref_squeeze %dma_wait3A_276 : memref<1x128xi32, #tpu.memory_space<vmem>> -> memref<128xi32, #tpu.memory_space<vmem>>
      %dma_wait3A_278 = arith.constant 0 : i32
      %dma_wait3A_279 = arith.constant 0 : i32
      %dma_wait3A_280 = tpu.memref_slice %arg3[%dma_wait3A_278, %dma_wait3A_279] : memref<1300416x16xi32, #tpu.memory_space<hbm>> -> memref<1300416x16xi32, #tpu.memory_space<hbm>>
      tpu.wait_indirect_dma semaphore(%arg10 : memref<!tpu.dma_semaphore, #tpu.memory_space<semaphore_mem>>) src(%dma_wait3A_280 : memref<1300416x16xi32, #tpu.memory_space<hbm>>) dst(%dma_wait3A_274 : memref<128x16xi32, #tpu.memory_space<vmem>>)
      %dma_wait3A_281 = arith.constant 0 : i32
      %dma_wait3A_282 = arith.constant 768 : i32
      %dma_wait3A_283 = arith.constant 0 : i32
      %dma_wait3A_284 = tpu.memref_slice %arg7[%dma_wait3A_282, %dma_wait3A_283] : memref<1280x16xi32, #tpu.memory_space<vmem>> -> memref<128x16xi32, #tpu.memory_space<vmem>>
      %dma_wait3A_285 = arith.constant 0 : i32
      %dma_wait3A_286 = tpu.memref_slice %arg5[%dma_wait3A_281, %dma_wait3A_285] : memref<10x128xi32, #tpu.memory_space<vmem>> -> memref<1x128xi32, #tpu.memory_space<vmem>>
      %dma_wait3A_287 = tpu.memref_squeeze %dma_wait3A_286 : memref<1x128xi32, #tpu.memory_space<vmem>> -> memref<128xi32, #tpu.memory_space<vmem>>
      %dma_wait3A_288 = arith.constant 0 : i32
      %dma_wait3A_289 = arith.constant 0 : i32
      %dma_wait3A_290 = tpu.memref_slice %arg3[%dma_wait3A_288, %dma_wait3A_289] : memref<1300416x16xi32, #tpu.memory_space<hbm>> -> memref<1300416x16xi32, #tpu.memory_space<hbm>>
      tpu.wait_indirect_dma semaphore(%arg10 : memref<!tpu.dma_semaphore, #tpu.memory_space<semaphore_mem>>) src(%dma_wait3A_290 : memref<1300416x16xi32, #tpu.memory_space<hbm>>) dst(%dma_wait3A_284 : memref<128x16xi32, #tpu.memory_space<vmem>>)
      %dma_wait3A_291 = arith.constant 0 : i32
      %dma_wait3A_292 = arith.constant 896 : i32
      %dma_wait3A_293 = arith.constant 0 : i32
      %dma_wait3A_294 = tpu.memref_slice %arg7[%dma_wait3A_292, %dma_wait3A_293] : memref<1280x16xi32, #tpu.memory_space<vmem>> -> memref<128x16xi32, #tpu.memory_space<vmem>>
      %dma_wait3A_295 = arith.constant 0 : i32
      %dma_wait3A_296 = tpu.memref_slice %arg5[%dma_wait3A_291, %dma_wait3A_295] : memref<10x128xi32, #tpu.memory_space<vmem>> -> memref<1x128xi32, #tpu.memory_space<vmem>>
      %dma_wait3A_297 = tpu.memref_squeeze %dma_wait3A_296 : memref<1x128xi32, #tpu.memory_space<vmem>> -> memref<128xi32, #tpu.memory_space<vmem>>
      %dma_wait3A_298 = arith.constant 0 : i32
      %dma_wait3A_299 = arith.constant 0 : i32
      %dma_wait3A_300 = tpu.memref_slice %arg3[%dma_wait3A_298, %dma_wait3A_299] : memref<1300416x16xi32, #tpu.memory_space<hbm>> -> memref<1300416x16xi32, #tpu.memory_space<hbm>>
      tpu.wait_indirect_dma semaphore(%arg10 : memref<!tpu.dma_semaphore, #tpu.memory_space<semaphore_mem>>) src(%dma_wait3A_300 : memref<1300416x16xi32, #tpu.memory_space<hbm>>) dst(%dma_wait3A_294 : memref<128x16xi32, #tpu.memory_space<vmem>>)
      %dma_wait3A_301 = arith.constant 0 : i32
      %dma_wait3A_302 = arith.constant 1024 : i32
      %dma_wait3A_303 = arith.constant 0 : i32
      %dma_wait3A_304 = tpu.memref_slice %arg7[%dma_wait3A_302, %dma_wait3A_303] : memref<1280x16xi32, #tpu.memory_space<vmem>> -> memref<128x16xi32, #tpu.memory_space<vmem>>
      %dma_wait3A_305 = arith.constant 0 : i32
      %dma_wait3A_306 = tpu.memref_slice %arg5[%dma_wait3A_301, %dma_wait3A_305] : memref<10x128xi32, #tpu.memory_space<vmem>> -> memref<1x128xi32, #tpu.memory_space<vmem>>
      %dma_wait3A_307 = tpu.memref_squeeze %dma_wait3A_306 : memref<1x128xi32, #tpu.memory_space<vmem>> -> memref<128xi32, #tpu.memory_space<vmem>>
      %dma_wait3A_308 = arith.constant 0 : i32
      %dma_wait3A_309 = arith.constant 0 : i32
      %dma_wait3A_310 = tpu.memref_slice %arg3[%dma_wait3A_308, %dma_wait3A_309] : memref<1300416x16xi32, #tpu.memory_space<hbm>> -> memref<1300416x16xi32, #tpu.memory_space<hbm>>
      tpu.wait_indirect_dma semaphore(%arg10 : memref<!tpu.dma_semaphore, #tpu.memory_space<semaphore_mem>>) src(%dma_wait3A_310 : memref<1300416x16xi32, #tpu.memory_space<hbm>>) dst(%dma_wait3A_304 : memref<128x16xi32, #tpu.memory_space<vmem>>)
      %dma_wait3A_311 = arith.constant 0 : i32
      %dma_wait3A_312 = arith.constant 1152 : i32
      %dma_wait3A_313 = arith.constant 0 : i32
      %dma_wait3A_314 = tpu.memref_slice %arg7[%dma_wait3A_312, %dma_wait3A_313] : memref<1280x16xi32, #tpu.memory_space<vmem>> -> memref<128x16xi32, #tpu.memory_space<vmem>>
      %dma_wait3A_315 = arith.constant 0 : i32
      %dma_wait3A_316 = tpu.memref_slice %arg5[%dma_wait3A_311, %dma_wait3A_315] : memref<10x128xi32, #tpu.memory_space<vmem>> -> memref<1x128xi32, #tpu.memory_space<vmem>>
      %dma_wait3A_317 = tpu.memref_squeeze %dma_wait3A_316 : memref<1x128xi32, #tpu.memory_space<vmem>> -> memref<128xi32, #tpu.memory_space<vmem>>
      %dma_wait3A_318 = arith.constant 0 : i32
      %dma_wait3A_319 = arith.constant 0 : i32
      %dma_wait3A_320 = tpu.memref_slice %arg3[%dma_wait3A_318, %dma_wait3A_319] : memref<1300416x16xi32, #tpu.memory_space<hbm>> -> memref<1300416x16xi32, #tpu.memory_space<hbm>>
      tpu.wait_indirect_dma semaphore(%arg10 : memref<!tpu.dma_semaphore, #tpu.memory_space<semaphore_mem>>) src(%dma_wait3A_320 : memref<1300416x16xi32, #tpu.memory_space<hbm>>) dst(%dma_wait3A_314 : memref<128x16xi32, #tpu.memory_space<vmem>>)
      %scan3A_321 = arith.constant 0 : i32
      %scan3A_322 = arith.constant 0 : i32
      %scan3A_323 = arith.constant 64 : i32
      %scan3A_324 = arith.addi %scan3A_322, %scan3A_323 : i32
      %scan3A_325 = arith.constant 1 : i32
      scf.for %scan3A_437 = %scan3A_322 to %scan3A_324 step %scan3A_325  : i32 {
        %mul3A_438 = arith.constant 20 : i32
        %mul3A_439 = arith.muli %scan3A_437, %mul3A_438 : i32
        %get3A = arith.index_cast %mul3A_439 : i32 to index
        %get3A_440 = arith.constant 0 : index
        %get3A_441 = tpu.vector_load %arg7[%get3A, %get3A_440] {strides = array<i32>} : memref<1280x16xi32, #tpu.memory_space<vmem>>, vector<1x16xi32>,
        %get3A_442 = vector.shape_cast %get3A_441 : vector<1x16xi32> to vector<16xi32>
        %shift_left3A = arith.shli %get3A_442, %broadcast_in_dim3A_3 : vector<16xi32>
        %bitcast_convert_type3A = tpu.bitcast %shift_left3A : vector<16xi32> -> vector<16xf32>
        %and3A = arith.andi %get3A_442, %broadcast_in_dim3A_1 : vector<16xi32>
        %bitcast_convert_type3A_443 = tpu.bitcast %and3A : vector<16xi32> -> vector<16xf32>
        %add3A_444 = arith.constant 1 : i32
        %add3A_445 = arith.addi %mul3A_439, %add3A_444 : i32
        %get3A_446 = arith.index_cast %add3A_445 : i32 to index
        %get3A_447 = arith.constant 0 : index
        %get3A_448 = tpu.vector_load %arg7[%get3A_446, %get3A_447] {strides = array<i32>} : memref<1280x16xi32, #tpu.memory_space<vmem>>, vector<1x16xi32>,
        %get3A_449 = vector.shape_cast %get3A_448 : vector<1x16xi32> to vector<16xi32>
        %shift_left3A_450 = arith.shli %get3A_449, %broadcast_in_dim3A_3 : vector<16xi32>
        %bitcast_convert_type3A_451 = tpu.bitcast %shift_left3A_450 : vector<16xi32> -> vector<16xf32>
        %and3A_452 = arith.andi %get3A_449, %broadcast_in_dim3A_1 : vector<16xi32>
        %bitcast_convert_type3A_453 = tpu.bitcast %and3A_452 : vector<16xi32> -> vector<16xf32>
        %add3A_454 = arith.constant 2 : i32
        %add3A_455 = arith.addi %mul3A_439, %add3A_454 : i32
        %get3A_456 = arith.index_cast %add3A_455 : i32 to index
        %get3A_457 = arith.constant 0 : index
        %get3A_458 = tpu.vector_load %arg7[%get3A_456, %get3A_457] {strides = array<i32>} : memref<1280x16xi32, #tpu.memory_space<vmem>>, vector<1x16xi32>,
        %get3A_459 = vector.shape_cast %get3A_458 : vector<1x16xi32> to vector<16xi32>
        %shift_left3A_460 = arith.shli %get3A_459, %broadcast_in_dim3A_3 : vector<16xi32>
        %bitcast_convert_type3A_461 = tpu.bitcast %shift_left3A_460 : vector<16xi32> -> vector<16xf32>
        %and3A_462 = arith.andi %get3A_459, %broadcast_in_dim3A_1 : vector<16xi32>
        %bitcast_convert_type3A_463 = tpu.bitcast %and3A_462 : vector<16xi32> -> vector<16xf32>
        %add3A_464 = arith.constant 2 : i32
        %add3A_465 = arith.addi %mul3A_439, %add3A_464 : i32
        %add3A_466 = arith.constant 1 : i32
        %add3A_467 = arith.addi %add3A_465, %add3A_466 : i32
        %get3A_468 = arith.index_cast %add3A_467 : i32 to index
        %get3A_469 = arith.constant 0 : index
        %get3A_470 = tpu.vector_load %arg7[%get3A_468, %get3A_469] {strides = array<i32>} : memref<1280x16xi32, #tpu.memory_space<vmem>>, vector<1x16xi32>,
        %get3A_471 = vector.shape_cast %get3A_470 : vector<1x16xi32> to vector<16xi32>
        %shift_left3A_472 = arith.shli %get3A_471, %broadcast_in_dim3A_3 : vector<16xi32>
        %bitcast_convert_type3A_473 = tpu.bitcast %shift_left3A_472 : vector<16xi32> -> vector<16xf32>
        %and3A_474 = arith.andi %get3A_471, %broadcast_in_dim3A_1 : vector<16xi32>
        %bitcast_convert_type3A_475 = tpu.bitcast %and3A_474 : vector<16xi32> -> vector<16xf32>
        %add3A_476 = arith.addf %bitcast_convert_type3A, %bitcast_convert_type3A_461 : vector<16xf32>
        %add3A_477 = arith.addf %bitcast_convert_type3A_443, %bitcast_convert_type3A_463 : vector<16xf32>
        %add3A_478 = arith.addf %bitcast_convert_type3A_451, %bitcast_convert_type3A_473 : vector<16xf32>
        %add3A_479 = arith.addf %bitcast_convert_type3A_453, %bitcast_convert_type3A_475 : vector<16xf32>
        %add3A_480 = arith.constant 4 : i32
        %add3A_481 = arith.addi %mul3A_439, %add3A_480 : i32
        %get3A_482 = arith.index_cast %add3A_481 : i32 to index
        %get3A_483 = arith.constant 0 : index
        %get3A_484 = tpu.vector_load %arg7[%get3A_482, %get3A_483] {strides = array<i32>} : memref<1280x16xi32, #tpu.memory_space<vmem>>, vector<1x16xi32>,
        %get3A_485 = vector.shape_cast %get3A_484 : vector<1x16xi32> to vector<16xi32>
        %shift_left3A_486 = arith.shli %get3A_485, %broadcast_in_dim3A_3 : vector<16xi32>
        %bitcast_convert_type3A_487 = tpu.bitcast %shift_left3A_486 : vector<16xi32> -> vector<16xf32>
        %and3A_488 = arith.andi %get3A_485, %broadcast_in_dim3A_1 : vector<16xi32>
        %bitcast_convert_type3A_489 = tpu.bitcast %and3A_488 : vector<16xi32> -> vector<16xf32>
        %add3A_490 = arith.constant 4 : i32
        %add3A_491 = arith.addi %mul3A_439, %add3A_490 : i32
        %add3A_492 = arith.constant 1 : i32
        %add3A_493 = arith.addi %add3A_491, %add3A_492 : i32
        %get3A_494 = arith.index_cast %add3A_493 : i32 to index
        %get3A_495 = arith.constant 0 : index
        %get3A_496 = tpu.vector_load %arg7[%get3A_494, %get3A_495] {strides = array<i32>} : memref<1280x16xi32, #tpu.memory_space<vmem>>, vector<1x16xi32>,
        %get3A_497 = vector.shape_cast %get3A_496 : vector<1x16xi32> to vector<16xi32>
        %shift_left3A_498 = arith.shli %get3A_497, %broadcast_in_dim3A_3 : vector<16xi32>
        %bitcast_convert_type3A_499 = tpu.bitcast %shift_left3A_498 : vector<16xi32> -> vector<16xf32>
        %and3A_500 = arith.andi %get3A_497, %broadcast_in_dim3A_1 : vector<16xi32>
        %bitcast_convert_type3A_501 = tpu.bitcast %and3A_500 : vector<16xi32> -> vector<16xf32>
        %add3A_502 = arith.addf %add3A_476, %bitcast_convert_type3A_487 : vector<16xf32>
        %add3A_503 = arith.addf %add3A_477, %bitcast_convert_type3A_489 : vector<16xf32>
        %add3A_504 = arith.addf %add3A_478, %bitcast_convert_type3A_499 : vector<16xf32>
        %add3A_505 = arith.addf %add3A_479, %bitcast_convert_type3A_501 : vector<16xf32>
        %add3A_506 = arith.constant 6 : i32
        %add3A_507 = arith.addi %mul3A_439, %add3A_506 : i32
        %get3A_508 = arith.index_cast %add3A_507 : i32 to index
        %get3A_509 = arith.constant 0 : index
        %get3A_510 = tpu.vector_load %arg7[%get3A_508, %get3A_509] {strides = array<i32>} : memref<1280x16xi32, #tpu.memory_space<vmem>>, vector<1x16xi32>,
        %get3A_511 = vector.shape_cast %get3A_510 : vector<1x16xi32> to vector<16xi32>
        %shift_left3A_512 = arith.shli %get3A_511, %broadcast_in_dim3A_3 : vector<16xi32>
        %bitcast_convert_type3A_513 = tpu.bitcast %shift_left3A_512 : vector<16xi32> -> vector<16xf32>
        %and3A_514 = arith.andi %get3A_511, %broadcast_in_dim3A_1 : vector<16xi32>
        %bitcast_convert_type3A_515 = tpu.bitcast %and3A_514 : vector<16xi32> -> vector<16xf32>
        %add3A_516 = arith.constant 6 : i32
        %add3A_517 = arith.addi %mul3A_439, %add3A_516 : i32
        %add3A_518 = arith.constant 1 : i32
        %add3A_519 = arith.addi %add3A_517, %add3A_518 : i32
        %get3A_520 = arith.index_cast %add3A_519 : i32 to index
        %get3A_521 = arith.constant 0 : index
        %get3A_522 = tpu.vector_load %arg7[%get3A_520, %get3A_521] {strides = array<i32>} : memref<1280x16xi32, #tpu.memory_space<vmem>>, vector<1x16xi32>,
        %get3A_523 = vector.shape_cast %get3A_522 : vector<1x16xi32> to vector<16xi32>
        %shift_left3A_524 = arith.shli %get3A_523, %broadcast_in_dim3A_3 : vector<16xi32>
        %bitcast_convert_type3A_525 = tpu.bitcast %shift_left3A_524 : vector<16xi32> -> vector<16xf32>
        %and3A_526 = arith.andi %get3A_523, %broadcast_in_dim3A_1 : vector<16xi32>
        %bitcast_convert_type3A_527 = tpu.bitcast %and3A_526 : vector<16xi32> -> vector<16xf32>
        %add3A_528 = arith.addf %add3A_502, %bitcast_convert_type3A_513 : vector<16xf32>
        %add3A_529 = arith.addf %add3A_503, %bitcast_convert_type3A_515 : vector<16xf32>
        %add3A_530 = arith.addf %add3A_504, %bitcast_convert_type3A_525 : vector<16xf32>
        %add3A_531 = arith.addf %add3A_505, %bitcast_convert_type3A_527 : vector<16xf32>
        %add3A_532 = arith.constant 8 : i32
        %add3A_533 = arith.addi %mul3A_439, %add3A_532 : i32
        %get3A_534 = arith.index_cast %add3A_533 : i32 to index
        %get3A_535 = arith.constant 0 : index
        %get3A_536 = tpu.vector_load %arg7[%get3A_534, %get3A_535] {strides = array<i32>} : memref<1280x16xi32, #tpu.memory_space<vmem>>, vector<1x16xi32>,
        %get3A_537 = vector.shape_cast %get3A_536 : vector<1x16xi32> to vector<16xi32>
        %shift_left3A_538 = arith.shli %get3A_537, %broadcast_in_dim3A_3 : vector<16xi32>
        %bitcast_convert_type3A_539 = tpu.bitcast %shift_left3A_538 : vector<16xi32> -> vector<16xf32>
        %and3A_540 = arith.andi %get3A_537, %broadcast_in_dim3A_1 : vector<16xi32>
        %bitcast_convert_type3A_541 = tpu.bitcast %and3A_540 : vector<16xi32> -> vector<16xf32>
        %add3A_542 = arith.constant 8 : i32
        %add3A_543 = arith.addi %mul3A_439, %add3A_542 : i32
        %add3A_544 = arith.constant 1 : i32
        %add3A_545 = arith.addi %add3A_543, %add3A_544 : i32
        %get3A_546 = arith.index_cast %add3A_545 : i32 to index
        %get3A_547 = arith.constant 0 : index
        %get3A_548 = tpu.vector_load %arg7[%get3A_546, %get3A_547] {strides = array<i32>} : memref<1280x16xi32, #tpu.memory_space<vmem>>, vector<1x16xi32>,
        %get3A_549 = vector.shape_cast %get3A_548 : vector<1x16xi32> to vector<16xi32>
        %shift_left3A_550 = arith.shli %get3A_549, %broadcast_in_dim3A_3 : vector<16xi32>
        %bitcast_convert_type3A_551 = tpu.bitcast %shift_left3A_550 : vector<16xi32> -> vector<16xf32>
        %and3A_552 = arith.andi %get3A_549, %broadcast_in_dim3A_1 : vector<16xi32>
        %bitcast_convert_type3A_553 = tpu.bitcast %and3A_552 : vector<16xi32> -> vector<16xf32>
        %add3A_554 = arith.addf %add3A_528, %bitcast_convert_type3A_539 : vector<16xf32>
        %add3A_555 = arith.addf %add3A_529, %bitcast_convert_type3A_541 : vector<16xf32>
        %add3A_556 = arith.addf %add3A_530, %bitcast_convert_type3A_551 : vector<16xf32>
        %add3A_557 = arith.addf %add3A_531, %bitcast_convert_type3A_553 : vector<16xf32>
        %add3A_558 = arith.constant 10 : i32
        %add3A_559 = arith.addi %mul3A_439, %add3A_558 : i32
        %get3A_560 = arith.index_cast %add3A_559 : i32 to index
        %get3A_561 = arith.constant 0 : index
        %get3A_562 = tpu.vector_load %arg7[%get3A_560, %get3A_561] {strides = array<i32>} : memref<1280x16xi32, #tpu.memory_space<vmem>>, vector<1x16xi32>,
        %get3A_563 = vector.shape_cast %get3A_562 : vector<1x16xi32> to vector<16xi32>
        %shift_left3A_564 = arith.shli %get3A_563, %broadcast_in_dim3A_3 : vector<16xi32>
        %bitcast_convert_type3A_565 = tpu.bitcast %shift_left3A_564 : vector<16xi32> -> vector<16xf32>
        %and3A_566 = arith.andi %get3A_563, %broadcast_in_dim3A_1 : vector<16xi32>
        %bitcast_convert_type3A_567 = tpu.bitcast %and3A_566 : vector<16xi32> -> vector<16xf32>
        %add3A_568 = arith.constant 10 : i32
        %add3A_569 = arith.addi %mul3A_439, %add3A_568 : i32
        %add3A_570 = arith.constant 1 : i32
        %add3A_571 = arith.addi %add3A_569, %add3A_570 : i32
        %get3A_572 = arith.index_cast %add3A_571 : i32 to index
        %get3A_573 = arith.constant 0 : index
        %get3A_574 = tpu.vector_load %arg7[%get3A_572, %get3A_573] {strides = array<i32>} : memref<1280x16xi32, #tpu.memory_space<vmem>>, vector<1x16xi32>,
        %get3A_575 = vector.shape_cast %get3A_574 : vector<1x16xi32> to vector<16xi32>
        %shift_left3A_576 = arith.shli %get3A_575, %broadcast_in_dim3A_3 : vector<16xi32>
        %bitcast_convert_type3A_577 = tpu.bitcast %shift_left3A_576 : vector<16xi32> -> vector<16xf32>
        %and3A_578 = arith.andi %get3A_575, %broadcast_in_dim3A_1 : vector<16xi32>
        %bitcast_convert_type3A_579 = tpu.bitcast %and3A_578 : vector<16xi32> -> vector<16xf32>
        %add3A_580 = arith.addf %add3A_554, %bitcast_convert_type3A_565 : vector<16xf32>
        %add3A_581 = arith.addf %add3A_555, %bitcast_convert_type3A_567 : vector<16xf32>
        %add3A_582 = arith.addf %add3A_556, %bitcast_convert_type3A_577 : vector<16xf32>
        %add3A_583 = arith.addf %add3A_557, %bitcast_convert_type3A_579 : vector<16xf32>
        %add3A_584 = arith.constant 12 : i32
        %add3A_585 = arith.addi %mul3A_439, %add3A_584 : i32
        %get3A_586 = arith.index_cast %add3A_585 : i32 to index
        %get3A_587 = arith.constant 0 : index
        %get3A_588 = tpu.vector_load %arg7[%get3A_586, %get3A_587] {strides = array<i32>} : memref<1280x16xi32, #tpu.memory_space<vmem>>, vector<1x16xi32>,
        %get3A_589 = vector.shape_cast %get3A_588 : vector<1x16xi32> to vector<16xi32>
        %shift_left3A_590 = arith.shli %get3A_589, %broadcast_in_dim3A_3 : vector<16xi32>
        %bitcast_convert_type3A_591 = tpu.bitcast %shift_left3A_590 : vector<16xi32> -> vector<16xf32>
        %and3A_592 = arith.andi %get3A_589, %broadcast_in_dim3A_1 : vector<16xi32>
        %bitcast_convert_type3A_593 = tpu.bitcast %and3A_592 : vector<16xi32> -> vector<16xf32>
        %add3A_594 = arith.constant 12 : i32
        %add3A_595 = arith.addi %mul3A_439, %add3A_594 : i32
        %add3A_596 = arith.constant 1 : i32
        %add3A_597 = arith.addi %add3A_595, %add3A_596 : i32
        %get3A_598 = arith.index_cast %add3A_597 : i32 to index
        %get3A_599 = arith.constant 0 : index
        %get3A_600 = tpu.vector_load %arg7[%get3A_598, %get3A_599] {strides = array<i32>} : memref<1280x16xi32, #tpu.memory_space<vmem>>, vector<1x16xi32>,
        %get3A_601 = vector.shape_cast %get3A_600 : vector<1x16xi32> to vector<16xi32>
        %shift_left3A_602 = arith.shli %get3A_601, %broadcast_in_dim3A_3 : vector<16xi32>
        %bitcast_convert_type3A_603 = tpu.bitcast %shift_left3A_602 : vector<16xi32> -> vector<16xf32>
        %and3A_604 = arith.andi %get3A_601, %broadcast_in_dim3A_1 : vector<16xi32>
        %bitcast_convert_type3A_605 = tpu.bitcast %and3A_604 : vector<16xi32> -> vector<16xf32>
        %add3A_606 = arith.addf %add3A_580, %bitcast_convert_type3A_591 : vector<16xf32>
        %add3A_607 = arith.addf %add3A_581, %bitcast_convert_type3A_593 : vector<16xf32>
        %add3A_608 = arith.addf %add3A_582, %bitcast_convert_type3A_603 : vector<16xf32>
        %add3A_609 = arith.addf %add3A_583, %bitcast_convert_type3A_605 : vector<16xf32>
        %add3A_610 = arith.constant 14 : i32
        %add3A_611 = arith.addi %mul3A_439, %add3A_610 : i32
        %get3A_612 = arith.index_cast %add3A_611 : i32 to index
        %get3A_613 = arith.constant 0 : index
        %get3A_614 = tpu.vector_load %arg7[%get3A_612, %get3A_613] {strides = array<i32>} : memref<1280x16xi32, #tpu.memory_space<vmem>>, vector<1x16xi32>,
        %get3A_615 = vector.shape_cast %get3A_614 : vector<1x16xi32> to vector<16xi32>
        %shift_left3A_616 = arith.shli %get3A_615, %broadcast_in_dim3A_3 : vector<16xi32>
        %bitcast_convert_type3A_617 = tpu.bitcast %shift_left3A_616 : vector<16xi32> -> vector<16xf32>
        %and3A_618 = arith.andi %get3A_615, %broadcast_in_dim3A_1 : vector<16xi32>
        %bitcast_convert_type3A_619 = tpu.bitcast %and3A_618 : vector<16xi32> -> vector<16xf32>
        %add3A_620 = arith.constant 14 : i32
        %add3A_621 = arith.addi %mul3A_439, %add3A_620 : i32
        %add3A_622 = arith.constant 1 : i32
        %add3A_623 = arith.addi %add3A_621, %add3A_622 : i32
        %get3A_624 = arith.index_cast %add3A_623 : i32 to index
        %get3A_625 = arith.constant 0 : index
        %get3A_626 = tpu.vector_load %arg7[%get3A_624, %get3A_625] {strides = array<i32>} : memref<1280x16xi32, #tpu.memory_space<vmem>>, vector<1x16xi32>,
        %get3A_627 = vector.shape_cast %get3A_626 : vector<1x16xi32> to vector<16xi32>
        %shift_left3A_628 = arith.shli %get3A_627, %broadcast_in_dim3A_3 : vector<16xi32>
        %bitcast_convert_type3A_629 = tpu.bitcast %shift_left3A_628 : vector<16xi32> -> vector<16xf32>
        %and3A_630 = arith.andi %get3A_627, %broadcast_in_dim3A_1 : vector<16xi32>
        %bitcast_convert_type3A_631 = tpu.bitcast %and3A_630 : vector<16xi32> -> vector<16xf32>
        %add3A_632 = arith.addf %add3A_606, %bitcast_convert_type3A_617 : vector<16xf32>
        %add3A_633 = arith.addf %add3A_607, %bitcast_convert_type3A_619 : vector<16xf32>
        %add3A_634 = arith.addf %add3A_608, %bitcast_convert_type3A_629 : vector<16xf32>
        %add3A_635 = arith.addf %add3A_609, %bitcast_convert_type3A_631 : vector<16xf32>
        %add3A_636 = arith.constant 16 : i32
        %add3A_637 = arith.addi %mul3A_439, %add3A_636 : i32
        %get3A_638 = arith.index_cast %add3A_637 : i32 to index
        %get3A_639 = arith.constant 0 : index
        %get3A_640 = tpu.vector_load %arg7[%get3A_638, %get3A_639] {strides = array<i32>} : memref<1280x16xi32, #tpu.memory_space<vmem>>, vector<1x16xi32>,
        %get3A_641 = vector.shape_cast %get3A_640 : vector<1x16xi32> to vector<16xi32>
        %shift_left3A_642 = arith.shli %get3A_641, %broadcast_in_dim3A_3 : vector<16xi32>
        %bitcast_convert_type3A_643 = tpu.bitcast %shift_left3A_642 : vector<16xi32> -> vector<16xf32>
        %and3A_644 = arith.andi %get3A_641, %broadcast_in_dim3A_1 : vector<16xi32>
        %bitcast_convert_type3A_645 = tpu.bitcast %and3A_644 : vector<16xi32> -> vector<16xf32>
        %add3A_646 = arith.constant 16 : i32
        %add3A_647 = arith.addi %mul3A_439, %add3A_646 : i32
        %add3A_648 = arith.constant 1 : i32
        %add3A_649 = arith.addi %add3A_647, %add3A_648 : i32
        %get3A_650 = arith.index_cast %add3A_649 : i32 to index
        %get3A_651 = arith.constant 0 : index
        %get3A_652 = tpu.vector_load %arg7[%get3A_650, %get3A_651] {strides = array<i32>} : memref<1280x16xi32, #tpu.memory_space<vmem>>, vector<1x16xi32>,
        %get3A_653 = vector.shape_cast %get3A_652 : vector<1x16xi32> to vector<16xi32>
        %shift_left3A_654 = arith.shli %get3A_653, %broadcast_in_dim3A_3 : vector<16xi32>
        %bitcast_convert_type3A_655 = tpu.bitcast %shift_left3A_654 : vector<16xi32> -> vector<16xf32>
        %and3A_656 = arith.andi %get3A_653, %broadcast_in_dim3A_1 : vector<16xi32>
        %bitcast_convert_type3A_657 = tpu.bitcast %and3A_656 : vector<16xi32> -> vector<16xf32>
        %add3A_658 = arith.addf %add3A_632, %bitcast_convert_type3A_643 : vector<16xf32>
        %add3A_659 = arith.addf %add3A_633, %bitcast_convert_type3A_645 : vector<16xf32>
        %add3A_660 = arith.addf %add3A_634, %bitcast_convert_type3A_655 : vector<16xf32>
        %add3A_661 = arith.addf %add3A_635, %bitcast_convert_type3A_657 : vector<16xf32>
        %add3A_662 = arith.constant 18 : i32
        %add3A_663 = arith.addi %mul3A_439, %add3A_662 : i32
        %get3A_664 = arith.index_cast %add3A_663 : i32 to index
        %get3A_665 = arith.constant 0 : index
        %get3A_666 = tpu.vector_load %arg7[%get3A_664, %get3A_665] {strides = array<i32>} : memref<1280x16xi32, #tpu.memory_space<vmem>>, vector<1x16xi32>,
        %get3A_667 = vector.shape_cast %get3A_666 : vector<1x16xi32> to vector<16xi32>
        %shift_left3A_668 = arith.shli %get3A_667, %broadcast_in_dim3A_3 : vector<16xi32>
        %bitcast_convert_type3A_669 = tpu.bitcast %shift_left3A_668 : vector<16xi32> -> vector<16xf32>
        %and3A_670 = arith.andi %get3A_667, %broadcast_in_dim3A_1 : vector<16xi32>
        %bitcast_convert_type3A_671 = tpu.bitcast %and3A_670 : vector<16xi32> -> vector<16xf32>
        %add3A_672 = arith.constant 18 : i32
        %add3A_673 = arith.addi %mul3A_439, %add3A_672 : i32
        %add3A_674 = arith.constant 1 : i32
        %add3A_675 = arith.addi %add3A_673, %add3A_674 : i32
        %get3A_676 = arith.index_cast %add3A_675 : i32 to index
        %get3A_677 = arith.constant 0 : index
        %get3A_678 = tpu.vector_load %arg7[%get3A_676, %get3A_677] {strides = array<i32>} : memref<1280x16xi32, #tpu.memory_space<vmem>>, vector<1x16xi32>,
        %get3A_679 = vector.shape_cast %get3A_678 : vector<1x16xi32> to vector<16xi32>
        %shift_left3A_680 = arith.shli %get3A_679, %broadcast_in_dim3A_3 : vector<16xi32>
        %bitcast_convert_type3A_681 = tpu.bitcast %shift_left3A_680 : vector<16xi32> -> vector<16xf32>
        %and3A_682 = arith.andi %get3A_679, %broadcast_in_dim3A_1 : vector<16xi32>
        %bitcast_convert_type3A_683 = tpu.bitcast %and3A_682 : vector<16xi32> -> vector<16xf32>
        %add3A_684 = arith.addf %add3A_658, %bitcast_convert_type3A_669 : vector<16xf32>
        %add3A_685 = arith.addf %add3A_659, %bitcast_convert_type3A_671 : vector<16xf32>
        %add3A_686 = arith.addf %add3A_660, %bitcast_convert_type3A_681 : vector<16xf32>
        %add3A_687 = arith.addf %add3A_661, %bitcast_convert_type3A_683 : vector<16xf32>
        %add3A_688 = arith.addf %add3A_684, %add3A_686 : vector<16xf32>
        %add3A_689 = arith.constant 0 : i32
        %add3A_690 = arith.addi %add3A_689, %scan3A_437 : i32
        %swap3A = arith.index_cast %add3A_690 : i32 to index
        %swap3A_691 = arith.constant 0 : index
        %swap3A_692 = tpu.vector_load %arg9[%swap3A, %swap3A_691] {strides = array<i32>} : memref<128x32xf32, #tpu.memory_space<vmem>>, vector<1x16xf32>,
        %swap3A_693 = vector.shape_cast %swap3A_692 : vector<1x16xf32> to vector<16xf32>
        %swap3A_694 = vector.shape_cast %add3A_688 : vector<16xf32> to vector<1x16xf32>
        tpu.vector_store %arg9[%swap3A, %swap3A_691], %swap3A_694 {strides = array<i32>} : memref<128x32xf32, #tpu.memory_space<vmem>>, vector<1x16xf32>,
        %add3A_695 = arith.addf %add3A_685, %add3A_687 : vector<16xf32>
        %add3A_696 = arith.constant 0 : i32
        %add3A_697 = arith.addi %add3A_696, %scan3A_437 : i32
        %swap3A_698 = arith.index_cast %add3A_697 : i32 to index
        %swap3A_699 = arith.constant 16 : index
        %swap3A_700 = tpu.vector_load %arg9[%swap3A_698, %swap3A_699] {strides = array<i32>} : memref<128x32xf32, #tpu.memory_space<vmem>>, vector<1x16xf32>,
        %swap3A_701 = vector.shape_cast %swap3A_700 : vector<1x16xf32> to vector<16xf32>
        %swap3A_702 = vector.shape_cast %add3A_695 : vector<16xf32> to vector<1x16xf32>
        tpu.vector_store %arg9[%swap3A_698, %swap3A_699], %swap3A_702 {strides = array<i32>} : memref<128x32xf32, #tpu.memory_space<vmem>>, vector<1x16xf32>,
      }
      %scan3A_326 = arith.constant 64 : i32
      %lt3A = arith.constant 12 : i32
      %lt3A_327 = arith.cmpi slt, %scan3A_112, %lt3A : i32
      %convert_element_type3A = arith.extui %lt3A_327 : i1 to i32
      %cond3A = arith.constant 0 : i32
      %cond3A_328 = arith.cmpi ne, %convert_element_type3A, %cond3A : i32
      scf.if %cond3A_328 {
        %add3A_437 = arith.constant 64 : i32
        %add3A_438 = arith.addi %mul3A_119, %add3A_437 : i32
        "tpu.region"() ({
          %run_scoped3A = tpu.sem_alloc : memref<!tpu.dma_semaphore, #tpu.memory_space<semaphore_mem>>
          %dma_start3A_539 = arith.constant 0 : i32
          %dma_start3A_540 = arith.constant 0 : i32
          %dma_start3A_541 = tpu.memref_slice %arg2[%add3A_438, %dma_start3A_539, %dma_start3A_540] : memref<1664x10x128xi32, #tpu.memory_space<hbm>> -> memref<1x10x128xi32, #tpu.memory_space<hbm>>
          %dma_start3A_542 = tpu.memref_squeeze %dma_start3A_541 : memref<1x10x128xi32, #tpu.memory_space<hbm>> -> memref<10x128xi32, #tpu.memory_space<hbm>>
          %dma_start3A_543 = arith.constant 0 : i32
          %dma_start3A_544 = arith.constant 0 : i32
          %dma_start3A_545 = tpu.memref_slice %arg2[%add3A_438, %dma_start3A_543, %dma_start3A_544] : memref<1664x10x128xi32, #tpu.memory_space<hbm>> -> memref<1x10x128xi32, #tpu.memory_space<hbm>>
          %dma_start3A_546 = tpu.memref_squeeze %dma_start3A_545 : memref<1x10x128xi32, #tpu.memory_space<hbm>> -> memref<10x128xi32, #tpu.memory_space<hbm>>
          tpu.enqueue_dma source(%dma_start3A_546 : memref<10x128xi32, #tpu.memory_space<hbm>>) target(%arg5 : memref<10x128xi32, #tpu.memory_space<vmem>>) target_semaphore(%run_scoped3A : memref<!tpu.dma_semaphore, #tpu.memory_space<semaphore_mem>>)
          %dma_wait3A_547 = arith.constant 0 : i32
          %dma_wait3A_548 = arith.constant 0 : i32
          %dma_wait3A_549 = tpu.memref_slice %arg2[%add3A_438, %dma_wait3A_547, %dma_wait3A_548] : memref<1664x10x128xi32, #tpu.memory_space<hbm>> -> memref<1x10x128xi32, #tpu.memory_space<hbm>>
          %dma_wait3A_550 = tpu.memref_squeeze %dma_wait3A_549 : memref<1x10x128xi32, #tpu.memory_space<hbm>> -> memref<10x128xi32, #tpu.memory_space<hbm>>
          %dma_wait3A_551 = arith.constant 0 : i32
          %dma_wait3A_552 = arith.constant 0 : i32
          %dma_wait3A_553 = tpu.memref_slice %arg2[%add3A_438, %dma_wait3A_551, %dma_wait3A_552] : memref<1664x10x128xi32, #tpu.memory_space<hbm>> -> memref<1x10x128xi32, #tpu.memory_space<hbm>>
          %dma_wait3A_554 = tpu.memref_squeeze %dma_wait3A_553 : memref<1x10x128xi32, #tpu.memory_space<hbm>> -> memref<10x128xi32, #tpu.memory_space<hbm>>
          tpu.wait_dma2 semaphore(%run_scoped3A : memref<!tpu.dma_semaphore, #tpu.memory_space<semaphore_mem>>) src(%dma_wait3A_554 : memref<10x128xi32, #tpu.memory_space<hbm>>) dst(%arg5 : memref<10x128xi32, #tpu.memory_space<vmem>>)
          tpu.yield
        }) : () -> ()
        %dma_start3A_439 = arith.constant 0 : i32
        %dma_start3A_440 = arith.constant 0 : i32
        %dma_start3A_441 = arith.constant 0 : i32
        %dma_start3A_442 = tpu.memref_slice %arg7[%dma_start3A_440, %dma_start3A_441] : memref<1280x16xi32, #tpu.memory_space<vmem>> -> memref<128x16xi32, #tpu.memory_space<vmem>>
        %dma_start3A_443 = arith.constant 0 : i32
        %dma_start3A_444 = tpu.memref_slice %arg5[%dma_start3A_439, %dma_start3A_443] : memref<10x128xi32, #tpu.memory_space<vmem>> -> memref<1x128xi32, #tpu.memory_space<vmem>>
        %dma_start3A_445 = tpu.memref_squeeze %dma_start3A_444 : memref<1x128xi32, #tpu.memory_space<vmem>> -> memref<128xi32, #tpu.memory_space<vmem>>
        %dma_start3A_446 = arith.constant 0 : i32
        %dma_start3A_447 = arith.constant 0 : i32
        %dma_start3A_448 = tpu.memref_slice %arg3[%dma_start3A_446, %dma_start3A_447] : memref<1300416x16xi32, #tpu.memory_space<hbm>> -> memref<1300416x16xi32, #tpu.memory_space<hbm>>
        tpu.enqueue_indirect_dma source(%dma_start3A_448 : memref<1300416x16xi32, #tpu.memory_space<hbm>>) target(%dma_start3A_442 : memref<128x16xi32, #tpu.memory_space<vmem>>) offsets(%dma_start3A_445 : memref<128xi32, #tpu.memory_space<vmem>>) semaphore(%arg10 : memref<!tpu.dma_semaphore, #tpu.memory_space<semaphore_mem>>)
        %dma_start3A_449 = arith.constant 1 : i32
        %dma_start3A_450 = arith.constant 128 : i32
        %dma_start3A_451 = arith.constant 0 : i32
        %dma_start3A_452 = tpu.memref_slice %arg7[%dma_start3A_450, %dma_start3A_451] : memref<1280x16xi32, #tpu.memory_space<vmem>> -> memref<128x16xi32, #tpu.memory_space<vmem>>
        %dma_start3A_453 = arith.constant 0 : i32
        %dma_start3A_454 = tpu.memref_slice %arg5[%dma_start3A_449, %dma_start3A_453] : memref<10x128xi32, #tpu.memory_space<vmem>> -> memref<1x128xi32, #tpu.memory_space<vmem>>
        %dma_start3A_455 = tpu.memref_squeeze %dma_start3A_454 : memref<1x128xi32, #tpu.memory_space<vmem>> -> memref<128xi32, #tpu.memory_space<vmem>>
        %dma_start3A_456 = arith.constant 0 : i32
        %dma_start3A_457 = arith.constant 0 : i32
        %dma_start3A_458 = tpu.memref_slice %arg3[%dma_start3A_456, %dma_start3A_457] : memref<1300416x16xi32, #tpu.memory_space<hbm>> -> memref<1300416x16xi32, #tpu.memory_space<hbm>>
        tpu.enqueue_indirect_dma source(%dma_start3A_458 : memref<1300416x16xi32, #tpu.memory_space<hbm>>) target(%dma_start3A_452 : memref<128x16xi32, #tpu.memory_space<vmem>>) offsets(%dma_start3A_455 : memref<128xi32, #tpu.memory_space<vmem>>) semaphore(%arg10 : memref<!tpu.dma_semaphore, #tpu.memory_space<semaphore_mem>>)
        %dma_start3A_459 = arith.constant 2 : i32
        %dma_start3A_460 = arith.constant 256 : i32
        %dma_start3A_461 = arith.constant 0 : i32
        %dma_start3A_462 = tpu.memref_slice %arg7[%dma_start3A_460, %dma_start3A_461] : memref<1280x16xi32, #tpu.memory_space<vmem>> -> memref<128x16xi32, #tpu.memory_space<vmem>>
        %dma_start3A_463 = arith.constant 0 : i32
        %dma_start3A_464 = tpu.memref_slice %arg5[%dma_start3A_459, %dma_start3A_463] : memref<10x128xi32, #tpu.memory_space<vmem>> -> memref<1x128xi32, #tpu.memory_space<vmem>>
        %dma_start3A_465 = tpu.memref_squeeze %dma_start3A_464 : memref<1x128xi32, #tpu.memory_space<vmem>> -> memref<128xi32, #tpu.memory_space<vmem>>
        %dma_start3A_466 = arith.constant 0 : i32
        %dma_start3A_467 = arith.constant 0 : i32
        %dma_start3A_468 = tpu.memref_slice %arg3[%dma_start3A_466, %dma_start3A_467] : memref<1300416x16xi32, #tpu.memory_space<hbm>> -> memref<1300416x16xi32, #tpu.memory_space<hbm>>
        tpu.enqueue_indirect_dma source(%dma_start3A_468 : memref<1300416x16xi32, #tpu.memory_space<hbm>>) target(%dma_start3A_462 : memref<128x16xi32, #tpu.memory_space<vmem>>) offsets(%dma_start3A_465 : memref<128xi32, #tpu.memory_space<vmem>>) semaphore(%arg10 : memref<!tpu.dma_semaphore, #tpu.memory_space<semaphore_mem>>)
        %dma_start3A_469 = arith.constant 3 : i32
        %dma_start3A_470 = arith.constant 384 : i32
        %dma_start3A_471 = arith.constant 0 : i32
        %dma_start3A_472 = tpu.memref_slice %arg7[%dma_start3A_470, %dma_start3A_471] : memref<1280x16xi32, #tpu.memory_space<vmem>> -> memref<128x16xi32, #tpu.memory_space<vmem>>
        %dma_start3A_473 = arith.constant 0 : i32
        %dma_start3A_474 = tpu.memref_slice %arg5[%dma_start3A_469, %dma_start3A_473] : memref<10x128xi32, #tpu.memory_space<vmem>> -> memref<1x128xi32, #tpu.memory_space<vmem>>
        %dma_start3A_475 = tpu.memref_squeeze %dma_start3A_474 : memref<1x128xi32, #tpu.memory_space<vmem>> -> memref<128xi32, #tpu.memory_space<vmem>>
        %dma_start3A_476 = arith.constant 0 : i32
        %dma_start3A_477 = arith.constant 0 : i32
        %dma_start3A_478 = tpu.memref_slice %arg3[%dma_start3A_476, %dma_start3A_477] : memref<1300416x16xi32, #tpu.memory_space<hbm>> -> memref<1300416x16xi32, #tpu.memory_space<hbm>>
        tpu.enqueue_indirect_dma source(%dma_start3A_478 : memref<1300416x16xi32, #tpu.memory_space<hbm>>) target(%dma_start3A_472 : memref<128x16xi32, #tpu.memory_space<vmem>>) offsets(%dma_start3A_475 : memref<128xi32, #tpu.memory_space<vmem>>) semaphore(%arg10 : memref<!tpu.dma_semaphore, #tpu.memory_space<semaphore_mem>>)
        %dma_start3A_479 = arith.constant 4 : i32
        %dma_start3A_480 = arith.constant 512 : i32
        %dma_start3A_481 = arith.constant 0 : i32
        %dma_start3A_482 = tpu.memref_slice %arg7[%dma_start3A_480, %dma_start3A_481] : memref<1280x16xi32, #tpu.memory_space<vmem>> -> memref<128x16xi32, #tpu.memory_space<vmem>>
        %dma_start3A_483 = arith.constant 0 : i32
        %dma_start3A_484 = tpu.memref_slice %arg5[%dma_start3A_479, %dma_start3A_483] : memref<10x128xi32, #tpu.memory_space<vmem>> -> memref<1x128xi32, #tpu.memory_space<vmem>>
        %dma_start3A_485 = tpu.memref_squeeze %dma_start3A_484 : memref<1x128xi32, #tpu.memory_space<vmem>> -> memref<128xi32, #tpu.memory_space<vmem>>
        %dma_start3A_486 = arith.constant 0 : i32
        %dma_start3A_487 = arith.constant 0 : i32
        %dma_start3A_488 = tpu.memref_slice %arg3[%dma_start3A_486, %dma_start3A_487] : memref<1300416x16xi32, #tpu.memory_space<hbm>> -> memref<1300416x16xi32, #tpu.memory_space<hbm>>
        tpu.enqueue_indirect_dma source(%dma_start3A_488 : memref<1300416x16xi32, #tpu.memory_space<hbm>>) target(%dma_start3A_482 : memref<128x16xi32, #tpu.memory_space<vmem>>) offsets(%dma_start3A_485 : memref<128xi32, #tpu.memory_space<vmem>>) semaphore(%arg10 : memref<!tpu.dma_semaphore, #tpu.memory_space<semaphore_mem>>)
        %dma_start3A_489 = arith.constant 5 : i32
        %dma_start3A_490 = arith.constant 640 : i32
        %dma_start3A_491 = arith.constant 0 : i32
        %dma_start3A_492 = tpu.memref_slice %arg7[%dma_start3A_490, %dma_start3A_491] : memref<1280x16xi32, #tpu.memory_space<vmem>> -> memref<128x16xi32, #tpu.memory_space<vmem>>
        %dma_start3A_493 = arith.constant 0 : i32
        %dma_start3A_494 = tpu.memref_slice %arg5[%dma_start3A_489, %dma_start3A_493] : memref<10x128xi32, #tpu.memory_space<vmem>> -> memref<1x128xi32, #tpu.memory_space<vmem>>
        %dma_start3A_495 = tpu.memref_squeeze %dma_start3A_494 : memref<1x128xi32, #tpu.memory_space<vmem>> -> memref<128xi32, #tpu.memory_space<vmem>>
        %dma_start3A_496 = arith.constant 0 : i32
        %dma_start3A_497 = arith.constant 0 : i32
        %dma_start3A_498 = tpu.memref_slice %arg3[%dma_start3A_496, %dma_start3A_497] : memref<1300416x16xi32, #tpu.memory_space<hbm>> -> memref<1300416x16xi32, #tpu.memory_space<hbm>>
        tpu.enqueue_indirect_dma source(%dma_start3A_498 : memref<1300416x16xi32, #tpu.memory_space<hbm>>) target(%dma_start3A_492 : memref<128x16xi32, #tpu.memory_space<vmem>>) offsets(%dma_start3A_495 : memref<128xi32, #tpu.memory_space<vmem>>) semaphore(%arg10 : memref<!tpu.dma_semaphore, #tpu.memory_space<semaphore_mem>>)
        %dma_start3A_499 = arith.constant 6 : i32
        %dma_start3A_500 = arith.constant 768 : i32
        %dma_start3A_501 = arith.constant 0 : i32
        %dma_start3A_502 = tpu.memref_slice %arg7[%dma_start3A_500, %dma_start3A_501] : memref<1280x16xi32, #tpu.memory_space<vmem>> -> memref<128x16xi32, #tpu.memory_space<vmem>>
        %dma_start3A_503 = arith.constant 0 : i32
        %dma_start3A_504 = tpu.memref_slice %arg5[%dma_start3A_499, %dma_start3A_503] : memref<10x128xi32, #tpu.memory_space<vmem>> -> memref<1x128xi32, #tpu.memory_space<vmem>>
        %dma_start3A_505 = tpu.memref_squeeze %dma_start3A_504 : memref<1x128xi32, #tpu.memory_space<vmem>> -> memref<128xi32, #tpu.memory_space<vmem>>
        %dma_start3A_506 = arith.constant 0 : i32
        %dma_start3A_507 = arith.constant 0 : i32
        %dma_start3A_508 = tpu.memref_slice %arg3[%dma_start3A_506, %dma_start3A_507] : memref<1300416x16xi32, #tpu.memory_space<hbm>> -> memref<1300416x16xi32, #tpu.memory_space<hbm>>
        tpu.enqueue_indirect_dma source(%dma_start3A_508 : memref<1300416x16xi32, #tpu.memory_space<hbm>>) target(%dma_start3A_502 : memref<128x16xi32, #tpu.memory_space<vmem>>) offsets(%dma_start3A_505 : memref<128xi32, #tpu.memory_space<vmem>>) semaphore(%arg10 : memref<!tpu.dma_semaphore, #tpu.memory_space<semaphore_mem>>)
        %dma_start3A_509 = arith.constant 7 : i32
        %dma_start3A_510 = arith.constant 896 : i32
        %dma_start3A_511 = arith.constant 0 : i32
        %dma_start3A_512 = tpu.memref_slice %arg7[%dma_start3A_510, %dma_start3A_511] : memref<1280x16xi32, #tpu.memory_space<vmem>> -> memref<128x16xi32, #tpu.memory_space<vmem>>
        %dma_start3A_513 = arith.constant 0 : i32
        %dma_start3A_514 = tpu.memref_slice %arg5[%dma_start3A_509, %dma_start3A_513] : memref<10x128xi32, #tpu.memory_space<vmem>> -> memref<1x128xi32, #tpu.memory_space<vmem>>
        %dma_start3A_515 = tpu.memref_squeeze %dma_start3A_514 : memref<1x128xi32, #tpu.memory_space<vmem>> -> memref<128xi32, #tpu.memory_space<vmem>>
        %dma_start3A_516 = arith.constant 0 : i32
        %dma_start3A_517 = arith.constant 0 : i32
        %dma_start3A_518 = tpu.memref_slice %arg3[%dma_start3A_516, %dma_start3A_517] : memref<1300416x16xi32, #tpu.memory_space<hbm>> -> memref<1300416x16xi32, #tpu.memory_space<hbm>>
        tpu.enqueue_indirect_dma source(%dma_start3A_518 : memref<1300416x16xi32, #tpu.memory_space<hbm>>) target(%dma_start3A_512 : memref<128x16xi32, #tpu.memory_space<vmem>>) offsets(%dma_start3A_515 : memref<128xi32, #tpu.memory_space<vmem>>) semaphore(%arg10 : memref<!tpu.dma_semaphore, #tpu.memory_space<semaphore_mem>>)
        %dma_start3A_519 = arith.constant 8 : i32
        %dma_start3A_520 = arith.constant 1024 : i32
        %dma_start3A_521 = arith.constant 0 : i32
        %dma_start3A_522 = tpu.memref_slice %arg7[%dma_start3A_520, %dma_start3A_521] : memref<1280x16xi32, #tpu.memory_space<vmem>> -> memref<128x16xi32, #tpu.memory_space<vmem>>
        %dma_start3A_523 = arith.constant 0 : i32
        %dma_start3A_524 = tpu.memref_slice %arg5[%dma_start3A_519, %dma_start3A_523] : memref<10x128xi32, #tpu.memory_space<vmem>> -> memref<1x128xi32, #tpu.memory_space<vmem>>
        %dma_start3A_525 = tpu.memref_squeeze %dma_start3A_524 : memref<1x128xi32, #tpu.memory_space<vmem>> -> memref<128xi32, #tpu.memory_space<vmem>>
        %dma_start3A_526 = arith.constant 0 : i32
        %dma_start3A_527 = arith.constant 0 : i32
        %dma_start3A_528 = tpu.memref_slice %arg3[%dma_start3A_526, %dma_start3A_527] : memref<1300416x16xi32, #tpu.memory_space<hbm>> -> memref<1300416x16xi32, #tpu.memory_space<hbm>>
        tpu.enqueue_indirect_dma source(%dma_start3A_528 : memref<1300416x16xi32, #tpu.memory_space<hbm>>) target(%dma_start3A_522 : memref<128x16xi32, #tpu.memory_space<vmem>>) offsets(%dma_start3A_525 : memref<128xi32, #tpu.memory_space<vmem>>) semaphore(%arg10 : memref<!tpu.dma_semaphore, #tpu.memory_space<semaphore_mem>>)
        %dma_start3A_529 = arith.constant 9 : i32
        %dma_start3A_530 = arith.constant 1152 : i32
        %dma_start3A_531 = arith.constant 0 : i32
        %dma_start3A_532 = tpu.memref_slice %arg7[%dma_start3A_530, %dma_start3A_531] : memref<1280x16xi32, #tpu.memory_space<vmem>> -> memref<128x16xi32, #tpu.memory_space<vmem>>
        %dma_start3A_533 = arith.constant 0 : i32
        %dma_start3A_534 = tpu.memref_slice %arg5[%dma_start3A_529, %dma_start3A_533] : memref<10x128xi32, #tpu.memory_space<vmem>> -> memref<1x128xi32, #tpu.memory_space<vmem>>
        %dma_start3A_535 = tpu.memref_squeeze %dma_start3A_534 : memref<1x128xi32, #tpu.memory_space<vmem>> -> memref<128xi32, #tpu.memory_space<vmem>>
        %dma_start3A_536 = arith.constant 0 : i32
        %dma_start3A_537 = arith.constant 0 : i32
        %dma_start3A_538 = tpu.memref_slice %arg3[%dma_start3A_536, %dma_start3A_537] : memref<1300416x16xi32, #tpu.memory_space<hbm>> -> memref<1300416x16xi32, #tpu.memory_space<hbm>>
        tpu.enqueue_indirect_dma source(%dma_start3A_538 : memref<1300416x16xi32, #tpu.memory_space<hbm>>) target(%dma_start3A_532 : memref<128x16xi32, #tpu.memory_space<vmem>>) offsets(%dma_start3A_535 : memref<128xi32, #tpu.memory_space<vmem>>) semaphore(%arg10 : memref<!tpu.dma_semaphore, #tpu.memory_space<semaphore_mem>>)
      } else {
      }
      %dma_wait3A_329 = arith.constant 0 : i32
      %dma_wait3A_330 = arith.constant 0 : i32
      %dma_wait3A_331 = arith.constant 0 : i32
      %dma_wait3A_332 = tpu.memref_slice %arg8[%dma_wait3A_330, %dma_wait3A_331] : memref<1280x16xi32, #tpu.memory_space<vmem>> -> memref<128x16xi32, #tpu.memory_space<vmem>>
      %dma_wait3A_333 = arith.constant 0 : i32
      %dma_wait3A_334 = tpu.memref_slice %arg6[%dma_wait3A_329, %dma_wait3A_333] : memref<10x128xi32, #tpu.memory_space<vmem>> -> memref<1x128xi32, #tpu.memory_space<vmem>>
      %dma_wait3A_335 = tpu.memref_squeeze %dma_wait3A_334 : memref<1x128xi32, #tpu.memory_space<vmem>> -> memref<128xi32, #tpu.memory_space<vmem>>
      %dma_wait3A_336 = arith.constant 0 : i32
      %dma_wait3A_337 = arith.constant 0 : i32
      %dma_wait3A_338 = tpu.memref_slice %arg3[%dma_wait3A_336, %dma_wait3A_337] : memref<1300416x16xi32, #tpu.memory_space<hbm>> -> memref<1300416x16xi32, #tpu.memory_space<hbm>>
      tpu.wait_indirect_dma semaphore(%arg11 : memref<!tpu.dma_semaphore, #tpu.memory_space<semaphore_mem>>) src(%dma_wait3A_338 : memref<1300416x16xi32, #tpu.memory_space<hbm>>) dst(%dma_wait3A_332 : memref<128x16xi32, #tpu.memory_space<vmem>>)
      %dma_wait3A_339 = arith.constant 0 : i32
      %dma_wait3A_340 = arith.constant 128 : i32
      %dma_wait3A_341 = arith.constant 0 : i32
      %dma_wait3A_342 = tpu.memref_slice %arg8[%dma_wait3A_340, %dma_wait3A_341] : memref<1280x16xi32, #tpu.memory_space<vmem>> -> memref<128x16xi32, #tpu.memory_space<vmem>>
      %dma_wait3A_343 = arith.constant 0 : i32
      %dma_wait3A_344 = tpu.memref_slice %arg6[%dma_wait3A_339, %dma_wait3A_343] : memref<10x128xi32, #tpu.memory_space<vmem>> -> memref<1x128xi32, #tpu.memory_space<vmem>>
      %dma_wait3A_345 = tpu.memref_squeeze %dma_wait3A_344 : memref<1x128xi32, #tpu.memory_space<vmem>> -> memref<128xi32, #tpu.memory_space<vmem>>
      %dma_wait3A_346 = arith.constant 0 : i32
      %dma_wait3A_347 = arith.constant 0 : i32
      %dma_wait3A_348 = tpu.memref_slice %arg3[%dma_wait3A_346, %dma_wait3A_347] : memref<1300416x16xi32, #tpu.memory_space<hbm>> -> memref<1300416x16xi32, #tpu.memory_space<hbm>>
      tpu.wait_indirect_dma semaphore(%arg11 : memref<!tpu.dma_semaphore, #tpu.memory_space<semaphore_mem>>) src(%dma_wait3A_348 : memref<1300416x16xi32, #tpu.memory_space<hbm>>) dst(%dma_wait3A_342 : memref<128x16xi32, #tpu.memory_space<vmem>>)
      %dma_wait3A_349 = arith.constant 0 : i32
      %dma_wait3A_350 = arith.constant 256 : i32
      %dma_wait3A_351 = arith.constant 0 : i32
      %dma_wait3A_352 = tpu.memref_slice %arg8[%dma_wait3A_350, %dma_wait3A_351] : memref<1280x16xi32, #tpu.memory_space<vmem>> -> memref<128x16xi32, #tpu.memory_space<vmem>>
      %dma_wait3A_353 = arith.constant 0 : i32
      %dma_wait3A_354 = tpu.memref_slice %arg6[%dma_wait3A_349, %dma_wait3A_353] : memref<10x128xi32, #tpu.memory_space<vmem>> -> memref<1x128xi32, #tpu.memory_space<vmem>>
      %dma_wait3A_355 = tpu.memref_squeeze %dma_wait3A_354 : memref<1x128xi32, #tpu.memory_space<vmem>> -> memref<128xi32, #tpu.memory_space<vmem>>
      %dma_wait3A_356 = arith.constant 0 : i32
      %dma_wait3A_357 = arith.constant 0 : i32
      %dma_wait3A_358 = tpu.memref_slice %arg3[%dma_wait3A_356, %dma_wait3A_357] : memref<1300416x16xi32, #tpu.memory_space<hbm>> -> memref<1300416x16xi32, #tpu.memory_space<hbm>>
      tpu.wait_indirect_dma semaphore(%arg11 : memref<!tpu.dma_semaphore, #tpu.memory_space<semaphore_mem>>) src(%dma_wait3A_358 : memref<1300416x16xi32, #tpu.memory_space<hbm>>) dst(%dma_wait3A_352 : memref<128x16xi32, #tpu.memory_space<vmem>>)
      %dma_wait3A_359 = arith.constant 0 : i32
      %dma_wait3A_360 = arith.constant 384 : i32
      %dma_wait3A_361 = arith.constant 0 : i32
      %dma_wait3A_362 = tpu.memref_slice %arg8[%dma_wait3A_360, %dma_wait3A_361] : memref<1280x16xi32, #tpu.memory_space<vmem>> -> memref<128x16xi32, #tpu.memory_space<vmem>>
      %dma_wait3A_363 = arith.constant 0 : i32
      %dma_wait3A_364 = tpu.memref_slice %arg6[%dma_wait3A_359, %dma_wait3A_363] : memref<10x128xi32, #tpu.memory_space<vmem>> -> memref<1x128xi32, #tpu.memory_space<vmem>>
      %dma_wait3A_365 = tpu.memref_squeeze %dma_wait3A_364 : memref<1x128xi32, #tpu.memory_space<vmem>> -> memref<128xi32, #tpu.memory_space<vmem>>
      %dma_wait3A_366 = arith.constant 0 : i32
      %dma_wait3A_367 = arith.constant 0 : i32
      %dma_wait3A_368 = tpu.memref_slice %arg3[%dma_wait3A_366, %dma_wait3A_367] : memref<1300416x16xi32, #tpu.memory_space<hbm>> -> memref<1300416x16xi32, #tpu.memory_space<hbm>>
      tpu.wait_indirect_dma semaphore(%arg11 : memref<!tpu.dma_semaphore, #tpu.memory_space<semaphore_mem>>) src(%dma_wait3A_368 : memref<1300416x16xi32, #tpu.memory_space<hbm>>) dst(%dma_wait3A_362 : memref<128x16xi32, #tpu.memory_space<vmem>>)
      %dma_wait3A_369 = arith.constant 0 : i32
      %dma_wait3A_370 = arith.constant 512 : i32
      %dma_wait3A_371 = arith.constant 0 : i32
      %dma_wait3A_372 = tpu.memref_slice %arg8[%dma_wait3A_370, %dma_wait3A_371] : memref<1280x16xi32, #tpu.memory_space<vmem>> -> memref<128x16xi32, #tpu.memory_space<vmem>>
      %dma_wait3A_373 = arith.constant 0 : i32
      %dma_wait3A_374 = tpu.memref_slice %arg6[%dma_wait3A_369, %dma_wait3A_373] : memref<10x128xi32, #tpu.memory_space<vmem>> -> memref<1x128xi32, #tpu.memory_space<vmem>>
      %dma_wait3A_375 = tpu.memref_squeeze %dma_wait3A_374 : memref<1x128xi32, #tpu.memory_space<vmem>> -> memref<128xi32, #tpu.memory_space<vmem>>
      %dma_wait3A_376 = arith.constant 0 : i32
      %dma_wait3A_377 = arith.constant 0 : i32
      %dma_wait3A_378 = tpu.memref_slice %arg3[%dma_wait3A_376, %dma_wait3A_377] : memref<1300416x16xi32, #tpu.memory_space<hbm>> -> memref<1300416x16xi32, #tpu.memory_space<hbm>>
      tpu.wait_indirect_dma semaphore(%arg11 : memref<!tpu.dma_semaphore, #tpu.memory_space<semaphore_mem>>) src(%dma_wait3A_378 : memref<1300416x16xi32, #tpu.memory_space<hbm>>) dst(%dma_wait3A_372 : memref<128x16xi32, #tpu.memory_space<vmem>>)
      %dma_wait3A_379 = arith.constant 0 : i32
      %dma_wait3A_380 = arith.constant 640 : i32
      %dma_wait3A_381 = arith.constant 0 : i32
      %dma_wait3A_382 = tpu.memref_slice %arg8[%dma_wait3A_380, %dma_wait3A_381] : memref<1280x16xi32, #tpu.memory_space<vmem>> -> memref<128x16xi32, #tpu.memory_space<vmem>>
      %dma_wait3A_383 = arith.constant 0 : i32
      %dma_wait3A_384 = tpu.memref_slice %arg6[%dma_wait3A_379, %dma_wait3A_383] : memref<10x128xi32, #tpu.memory_space<vmem>> -> memref<1x128xi32, #tpu.memory_space<vmem>>
      %dma_wait3A_385 = tpu.memref_squeeze %dma_wait3A_384 : memref<1x128xi32, #tpu.memory_space<vmem>> -> memref<128xi32, #tpu.memory_space<vmem>>
      %dma_wait3A_386 = arith.constant 0 : i32
      %dma_wait3A_387 = arith.constant 0 : i32
      %dma_wait3A_388 = tpu.memref_slice %arg3[%dma_wait3A_386, %dma_wait3A_387] : memref<1300416x16xi32, #tpu.memory_space<hbm>> -> memref<1300416x16xi32, #tpu.memory_space<hbm>>
      tpu.wait_indirect_dma semaphore(%arg11 : memref<!tpu.dma_semaphore, #tpu.memory_space<semaphore_mem>>) src(%dma_wait3A_388 : memref<1300416x16xi32, #tpu.memory_space<hbm>>) dst(%dma_wait3A_382 : memref<128x16xi32, #tpu.memory_space<vmem>>)
      %dma_wait3A_389 = arith.constant 0 : i32
      %dma_wait3A_390 = arith.constant 768 : i32
      %dma_wait3A_391 = arith.constant 0 : i32
      %dma_wait3A_392 = tpu.memref_slice %arg8[%dma_wait3A_390, %dma_wait3A_391] : memref<1280x16xi32, #tpu.memory_space<vmem>> -> memref<128x16xi32, #tpu.memory_space<vmem>>
      %dma_wait3A_393 = arith.constant 0 : i32
      %dma_wait3A_394 = tpu.memref_slice %arg6[%dma_wait3A_389, %dma_wait3A_393] : memref<10x128xi32, #tpu.memory_space<vmem>> -> memref<1x128xi32, #tpu.memory_space<vmem>>
      %dma_wait3A_395 = tpu.memref_squeeze %dma_wait3A_394 : memref<1x128xi32, #tpu.memory_space<vmem>> -> memref<128xi32, #tpu.memory_space<vmem>>
      %dma_wait3A_396 = arith.constant 0 : i32
      %dma_wait3A_397 = arith.constant 0 : i32
      %dma_wait3A_398 = tpu.memref_slice %arg3[%dma_wait3A_396, %dma_wait3A_397] : memref<1300416x16xi32, #tpu.memory_space<hbm>> -> memref<1300416x16xi32, #tpu.memory_space<hbm>>
      tpu.wait_indirect_dma semaphore(%arg11 : memref<!tpu.dma_semaphore, #tpu.memory_space<semaphore_mem>>) src(%dma_wait3A_398 : memref<1300416x16xi32, #tpu.memory_space<hbm>>) dst(%dma_wait3A_392 : memref<128x16xi32, #tpu.memory_space<vmem>>)
      %dma_wait3A_399 = arith.constant 0 : i32
      %dma_wait3A_400 = arith.constant 896 : i32
      %dma_wait3A_401 = arith.constant 0 : i32
      %dma_wait3A_402 = tpu.memref_slice %arg8[%dma_wait3A_400, %dma_wait3A_401] : memref<1280x16xi32, #tpu.memory_space<vmem>> -> memref<128x16xi32, #tpu.memory_space<vmem>>
      %dma_wait3A_403 = arith.constant 0 : i32
      %dma_wait3A_404 = tpu.memref_slice %arg6[%dma_wait3A_399, %dma_wait3A_403] : memref<10x128xi32, #tpu.memory_space<vmem>> -> memref<1x128xi32, #tpu.memory_space<vmem>>
      %dma_wait3A_405 = tpu.memref_squeeze %dma_wait3A_404 : memref<1x128xi32, #tpu.memory_space<vmem>> -> memref<128xi32, #tpu.memory_space<vmem>>
      %dma_wait3A_406 = arith.constant 0 : i32
      %dma_wait3A_407 = arith.constant 0 : i32
      %dma_wait3A_408 = tpu.memref_slice %arg3[%dma_wait3A_406, %dma_wait3A_407] : memref<1300416x16xi32, #tpu.memory_space<hbm>> -> memref<1300416x16xi32, #tpu.memory_space<hbm>>
      tpu.wait_indirect_dma semaphore(%arg11 : memref<!tpu.dma_semaphore, #tpu.memory_space<semaphore_mem>>) src(%dma_wait3A_408 : memref<1300416x16xi32, #tpu.memory_space<hbm>>) dst(%dma_wait3A_402 : memref<128x16xi32, #tpu.memory_space<vmem>>)
      %dma_wait3A_409 = arith.constant 0 : i32
      %dma_wait3A_410 = arith.constant 1024 : i32
      %dma_wait3A_411 = arith.constant 0 : i32
      %dma_wait3A_412 = tpu.memref_slice %arg8[%dma_wait3A_410, %dma_wait3A_411] : memref<1280x16xi32, #tpu.memory_space<vmem>> -> memref<128x16xi32, #tpu.memory_space<vmem>>
      %dma_wait3A_413 = arith.constant 0 : i32
      %dma_wait3A_414 = tpu.memref_slice %arg6[%dma_wait3A_409, %dma_wait3A_413] : memref<10x128xi32, #tpu.memory_space<vmem>> -> memref<1x128xi32, #tpu.memory_space<vmem>>
      %dma_wait3A_415 = tpu.memref_squeeze %dma_wait3A_414 : memref<1x128xi32, #tpu.memory_space<vmem>> -> memref<128xi32, #tpu.memory_space<vmem>>
      %dma_wait3A_416 = arith.constant 0 : i32
      %dma_wait3A_417 = arith.constant 0 : i32
      %dma_wait3A_418 = tpu.memref_slice %arg3[%dma_wait3A_416, %dma_wait3A_417] : memref<1300416x16xi32, #tpu.memory_space<hbm>> -> memref<1300416x16xi32, #tpu.memory_space<hbm>>
      tpu.wait_indirect_dma semaphore(%arg11 : memref<!tpu.dma_semaphore, #tpu.memory_space<semaphore_mem>>) src(%dma_wait3A_418 : memref<1300416x16xi32, #tpu.memory_space<hbm>>) dst(%dma_wait3A_412 : memref<128x16xi32, #tpu.memory_space<vmem>>)
      %dma_wait3A_419 = arith.constant 0 : i32
      %dma_wait3A_420 = arith.constant 1152 : i32
      %dma_wait3A_421 = arith.constant 0 : i32
      %dma_wait3A_422 = tpu.memref_slice %arg8[%dma_wait3A_420, %dma_wait3A_421] : memref<1280x16xi32, #tpu.memory_space<vmem>> -> memref<128x16xi32, #tpu.memory_space<vmem>>
      %dma_wait3A_423 = arith.constant 0 : i32
      %dma_wait3A_424 = tpu.memref_slice %arg6[%dma_wait3A_419, %dma_wait3A_423] : memref<10x128xi32, #tpu.memory_space<vmem>> -> memref<1x128xi32, #tpu.memory_space<vmem>>
      %dma_wait3A_425 = tpu.memref_squeeze %dma_wait3A_424 : memref<1x128xi32, #tpu.memory_space<vmem>> -> memref<128xi32, #tpu.memory_space<vmem>>
      %dma_wait3A_426 = arith.constant 0 : i32
      %dma_wait3A_427 = arith.constant 0 : i32
      %dma_wait3A_428 = tpu.memref_slice %arg3[%dma_wait3A_426, %dma_wait3A_427] : memref<1300416x16xi32, #tpu.memory_space<hbm>> -> memref<1300416x16xi32, #tpu.memory_space<hbm>>
      tpu.wait_indirect_dma semaphore(%arg11 : memref<!tpu.dma_semaphore, #tpu.memory_space<semaphore_mem>>) src(%dma_wait3A_428 : memref<1300416x16xi32, #tpu.memory_space<hbm>>) dst(%dma_wait3A_422 : memref<128x16xi32, #tpu.memory_space<vmem>>)
      %scan3A_429 = arith.constant 0 : i32
      %scan3A_430 = arith.constant 0 : i32
      %scan3A_431 = arith.constant 64 : i32
      %scan3A_432 = arith.addi %scan3A_430, %scan3A_431 : i32
      %scan3A_433 = arith.constant 1 : i32
      scf.for %scan3A_437 = %scan3A_430 to %scan3A_432 step %scan3A_433  : i32 {
        %mul3A_438 = arith.constant 20 : i32
        %mul3A_439 = arith.muli %scan3A_437, %mul3A_438 : i32
        %get3A = arith.index_cast %mul3A_439 : i32 to index
        %get3A_440 = arith.constant 0 : index
        %get3A_441 = tpu.vector_load %arg8[%get3A, %get3A_440] {strides = array<i32>} : memref<1280x16xi32, #tpu.memory_space<vmem>>, vector<1x16xi32>,
        %get3A_442 = vector.shape_cast %get3A_441 : vector<1x16xi32> to vector<16xi32>
        %shift_left3A = arith.shli %get3A_442, %broadcast_in_dim3A_3 : vector<16xi32>
        %bitcast_convert_type3A = tpu.bitcast %shift_left3A : vector<16xi32> -> vector<16xf32>
        %and3A = arith.andi %get3A_442, %broadcast_in_dim3A_1 : vector<16xi32>
        %bitcast_convert_type3A_443 = tpu.bitcast %and3A : vector<16xi32> -> vector<16xf32>
        %add3A_444 = arith.constant 1 : i32
        %add3A_445 = arith.addi %mul3A_439, %add3A_444 : i32
        %get3A_446 = arith.index_cast %add3A_445 : i32 to index
        %get3A_447 = arith.constant 0 : index
        %get3A_448 = tpu.vector_load %arg8[%get3A_446, %get3A_447] {strides = array<i32>} : memref<1280x16xi32, #tpu.memory_space<vmem>>, vector<1x16xi32>,
        %get3A_449 = vector.shape_cast %get3A_448 : vector<1x16xi32> to vector<16xi32>
        %shift_left3A_450 = arith.shli %get3A_449, %broadcast_in_dim3A_3 : vector<16xi32>
        %bitcast_convert_type3A_451 = tpu.bitcast %shift_left3A_450 : vector<16xi32> -> vector<16xf32>
        %and3A_452 = arith.andi %get3A_449, %broadcast_in_dim3A_1 : vector<16xi32>
        %bitcast_convert_type3A_453 = tpu.bitcast %and3A_452 : vector<16xi32> -> vector<16xf32>
        %add3A_454 = arith.constant 2 : i32
        %add3A_455 = arith.addi %mul3A_439, %add3A_454 : i32
        %get3A_456 = arith.index_cast %add3A_455 : i32 to index
        %get3A_457 = arith.constant 0 : index
        %get3A_458 = tpu.vector_load %arg8[%get3A_456, %get3A_457] {strides = array<i32>} : memref<1280x16xi32, #tpu.memory_space<vmem>>, vector<1x16xi32>,
        %get3A_459 = vector.shape_cast %get3A_458 : vector<1x16xi32> to vector<16xi32>
        %shift_left3A_460 = arith.shli %get3A_459, %broadcast_in_dim3A_3 : vector<16xi32>
        %bitcast_convert_type3A_461 = tpu.bitcast %shift_left3A_460 : vector<16xi32> -> vector<16xf32>
        %and3A_462 = arith.andi %get3A_459, %broadcast_in_dim3A_1 : vector<16xi32>
        %bitcast_convert_type3A_463 = tpu.bitcast %and3A_462 : vector<16xi32> -> vector<16xf32>
        %add3A_464 = arith.constant 2 : i32
        %add3A_465 = arith.addi %mul3A_439, %add3A_464 : i32
        %add3A_466 = arith.constant 1 : i32
        %add3A_467 = arith.addi %add3A_465, %add3A_466 : i32
        %get3A_468 = arith.index_cast %add3A_467 : i32 to index
        %get3A_469 = arith.constant 0 : index
        %get3A_470 = tpu.vector_load %arg8[%get3A_468, %get3A_469] {strides = array<i32>} : memref<1280x16xi32, #tpu.memory_space<vmem>>, vector<1x16xi32>,
        %get3A_471 = vector.shape_cast %get3A_470 : vector<1x16xi32> to vector<16xi32>
        %shift_left3A_472 = arith.shli %get3A_471, %broadcast_in_dim3A_3 : vector<16xi32>
        %bitcast_convert_type3A_473 = tpu.bitcast %shift_left3A_472 : vector<16xi32> -> vector<16xf32>
        %and3A_474 = arith.andi %get3A_471, %broadcast_in_dim3A_1 : vector<16xi32>
        %bitcast_convert_type3A_475 = tpu.bitcast %and3A_474 : vector<16xi32> -> vector<16xf32>
        %add3A_476 = arith.addf %bitcast_convert_type3A, %bitcast_convert_type3A_461 : vector<16xf32>
        %add3A_477 = arith.addf %bitcast_convert_type3A_443, %bitcast_convert_type3A_463 : vector<16xf32>
        %add3A_478 = arith.addf %bitcast_convert_type3A_451, %bitcast_convert_type3A_473 : vector<16xf32>
        %add3A_479 = arith.addf %bitcast_convert_type3A_453, %bitcast_convert_type3A_475 : vector<16xf32>
        %add3A_480 = arith.constant 4 : i32
        %add3A_481 = arith.addi %mul3A_439, %add3A_480 : i32
        %get3A_482 = arith.index_cast %add3A_481 : i32 to index
        %get3A_483 = arith.constant 0 : index
        %get3A_484 = tpu.vector_load %arg8[%get3A_482, %get3A_483] {strides = array<i32>} : memref<1280x16xi32, #tpu.memory_space<vmem>>, vector<1x16xi32>,
        %get3A_485 = vector.shape_cast %get3A_484 : vector<1x16xi32> to vector<16xi32>
        %shift_left3A_486 = arith.shli %get3A_485, %broadcast_in_dim3A_3 : vector<16xi32>
        %bitcast_convert_type3A_487 = tpu.bitcast %shift_left3A_486 : vector<16xi32> -> vector<16xf32>
        %and3A_488 = arith.andi %get3A_485, %broadcast_in_dim3A_1 : vector<16xi32>
        %bitcast_convert_type3A_489 = tpu.bitcast %and3A_488 : vector<16xi32> -> vector<16xf32>
        %add3A_490 = arith.constant 4 : i32
        %add3A_491 = arith.addi %mul3A_439, %add3A_490 : i32
        %add3A_492 = arith.constant 1 : i32
        %add3A_493 = arith.addi %add3A_491, %add3A_492 : i32
        %get3A_494 = arith.index_cast %add3A_493 : i32 to index
        %get3A_495 = arith.constant 0 : index
        %get3A_496 = tpu.vector_load %arg8[%get3A_494, %get3A_495] {strides = array<i32>} : memref<1280x16xi32, #tpu.memory_space<vmem>>, vector<1x16xi32>,
        %get3A_497 = vector.shape_cast %get3A_496 : vector<1x16xi32> to vector<16xi32>
        %shift_left3A_498 = arith.shli %get3A_497, %broadcast_in_dim3A_3 : vector<16xi32>
        %bitcast_convert_type3A_499 = tpu.bitcast %shift_left3A_498 : vector<16xi32> -> vector<16xf32>
        %and3A_500 = arith.andi %get3A_497, %broadcast_in_dim3A_1 : vector<16xi32>
        %bitcast_convert_type3A_501 = tpu.bitcast %and3A_500 : vector<16xi32> -> vector<16xf32>
        %add3A_502 = arith.addf %add3A_476, %bitcast_convert_type3A_487 : vector<16xf32>
        %add3A_503 = arith.addf %add3A_477, %bitcast_convert_type3A_489 : vector<16xf32>
        %add3A_504 = arith.addf %add3A_478, %bitcast_convert_type3A_499 : vector<16xf32>
        %add3A_505 = arith.addf %add3A_479, %bitcast_convert_type3A_501 : vector<16xf32>
        %add3A_506 = arith.constant 6 : i32
        %add3A_507 = arith.addi %mul3A_439, %add3A_506 : i32
        %get3A_508 = arith.index_cast %add3A_507 : i32 to index
        %get3A_509 = arith.constant 0 : index
        %get3A_510 = tpu.vector_load %arg8[%get3A_508, %get3A_509] {strides = array<i32>} : memref<1280x16xi32, #tpu.memory_space<vmem>>, vector<1x16xi32>,
        %get3A_511 = vector.shape_cast %get3A_510 : vector<1x16xi32> to vector<16xi32>
        %shift_left3A_512 = arith.shli %get3A_511, %broadcast_in_dim3A_3 : vector<16xi32>
        %bitcast_convert_type3A_513 = tpu.bitcast %shift_left3A_512 : vector<16xi32> -> vector<16xf32>
        %and3A_514 = arith.andi %get3A_511, %broadcast_in_dim3A_1 : vector<16xi32>
        %bitcast_convert_type3A_515 = tpu.bitcast %and3A_514 : vector<16xi32> -> vector<16xf32>
        %add3A_516 = arith.constant 6 : i32
        %add3A_517 = arith.addi %mul3A_439, %add3A_516 : i32
        %add3A_518 = arith.constant 1 : i32
        %add3A_519 = arith.addi %add3A_517, %add3A_518 : i32
        %get3A_520 = arith.index_cast %add3A_519 : i32 to index
        %get3A_521 = arith.constant 0 : index
        %get3A_522 = tpu.vector_load %arg8[%get3A_520, %get3A_521] {strides = array<i32>} : memref<1280x16xi32, #tpu.memory_space<vmem>>, vector<1x16xi32>,
        %get3A_523 = vector.shape_cast %get3A_522 : vector<1x16xi32> to vector<16xi32>
        %shift_left3A_524 = arith.shli %get3A_523, %broadcast_in_dim3A_3 : vector<16xi32>
        %bitcast_convert_type3A_525 = tpu.bitcast %shift_left3A_524 : vector<16xi32> -> vector<16xf32>
        %and3A_526 = arith.andi %get3A_523, %broadcast_in_dim3A_1 : vector<16xi32>
        %bitcast_convert_type3A_527 = tpu.bitcast %and3A_526 : vector<16xi32> -> vector<16xf32>
        %add3A_528 = arith.addf %add3A_502, %bitcast_convert_type3A_513 : vector<16xf32>
        %add3A_529 = arith.addf %add3A_503, %bitcast_convert_type3A_515 : vector<16xf32>
        %add3A_530 = arith.addf %add3A_504, %bitcast_convert_type3A_525 : vector<16xf32>
        %add3A_531 = arith.addf %add3A_505, %bitcast_convert_type3A_527 : vector<16xf32>
        %add3A_532 = arith.constant 8 : i32
        %add3A_533 = arith.addi %mul3A_439, %add3A_532 : i32
        %get3A_534 = arith.index_cast %add3A_533 : i32 to index
        %get3A_535 = arith.constant 0 : index
        %get3A_536 = tpu.vector_load %arg8[%get3A_534, %get3A_535] {strides = array<i32>} : memref<1280x16xi32, #tpu.memory_space<vmem>>, vector<1x16xi32>,
        %get3A_537 = vector.shape_cast %get3A_536 : vector<1x16xi32> to vector<16xi32>
        %shift_left3A_538 = arith.shli %get3A_537, %broadcast_in_dim3A_3 : vector<16xi32>
        %bitcast_convert_type3A_539 = tpu.bitcast %shift_left3A_538 : vector<16xi32> -> vector<16xf32>
        %and3A_540 = arith.andi %get3A_537, %broadcast_in_dim3A_1 : vector<16xi32>
        %bitcast_convert_type3A_541 = tpu.bitcast %and3A_540 : vector<16xi32> -> vector<16xf32>
        %add3A_542 = arith.constant 8 : i32
        %add3A_543 = arith.addi %mul3A_439, %add3A_542 : i32
        %add3A_544 = arith.constant 1 : i32
        %add3A_545 = arith.addi %add3A_543, %add3A_544 : i32
        %get3A_546 = arith.index_cast %add3A_545 : i32 to index
        %get3A_547 = arith.constant 0 : index
        %get3A_548 = tpu.vector_load %arg8[%get3A_546, %get3A_547] {strides = array<i32>} : memref<1280x16xi32, #tpu.memory_space<vmem>>, vector<1x16xi32>,
        %get3A_549 = vector.shape_cast %get3A_548 : vector<1x16xi32> to vector<16xi32>
        %shift_left3A_550 = arith.shli %get3A_549, %broadcast_in_dim3A_3 : vector<16xi32>
        %bitcast_convert_type3A_551 = tpu.bitcast %shift_left3A_550 : vector<16xi32> -> vector<16xf32>
        %and3A_552 = arith.andi %get3A_549, %broadcast_in_dim3A_1 : vector<16xi32>
        %bitcast_convert_type3A_553 = tpu.bitcast %and3A_552 : vector<16xi32> -> vector<16xf32>
        %add3A_554 = arith.addf %add3A_528, %bitcast_convert_type3A_539 : vector<16xf32>
        %add3A_555 = arith.addf %add3A_529, %bitcast_convert_type3A_541 : vector<16xf32>
        %add3A_556 = arith.addf %add3A_530, %bitcast_convert_type3A_551 : vector<16xf32>
        %add3A_557 = arith.addf %add3A_531, %bitcast_convert_type3A_553 : vector<16xf32>
        %add3A_558 = arith.constant 10 : i32
        %add3A_559 = arith.addi %mul3A_439, %add3A_558 : i32
        %get3A_560 = arith.index_cast %add3A_559 : i32 to index
        %get3A_561 = arith.constant 0 : index
        %get3A_562 = tpu.vector_load %arg8[%get3A_560, %get3A_561] {strides = array<i32>} : memref<1280x16xi32, #tpu.memory_space<vmem>>, vector<1x16xi32>,
        %get3A_563 = vector.shape_cast %get3A_562 : vector<1x16xi32> to vector<16xi32>
        %shift_left3A_564 = arith.shli %get3A_563, %broadcast_in_dim3A_3 : vector<16xi32>
        %bitcast_convert_type3A_565 = tpu.bitcast %shift_left3A_564 : vector<16xi32> -> vector<16xf32>
        %and3A_566 = arith.andi %get3A_563, %broadcast_in_dim3A_1 : vector<16xi32>
        %bitcast_convert_type3A_567 = tpu.bitcast %and3A_566 : vector<16xi32> -> vector<16xf32>
        %add3A_568 = arith.constant 10 : i32
        %add3A_569 = arith.addi %mul3A_439, %add3A_568 : i32
        %add3A_570 = arith.constant 1 : i32
        %add3A_571 = arith.addi %add3A_569, %add3A_570 : i32
        %get3A_572 = arith.index_cast %add3A_571 : i32 to index
        %get3A_573 = arith.constant 0 : index
        %get3A_574 = tpu.vector_load %arg8[%get3A_572, %get3A_573] {strides = array<i32>} : memref<1280x16xi32, #tpu.memory_space<vmem>>, vector<1x16xi32>,
        %get3A_575 = vector.shape_cast %get3A_574 : vector<1x16xi32> to vector<16xi32>
        %shift_left3A_576 = arith.shli %get3A_575, %broadcast_in_dim3A_3 : vector<16xi32>
        %bitcast_convert_type3A_577 = tpu.bitcast %shift_left3A_576 : vector<16xi32> -> vector<16xf32>
        %and3A_578 = arith.andi %get3A_575, %broadcast_in_dim3A_1 : vector<16xi32>
        %bitcast_convert_type3A_579 = tpu.bitcast %and3A_578 : vector<16xi32> -> vector<16xf32>
        %add3A_580 = arith.addf %add3A_554, %bitcast_convert_type3A_565 : vector<16xf32>
        %add3A_581 = arith.addf %add3A_555, %bitcast_convert_type3A_567 : vector<16xf32>
        %add3A_582 = arith.addf %add3A_556, %bitcast_convert_type3A_577 : vector<16xf32>
        %add3A_583 = arith.addf %add3A_557, %bitcast_convert_type3A_579 : vector<16xf32>
        %add3A_584 = arith.constant 12 : i32
        %add3A_585 = arith.addi %mul3A_439, %add3A_584 : i32
        %get3A_586 = arith.index_cast %add3A_585 : i32 to index
        %get3A_587 = arith.constant 0 : index
        %get3A_588 = tpu.vector_load %arg8[%get3A_586, %get3A_587] {strides = array<i32>} : memref<1280x16xi32, #tpu.memory_space<vmem>>, vector<1x16xi32>,
        %get3A_589 = vector.shape_cast %get3A_588 : vector<1x16xi32> to vector<16xi32>
        %shift_left3A_590 = arith.shli %get3A_589, %broadcast_in_dim3A_3 : vector<16xi32>
        %bitcast_convert_type3A_591 = tpu.bitcast %shift_left3A_590 : vector<16xi32> -> vector<16xf32>
        %and3A_592 = arith.andi %get3A_589, %broadcast_in_dim3A_1 : vector<16xi32>
        %bitcast_convert_type3A_593 = tpu.bitcast %and3A_592 : vector<16xi32> -> vector<16xf32>
        %add3A_594 = arith.constant 12 : i32
        %add3A_595 = arith.addi %mul3A_439, %add3A_594 : i32
        %add3A_596 = arith.constant 1 : i32
        %add3A_597 = arith.addi %add3A_595, %add3A_596 : i32
        %get3A_598 = arith.index_cast %add3A_597 : i32 to index
        %get3A_599 = arith.constant 0 : index
        %get3A_600 = tpu.vector_load %arg8[%get3A_598, %get3A_599] {strides = array<i32>} : memref<1280x16xi32, #tpu.memory_space<vmem>>, vector<1x16xi32>,
        %get3A_601 = vector.shape_cast %get3A_600 : vector<1x16xi32> to vector<16xi32>
        %shift_left3A_602 = arith.shli %get3A_601, %broadcast_in_dim3A_3 : vector<16xi32>
        %bitcast_convert_type3A_603 = tpu.bitcast %shift_left3A_602 : vector<16xi32> -> vector<16xf32>
        %and3A_604 = arith.andi %get3A_601, %broadcast_in_dim3A_1 : vector<16xi32>
        %bitcast_convert_type3A_605 = tpu.bitcast %and3A_604 : vector<16xi32> -> vector<16xf32>
        %add3A_606 = arith.addf %add3A_580, %bitcast_convert_type3A_591 : vector<16xf32>
        %add3A_607 = arith.addf %add3A_581, %bitcast_convert_type3A_593 : vector<16xf32>
        %add3A_608 = arith.addf %add3A_582, %bitcast_convert_type3A_603 : vector<16xf32>
        %add3A_609 = arith.addf %add3A_583, %bitcast_convert_type3A_605 : vector<16xf32>
        %add3A_610 = arith.constant 14 : i32
        %add3A_611 = arith.addi %mul3A_439, %add3A_610 : i32
        %get3A_612 = arith.index_cast %add3A_611 : i32 to index
        %get3A_613 = arith.constant 0 : index
        %get3A_614 = tpu.vector_load %arg8[%get3A_612, %get3A_613] {strides = array<i32>} : memref<1280x16xi32, #tpu.memory_space<vmem>>, vector<1x16xi32>,
        %get3A_615 = vector.shape_cast %get3A_614 : vector<1x16xi32> to vector<16xi32>
        %shift_left3A_616 = arith.shli %get3A_615, %broadcast_in_dim3A_3 : vector<16xi32>
        %bitcast_convert_type3A_617 = tpu.bitcast %shift_left3A_616 : vector<16xi32> -> vector<16xf32>
        %and3A_618 = arith.andi %get3A_615, %broadcast_in_dim3A_1 : vector<16xi32>
        %bitcast_convert_type3A_619 = tpu.bitcast %and3A_618 : vector<16xi32> -> vector<16xf32>
        %add3A_620 = arith.constant 14 : i32
        %add3A_621 = arith.addi %mul3A_439, %add3A_620 : i32
        %add3A_622 = arith.constant 1 : i32
        %add3A_623 = arith.addi %add3A_621, %add3A_622 : i32
        %get3A_624 = arith.index_cast %add3A_623 : i32 to index
        %get3A_625 = arith.constant 0 : index
        %get3A_626 = tpu.vector_load %arg8[%get3A_624, %get3A_625] {strides = array<i32>} : memref<1280x16xi32, #tpu.memory_space<vmem>>, vector<1x16xi32>,
        %get3A_627 = vector.shape_cast %get3A_626 : vector<1x16xi32> to vector<16xi32>
        %shift_left3A_628 = arith.shli %get3A_627, %broadcast_in_dim3A_3 : vector<16xi32>
        %bitcast_convert_type3A_629 = tpu.bitcast %shift_left3A_628 : vector<16xi32> -> vector<16xf32>
        %and3A_630 = arith.andi %get3A_627, %broadcast_in_dim3A_1 : vector<16xi32>
        %bitcast_convert_type3A_631 = tpu.bitcast %and3A_630 : vector<16xi32> -> vector<16xf32>
        %add3A_632 = arith.addf %add3A_606, %bitcast_convert_type3A_617 : vector<16xf32>
        %add3A_633 = arith.addf %add3A_607, %bitcast_convert_type3A_619 : vector<16xf32>
        %add3A_634 = arith.addf %add3A_608, %bitcast_convert_type3A_629 : vector<16xf32>
        %add3A_635 = arith.addf %add3A_609, %bitcast_convert_type3A_631 : vector<16xf32>
        %add3A_636 = arith.constant 16 : i32
        %add3A_637 = arith.addi %mul3A_439, %add3A_636 : i32
        %get3A_638 = arith.index_cast %add3A_637 : i32 to index
        %get3A_639 = arith.constant 0 : index
        %get3A_640 = tpu.vector_load %arg8[%get3A_638, %get3A_639] {strides = array<i32>} : memref<1280x16xi32, #tpu.memory_space<vmem>>, vector<1x16xi32>,
        %get3A_641 = vector.shape_cast %get3A_640 : vector<1x16xi32> to vector<16xi32>
        %shift_left3A_642 = arith.shli %get3A_641, %broadcast_in_dim3A_3 : vector<16xi32>
        %bitcast_convert_type3A_643 = tpu.bitcast %shift_left3A_642 : vector<16xi32> -> vector<16xf32>
        %and3A_644 = arith.andi %get3A_641, %broadcast_in_dim3A_1 : vector<16xi32>
        %bitcast_convert_type3A_645 = tpu.bitcast %and3A_644 : vector<16xi32> -> vector<16xf32>
        %add3A_646 = arith.constant 16 : i32
        %add3A_647 = arith.addi %mul3A_439, %add3A_646 : i32
        %add3A_648 = arith.constant 1 : i32
        %add3A_649 = arith.addi %add3A_647, %add3A_648 : i32
        %get3A_650 = arith.index_cast %add3A_649 : i32 to index
        %get3A_651 = arith.constant 0 : index
        %get3A_652 = tpu.vector_load %arg8[%get3A_650, %get3A_651] {strides = array<i32>} : memref<1280x16xi32, #tpu.memory_space<vmem>>, vector<1x16xi32>,
        %get3A_653 = vector.shape_cast %get3A_652 : vector<1x16xi32> to vector<16xi32>
        %shift_left3A_654 = arith.shli %get3A_653, %broadcast_in_dim3A_3 : vector<16xi32>
        %bitcast_convert_type3A_655 = tpu.bitcast %shift_left3A_654 : vector<16xi32> -> vector<16xf32>
        %and3A_656 = arith.andi %get3A_653, %broadcast_in_dim3A_1 : vector<16xi32>
        %bitcast_convert_type3A_657 = tpu.bitcast %and3A_656 : vector<16xi32> -> vector<16xf32>
        %add3A_658 = arith.addf %add3A_632, %bitcast_convert_type3A_643 : vector<16xf32>
        %add3A_659 = arith.addf %add3A_633, %bitcast_convert_type3A_645 : vector<16xf32>
        %add3A_660 = arith.addf %add3A_634, %bitcast_convert_type3A_655 : vector<16xf32>
        %add3A_661 = arith.addf %add3A_635, %bitcast_convert_type3A_657 : vector<16xf32>
        %add3A_662 = arith.constant 18 : i32
        %add3A_663 = arith.addi %mul3A_439, %add3A_662 : i32
        %get3A_664 = arith.index_cast %add3A_663 : i32 to index
        %get3A_665 = arith.constant 0 : index
        %get3A_666 = tpu.vector_load %arg8[%get3A_664, %get3A_665] {strides = array<i32>} : memref<1280x16xi32, #tpu.memory_space<vmem>>, vector<1x16xi32>,
        %get3A_667 = vector.shape_cast %get3A_666 : vector<1x16xi32> to vector<16xi32>
        %shift_left3A_668 = arith.shli %get3A_667, %broadcast_in_dim3A_3 : vector<16xi32>
        %bitcast_convert_type3A_669 = tpu.bitcast %shift_left3A_668 : vector<16xi32> -> vector<16xf32>
        %and3A_670 = arith.andi %get3A_667, %broadcast_in_dim3A_1 : vector<16xi32>
        %bitcast_convert_type3A_671 = tpu.bitcast %and3A_670 : vector<16xi32> -> vector<16xf32>
        %add3A_672 = arith.constant 18 : i32
        %add3A_673 = arith.addi %mul3A_439, %add3A_672 : i32
        %add3A_674 = arith.constant 1 : i32
        %add3A_675 = arith.addi %add3A_673, %add3A_674 : i32
        %get3A_676 = arith.index_cast %add3A_675 : i32 to index
        %get3A_677 = arith.constant 0 : index
        %get3A_678 = tpu.vector_load %arg8[%get3A_676, %get3A_677] {strides = array<i32>} : memref<1280x16xi32, #tpu.memory_space<vmem>>, vector<1x16xi32>,
        %get3A_679 = vector.shape_cast %get3A_678 : vector<1x16xi32> to vector<16xi32>
        %shift_left3A_680 = arith.shli %get3A_679, %broadcast_in_dim3A_3 : vector<16xi32>
        %bitcast_convert_type3A_681 = tpu.bitcast %shift_left3A_680 : vector<16xi32> -> vector<16xf32>
        %and3A_682 = arith.andi %get3A_679, %broadcast_in_dim3A_1 : vector<16xi32>
        %bitcast_convert_type3A_683 = tpu.bitcast %and3A_682 : vector<16xi32> -> vector<16xf32>
        %add3A_684 = arith.addf %add3A_658, %bitcast_convert_type3A_669 : vector<16xf32>
        %add3A_685 = arith.addf %add3A_659, %bitcast_convert_type3A_671 : vector<16xf32>
        %add3A_686 = arith.addf %add3A_660, %bitcast_convert_type3A_681 : vector<16xf32>
        %add3A_687 = arith.addf %add3A_661, %bitcast_convert_type3A_683 : vector<16xf32>
        %add3A_688 = arith.addf %add3A_684, %add3A_686 : vector<16xf32>
        %add3A_689 = arith.constant 64 : i32
        %add3A_690 = arith.addi %add3A_689, %scan3A_437 : i32
        %swap3A = arith.index_cast %add3A_690 : i32 to index
        %swap3A_691 = arith.constant 0 : index
        %swap3A_692 = tpu.vector_load %arg9[%swap3A, %swap3A_691] {strides = array<i32>} : memref<128x32xf32, #tpu.memory_space<vmem>>, vector<1x16xf32>,
        %swap3A_693 = vector.shape_cast %swap3A_692 : vector<1x16xf32> to vector<16xf32>
        %swap3A_694 = vector.shape_cast %add3A_688 : vector<16xf32> to vector<1x16xf32>
        tpu.vector_store %arg9[%swap3A, %swap3A_691], %swap3A_694 {strides = array<i32>} : memref<128x32xf32, #tpu.memory_space<vmem>>, vector<1x16xf32>,
        %add3A_695 = arith.addf %add3A_685, %add3A_687 : vector<16xf32>
        %add3A_696 = arith.constant 64 : i32
        %add3A_697 = arith.addi %add3A_696, %scan3A_437 : i32
        %swap3A_698 = arith.index_cast %add3A_697 : i32 to index
        %swap3A_699 = arith.constant 16 : index
        %swap3A_700 = tpu.vector_load %arg9[%swap3A_698, %swap3A_699] {strides = array<i32>} : memref<128x32xf32, #tpu.memory_space<vmem>>, vector<1x16xf32>,
        %swap3A_701 = vector.shape_cast %swap3A_700 : vector<1x16xf32> to vector<16xf32>
        %swap3A_702 = vector.shape_cast %add3A_695 : vector<16xf32> to vector<1x16xf32>
        tpu.vector_store %arg9[%swap3A_698, %swap3A_699], %swap3A_702 {strides = array<i32>} : memref<128x32xf32, #tpu.memory_space<vmem>>, vector<1x16xf32>,
      }
      %scan3A_434 = arith.constant 64 : i32
      %mul3A_435 = arith.constant 128 : i32
      %mul3A_436 = arith.muli %add3A, %mul3A_435 : i32
      "tpu.region"() ({
        %run_scoped3A = tpu.sem_alloc : memref<!tpu.dma_semaphore, #tpu.memory_space<semaphore_mem>>
        %dma_start3A_437 = arith.constant 0 : i32
        %dma_start3A_438 = tpu.memref_slice %arg4[%scan3A_112, %mul3A_436, %dma_start3A_437] : memref<13x4096x128xf32, #tpu.memory_space<hbm>> -> memref<1x128x32xf32, #tpu.memory_space<hbm>>
        %dma_start3A_439 = tpu.memref_squeeze %dma_start3A_438 : memref<1x128x32xf32, #tpu.memory_space<hbm>> -> memref<128x32xf32, #tpu.memory_space<hbm>>
        %dma_start3A_440 = arith.constant 0 : i32
        %dma_start3A_441 = tpu.memref_slice %arg4[%scan3A_112, %mul3A_436, %dma_start3A_440] : memref<13x4096x128xf32, #tpu.memory_space<hbm>> -> memref<1x128x32xf32, #tpu.memory_space<hbm>>
        %dma_start3A_442 = tpu.memref_squeeze %dma_start3A_441 : memref<1x128x32xf32, #tpu.memory_space<hbm>> -> memref<128x32xf32, #tpu.memory_space<hbm>>
        tpu.enqueue_dma source(%arg9 : memref<128x32xf32, #tpu.memory_space<vmem>>) target(%dma_start3A_442 : memref<128x32xf32, #tpu.memory_space<hbm>>) target_semaphore(%run_scoped3A : memref<!tpu.dma_semaphore, #tpu.memory_space<semaphore_mem>>)
        %dma_wait3A_443 = arith.constant 0 : i32
        %dma_wait3A_444 = tpu.memref_slice %arg4[%scan3A_112, %mul3A_436, %dma_wait3A_443] : memref<13x4096x128xf32, #tpu.memory_space<hbm>> -> memref<1x128x32xf32, #tpu.memory_space<hbm>>
        %dma_wait3A_445 = tpu.memref_squeeze %dma_wait3A_444 : memref<1x128x32xf32, #tpu.memory_space<hbm>> -> memref<128x32xf32, #tpu.memory_space<hbm>>
        %dma_wait3A_446 = arith.constant 0 : i32
        %dma_wait3A_447 = tpu.memref_slice %arg4[%scan3A_112, %mul3A_436, %dma_wait3A_446] : memref<13x4096x128xf32, #tpu.memory_space<hbm>> -> memref<1x128x32xf32, #tpu.memory_space<hbm>>
        %dma_wait3A_448 = tpu.memref_squeeze %dma_wait3A_447 : memref<1x128x32xf32, #tpu.memory_space<hbm>> -> memref<128x32xf32, #tpu.memory_space<hbm>>
        tpu.wait_dma2 semaphore(%run_scoped3A : memref<!tpu.dma_semaphore, #tpu.memory_space<semaphore_mem>>) src(%arg9 : memref<128x32xf32, #tpu.memory_space<vmem>>) dst(%dma_wait3A_448 : memref<128x32xf32, #tpu.memory_space<hbm>>)
        tpu.yield
      }) : () -> ()
    }
    %scan3A_111 = arith.constant 13 : i32
    return
  }
}

#map = affine_map<(d0, d1) -> (0, 0, 0)>
#map1 = affine_map<(d0, d1) -> (0, 0)>
module attributes {stable_mosaic.version = 14 : i64} {
  func.func @_sc_embed_body(%arg0: i32, %arg1: i32, %arg2: memref<1664x10x128xi32, #tpu.memory_space<hbm>>, %arg3: memref<1300416x16xi32, #tpu.memory_space<hbm>>, %arg4: memref<13x4096x128xf32, #tpu.memory_space<hbm>>, %arg5: memref<10x128xi32, #tpu.memory_space<vmem>>, %arg6: memref<10x128xi32, #tpu.memory_space<vmem>>, %arg7: memref<1280x16xi32, #tpu.memory_space<vmem>>, %arg8: memref<1280x16xi32, #tpu.memory_space<vmem>>, %arg9: memref<128x32xf32, #tpu.memory_space<vmem>>, %arg10: memref<!tpu.dma_semaphore, #tpu.memory_space<semaphore_mem>>, %arg11: memref<!tpu.dma_semaphore, #tpu.memory_space<semaphore_mem>>) attributes {dimension_semantics = [#tpu.dimension_semantics<core_parallel>, #tpu.dimension_semantics<subcore_parallel>], iteration_bounds = array<i64: 2, 16>, scalar_prefetch = 0 : i64, scratch_operands = 7 : i64, tpu.core_type = #tpu.core_type<sc_vector_subcore>, window_params = [{transform_indices = #map}, {transform_indices = #map1}, {transform_indices = #map}]} {
    %mul3A = arith.constant 2 : i32
    %mul3A_0 = arith.muli %arg1, %mul3A : i32
    %add3A = arith.addi %mul3A_0, %arg0 : i32
    %broadcast_in_dim3A = arith.constant -65536 : i32
    %broadcast_in_dim3A_1 = vector.broadcast %broadcast_in_dim3A : i32 to vector<16xi32>
    %broadcast_in_dim3A_2 = arith.constant 16 : i32
    %broadcast_in_dim3A_3 = vector.broadcast %broadcast_in_dim3A_2 : i32 to vector<16xi32>
    %add3A_4 = arith.constant 416 : i32
    %add3A_5 = arith.addi %add3A_4, %add3A : i32
    %mul3A_6 = arith.constant 2 : i32
    %mul3A_7 = arith.muli %add3A_5, %mul3A_6 : i32
    "tpu.region"() ({
      %run_scoped3A = tpu.sem_alloc : memref<!tpu.dma_semaphore, #tpu.memory_space<semaphore_mem>>
      %dma_start3A_112 = arith.constant 0 : i32
      %dma_start3A_113 = arith.constant 0 : i32
      %dma_start3A_114 = tpu.memref_slice %arg2[%mul3A_7, %dma_start3A_112, %dma_start3A_113] : memref<1664x10x128xi32, #tpu.memory_space<hbm>> -> memref<1x10x128xi32, #tpu.memory_space<hbm>>
      %dma_start3A_115 = tpu.memref_squeeze %dma_start3A_114 : memref<1x10x128xi32, #tpu.memory_space<hbm>> -> memref<10x128xi32, #tpu.memory_space<hbm>>
      %dma_start3A_116 = arith.constant 0 : i32
      %dma_start3A_117 = arith.constant 0 : i32
      %dma_start3A_118 = tpu.memref_slice %arg2[%mul3A_7, %dma_start3A_116, %dma_start3A_117] : memref<1664x10x128xi32, #tpu.memory_space<hbm>> -> memref<1x10x128xi32, #tpu.memory_space<hbm>>
      %dma_start3A_119 = tpu.memref_squeeze %dma_start3A_118 : memref<1x10x128xi32, #tpu.memory_space<hbm>> -> memref<10x128xi32, #tpu.memory_space<hbm>>
      tpu.enqueue_dma source(%dma_start3A_119 : memref<10x128xi32, #tpu.memory_space<hbm>>) target(%arg5 : memref<10x128xi32, #tpu.memory_space<vmem>>) target_semaphore(%run_scoped3A : memref<!tpu.dma_semaphore, #tpu.memory_space<semaphore_mem>>)
      %dma_wait3A = arith.constant 0 : i32
      %dma_wait3A_120 = arith.constant 0 : i32
      %dma_wait3A_121 = tpu.memref_slice %arg2[%mul3A_7, %dma_wait3A, %dma_wait3A_120] : memref<1664x10x128xi32, #tpu.memory_space<hbm>> -> memref<1x10x128xi32, #tpu.memory_space<hbm>>
      %dma_wait3A_122 = tpu.memref_squeeze %dma_wait3A_121 : memref<1x10x128xi32, #tpu.memory_space<hbm>> -> memref<10x128xi32, #tpu.memory_space<hbm>>
      %dma_wait3A_123 = arith.constant 0 : i32
      %dma_wait3A_124 = arith.constant 0 : i32
      %dma_wait3A_125 = tpu.memref_slice %arg2[%mul3A_7, %dma_wait3A_123, %dma_wait3A_124] : memref<1664x10x128xi32, #tpu.memory_space<hbm>> -> memref<1x10x128xi32, #tpu.memory_space<hbm>>
      %dma_wait3A_126 = tpu.memref_squeeze %dma_wait3A_125 : memref<1x10x128xi32, #tpu.memory_space<hbm>> -> memref<10x128xi32, #tpu.memory_space<hbm>>
      tpu.wait_dma2 semaphore(%run_scoped3A : memref<!tpu.dma_semaphore, #tpu.memory_space<semaphore_mem>>) src(%dma_wait3A_126 : memref<10x128xi32, #tpu.memory_space<hbm>>) dst(%arg5 : memref<10x128xi32, #tpu.memory_space<vmem>>)
      tpu.yield
    }) : () -> ()
    %dma_start3A = arith.constant 0 : i32
    %dma_start3A_8 = arith.constant 0 : i32
    %dma_start3A_9 = arith.constant 0 : i32
    %dma_start3A_10 = tpu.memref_slice %arg7[%dma_start3A_8, %dma_start3A_9] : memref<1280x16xi32, #tpu.memory_space<vmem>> -> memref<128x16xi32, #tpu.memory_space<vmem>>
    %dma_start3A_11 = arith.constant 0 : i32
    %dma_start3A_12 = tpu.memref_slice %arg5[%dma_start3A, %dma_start3A_11] : memref<10x128xi32, #tpu.memory_space<vmem>> -> memref<1x128xi32, #tpu.memory_space<vmem>>
    %dma_start3A_13 = tpu.memref_squeeze %dma_start3A_12 : memref<1x128xi32, #tpu.memory_space<vmem>> -> memref<128xi32, #tpu.memory_space<vmem>>
    %dma_start3A_14 = arith.constant 0 : i32
    %dma_start3A_15 = arith.constant 0 : i32
    %dma_start3A_16 = tpu.memref_slice %arg3[%dma_start3A_14, %dma_start3A_15] : memref<1300416x16xi32, #tpu.memory_space<hbm>> -> memref<1300416x16xi32, #tpu.memory_space<hbm>>
    tpu.enqueue_indirect_dma source(%dma_start3A_16 : memref<1300416x16xi32, #tpu.memory_space<hbm>>) target(%dma_start3A_10 : memref<128x16xi32, #tpu.memory_space<vmem>>) offsets(%dma_start3A_13 : memref<128xi32, #tpu.memory_space<vmem>>) semaphore(%arg10 : memref<!tpu.dma_semaphore, #tpu.memory_space<semaphore_mem>>)
    %dma_start3A_17 = arith.constant 1 : i32
    %dma_start3A_18 = arith.constant 128 : i32
    %dma_start3A_19 = arith.constant 0 : i32
    %dma_start3A_20 = tpu.memref_slice %arg7[%dma_start3A_18, %dma_start3A_19] : memref<1280x16xi32, #tpu.memory_space<vmem>> -> memref<128x16xi32, #tpu.memory_space<vmem>>
    %dma_start3A_21 = arith.constant 0 : i32
    %dma_start3A_22 = tpu.memref_slice %arg5[%dma_start3A_17, %dma_start3A_21] : memref<10x128xi32, #tpu.memory_space<vmem>> -> memref<1x128xi32, #tpu.memory_space<vmem>>
    %dma_start3A_23 = tpu.memref_squeeze %dma_start3A_22 : memref<1x128xi32, #tpu.memory_space<vmem>> -> memref<128xi32, #tpu.memory_space<vmem>>
    %dma_start3A_24 = arith.constant 0 : i32
    %dma_start3A_25 = arith.constant 0 : i32
    %dma_start3A_26 = tpu.memref_slice %arg3[%dma_start3A_24, %dma_start3A_25] : memref<1300416x16xi32, #tpu.memory_space<hbm>> -> memref<1300416x16xi32, #tpu.memory_space<hbm>>
    tpu.enqueue_indirect_dma source(%dma_start3A_26 : memref<1300416x16xi32, #tpu.memory_space<hbm>>) target(%dma_start3A_20 : memref<128x16xi32, #tpu.memory_space<vmem>>) offsets(%dma_start3A_23 : memref<128xi32, #tpu.memory_space<vmem>>) semaphore(%arg10 : memref<!tpu.dma_semaphore, #tpu.memory_space<semaphore_mem>>)
    %dma_start3A_27 = arith.constant 2 : i32
    %dma_start3A_28 = arith.constant 256 : i32
    %dma_start3A_29 = arith.constant 0 : i32
    %dma_start3A_30 = tpu.memref_slice %arg7[%dma_start3A_28, %dma_start3A_29] : memref<1280x16xi32, #tpu.memory_space<vmem>> -> memref<128x16xi32, #tpu.memory_space<vmem>>
    %dma_start3A_31 = arith.constant 0 : i32
    %dma_start3A_32 = tpu.memref_slice %arg5[%dma_start3A_27, %dma_start3A_31] : memref<10x128xi32, #tpu.memory_space<vmem>> -> memref<1x128xi32, #tpu.memory_space<vmem>>
    %dma_start3A_33 = tpu.memref_squeeze %dma_start3A_32 : memref<1x128xi32, #tpu.memory_space<vmem>> -> memref<128xi32, #tpu.memory_space<vmem>>
    %dma_start3A_34 = arith.constant 0 : i32
    %dma_start3A_35 = arith.constant 0 : i32
    %dma_start3A_36 = tpu.memref_slice %arg3[%dma_start3A_34, %dma_start3A_35] : memref<1300416x16xi32, #tpu.memory_space<hbm>> -> memref<1300416x16xi32, #tpu.memory_space<hbm>>
    tpu.enqueue_indirect_dma source(%dma_start3A_36 : memref<1300416x16xi32, #tpu.memory_space<hbm>>) target(%dma_start3A_30 : memref<128x16xi32, #tpu.memory_space<vmem>>) offsets(%dma_start3A_33 : memref<128xi32, #tpu.memory_space<vmem>>) semaphore(%arg10 : memref<!tpu.dma_semaphore, #tpu.memory_space<semaphore_mem>>)
    %dma_start3A_37 = arith.constant 3 : i32
    %dma_start3A_38 = arith.constant 384 : i32
    %dma_start3A_39 = arith.constant 0 : i32
    %dma_start3A_40 = tpu.memref_slice %arg7[%dma_start3A_38, %dma_start3A_39] : memref<1280x16xi32, #tpu.memory_space<vmem>> -> memref<128x16xi32, #tpu.memory_space<vmem>>
    %dma_start3A_41 = arith.constant 0 : i32
    %dma_start3A_42 = tpu.memref_slice %arg5[%dma_start3A_37, %dma_start3A_41] : memref<10x128xi32, #tpu.memory_space<vmem>> -> memref<1x128xi32, #tpu.memory_space<vmem>>
    %dma_start3A_43 = tpu.memref_squeeze %dma_start3A_42 : memref<1x128xi32, #tpu.memory_space<vmem>> -> memref<128xi32, #tpu.memory_space<vmem>>
    %dma_start3A_44 = arith.constant 0 : i32
    %dma_start3A_45 = arith.constant 0 : i32
    %dma_start3A_46 = tpu.memref_slice %arg3[%dma_start3A_44, %dma_start3A_45] : memref<1300416x16xi32, #tpu.memory_space<hbm>> -> memref<1300416x16xi32, #tpu.memory_space<hbm>>
    tpu.enqueue_indirect_dma source(%dma_start3A_46 : memref<1300416x16xi32, #tpu.memory_space<hbm>>) target(%dma_start3A_40 : memref<128x16xi32, #tpu.memory_space<vmem>>) offsets(%dma_start3A_43 : memref<128xi32, #tpu.memory_space<vmem>>) semaphore(%arg10 : memref<!tpu.dma_semaphore, #tpu.memory_space<semaphore_mem>>)
    %dma_start3A_47 = arith.constant 4 : i32
    %dma_start3A_48 = arith.constant 512 : i32
    %dma_start3A_49 = arith.constant 0 : i32
    %dma_start3A_50 = tpu.memref_slice %arg7[%dma_start3A_48, %dma_start3A_49] : memref<1280x16xi32, #tpu.memory_space<vmem>> -> memref<128x16xi32, #tpu.memory_space<vmem>>
    %dma_start3A_51 = arith.constant 0 : i32
    %dma_start3A_52 = tpu.memref_slice %arg5[%dma_start3A_47, %dma_start3A_51] : memref<10x128xi32, #tpu.memory_space<vmem>> -> memref<1x128xi32, #tpu.memory_space<vmem>>
    %dma_start3A_53 = tpu.memref_squeeze %dma_start3A_52 : memref<1x128xi32, #tpu.memory_space<vmem>> -> memref<128xi32, #tpu.memory_space<vmem>>
    %dma_start3A_54 = arith.constant 0 : i32
    %dma_start3A_55 = arith.constant 0 : i32
    %dma_start3A_56 = tpu.memref_slice %arg3[%dma_start3A_54, %dma_start3A_55] : memref<1300416x16xi32, #tpu.memory_space<hbm>> -> memref<1300416x16xi32, #tpu.memory_space<hbm>>
    tpu.enqueue_indirect_dma source(%dma_start3A_56 : memref<1300416x16xi32, #tpu.memory_space<hbm>>) target(%dma_start3A_50 : memref<128x16xi32, #tpu.memory_space<vmem>>) offsets(%dma_start3A_53 : memref<128xi32, #tpu.memory_space<vmem>>) semaphore(%arg10 : memref<!tpu.dma_semaphore, #tpu.memory_space<semaphore_mem>>)
    %dma_start3A_57 = arith.constant 5 : i32
    %dma_start3A_58 = arith.constant 640 : i32
    %dma_start3A_59 = arith.constant 0 : i32
    %dma_start3A_60 = tpu.memref_slice %arg7[%dma_start3A_58, %dma_start3A_59] : memref<1280x16xi32, #tpu.memory_space<vmem>> -> memref<128x16xi32, #tpu.memory_space<vmem>>
    %dma_start3A_61 = arith.constant 0 : i32
    %dma_start3A_62 = tpu.memref_slice %arg5[%dma_start3A_57, %dma_start3A_61] : memref<10x128xi32, #tpu.memory_space<vmem>> -> memref<1x128xi32, #tpu.memory_space<vmem>>
    %dma_start3A_63 = tpu.memref_squeeze %dma_start3A_62 : memref<1x128xi32, #tpu.memory_space<vmem>> -> memref<128xi32, #tpu.memory_space<vmem>>
    %dma_start3A_64 = arith.constant 0 : i32
    %dma_start3A_65 = arith.constant 0 : i32
    %dma_start3A_66 = tpu.memref_slice %arg3[%dma_start3A_64, %dma_start3A_65] : memref<1300416x16xi32, #tpu.memory_space<hbm>> -> memref<1300416x16xi32, #tpu.memory_space<hbm>>
    tpu.enqueue_indirect_dma source(%dma_start3A_66 : memref<1300416x16xi32, #tpu.memory_space<hbm>>) target(%dma_start3A_60 : memref<128x16xi32, #tpu.memory_space<vmem>>) offsets(%dma_start3A_63 : memref<128xi32, #tpu.memory_space<vmem>>) semaphore(%arg10 : memref<!tpu.dma_semaphore, #tpu.memory_space<semaphore_mem>>)
    %dma_start3A_67 = arith.constant 6 : i32
    %dma_start3A_68 = arith.constant 768 : i32
    %dma_start3A_69 = arith.constant 0 : i32
    %dma_start3A_70 = tpu.memref_slice %arg7[%dma_start3A_68, %dma_start3A_69] : memref<1280x16xi32, #tpu.memory_space<vmem>> -> memref<128x16xi32, #tpu.memory_space<vmem>>
    %dma_start3A_71 = arith.constant 0 : i32
    %dma_start3A_72 = tpu.memref_slice %arg5[%dma_start3A_67, %dma_start3A_71] : memref<10x128xi32, #tpu.memory_space<vmem>> -> memref<1x128xi32, #tpu.memory_space<vmem>>
    %dma_start3A_73 = tpu.memref_squeeze %dma_start3A_72 : memref<1x128xi32, #tpu.memory_space<vmem>> -> memref<128xi32, #tpu.memory_space<vmem>>
    %dma_start3A_74 = arith.constant 0 : i32
    %dma_start3A_75 = arith.constant 0 : i32
    %dma_start3A_76 = tpu.memref_slice %arg3[%dma_start3A_74, %dma_start3A_75] : memref<1300416x16xi32, #tpu.memory_space<hbm>> -> memref<1300416x16xi32, #tpu.memory_space<hbm>>
    tpu.enqueue_indirect_dma source(%dma_start3A_76 : memref<1300416x16xi32, #tpu.memory_space<hbm>>) target(%dma_start3A_70 : memref<128x16xi32, #tpu.memory_space<vmem>>) offsets(%dma_start3A_73 : memref<128xi32, #tpu.memory_space<vmem>>) semaphore(%arg10 : memref<!tpu.dma_semaphore, #tpu.memory_space<semaphore_mem>>)
    %dma_start3A_77 = arith.constant 7 : i32
    %dma_start3A_78 = arith.constant 896 : i32
    %dma_start3A_79 = arith.constant 0 : i32
    %dma_start3A_80 = tpu.memref_slice %arg7[%dma_start3A_78, %dma_start3A_79] : memref<1280x16xi32, #tpu.memory_space<vmem>> -> memref<128x16xi32, #tpu.memory_space<vmem>>
    %dma_start3A_81 = arith.constant 0 : i32
    %dma_start3A_82 = tpu.memref_slice %arg5[%dma_start3A_77, %dma_start3A_81] : memref<10x128xi32, #tpu.memory_space<vmem>> -> memref<1x128xi32, #tpu.memory_space<vmem>>
    %dma_start3A_83 = tpu.memref_squeeze %dma_start3A_82 : memref<1x128xi32, #tpu.memory_space<vmem>> -> memref<128xi32, #tpu.memory_space<vmem>>
    %dma_start3A_84 = arith.constant 0 : i32
    %dma_start3A_85 = arith.constant 0 : i32
    %dma_start3A_86 = tpu.memref_slice %arg3[%dma_start3A_84, %dma_start3A_85] : memref<1300416x16xi32, #tpu.memory_space<hbm>> -> memref<1300416x16xi32, #tpu.memory_space<hbm>>
    tpu.enqueue_indirect_dma source(%dma_start3A_86 : memref<1300416x16xi32, #tpu.memory_space<hbm>>) target(%dma_start3A_80 : memref<128x16xi32, #tpu.memory_space<vmem>>) offsets(%dma_start3A_83 : memref<128xi32, #tpu.memory_space<vmem>>) semaphore(%arg10 : memref<!tpu.dma_semaphore, #tpu.memory_space<semaphore_mem>>)
    %dma_start3A_87 = arith.constant 8 : i32
    %dma_start3A_88 = arith.constant 1024 : i32
    %dma_start3A_89 = arith.constant 0 : i32
    %dma_start3A_90 = tpu.memref_slice %arg7[%dma_start3A_88, %dma_start3A_89] : memref<1280x16xi32, #tpu.memory_space<vmem>> -> memref<128x16xi32, #tpu.memory_space<vmem>>
    %dma_start3A_91 = arith.constant 0 : i32
    %dma_start3A_92 = tpu.memref_slice %arg5[%dma_start3A_87, %dma_start3A_91] : memref<10x128xi32, #tpu.memory_space<vmem>> -> memref<1x128xi32, #tpu.memory_space<vmem>>
    %dma_start3A_93 = tpu.memref_squeeze %dma_start3A_92 : memref<1x128xi32, #tpu.memory_space<vmem>> -> memref<128xi32, #tpu.memory_space<vmem>>
    %dma_start3A_94 = arith.constant 0 : i32
    %dma_start3A_95 = arith.constant 0 : i32
    %dma_start3A_96 = tpu.memref_slice %arg3[%dma_start3A_94, %dma_start3A_95] : memref<1300416x16xi32, #tpu.memory_space<hbm>> -> memref<1300416x16xi32, #tpu.memory_space<hbm>>
    tpu.enqueue_indirect_dma source(%dma_start3A_96 : memref<1300416x16xi32, #tpu.memory_space<hbm>>) target(%dma_start3A_90 : memref<128x16xi32, #tpu.memory_space<vmem>>) offsets(%dma_start3A_93 : memref<128xi32, #tpu.memory_space<vmem>>) semaphore(%arg10 : memref<!tpu.dma_semaphore, #tpu.memory_space<semaphore_mem>>)
    %dma_start3A_97 = arith.constant 9 : i32
    %dma_start3A_98 = arith.constant 1152 : i32
    %dma_start3A_99 = arith.constant 0 : i32
    %dma_start3A_100 = tpu.memref_slice %arg7[%dma_start3A_98, %dma_start3A_99] : memref<1280x16xi32, #tpu.memory_space<vmem>> -> memref<128x16xi32, #tpu.memory_space<vmem>>
    %dma_start3A_101 = arith.constant 0 : i32
    %dma_start3A_102 = tpu.memref_slice %arg5[%dma_start3A_97, %dma_start3A_101] : memref<10x128xi32, #tpu.memory_space<vmem>> -> memref<1x128xi32, #tpu.memory_space<vmem>>
    %dma_start3A_103 = tpu.memref_squeeze %dma_start3A_102 : memref<1x128xi32, #tpu.memory_space<vmem>> -> memref<128xi32, #tpu.memory_space<vmem>>
    %dma_start3A_104 = arith.constant 0 : i32
    %dma_start3A_105 = arith.constant 0 : i32
    %dma_start3A_106 = tpu.memref_slice %arg3[%dma_start3A_104, %dma_start3A_105] : memref<1300416x16xi32, #tpu.memory_space<hbm>> -> memref<1300416x16xi32, #tpu.memory_space<hbm>>
    tpu.enqueue_indirect_dma source(%dma_start3A_106 : memref<1300416x16xi32, #tpu.memory_space<hbm>>) target(%dma_start3A_100 : memref<128x16xi32, #tpu.memory_space<vmem>>) offsets(%dma_start3A_103 : memref<128xi32, #tpu.memory_space<vmem>>) semaphore(%arg10 : memref<!tpu.dma_semaphore, #tpu.memory_space<semaphore_mem>>)
    %scan3A = arith.constant 0 : i32
    %scan3A_107 = arith.constant 0 : i32
    %scan3A_108 = arith.constant 13 : i32
    %scan3A_109 = arith.addi %scan3A_107, %scan3A_108 : i32
    %scan3A_110 = arith.constant 1 : i32
    scf.for %scan3A_112 = %scan3A_107 to %scan3A_109 step %scan3A_110  : i32 {
      %add3A_113 = arith.constant 13 : i32
      %add3A_114 = arith.addi %add3A_113, %scan3A_112 : i32
      %mul3A_115 = arith.constant 32 : i32
      %mul3A_116 = arith.muli %add3A_114, %mul3A_115 : i32
      %add3A_117 = arith.addi %mul3A_116, %add3A : i32
      %mul3A_118 = arith.constant 2 : i32
      %mul3A_119 = arith.muli %add3A_117, %mul3A_118 : i32
      %add3A_120 = arith.constant 1 : i32
      %add3A_121 = arith.addi %mul3A_119, %add3A_120 : i32
      "tpu.region"() ({
        %run_scoped3A = tpu.sem_alloc : memref<!tpu.dma_semaphore, #tpu.memory_space<semaphore_mem>>
        %dma_start3A_437 = arith.constant 0 : i32
        %dma_start3A_438 = arith.constant 0 : i32
        %dma_start3A_439 = tpu.memref_slice %arg2[%add3A_121, %dma_start3A_437, %dma_start3A_438] : memref<1664x10x128xi32, #tpu.memory_space<hbm>> -> memref<1x10x128xi32, #tpu.memory_space<hbm>>
        %dma_start3A_440 = tpu.memref_squeeze %dma_start3A_439 : memref<1x10x128xi32, #tpu.memory_space<hbm>> -> memref<10x128xi32, #tpu.memory_space<hbm>>
        %dma_start3A_441 = arith.constant 0 : i32
        %dma_start3A_442 = arith.constant 0 : i32
        %dma_start3A_443 = tpu.memref_slice %arg2[%add3A_121, %dma_start3A_441, %dma_start3A_442] : memref<1664x10x128xi32, #tpu.memory_space<hbm>> -> memref<1x10x128xi32, #tpu.memory_space<hbm>>
        %dma_start3A_444 = tpu.memref_squeeze %dma_start3A_443 : memref<1x10x128xi32, #tpu.memory_space<hbm>> -> memref<10x128xi32, #tpu.memory_space<hbm>>
        tpu.enqueue_dma source(%dma_start3A_444 : memref<10x128xi32, #tpu.memory_space<hbm>>) target(%arg6 : memref<10x128xi32, #tpu.memory_space<vmem>>) target_semaphore(%run_scoped3A : memref<!tpu.dma_semaphore, #tpu.memory_space<semaphore_mem>>)
        %dma_wait3A_445 = arith.constant 0 : i32
        %dma_wait3A_446 = arith.constant 0 : i32
        %dma_wait3A_447 = tpu.memref_slice %arg2[%add3A_121, %dma_wait3A_445, %dma_wait3A_446] : memref<1664x10x128xi32, #tpu.memory_space<hbm>> -> memref<1x10x128xi32, #tpu.memory_space<hbm>>
        %dma_wait3A_448 = tpu.memref_squeeze %dma_wait3A_447 : memref<1x10x128xi32, #tpu.memory_space<hbm>> -> memref<10x128xi32, #tpu.memory_space<hbm>>
        %dma_wait3A_449 = arith.constant 0 : i32
        %dma_wait3A_450 = arith.constant 0 : i32
        %dma_wait3A_451 = tpu.memref_slice %arg2[%add3A_121, %dma_wait3A_449, %dma_wait3A_450] : memref<1664x10x128xi32, #tpu.memory_space<hbm>> -> memref<1x10x128xi32, #tpu.memory_space<hbm>>
        %dma_wait3A_452 = tpu.memref_squeeze %dma_wait3A_451 : memref<1x10x128xi32, #tpu.memory_space<hbm>> -> memref<10x128xi32, #tpu.memory_space<hbm>>
        tpu.wait_dma2 semaphore(%run_scoped3A : memref<!tpu.dma_semaphore, #tpu.memory_space<semaphore_mem>>) src(%dma_wait3A_452 : memref<10x128xi32, #tpu.memory_space<hbm>>) dst(%arg6 : memref<10x128xi32, #tpu.memory_space<vmem>>)
        tpu.yield
      }) : () -> ()
      %dma_start3A_122 = arith.constant 0 : i32
      %dma_start3A_123 = arith.constant 0 : i32
      %dma_start3A_124 = arith.constant 0 : i32
      %dma_start3A_125 = tpu.memref_slice %arg8[%dma_start3A_123, %dma_start3A_124] : memref<1280x16xi32, #tpu.memory_space<vmem>> -> memref<128x16xi32, #tpu.memory_space<vmem>>
      %dma_start3A_126 = arith.constant 0 : i32
      %dma_start3A_127 = tpu.memref_slice %arg6[%dma_start3A_122, %dma_start3A_126] : memref<10x128xi32, #tpu.memory_space<vmem>> -> memref<1x128xi32, #tpu.memory_space<vmem>>
      %dma_start3A_128 = tpu.memref_squeeze %dma_start3A_127 : memref<1x128xi32, #tpu.memory_space<vmem>> -> memref<128xi32, #tpu.memory_space<vmem>>
      %dma_start3A_129 = arith.constant 0 : i32
      %dma_start3A_130 = arith.constant 0 : i32
      %dma_start3A_131 = tpu.memref_slice %arg3[%dma_start3A_129, %dma_start3A_130] : memref<1300416x16xi32, #tpu.memory_space<hbm>> -> memref<1300416x16xi32, #tpu.memory_space<hbm>>
      tpu.enqueue_indirect_dma source(%dma_start3A_131 : memref<1300416x16xi32, #tpu.memory_space<hbm>>) target(%dma_start3A_125 : memref<128x16xi32, #tpu.memory_space<vmem>>) offsets(%dma_start3A_128 : memref<128xi32, #tpu.memory_space<vmem>>) semaphore(%arg11 : memref<!tpu.dma_semaphore, #tpu.memory_space<semaphore_mem>>)
      %dma_start3A_132 = arith.constant 1 : i32
      %dma_start3A_133 = arith.constant 128 : i32
      %dma_start3A_134 = arith.constant 0 : i32
      %dma_start3A_135 = tpu.memref_slice %arg8[%dma_start3A_133, %dma_start3A_134] : memref<1280x16xi32, #tpu.memory_space<vmem>> -> memref<128x16xi32, #tpu.memory_space<vmem>>
      %dma_start3A_136 = arith.constant 0 : i32
      %dma_start3A_137 = tpu.memref_slice %arg6[%dma_start3A_132, %dma_start3A_136] : memref<10x128xi32, #tpu.memory_space<vmem>> -> memref<1x128xi32, #tpu.memory_space<vmem>>
      %dma_start3A_138 = tpu.memref_squeeze %dma_start3A_137 : memref<1x128xi32, #tpu.memory_space<vmem>> -> memref<128xi32, #tpu.memory_space<vmem>>
      %dma_start3A_139 = arith.constant 0 : i32
      %dma_start3A_140 = arith.constant 0 : i32
      %dma_start3A_141 = tpu.memref_slice %arg3[%dma_start3A_139, %dma_start3A_140] : memref<1300416x16xi32, #tpu.memory_space<hbm>> -> memref<1300416x16xi32, #tpu.memory_space<hbm>>
      tpu.enqueue_indirect_dma source(%dma_start3A_141 : memref<1300416x16xi32, #tpu.memory_space<hbm>>) target(%dma_start3A_135 : memref<128x16xi32, #tpu.memory_space<vmem>>) offsets(%dma_start3A_138 : memref<128xi32, #tpu.memory_space<vmem>>) semaphore(%arg11 : memref<!tpu.dma_semaphore, #tpu.memory_space<semaphore_mem>>)
      %dma_start3A_142 = arith.constant 2 : i32
      %dma_start3A_143 = arith.constant 256 : i32
      %dma_start3A_144 = arith.constant 0 : i32
      %dma_start3A_145 = tpu.memref_slice %arg8[%dma_start3A_143, %dma_start3A_144] : memref<1280x16xi32, #tpu.memory_space<vmem>> -> memref<128x16xi32, #tpu.memory_space<vmem>>
      %dma_start3A_146 = arith.constant 0 : i32
      %dma_start3A_147 = tpu.memref_slice %arg6[%dma_start3A_142, %dma_start3A_146] : memref<10x128xi32, #tpu.memory_space<vmem>> -> memref<1x128xi32, #tpu.memory_space<vmem>>
      %dma_start3A_148 = tpu.memref_squeeze %dma_start3A_147 : memref<1x128xi32, #tpu.memory_space<vmem>> -> memref<128xi32, #tpu.memory_space<vmem>>
      %dma_start3A_149 = arith.constant 0 : i32
      %dma_start3A_150 = arith.constant 0 : i32
      %dma_start3A_151 = tpu.memref_slice %arg3[%dma_start3A_149, %dma_start3A_150] : memref<1300416x16xi32, #tpu.memory_space<hbm>> -> memref<1300416x16xi32, #tpu.memory_space<hbm>>
      tpu.enqueue_indirect_dma source(%dma_start3A_151 : memref<1300416x16xi32, #tpu.memory_space<hbm>>) target(%dma_start3A_145 : memref<128x16xi32, #tpu.memory_space<vmem>>) offsets(%dma_start3A_148 : memref<128xi32, #tpu.memory_space<vmem>>) semaphore(%arg11 : memref<!tpu.dma_semaphore, #tpu.memory_space<semaphore_mem>>)
      %dma_start3A_152 = arith.constant 3 : i32
      %dma_start3A_153 = arith.constant 384 : i32
      %dma_start3A_154 = arith.constant 0 : i32
      %dma_start3A_155 = tpu.memref_slice %arg8[%dma_start3A_153, %dma_start3A_154] : memref<1280x16xi32, #tpu.memory_space<vmem>> -> memref<128x16xi32, #tpu.memory_space<vmem>>
      %dma_start3A_156 = arith.constant 0 : i32
      %dma_start3A_157 = tpu.memref_slice %arg6[%dma_start3A_152, %dma_start3A_156] : memref<10x128xi32, #tpu.memory_space<vmem>> -> memref<1x128xi32, #tpu.memory_space<vmem>>
      %dma_start3A_158 = tpu.memref_squeeze %dma_start3A_157 : memref<1x128xi32, #tpu.memory_space<vmem>> -> memref<128xi32, #tpu.memory_space<vmem>>
      %dma_start3A_159 = arith.constant 0 : i32
      %dma_start3A_160 = arith.constant 0 : i32
      %dma_start3A_161 = tpu.memref_slice %arg3[%dma_start3A_159, %dma_start3A_160] : memref<1300416x16xi32, #tpu.memory_space<hbm>> -> memref<1300416x16xi32, #tpu.memory_space<hbm>>
      tpu.enqueue_indirect_dma source(%dma_start3A_161 : memref<1300416x16xi32, #tpu.memory_space<hbm>>) target(%dma_start3A_155 : memref<128x16xi32, #tpu.memory_space<vmem>>) offsets(%dma_start3A_158 : memref<128xi32, #tpu.memory_space<vmem>>) semaphore(%arg11 : memref<!tpu.dma_semaphore, #tpu.memory_space<semaphore_mem>>)
      %dma_start3A_162 = arith.constant 4 : i32
      %dma_start3A_163 = arith.constant 512 : i32
      %dma_start3A_164 = arith.constant 0 : i32
      %dma_start3A_165 = tpu.memref_slice %arg8[%dma_start3A_163, %dma_start3A_164] : memref<1280x16xi32, #tpu.memory_space<vmem>> -> memref<128x16xi32, #tpu.memory_space<vmem>>
      %dma_start3A_166 = arith.constant 0 : i32
      %dma_start3A_167 = tpu.memref_slice %arg6[%dma_start3A_162, %dma_start3A_166] : memref<10x128xi32, #tpu.memory_space<vmem>> -> memref<1x128xi32, #tpu.memory_space<vmem>>
      %dma_start3A_168 = tpu.memref_squeeze %dma_start3A_167 : memref<1x128xi32, #tpu.memory_space<vmem>> -> memref<128xi32, #tpu.memory_space<vmem>>
      %dma_start3A_169 = arith.constant 0 : i32
      %dma_start3A_170 = arith.constant 0 : i32
      %dma_start3A_171 = tpu.memref_slice %arg3[%dma_start3A_169, %dma_start3A_170] : memref<1300416x16xi32, #tpu.memory_space<hbm>> -> memref<1300416x16xi32, #tpu.memory_space<hbm>>
      tpu.enqueue_indirect_dma source(%dma_start3A_171 : memref<1300416x16xi32, #tpu.memory_space<hbm>>) target(%dma_start3A_165 : memref<128x16xi32, #tpu.memory_space<vmem>>) offsets(%dma_start3A_168 : memref<128xi32, #tpu.memory_space<vmem>>) semaphore(%arg11 : memref<!tpu.dma_semaphore, #tpu.memory_space<semaphore_mem>>)
      %dma_start3A_172 = arith.constant 5 : i32
      %dma_start3A_173 = arith.constant 640 : i32
      %dma_start3A_174 = arith.constant 0 : i32
      %dma_start3A_175 = tpu.memref_slice %arg8[%dma_start3A_173, %dma_start3A_174] : memref<1280x16xi32, #tpu.memory_space<vmem>> -> memref<128x16xi32, #tpu.memory_space<vmem>>
      %dma_start3A_176 = arith.constant 0 : i32
      %dma_start3A_177 = tpu.memref_slice %arg6[%dma_start3A_172, %dma_start3A_176] : memref<10x128xi32, #tpu.memory_space<vmem>> -> memref<1x128xi32, #tpu.memory_space<vmem>>
      %dma_start3A_178 = tpu.memref_squeeze %dma_start3A_177 : memref<1x128xi32, #tpu.memory_space<vmem>> -> memref<128xi32, #tpu.memory_space<vmem>>
      %dma_start3A_179 = arith.constant 0 : i32
      %dma_start3A_180 = arith.constant 0 : i32
      %dma_start3A_181 = tpu.memref_slice %arg3[%dma_start3A_179, %dma_start3A_180] : memref<1300416x16xi32, #tpu.memory_space<hbm>> -> memref<1300416x16xi32, #tpu.memory_space<hbm>>
      tpu.enqueue_indirect_dma source(%dma_start3A_181 : memref<1300416x16xi32, #tpu.memory_space<hbm>>) target(%dma_start3A_175 : memref<128x16xi32, #tpu.memory_space<vmem>>) offsets(%dma_start3A_178 : memref<128xi32, #tpu.memory_space<vmem>>) semaphore(%arg11 : memref<!tpu.dma_semaphore, #tpu.memory_space<semaphore_mem>>)
      %dma_start3A_182 = arith.constant 6 : i32
      %dma_start3A_183 = arith.constant 768 : i32
      %dma_start3A_184 = arith.constant 0 : i32
      %dma_start3A_185 = tpu.memref_slice %arg8[%dma_start3A_183, %dma_start3A_184] : memref<1280x16xi32, #tpu.memory_space<vmem>> -> memref<128x16xi32, #tpu.memory_space<vmem>>
      %dma_start3A_186 = arith.constant 0 : i32
      %dma_start3A_187 = tpu.memref_slice %arg6[%dma_start3A_182, %dma_start3A_186] : memref<10x128xi32, #tpu.memory_space<vmem>> -> memref<1x128xi32, #tpu.memory_space<vmem>>
      %dma_start3A_188 = tpu.memref_squeeze %dma_start3A_187 : memref<1x128xi32, #tpu.memory_space<vmem>> -> memref<128xi32, #tpu.memory_space<vmem>>
      %dma_start3A_189 = arith.constant 0 : i32
      %dma_start3A_190 = arith.constant 0 : i32
      %dma_start3A_191 = tpu.memref_slice %arg3[%dma_start3A_189, %dma_start3A_190] : memref<1300416x16xi32, #tpu.memory_space<hbm>> -> memref<1300416x16xi32, #tpu.memory_space<hbm>>
      tpu.enqueue_indirect_dma source(%dma_start3A_191 : memref<1300416x16xi32, #tpu.memory_space<hbm>>) target(%dma_start3A_185 : memref<128x16xi32, #tpu.memory_space<vmem>>) offsets(%dma_start3A_188 : memref<128xi32, #tpu.memory_space<vmem>>) semaphore(%arg11 : memref<!tpu.dma_semaphore, #tpu.memory_space<semaphore_mem>>)
      %dma_start3A_192 = arith.constant 7 : i32
      %dma_start3A_193 = arith.constant 896 : i32
      %dma_start3A_194 = arith.constant 0 : i32
      %dma_start3A_195 = tpu.memref_slice %arg8[%dma_start3A_193, %dma_start3A_194] : memref<1280x16xi32, #tpu.memory_space<vmem>> -> memref<128x16xi32, #tpu.memory_space<vmem>>
      %dma_start3A_196 = arith.constant 0 : i32
      %dma_start3A_197 = tpu.memref_slice %arg6[%dma_start3A_192, %dma_start3A_196] : memref<10x128xi32, #tpu.memory_space<vmem>> -> memref<1x128xi32, #tpu.memory_space<vmem>>
      %dma_start3A_198 = tpu.memref_squeeze %dma_start3A_197 : memref<1x128xi32, #tpu.memory_space<vmem>> -> memref<128xi32, #tpu.memory_space<vmem>>
      %dma_start3A_199 = arith.constant 0 : i32
      %dma_start3A_200 = arith.constant 0 : i32
      %dma_start3A_201 = tpu.memref_slice %arg3[%dma_start3A_199, %dma_start3A_200] : memref<1300416x16xi32, #tpu.memory_space<hbm>> -> memref<1300416x16xi32, #tpu.memory_space<hbm>>
      tpu.enqueue_indirect_dma source(%dma_start3A_201 : memref<1300416x16xi32, #tpu.memory_space<hbm>>) target(%dma_start3A_195 : memref<128x16xi32, #tpu.memory_space<vmem>>) offsets(%dma_start3A_198 : memref<128xi32, #tpu.memory_space<vmem>>) semaphore(%arg11 : memref<!tpu.dma_semaphore, #tpu.memory_space<semaphore_mem>>)
      %dma_start3A_202 = arith.constant 8 : i32
      %dma_start3A_203 = arith.constant 1024 : i32
      %dma_start3A_204 = arith.constant 0 : i32
      %dma_start3A_205 = tpu.memref_slice %arg8[%dma_start3A_203, %dma_start3A_204] : memref<1280x16xi32, #tpu.memory_space<vmem>> -> memref<128x16xi32, #tpu.memory_space<vmem>>
      %dma_start3A_206 = arith.constant 0 : i32
      %dma_start3A_207 = tpu.memref_slice %arg6[%dma_start3A_202, %dma_start3A_206] : memref<10x128xi32, #tpu.memory_space<vmem>> -> memref<1x128xi32, #tpu.memory_space<vmem>>
      %dma_start3A_208 = tpu.memref_squeeze %dma_start3A_207 : memref<1x128xi32, #tpu.memory_space<vmem>> -> memref<128xi32, #tpu.memory_space<vmem>>
      %dma_start3A_209 = arith.constant 0 : i32
      %dma_start3A_210 = arith.constant 0 : i32
      %dma_start3A_211 = tpu.memref_slice %arg3[%dma_start3A_209, %dma_start3A_210] : memref<1300416x16xi32, #tpu.memory_space<hbm>> -> memref<1300416x16xi32, #tpu.memory_space<hbm>>
      tpu.enqueue_indirect_dma source(%dma_start3A_211 : memref<1300416x16xi32, #tpu.memory_space<hbm>>) target(%dma_start3A_205 : memref<128x16xi32, #tpu.memory_space<vmem>>) offsets(%dma_start3A_208 : memref<128xi32, #tpu.memory_space<vmem>>) semaphore(%arg11 : memref<!tpu.dma_semaphore, #tpu.memory_space<semaphore_mem>>)
      %dma_start3A_212 = arith.constant 9 : i32
      %dma_start3A_213 = arith.constant 1152 : i32
      %dma_start3A_214 = arith.constant 0 : i32
      %dma_start3A_215 = tpu.memref_slice %arg8[%dma_start3A_213, %dma_start3A_214] : memref<1280x16xi32, #tpu.memory_space<vmem>> -> memref<128x16xi32, #tpu.memory_space<vmem>>
      %dma_start3A_216 = arith.constant 0 : i32
      %dma_start3A_217 = tpu.memref_slice %arg6[%dma_start3A_212, %dma_start3A_216] : memref<10x128xi32, #tpu.memory_space<vmem>> -> memref<1x128xi32, #tpu.memory_space<vmem>>
      %dma_start3A_218 = tpu.memref_squeeze %dma_start3A_217 : memref<1x128xi32, #tpu.memory_space<vmem>> -> memref<128xi32, #tpu.memory_space<vmem>>
      %dma_start3A_219 = arith.constant 0 : i32
      %dma_start3A_220 = arith.constant 0 : i32
      %dma_start3A_221 = tpu.memref_slice %arg3[%dma_start3A_219, %dma_start3A_220] : memref<1300416x16xi32, #tpu.memory_space<hbm>> -> memref<1300416x16xi32, #tpu.memory_space<hbm>>
      tpu.enqueue_indirect_dma source(%dma_start3A_221 : memref<1300416x16xi32, #tpu.memory_space<hbm>>) target(%dma_start3A_215 : memref<128x16xi32, #tpu.memory_space<vmem>>) offsets(%dma_start3A_218 : memref<128xi32, #tpu.memory_space<vmem>>) semaphore(%arg11 : memref<!tpu.dma_semaphore, #tpu.memory_space<semaphore_mem>>)
      %dma_wait3A = arith.constant 0 : i32
      %dma_wait3A_222 = arith.constant 0 : i32
      %dma_wait3A_223 = arith.constant 0 : i32
      %dma_wait3A_224 = tpu.memref_slice %arg7[%dma_wait3A_222, %dma_wait3A_223] : memref<1280x16xi32, #tpu.memory_space<vmem>> -> memref<128x16xi32, #tpu.memory_space<vmem>>
      %dma_wait3A_225 = arith.constant 0 : i32
      %dma_wait3A_226 = tpu.memref_slice %arg5[%dma_wait3A, %dma_wait3A_225] : memref<10x128xi32, #tpu.memory_space<vmem>> -> memref<1x128xi32, #tpu.memory_space<vmem>>
      %dma_wait3A_227 = tpu.memref_squeeze %dma_wait3A_226 : memref<1x128xi32, #tpu.memory_space<vmem>> -> memref<128xi32, #tpu.memory_space<vmem>>
      %dma_wait3A_228 = arith.constant 0 : i32
      %dma_wait3A_229 = arith.constant 0 : i32
      %dma_wait3A_230 = tpu.memref_slice %arg3[%dma_wait3A_228, %dma_wait3A_229] : memref<1300416x16xi32, #tpu.memory_space<hbm>> -> memref<1300416x16xi32, #tpu.memory_space<hbm>>
      tpu.wait_indirect_dma semaphore(%arg10 : memref<!tpu.dma_semaphore, #tpu.memory_space<semaphore_mem>>) src(%dma_wait3A_230 : memref<1300416x16xi32, #tpu.memory_space<hbm>>) dst(%dma_wait3A_224 : memref<128x16xi32, #tpu.memory_space<vmem>>)
      %dma_wait3A_231 = arith.constant 0 : i32
      %dma_wait3A_232 = arith.constant 128 : i32
      %dma_wait3A_233 = arith.constant 0 : i32
      %dma_wait3A_234 = tpu.memref_slice %arg7[%dma_wait3A_232, %dma_wait3A_233] : memref<1280x16xi32, #tpu.memory_space<vmem>> -> memref<128x16xi32, #tpu.memory_space<vmem>>
      %dma_wait3A_235 = arith.constant 0 : i32
      %dma_wait3A_236 = tpu.memref_slice %arg5[%dma_wait3A_231, %dma_wait3A_235] : memref<10x128xi32, #tpu.memory_space<vmem>> -> memref<1x128xi32, #tpu.memory_space<vmem>>
      %dma_wait3A_237 = tpu.memref_squeeze %dma_wait3A_236 : memref<1x128xi32, #tpu.memory_space<vmem>> -> memref<128xi32, #tpu.memory_space<vmem>>
      %dma_wait3A_238 = arith.constant 0 : i32
      %dma_wait3A_239 = arith.constant 0 : i32
      %dma_wait3A_240 = tpu.memref_slice %arg3[%dma_wait3A_238, %dma_wait3A_239] : memref<1300416x16xi32, #tpu.memory_space<hbm>> -> memref<1300416x16xi32, #tpu.memory_space<hbm>>
      tpu.wait_indirect_dma semaphore(%arg10 : memref<!tpu.dma_semaphore, #tpu.memory_space<semaphore_mem>>) src(%dma_wait3A_240 : memref<1300416x16xi32, #tpu.memory_space<hbm>>) dst(%dma_wait3A_234 : memref<128x16xi32, #tpu.memory_space<vmem>>)
      %dma_wait3A_241 = arith.constant 0 : i32
      %dma_wait3A_242 = arith.constant 256 : i32
      %dma_wait3A_243 = arith.constant 0 : i32
      %dma_wait3A_244 = tpu.memref_slice %arg7[%dma_wait3A_242, %dma_wait3A_243] : memref<1280x16xi32, #tpu.memory_space<vmem>> -> memref<128x16xi32, #tpu.memory_space<vmem>>
      %dma_wait3A_245 = arith.constant 0 : i32
      %dma_wait3A_246 = tpu.memref_slice %arg5[%dma_wait3A_241, %dma_wait3A_245] : memref<10x128xi32, #tpu.memory_space<vmem>> -> memref<1x128xi32, #tpu.memory_space<vmem>>
      %dma_wait3A_247 = tpu.memref_squeeze %dma_wait3A_246 : memref<1x128xi32, #tpu.memory_space<vmem>> -> memref<128xi32, #tpu.memory_space<vmem>>
      %dma_wait3A_248 = arith.constant 0 : i32
      %dma_wait3A_249 = arith.constant 0 : i32
      %dma_wait3A_250 = tpu.memref_slice %arg3[%dma_wait3A_248, %dma_wait3A_249] : memref<1300416x16xi32, #tpu.memory_space<hbm>> -> memref<1300416x16xi32, #tpu.memory_space<hbm>>
      tpu.wait_indirect_dma semaphore(%arg10 : memref<!tpu.dma_semaphore, #tpu.memory_space<semaphore_mem>>) src(%dma_wait3A_250 : memref<1300416x16xi32, #tpu.memory_space<hbm>>) dst(%dma_wait3A_244 : memref<128x16xi32, #tpu.memory_space<vmem>>)
      %dma_wait3A_251 = arith.constant 0 : i32
      %dma_wait3A_252 = arith.constant 384 : i32
      %dma_wait3A_253 = arith.constant 0 : i32
      %dma_wait3A_254 = tpu.memref_slice %arg7[%dma_wait3A_252, %dma_wait3A_253] : memref<1280x16xi32, #tpu.memory_space<vmem>> -> memref<128x16xi32, #tpu.memory_space<vmem>>
      %dma_wait3A_255 = arith.constant 0 : i32
      %dma_wait3A_256 = tpu.memref_slice %arg5[%dma_wait3A_251, %dma_wait3A_255] : memref<10x128xi32, #tpu.memory_space<vmem>> -> memref<1x128xi32, #tpu.memory_space<vmem>>
      %dma_wait3A_257 = tpu.memref_squeeze %dma_wait3A_256 : memref<1x128xi32, #tpu.memory_space<vmem>> -> memref<128xi32, #tpu.memory_space<vmem>>
      %dma_wait3A_258 = arith.constant 0 : i32
      %dma_wait3A_259 = arith.constant 0 : i32
      %dma_wait3A_260 = tpu.memref_slice %arg3[%dma_wait3A_258, %dma_wait3A_259] : memref<1300416x16xi32, #tpu.memory_space<hbm>> -> memref<1300416x16xi32, #tpu.memory_space<hbm>>
      tpu.wait_indirect_dma semaphore(%arg10 : memref<!tpu.dma_semaphore, #tpu.memory_space<semaphore_mem>>) src(%dma_wait3A_260 : memref<1300416x16xi32, #tpu.memory_space<hbm>>) dst(%dma_wait3A_254 : memref<128x16xi32, #tpu.memory_space<vmem>>)
      %dma_wait3A_261 = arith.constant 0 : i32
      %dma_wait3A_262 = arith.constant 512 : i32
      %dma_wait3A_263 = arith.constant 0 : i32
      %dma_wait3A_264 = tpu.memref_slice %arg7[%dma_wait3A_262, %dma_wait3A_263] : memref<1280x16xi32, #tpu.memory_space<vmem>> -> memref<128x16xi32, #tpu.memory_space<vmem>>
      %dma_wait3A_265 = arith.constant 0 : i32
      %dma_wait3A_266 = tpu.memref_slice %arg5[%dma_wait3A_261, %dma_wait3A_265] : memref<10x128xi32, #tpu.memory_space<vmem>> -> memref<1x128xi32, #tpu.memory_space<vmem>>
      %dma_wait3A_267 = tpu.memref_squeeze %dma_wait3A_266 : memref<1x128xi32, #tpu.memory_space<vmem>> -> memref<128xi32, #tpu.memory_space<vmem>>
      %dma_wait3A_268 = arith.constant 0 : i32
      %dma_wait3A_269 = arith.constant 0 : i32
      %dma_wait3A_270 = tpu.memref_slice %arg3[%dma_wait3A_268, %dma_wait3A_269] : memref<1300416x16xi32, #tpu.memory_space<hbm>> -> memref<1300416x16xi32, #tpu.memory_space<hbm>>
      tpu.wait_indirect_dma semaphore(%arg10 : memref<!tpu.dma_semaphore, #tpu.memory_space<semaphore_mem>>) src(%dma_wait3A_270 : memref<1300416x16xi32, #tpu.memory_space<hbm>>) dst(%dma_wait3A_264 : memref<128x16xi32, #tpu.memory_space<vmem>>)
      %dma_wait3A_271 = arith.constant 0 : i32
      %dma_wait3A_272 = arith.constant 640 : i32
      %dma_wait3A_273 = arith.constant 0 : i32
      %dma_wait3A_274 = tpu.memref_slice %arg7[%dma_wait3A_272, %dma_wait3A_273] : memref<1280x16xi32, #tpu.memory_space<vmem>> -> memref<128x16xi32, #tpu.memory_space<vmem>>
      %dma_wait3A_275 = arith.constant 0 : i32
      %dma_wait3A_276 = tpu.memref_slice %arg5[%dma_wait3A_271, %dma_wait3A_275] : memref<10x128xi32, #tpu.memory_space<vmem>> -> memref<1x128xi32, #tpu.memory_space<vmem>>
      %dma_wait3A_277 = tpu.memref_squeeze %dma_wait3A_276 : memref<1x128xi32, #tpu.memory_space<vmem>> -> memref<128xi32, #tpu.memory_space<vmem>>
      %dma_wait3A_278 = arith.constant 0 : i32
      %dma_wait3A_279 = arith.constant 0 : i32
      %dma_wait3A_280 = tpu.memref_slice %arg3[%dma_wait3A_278, %dma_wait3A_279] : memref<1300416x16xi32, #tpu.memory_space<hbm>> -> memref<1300416x16xi32, #tpu.memory_space<hbm>>
      tpu.wait_indirect_dma semaphore(%arg10 : memref<!tpu.dma_semaphore, #tpu.memory_space<semaphore_mem>>) src(%dma_wait3A_280 : memref<1300416x16xi32, #tpu.memory_space<hbm>>) dst(%dma_wait3A_274 : memref<128x16xi32, #tpu.memory_space<vmem>>)
      %dma_wait3A_281 = arith.constant 0 : i32
      %dma_wait3A_282 = arith.constant 768 : i32
      %dma_wait3A_283 = arith.constant 0 : i32
      %dma_wait3A_284 = tpu.memref_slice %arg7[%dma_wait3A_282, %dma_wait3A_283] : memref<1280x16xi32, #tpu.memory_space<vmem>> -> memref<128x16xi32, #tpu.memory_space<vmem>>
      %dma_wait3A_285 = arith.constant 0 : i32
      %dma_wait3A_286 = tpu.memref_slice %arg5[%dma_wait3A_281, %dma_wait3A_285] : memref<10x128xi32, #tpu.memory_space<vmem>> -> memref<1x128xi32, #tpu.memory_space<vmem>>
      %dma_wait3A_287 = tpu.memref_squeeze %dma_wait3A_286 : memref<1x128xi32, #tpu.memory_space<vmem>> -> memref<128xi32, #tpu.memory_space<vmem>>
      %dma_wait3A_288 = arith.constant 0 : i32
      %dma_wait3A_289 = arith.constant 0 : i32
      %dma_wait3A_290 = tpu.memref_slice %arg3[%dma_wait3A_288, %dma_wait3A_289] : memref<1300416x16xi32, #tpu.memory_space<hbm>> -> memref<1300416x16xi32, #tpu.memory_space<hbm>>
      tpu.wait_indirect_dma semaphore(%arg10 : memref<!tpu.dma_semaphore, #tpu.memory_space<semaphore_mem>>) src(%dma_wait3A_290 : memref<1300416x16xi32, #tpu.memory_space<hbm>>) dst(%dma_wait3A_284 : memref<128x16xi32, #tpu.memory_space<vmem>>)
      %dma_wait3A_291 = arith.constant 0 : i32
      %dma_wait3A_292 = arith.constant 896 : i32
      %dma_wait3A_293 = arith.constant 0 : i32
      %dma_wait3A_294 = tpu.memref_slice %arg7[%dma_wait3A_292, %dma_wait3A_293] : memref<1280x16xi32, #tpu.memory_space<vmem>> -> memref<128x16xi32, #tpu.memory_space<vmem>>
      %dma_wait3A_295 = arith.constant 0 : i32
      %dma_wait3A_296 = tpu.memref_slice %arg5[%dma_wait3A_291, %dma_wait3A_295] : memref<10x128xi32, #tpu.memory_space<vmem>> -> memref<1x128xi32, #tpu.memory_space<vmem>>
      %dma_wait3A_297 = tpu.memref_squeeze %dma_wait3A_296 : memref<1x128xi32, #tpu.memory_space<vmem>> -> memref<128xi32, #tpu.memory_space<vmem>>
      %dma_wait3A_298 = arith.constant 0 : i32
      %dma_wait3A_299 = arith.constant 0 : i32
      %dma_wait3A_300 = tpu.memref_slice %arg3[%dma_wait3A_298, %dma_wait3A_299] : memref<1300416x16xi32, #tpu.memory_space<hbm>> -> memref<1300416x16xi32, #tpu.memory_space<hbm>>
      tpu.wait_indirect_dma semaphore(%arg10 : memref<!tpu.dma_semaphore, #tpu.memory_space<semaphore_mem>>) src(%dma_wait3A_300 : memref<1300416x16xi32, #tpu.memory_space<hbm>>) dst(%dma_wait3A_294 : memref<128x16xi32, #tpu.memory_space<vmem>>)
      %dma_wait3A_301 = arith.constant 0 : i32
      %dma_wait3A_302 = arith.constant 1024 : i32
      %dma_wait3A_303 = arith.constant 0 : i32
      %dma_wait3A_304 = tpu.memref_slice %arg7[%dma_wait3A_302, %dma_wait3A_303] : memref<1280x16xi32, #tpu.memory_space<vmem>> -> memref<128x16xi32, #tpu.memory_space<vmem>>
      %dma_wait3A_305 = arith.constant 0 : i32
      %dma_wait3A_306 = tpu.memref_slice %arg5[%dma_wait3A_301, %dma_wait3A_305] : memref<10x128xi32, #tpu.memory_space<vmem>> -> memref<1x128xi32, #tpu.memory_space<vmem>>
      %dma_wait3A_307 = tpu.memref_squeeze %dma_wait3A_306 : memref<1x128xi32, #tpu.memory_space<vmem>> -> memref<128xi32, #tpu.memory_space<vmem>>
      %dma_wait3A_308 = arith.constant 0 : i32
      %dma_wait3A_309 = arith.constant 0 : i32
      %dma_wait3A_310 = tpu.memref_slice %arg3[%dma_wait3A_308, %dma_wait3A_309] : memref<1300416x16xi32, #tpu.memory_space<hbm>> -> memref<1300416x16xi32, #tpu.memory_space<hbm>>
      tpu.wait_indirect_dma semaphore(%arg10 : memref<!tpu.dma_semaphore, #tpu.memory_space<semaphore_mem>>) src(%dma_wait3A_310 : memref<1300416x16xi32, #tpu.memory_space<hbm>>) dst(%dma_wait3A_304 : memref<128x16xi32, #tpu.memory_space<vmem>>)
      %dma_wait3A_311 = arith.constant 0 : i32
      %dma_wait3A_312 = arith.constant 1152 : i32
      %dma_wait3A_313 = arith.constant 0 : i32
      %dma_wait3A_314 = tpu.memref_slice %arg7[%dma_wait3A_312, %dma_wait3A_313] : memref<1280x16xi32, #tpu.memory_space<vmem>> -> memref<128x16xi32, #tpu.memory_space<vmem>>
      %dma_wait3A_315 = arith.constant 0 : i32
      %dma_wait3A_316 = tpu.memref_slice %arg5[%dma_wait3A_311, %dma_wait3A_315] : memref<10x128xi32, #tpu.memory_space<vmem>> -> memref<1x128xi32, #tpu.memory_space<vmem>>
      %dma_wait3A_317 = tpu.memref_squeeze %dma_wait3A_316 : memref<1x128xi32, #tpu.memory_space<vmem>> -> memref<128xi32, #tpu.memory_space<vmem>>
      %dma_wait3A_318 = arith.constant 0 : i32
      %dma_wait3A_319 = arith.constant 0 : i32
      %dma_wait3A_320 = tpu.memref_slice %arg3[%dma_wait3A_318, %dma_wait3A_319] : memref<1300416x16xi32, #tpu.memory_space<hbm>> -> memref<1300416x16xi32, #tpu.memory_space<hbm>>
      tpu.wait_indirect_dma semaphore(%arg10 : memref<!tpu.dma_semaphore, #tpu.memory_space<semaphore_mem>>) src(%dma_wait3A_320 : memref<1300416x16xi32, #tpu.memory_space<hbm>>) dst(%dma_wait3A_314 : memref<128x16xi32, #tpu.memory_space<vmem>>)
      %scan3A_321 = arith.constant 0 : i32
      %scan3A_322 = arith.constant 0 : i32
      %scan3A_323 = arith.constant 64 : i32
      %scan3A_324 = arith.addi %scan3A_322, %scan3A_323 : i32
      %scan3A_325 = arith.constant 1 : i32
      scf.for %scan3A_437 = %scan3A_322 to %scan3A_324 step %scan3A_325  : i32 {
        %mul3A_438 = arith.constant 20 : i32
        %mul3A_439 = arith.muli %scan3A_437, %mul3A_438 : i32
        %get3A = arith.index_cast %mul3A_439 : i32 to index
        %get3A_440 = arith.constant 0 : index
        %get3A_441 = tpu.vector_load %arg7[%get3A, %get3A_440] {strides = array<i32>} : memref<1280x16xi32, #tpu.memory_space<vmem>>, vector<1x16xi32>,
        %get3A_442 = vector.shape_cast %get3A_441 : vector<1x16xi32> to vector<16xi32>
        %shift_left3A = arith.shli %get3A_442, %broadcast_in_dim3A_3 : vector<16xi32>
        %bitcast_convert_type3A = tpu.bitcast %shift_left3A : vector<16xi32> -> vector<16xf32>
        %and3A = arith.andi %get3A_442, %broadcast_in_dim3A_1 : vector<16xi32>
        %bitcast_convert_type3A_443 = tpu.bitcast %and3A : vector<16xi32> -> vector<16xf32>
        %add3A_444 = arith.constant 1 : i32
        %add3A_445 = arith.addi %mul3A_439, %add3A_444 : i32
        %get3A_446 = arith.index_cast %add3A_445 : i32 to index
        %get3A_447 = arith.constant 0 : index
        %get3A_448 = tpu.vector_load %arg7[%get3A_446, %get3A_447] {strides = array<i32>} : memref<1280x16xi32, #tpu.memory_space<vmem>>, vector<1x16xi32>,
        %get3A_449 = vector.shape_cast %get3A_448 : vector<1x16xi32> to vector<16xi32>
        %shift_left3A_450 = arith.shli %get3A_449, %broadcast_in_dim3A_3 : vector<16xi32>
        %bitcast_convert_type3A_451 = tpu.bitcast %shift_left3A_450 : vector<16xi32> -> vector<16xf32>
        %and3A_452 = arith.andi %get3A_449, %broadcast_in_dim3A_1 : vector<16xi32>
        %bitcast_convert_type3A_453 = tpu.bitcast %and3A_452 : vector<16xi32> -> vector<16xf32>
        %add3A_454 = arith.constant 2 : i32
        %add3A_455 = arith.addi %mul3A_439, %add3A_454 : i32
        %get3A_456 = arith.index_cast %add3A_455 : i32 to index
        %get3A_457 = arith.constant 0 : index
        %get3A_458 = tpu.vector_load %arg7[%get3A_456, %get3A_457] {strides = array<i32>} : memref<1280x16xi32, #tpu.memory_space<vmem>>, vector<1x16xi32>,
        %get3A_459 = vector.shape_cast %get3A_458 : vector<1x16xi32> to vector<16xi32>
        %shift_left3A_460 = arith.shli %get3A_459, %broadcast_in_dim3A_3 : vector<16xi32>
        %bitcast_convert_type3A_461 = tpu.bitcast %shift_left3A_460 : vector<16xi32> -> vector<16xf32>
        %and3A_462 = arith.andi %get3A_459, %broadcast_in_dim3A_1 : vector<16xi32>
        %bitcast_convert_type3A_463 = tpu.bitcast %and3A_462 : vector<16xi32> -> vector<16xf32>
        %add3A_464 = arith.constant 2 : i32
        %add3A_465 = arith.addi %mul3A_439, %add3A_464 : i32
        %add3A_466 = arith.constant 1 : i32
        %add3A_467 = arith.addi %add3A_465, %add3A_466 : i32
        %get3A_468 = arith.index_cast %add3A_467 : i32 to index
        %get3A_469 = arith.constant 0 : index
        %get3A_470 = tpu.vector_load %arg7[%get3A_468, %get3A_469] {strides = array<i32>} : memref<1280x16xi32, #tpu.memory_space<vmem>>, vector<1x16xi32>,
        %get3A_471 = vector.shape_cast %get3A_470 : vector<1x16xi32> to vector<16xi32>
        %shift_left3A_472 = arith.shli %get3A_471, %broadcast_in_dim3A_3 : vector<16xi32>
        %bitcast_convert_type3A_473 = tpu.bitcast %shift_left3A_472 : vector<16xi32> -> vector<16xf32>
        %and3A_474 = arith.andi %get3A_471, %broadcast_in_dim3A_1 : vector<16xi32>
        %bitcast_convert_type3A_475 = tpu.bitcast %and3A_474 : vector<16xi32> -> vector<16xf32>
        %add3A_476 = arith.addf %bitcast_convert_type3A, %bitcast_convert_type3A_461 : vector<16xf32>
        %add3A_477 = arith.addf %bitcast_convert_type3A_443, %bitcast_convert_type3A_463 : vector<16xf32>
        %add3A_478 = arith.addf %bitcast_convert_type3A_451, %bitcast_convert_type3A_473 : vector<16xf32>
        %add3A_479 = arith.addf %bitcast_convert_type3A_453, %bitcast_convert_type3A_475 : vector<16xf32>
        %add3A_480 = arith.constant 4 : i32
        %add3A_481 = arith.addi %mul3A_439, %add3A_480 : i32
        %get3A_482 = arith.index_cast %add3A_481 : i32 to index
        %get3A_483 = arith.constant 0 : index
        %get3A_484 = tpu.vector_load %arg7[%get3A_482, %get3A_483] {strides = array<i32>} : memref<1280x16xi32, #tpu.memory_space<vmem>>, vector<1x16xi32>,
        %get3A_485 = vector.shape_cast %get3A_484 : vector<1x16xi32> to vector<16xi32>
        %shift_left3A_486 = arith.shli %get3A_485, %broadcast_in_dim3A_3 : vector<16xi32>
        %bitcast_convert_type3A_487 = tpu.bitcast %shift_left3A_486 : vector<16xi32> -> vector<16xf32>
        %and3A_488 = arith.andi %get3A_485, %broadcast_in_dim3A_1 : vector<16xi32>
        %bitcast_convert_type3A_489 = tpu.bitcast %and3A_488 : vector<16xi32> -> vector<16xf32>
        %add3A_490 = arith.constant 4 : i32
        %add3A_491 = arith.addi %mul3A_439, %add3A_490 : i32
        %add3A_492 = arith.constant 1 : i32
        %add3A_493 = arith.addi %add3A_491, %add3A_492 : i32
        %get3A_494 = arith.index_cast %add3A_493 : i32 to index
        %get3A_495 = arith.constant 0 : index
        %get3A_496 = tpu.vector_load %arg7[%get3A_494, %get3A_495] {strides = array<i32>} : memref<1280x16xi32, #tpu.memory_space<vmem>>, vector<1x16xi32>,
        %get3A_497 = vector.shape_cast %get3A_496 : vector<1x16xi32> to vector<16xi32>
        %shift_left3A_498 = arith.shli %get3A_497, %broadcast_in_dim3A_3 : vector<16xi32>
        %bitcast_convert_type3A_499 = tpu.bitcast %shift_left3A_498 : vector<16xi32> -> vector<16xf32>
        %and3A_500 = arith.andi %get3A_497, %broadcast_in_dim3A_1 : vector<16xi32>
        %bitcast_convert_type3A_501 = tpu.bitcast %and3A_500 : vector<16xi32> -> vector<16xf32>
        %add3A_502 = arith.addf %add3A_476, %bitcast_convert_type3A_487 : vector<16xf32>
        %add3A_503 = arith.addf %add3A_477, %bitcast_convert_type3A_489 : vector<16xf32>
        %add3A_504 = arith.addf %add3A_478, %bitcast_convert_type3A_499 : vector<16xf32>
        %add3A_505 = arith.addf %add3A_479, %bitcast_convert_type3A_501 : vector<16xf32>
        %add3A_506 = arith.constant 6 : i32
        %add3A_507 = arith.addi %mul3A_439, %add3A_506 : i32
        %get3A_508 = arith.index_cast %add3A_507 : i32 to index
        %get3A_509 = arith.constant 0 : index
        %get3A_510 = tpu.vector_load %arg7[%get3A_508, %get3A_509] {strides = array<i32>} : memref<1280x16xi32, #tpu.memory_space<vmem>>, vector<1x16xi32>,
        %get3A_511 = vector.shape_cast %get3A_510 : vector<1x16xi32> to vector<16xi32>
        %shift_left3A_512 = arith.shli %get3A_511, %broadcast_in_dim3A_3 : vector<16xi32>
        %bitcast_convert_type3A_513 = tpu.bitcast %shift_left3A_512 : vector<16xi32> -> vector<16xf32>
        %and3A_514 = arith.andi %get3A_511, %broadcast_in_dim3A_1 : vector<16xi32>
        %bitcast_convert_type3A_515 = tpu.bitcast %and3A_514 : vector<16xi32> -> vector<16xf32>
        %add3A_516 = arith.constant 6 : i32
        %add3A_517 = arith.addi %mul3A_439, %add3A_516 : i32
        %add3A_518 = arith.constant 1 : i32
        %add3A_519 = arith.addi %add3A_517, %add3A_518 : i32
        %get3A_520 = arith.index_cast %add3A_519 : i32 to index
        %get3A_521 = arith.constant 0 : index
        %get3A_522 = tpu.vector_load %arg7[%get3A_520, %get3A_521] {strides = array<i32>} : memref<1280x16xi32, #tpu.memory_space<vmem>>, vector<1x16xi32>,
        %get3A_523 = vector.shape_cast %get3A_522 : vector<1x16xi32> to vector<16xi32>
        %shift_left3A_524 = arith.shli %get3A_523, %broadcast_in_dim3A_3 : vector<16xi32>
        %bitcast_convert_type3A_525 = tpu.bitcast %shift_left3A_524 : vector<16xi32> -> vector<16xf32>
        %and3A_526 = arith.andi %get3A_523, %broadcast_in_dim3A_1 : vector<16xi32>
        %bitcast_convert_type3A_527 = tpu.bitcast %and3A_526 : vector<16xi32> -> vector<16xf32>
        %add3A_528 = arith.addf %add3A_502, %bitcast_convert_type3A_513 : vector<16xf32>
        %add3A_529 = arith.addf %add3A_503, %bitcast_convert_type3A_515 : vector<16xf32>
        %add3A_530 = arith.addf %add3A_504, %bitcast_convert_type3A_525 : vector<16xf32>
        %add3A_531 = arith.addf %add3A_505, %bitcast_convert_type3A_527 : vector<16xf32>
        %add3A_532 = arith.constant 8 : i32
        %add3A_533 = arith.addi %mul3A_439, %add3A_532 : i32
        %get3A_534 = arith.index_cast %add3A_533 : i32 to index
        %get3A_535 = arith.constant 0 : index
        %get3A_536 = tpu.vector_load %arg7[%get3A_534, %get3A_535] {strides = array<i32>} : memref<1280x16xi32, #tpu.memory_space<vmem>>, vector<1x16xi32>,
        %get3A_537 = vector.shape_cast %get3A_536 : vector<1x16xi32> to vector<16xi32>
        %shift_left3A_538 = arith.shli %get3A_537, %broadcast_in_dim3A_3 : vector<16xi32>
        %bitcast_convert_type3A_539 = tpu.bitcast %shift_left3A_538 : vector<16xi32> -> vector<16xf32>
        %and3A_540 = arith.andi %get3A_537, %broadcast_in_dim3A_1 : vector<16xi32>
        %bitcast_convert_type3A_541 = tpu.bitcast %and3A_540 : vector<16xi32> -> vector<16xf32>
        %add3A_542 = arith.constant 8 : i32
        %add3A_543 = arith.addi %mul3A_439, %add3A_542 : i32
        %add3A_544 = arith.constant 1 : i32
        %add3A_545 = arith.addi %add3A_543, %add3A_544 : i32
        %get3A_546 = arith.index_cast %add3A_545 : i32 to index
        %get3A_547 = arith.constant 0 : index
        %get3A_548 = tpu.vector_load %arg7[%get3A_546, %get3A_547] {strides = array<i32>} : memref<1280x16xi32, #tpu.memory_space<vmem>>, vector<1x16xi32>,
        %get3A_549 = vector.shape_cast %get3A_548 : vector<1x16xi32> to vector<16xi32>
        %shift_left3A_550 = arith.shli %get3A_549, %broadcast_in_dim3A_3 : vector<16xi32>
        %bitcast_convert_type3A_551 = tpu.bitcast %shift_left3A_550 : vector<16xi32> -> vector<16xf32>
        %and3A_552 = arith.andi %get3A_549, %broadcast_in_dim3A_1 : vector<16xi32>
        %bitcast_convert_type3A_553 = tpu.bitcast %and3A_552 : vector<16xi32> -> vector<16xf32>
        %add3A_554 = arith.addf %add3A_528, %bitcast_convert_type3A_539 : vector<16xf32>
        %add3A_555 = arith.addf %add3A_529, %bitcast_convert_type3A_541 : vector<16xf32>
        %add3A_556 = arith.addf %add3A_530, %bitcast_convert_type3A_551 : vector<16xf32>
        %add3A_557 = arith.addf %add3A_531, %bitcast_convert_type3A_553 : vector<16xf32>
        %add3A_558 = arith.constant 10 : i32
        %add3A_559 = arith.addi %mul3A_439, %add3A_558 : i32
        %get3A_560 = arith.index_cast %add3A_559 : i32 to index
        %get3A_561 = arith.constant 0 : index
        %get3A_562 = tpu.vector_load %arg7[%get3A_560, %get3A_561] {strides = array<i32>} : memref<1280x16xi32, #tpu.memory_space<vmem>>, vector<1x16xi32>,
        %get3A_563 = vector.shape_cast %get3A_562 : vector<1x16xi32> to vector<16xi32>
        %shift_left3A_564 = arith.shli %get3A_563, %broadcast_in_dim3A_3 : vector<16xi32>
        %bitcast_convert_type3A_565 = tpu.bitcast %shift_left3A_564 : vector<16xi32> -> vector<16xf32>
        %and3A_566 = arith.andi %get3A_563, %broadcast_in_dim3A_1 : vector<16xi32>
        %bitcast_convert_type3A_567 = tpu.bitcast %and3A_566 : vector<16xi32> -> vector<16xf32>
        %add3A_568 = arith.constant 10 : i32
        %add3A_569 = arith.addi %mul3A_439, %add3A_568 : i32
        %add3A_570 = arith.constant 1 : i32
        %add3A_571 = arith.addi %add3A_569, %add3A_570 : i32
        %get3A_572 = arith.index_cast %add3A_571 : i32 to index
        %get3A_573 = arith.constant 0 : index
        %get3A_574 = tpu.vector_load %arg7[%get3A_572, %get3A_573] {strides = array<i32>} : memref<1280x16xi32, #tpu.memory_space<vmem>>, vector<1x16xi32>,
        %get3A_575 = vector.shape_cast %get3A_574 : vector<1x16xi32> to vector<16xi32>
        %shift_left3A_576 = arith.shli %get3A_575, %broadcast_in_dim3A_3 : vector<16xi32>
        %bitcast_convert_type3A_577 = tpu.bitcast %shift_left3A_576 : vector<16xi32> -> vector<16xf32>
        %and3A_578 = arith.andi %get3A_575, %broadcast_in_dim3A_1 : vector<16xi32>
        %bitcast_convert_type3A_579 = tpu.bitcast %and3A_578 : vector<16xi32> -> vector<16xf32>
        %add3A_580 = arith.addf %add3A_554, %bitcast_convert_type3A_565 : vector<16xf32>
        %add3A_581 = arith.addf %add3A_555, %bitcast_convert_type3A_567 : vector<16xf32>
        %add3A_582 = arith.addf %add3A_556, %bitcast_convert_type3A_577 : vector<16xf32>
        %add3A_583 = arith.addf %add3A_557, %bitcast_convert_type3A_579 : vector<16xf32>
        %add3A_584 = arith.constant 12 : i32
        %add3A_585 = arith.addi %mul3A_439, %add3A_584 : i32
        %get3A_586 = arith.index_cast %add3A_585 : i32 to index
        %get3A_587 = arith.constant 0 : index
        %get3A_588 = tpu.vector_load %arg7[%get3A_586, %get3A_587] {strides = array<i32>} : memref<1280x16xi32, #tpu.memory_space<vmem>>, vector<1x16xi32>,
        %get3A_589 = vector.shape_cast %get3A_588 : vector<1x16xi32> to vector<16xi32>
        %shift_left3A_590 = arith.shli %get3A_589, %broadcast_in_dim3A_3 : vector<16xi32>
        %bitcast_convert_type3A_591 = tpu.bitcast %shift_left3A_590 : vector<16xi32> -> vector<16xf32>
        %and3A_592 = arith.andi %get3A_589, %broadcast_in_dim3A_1 : vector<16xi32>
        %bitcast_convert_type3A_593 = tpu.bitcast %and3A_592 : vector<16xi32> -> vector<16xf32>
        %add3A_594 = arith.constant 12 : i32
        %add3A_595 = arith.addi %mul3A_439, %add3A_594 : i32
        %add3A_596 = arith.constant 1 : i32
        %add3A_597 = arith.addi %add3A_595, %add3A_596 : i32
        %get3A_598 = arith.index_cast %add3A_597 : i32 to index
        %get3A_599 = arith.constant 0 : index
        %get3A_600 = tpu.vector_load %arg7[%get3A_598, %get3A_599] {strides = array<i32>} : memref<1280x16xi32, #tpu.memory_space<vmem>>, vector<1x16xi32>,
        %get3A_601 = vector.shape_cast %get3A_600 : vector<1x16xi32> to vector<16xi32>
        %shift_left3A_602 = arith.shli %get3A_601, %broadcast_in_dim3A_3 : vector<16xi32>
        %bitcast_convert_type3A_603 = tpu.bitcast %shift_left3A_602 : vector<16xi32> -> vector<16xf32>
        %and3A_604 = arith.andi %get3A_601, %broadcast_in_dim3A_1 : vector<16xi32>
        %bitcast_convert_type3A_605 = tpu.bitcast %and3A_604 : vector<16xi32> -> vector<16xf32>
        %add3A_606 = arith.addf %add3A_580, %bitcast_convert_type3A_591 : vector<16xf32>
        %add3A_607 = arith.addf %add3A_581, %bitcast_convert_type3A_593 : vector<16xf32>
        %add3A_608 = arith.addf %add3A_582, %bitcast_convert_type3A_603 : vector<16xf32>
        %add3A_609 = arith.addf %add3A_583, %bitcast_convert_type3A_605 : vector<16xf32>
        %add3A_610 = arith.constant 14 : i32
        %add3A_611 = arith.addi %mul3A_439, %add3A_610 : i32
        %get3A_612 = arith.index_cast %add3A_611 : i32 to index
        %get3A_613 = arith.constant 0 : index
        %get3A_614 = tpu.vector_load %arg7[%get3A_612, %get3A_613] {strides = array<i32>} : memref<1280x16xi32, #tpu.memory_space<vmem>>, vector<1x16xi32>,
        %get3A_615 = vector.shape_cast %get3A_614 : vector<1x16xi32> to vector<16xi32>
        %shift_left3A_616 = arith.shli %get3A_615, %broadcast_in_dim3A_3 : vector<16xi32>
        %bitcast_convert_type3A_617 = tpu.bitcast %shift_left3A_616 : vector<16xi32> -> vector<16xf32>
        %and3A_618 = arith.andi %get3A_615, %broadcast_in_dim3A_1 : vector<16xi32>
        %bitcast_convert_type3A_619 = tpu.bitcast %and3A_618 : vector<16xi32> -> vector<16xf32>
        %add3A_620 = arith.constant 14 : i32
        %add3A_621 = arith.addi %mul3A_439, %add3A_620 : i32
        %add3A_622 = arith.constant 1 : i32
        %add3A_623 = arith.addi %add3A_621, %add3A_622 : i32
        %get3A_624 = arith.index_cast %add3A_623 : i32 to index
        %get3A_625 = arith.constant 0 : index
        %get3A_626 = tpu.vector_load %arg7[%get3A_624, %get3A_625] {strides = array<i32>} : memref<1280x16xi32, #tpu.memory_space<vmem>>, vector<1x16xi32>,
        %get3A_627 = vector.shape_cast %get3A_626 : vector<1x16xi32> to vector<16xi32>
        %shift_left3A_628 = arith.shli %get3A_627, %broadcast_in_dim3A_3 : vector<16xi32>
        %bitcast_convert_type3A_629 = tpu.bitcast %shift_left3A_628 : vector<16xi32> -> vector<16xf32>
        %and3A_630 = arith.andi %get3A_627, %broadcast_in_dim3A_1 : vector<16xi32>
        %bitcast_convert_type3A_631 = tpu.bitcast %and3A_630 : vector<16xi32> -> vector<16xf32>
        %add3A_632 = arith.addf %add3A_606, %bitcast_convert_type3A_617 : vector<16xf32>
        %add3A_633 = arith.addf %add3A_607, %bitcast_convert_type3A_619 : vector<16xf32>
        %add3A_634 = arith.addf %add3A_608, %bitcast_convert_type3A_629 : vector<16xf32>
        %add3A_635 = arith.addf %add3A_609, %bitcast_convert_type3A_631 : vector<16xf32>
        %add3A_636 = arith.constant 16 : i32
        %add3A_637 = arith.addi %mul3A_439, %add3A_636 : i32
        %get3A_638 = arith.index_cast %add3A_637 : i32 to index
        %get3A_639 = arith.constant 0 : index
        %get3A_640 = tpu.vector_load %arg7[%get3A_638, %get3A_639] {strides = array<i32>} : memref<1280x16xi32, #tpu.memory_space<vmem>>, vector<1x16xi32>,
        %get3A_641 = vector.shape_cast %get3A_640 : vector<1x16xi32> to vector<16xi32>
        %shift_left3A_642 = arith.shli %get3A_641, %broadcast_in_dim3A_3 : vector<16xi32>
        %bitcast_convert_type3A_643 = tpu.bitcast %shift_left3A_642 : vector<16xi32> -> vector<16xf32>
        %and3A_644 = arith.andi %get3A_641, %broadcast_in_dim3A_1 : vector<16xi32>
        %bitcast_convert_type3A_645 = tpu.bitcast %and3A_644 : vector<16xi32> -> vector<16xf32>
        %add3A_646 = arith.constant 16 : i32
        %add3A_647 = arith.addi %mul3A_439, %add3A_646 : i32
        %add3A_648 = arith.constant 1 : i32
        %add3A_649 = arith.addi %add3A_647, %add3A_648 : i32
        %get3A_650 = arith.index_cast %add3A_649 : i32 to index
        %get3A_651 = arith.constant 0 : index
        %get3A_652 = tpu.vector_load %arg7[%get3A_650, %get3A_651] {strides = array<i32>} : memref<1280x16xi32, #tpu.memory_space<vmem>>, vector<1x16xi32>,
        %get3A_653 = vector.shape_cast %get3A_652 : vector<1x16xi32> to vector<16xi32>
        %shift_left3A_654 = arith.shli %get3A_653, %broadcast_in_dim3A_3 : vector<16xi32>
        %bitcast_convert_type3A_655 = tpu.bitcast %shift_left3A_654 : vector<16xi32> -> vector<16xf32>
        %and3A_656 = arith.andi %get3A_653, %broadcast_in_dim3A_1 : vector<16xi32>
        %bitcast_convert_type3A_657 = tpu.bitcast %and3A_656 : vector<16xi32> -> vector<16xf32>
        %add3A_658 = arith.addf %add3A_632, %bitcast_convert_type3A_643 : vector<16xf32>
        %add3A_659 = arith.addf %add3A_633, %bitcast_convert_type3A_645 : vector<16xf32>
        %add3A_660 = arith.addf %add3A_634, %bitcast_convert_type3A_655 : vector<16xf32>
        %add3A_661 = arith.addf %add3A_635, %bitcast_convert_type3A_657 : vector<16xf32>
        %add3A_662 = arith.constant 18 : i32
        %add3A_663 = arith.addi %mul3A_439, %add3A_662 : i32
        %get3A_664 = arith.index_cast %add3A_663 : i32 to index
        %get3A_665 = arith.constant 0 : index
        %get3A_666 = tpu.vector_load %arg7[%get3A_664, %get3A_665] {strides = array<i32>} : memref<1280x16xi32, #tpu.memory_space<vmem>>, vector<1x16xi32>,
        %get3A_667 = vector.shape_cast %get3A_666 : vector<1x16xi32> to vector<16xi32>
        %shift_left3A_668 = arith.shli %get3A_667, %broadcast_in_dim3A_3 : vector<16xi32>
        %bitcast_convert_type3A_669 = tpu.bitcast %shift_left3A_668 : vector<16xi32> -> vector<16xf32>
        %and3A_670 = arith.andi %get3A_667, %broadcast_in_dim3A_1 : vector<16xi32>
        %bitcast_convert_type3A_671 = tpu.bitcast %and3A_670 : vector<16xi32> -> vector<16xf32>
        %add3A_672 = arith.constant 18 : i32
        %add3A_673 = arith.addi %mul3A_439, %add3A_672 : i32
        %add3A_674 = arith.constant 1 : i32
        %add3A_675 = arith.addi %add3A_673, %add3A_674 : i32
        %get3A_676 = arith.index_cast %add3A_675 : i32 to index
        %get3A_677 = arith.constant 0 : index
        %get3A_678 = tpu.vector_load %arg7[%get3A_676, %get3A_677] {strides = array<i32>} : memref<1280x16xi32, #tpu.memory_space<vmem>>, vector<1x16xi32>,
        %get3A_679 = vector.shape_cast %get3A_678 : vector<1x16xi32> to vector<16xi32>
        %shift_left3A_680 = arith.shli %get3A_679, %broadcast_in_dim3A_3 : vector<16xi32>
        %bitcast_convert_type3A_681 = tpu.bitcast %shift_left3A_680 : vector<16xi32> -> vector<16xf32>
        %and3A_682 = arith.andi %get3A_679, %broadcast_in_dim3A_1 : vector<16xi32>
        %bitcast_convert_type3A_683 = tpu.bitcast %and3A_682 : vector<16xi32> -> vector<16xf32>
        %add3A_684 = arith.addf %add3A_658, %bitcast_convert_type3A_669 : vector<16xf32>
        %add3A_685 = arith.addf %add3A_659, %bitcast_convert_type3A_671 : vector<16xf32>
        %add3A_686 = arith.addf %add3A_660, %bitcast_convert_type3A_681 : vector<16xf32>
        %add3A_687 = arith.addf %add3A_661, %bitcast_convert_type3A_683 : vector<16xf32>
        %add3A_688 = arith.addf %add3A_684, %add3A_686 : vector<16xf32>
        %add3A_689 = arith.constant 0 : i32
        %add3A_690 = arith.addi %add3A_689, %scan3A_437 : i32
        %swap3A = arith.index_cast %add3A_690 : i32 to index
        %swap3A_691 = arith.constant 0 : index
        %swap3A_692 = tpu.vector_load %arg9[%swap3A, %swap3A_691] {strides = array<i32>} : memref<128x32xf32, #tpu.memory_space<vmem>>, vector<1x16xf32>,
        %swap3A_693 = vector.shape_cast %swap3A_692 : vector<1x16xf32> to vector<16xf32>
        %swap3A_694 = vector.shape_cast %add3A_688 : vector<16xf32> to vector<1x16xf32>
        tpu.vector_store %arg9[%swap3A, %swap3A_691], %swap3A_694 {strides = array<i32>} : memref<128x32xf32, #tpu.memory_space<vmem>>, vector<1x16xf32>,
        %add3A_695 = arith.addf %add3A_685, %add3A_687 : vector<16xf32>
        %add3A_696 = arith.constant 0 : i32
        %add3A_697 = arith.addi %add3A_696, %scan3A_437 : i32
        %swap3A_698 = arith.index_cast %add3A_697 : i32 to index
        %swap3A_699 = arith.constant 16 : index
        %swap3A_700 = tpu.vector_load %arg9[%swap3A_698, %swap3A_699] {strides = array<i32>} : memref<128x32xf32, #tpu.memory_space<vmem>>, vector<1x16xf32>,
        %swap3A_701 = vector.shape_cast %swap3A_700 : vector<1x16xf32> to vector<16xf32>
        %swap3A_702 = vector.shape_cast %add3A_695 : vector<16xf32> to vector<1x16xf32>
        tpu.vector_store %arg9[%swap3A_698, %swap3A_699], %swap3A_702 {strides = array<i32>} : memref<128x32xf32, #tpu.memory_space<vmem>>, vector<1x16xf32>,
      }
      %scan3A_326 = arith.constant 64 : i32
      %lt3A = arith.constant 12 : i32
      %lt3A_327 = arith.cmpi slt, %scan3A_112, %lt3A : i32
      %convert_element_type3A = arith.extui %lt3A_327 : i1 to i32
      %cond3A = arith.constant 0 : i32
      %cond3A_328 = arith.cmpi ne, %convert_element_type3A, %cond3A : i32
      scf.if %cond3A_328 {
        %add3A_437 = arith.constant 64 : i32
        %add3A_438 = arith.addi %mul3A_119, %add3A_437 : i32
        "tpu.region"() ({
          %run_scoped3A = tpu.sem_alloc : memref<!tpu.dma_semaphore, #tpu.memory_space<semaphore_mem>>
          %dma_start3A_539 = arith.constant 0 : i32
          %dma_start3A_540 = arith.constant 0 : i32
          %dma_start3A_541 = tpu.memref_slice %arg2[%add3A_438, %dma_start3A_539, %dma_start3A_540] : memref<1664x10x128xi32, #tpu.memory_space<hbm>> -> memref<1x10x128xi32, #tpu.memory_space<hbm>>
          %dma_start3A_542 = tpu.memref_squeeze %dma_start3A_541 : memref<1x10x128xi32, #tpu.memory_space<hbm>> -> memref<10x128xi32, #tpu.memory_space<hbm>>
          %dma_start3A_543 = arith.constant 0 : i32
          %dma_start3A_544 = arith.constant 0 : i32
          %dma_start3A_545 = tpu.memref_slice %arg2[%add3A_438, %dma_start3A_543, %dma_start3A_544] : memref<1664x10x128xi32, #tpu.memory_space<hbm>> -> memref<1x10x128xi32, #tpu.memory_space<hbm>>
          %dma_start3A_546 = tpu.memref_squeeze %dma_start3A_545 : memref<1x10x128xi32, #tpu.memory_space<hbm>> -> memref<10x128xi32, #tpu.memory_space<hbm>>
          tpu.enqueue_dma source(%dma_start3A_546 : memref<10x128xi32, #tpu.memory_space<hbm>>) target(%arg5 : memref<10x128xi32, #tpu.memory_space<vmem>>) target_semaphore(%run_scoped3A : memref<!tpu.dma_semaphore, #tpu.memory_space<semaphore_mem>>)
          %dma_wait3A_547 = arith.constant 0 : i32
          %dma_wait3A_548 = arith.constant 0 : i32
          %dma_wait3A_549 = tpu.memref_slice %arg2[%add3A_438, %dma_wait3A_547, %dma_wait3A_548] : memref<1664x10x128xi32, #tpu.memory_space<hbm>> -> memref<1x10x128xi32, #tpu.memory_space<hbm>>
          %dma_wait3A_550 = tpu.memref_squeeze %dma_wait3A_549 : memref<1x10x128xi32, #tpu.memory_space<hbm>> -> memref<10x128xi32, #tpu.memory_space<hbm>>
          %dma_wait3A_551 = arith.constant 0 : i32
          %dma_wait3A_552 = arith.constant 0 : i32
          %dma_wait3A_553 = tpu.memref_slice %arg2[%add3A_438, %dma_wait3A_551, %dma_wait3A_552] : memref<1664x10x128xi32, #tpu.memory_space<hbm>> -> memref<1x10x128xi32, #tpu.memory_space<hbm>>
          %dma_wait3A_554 = tpu.memref_squeeze %dma_wait3A_553 : memref<1x10x128xi32, #tpu.memory_space<hbm>> -> memref<10x128xi32, #tpu.memory_space<hbm>>
          tpu.wait_dma2 semaphore(%run_scoped3A : memref<!tpu.dma_semaphore, #tpu.memory_space<semaphore_mem>>) src(%dma_wait3A_554 : memref<10x128xi32, #tpu.memory_space<hbm>>) dst(%arg5 : memref<10x128xi32, #tpu.memory_space<vmem>>)
          tpu.yield
        }) : () -> ()
        %dma_start3A_439 = arith.constant 0 : i32
        %dma_start3A_440 = arith.constant 0 : i32
        %dma_start3A_441 = arith.constant 0 : i32
        %dma_start3A_442 = tpu.memref_slice %arg7[%dma_start3A_440, %dma_start3A_441] : memref<1280x16xi32, #tpu.memory_space<vmem>> -> memref<128x16xi32, #tpu.memory_space<vmem>>
        %dma_start3A_443 = arith.constant 0 : i32
        %dma_start3A_444 = tpu.memref_slice %arg5[%dma_start3A_439, %dma_start3A_443] : memref<10x128xi32, #tpu.memory_space<vmem>> -> memref<1x128xi32, #tpu.memory_space<vmem>>
        %dma_start3A_445 = tpu.memref_squeeze %dma_start3A_444 : memref<1x128xi32, #tpu.memory_space<vmem>> -> memref<128xi32, #tpu.memory_space<vmem>>
        %dma_start3A_446 = arith.constant 0 : i32
        %dma_start3A_447 = arith.constant 0 : i32
        %dma_start3A_448 = tpu.memref_slice %arg3[%dma_start3A_446, %dma_start3A_447] : memref<1300416x16xi32, #tpu.memory_space<hbm>> -> memref<1300416x16xi32, #tpu.memory_space<hbm>>
        tpu.enqueue_indirect_dma source(%dma_start3A_448 : memref<1300416x16xi32, #tpu.memory_space<hbm>>) target(%dma_start3A_442 : memref<128x16xi32, #tpu.memory_space<vmem>>) offsets(%dma_start3A_445 : memref<128xi32, #tpu.memory_space<vmem>>) semaphore(%arg10 : memref<!tpu.dma_semaphore, #tpu.memory_space<semaphore_mem>>)
        %dma_start3A_449 = arith.constant 1 : i32
        %dma_start3A_450 = arith.constant 128 : i32
        %dma_start3A_451 = arith.constant 0 : i32
        %dma_start3A_452 = tpu.memref_slice %arg7[%dma_start3A_450, %dma_start3A_451] : memref<1280x16xi32, #tpu.memory_space<vmem>> -> memref<128x16xi32, #tpu.memory_space<vmem>>
        %dma_start3A_453 = arith.constant 0 : i32
        %dma_start3A_454 = tpu.memref_slice %arg5[%dma_start3A_449, %dma_start3A_453] : memref<10x128xi32, #tpu.memory_space<vmem>> -> memref<1x128xi32, #tpu.memory_space<vmem>>
        %dma_start3A_455 = tpu.memref_squeeze %dma_start3A_454 : memref<1x128xi32, #tpu.memory_space<vmem>> -> memref<128xi32, #tpu.memory_space<vmem>>
        %dma_start3A_456 = arith.constant 0 : i32
        %dma_start3A_457 = arith.constant 0 : i32
        %dma_start3A_458 = tpu.memref_slice %arg3[%dma_start3A_456, %dma_start3A_457] : memref<1300416x16xi32, #tpu.memory_space<hbm>> -> memref<1300416x16xi32, #tpu.memory_space<hbm>>
        tpu.enqueue_indirect_dma source(%dma_start3A_458 : memref<1300416x16xi32, #tpu.memory_space<hbm>>) target(%dma_start3A_452 : memref<128x16xi32, #tpu.memory_space<vmem>>) offsets(%dma_start3A_455 : memref<128xi32, #tpu.memory_space<vmem>>) semaphore(%arg10 : memref<!tpu.dma_semaphore, #tpu.memory_space<semaphore_mem>>)
        %dma_start3A_459 = arith.constant 2 : i32
        %dma_start3A_460 = arith.constant 256 : i32
        %dma_start3A_461 = arith.constant 0 : i32
        %dma_start3A_462 = tpu.memref_slice %arg7[%dma_start3A_460, %dma_start3A_461] : memref<1280x16xi32, #tpu.memory_space<vmem>> -> memref<128x16xi32, #tpu.memory_space<vmem>>
        %dma_start3A_463 = arith.constant 0 : i32
        %dma_start3A_464 = tpu.memref_slice %arg5[%dma_start3A_459, %dma_start3A_463] : memref<10x128xi32, #tpu.memory_space<vmem>> -> memref<1x128xi32, #tpu.memory_space<vmem>>
        %dma_start3A_465 = tpu.memref_squeeze %dma_start3A_464 : memref<1x128xi32, #tpu.memory_space<vmem>> -> memref<128xi32, #tpu.memory_space<vmem>>
        %dma_start3A_466 = arith.constant 0 : i32
        %dma_start3A_467 = arith.constant 0 : i32
        %dma_start3A_468 = tpu.memref_slice %arg3[%dma_start3A_466, %dma_start3A_467] : memref<1300416x16xi32, #tpu.memory_space<hbm>> -> memref<1300416x16xi32, #tpu.memory_space<hbm>>
        tpu.enqueue_indirect_dma source(%dma_start3A_468 : memref<1300416x16xi32, #tpu.memory_space<hbm>>) target(%dma_start3A_462 : memref<128x16xi32, #tpu.memory_space<vmem>>) offsets(%dma_start3A_465 : memref<128xi32, #tpu.memory_space<vmem>>) semaphore(%arg10 : memref<!tpu.dma_semaphore, #tpu.memory_space<semaphore_mem>>)
        %dma_start3A_469 = arith.constant 3 : i32
        %dma_start3A_470 = arith.constant 384 : i32
        %dma_start3A_471 = arith.constant 0 : i32
        %dma_start3A_472 = tpu.memref_slice %arg7[%dma_start3A_470, %dma_start3A_471] : memref<1280x16xi32, #tpu.memory_space<vmem>> -> memref<128x16xi32, #tpu.memory_space<vmem>>
        %dma_start3A_473 = arith.constant 0 : i32
        %dma_start3A_474 = tpu.memref_slice %arg5[%dma_start3A_469, %dma_start3A_473] : memref<10x128xi32, #tpu.memory_space<vmem>> -> memref<1x128xi32, #tpu.memory_space<vmem>>
        %dma_start3A_475 = tpu.memref_squeeze %dma_start3A_474 : memref<1x128xi32, #tpu.memory_space<vmem>> -> memref<128xi32, #tpu.memory_space<vmem>>
        %dma_start3A_476 = arith.constant 0 : i32
        %dma_start3A_477 = arith.constant 0 : i32
        %dma_start3A_478 = tpu.memref_slice %arg3[%dma_start3A_476, %dma_start3A_477] : memref<1300416x16xi32, #tpu.memory_space<hbm>> -> memref<1300416x16xi32, #tpu.memory_space<hbm>>
        tpu.enqueue_indirect_dma source(%dma_start3A_478 : memref<1300416x16xi32, #tpu.memory_space<hbm>>) target(%dma_start3A_472 : memref<128x16xi32, #tpu.memory_space<vmem>>) offsets(%dma_start3A_475 : memref<128xi32, #tpu.memory_space<vmem>>) semaphore(%arg10 : memref<!tpu.dma_semaphore, #tpu.memory_space<semaphore_mem>>)
        %dma_start3A_479 = arith.constant 4 : i32
        %dma_start3A_480 = arith.constant 512 : i32
        %dma_start3A_481 = arith.constant 0 : i32
        %dma_start3A_482 = tpu.memref_slice %arg7[%dma_start3A_480, %dma_start3A_481] : memref<1280x16xi32, #tpu.memory_space<vmem>> -> memref<128x16xi32, #tpu.memory_space<vmem>>
        %dma_start3A_483 = arith.constant 0 : i32
        %dma_start3A_484 = tpu.memref_slice %arg5[%dma_start3A_479, %dma_start3A_483] : memref<10x128xi32, #tpu.memory_space<vmem>> -> memref<1x128xi32, #tpu.memory_space<vmem>>
        %dma_start3A_485 = tpu.memref_squeeze %dma_start3A_484 : memref<1x128xi32, #tpu.memory_space<vmem>> -> memref<128xi32, #tpu.memory_space<vmem>>
        %dma_start3A_486 = arith.constant 0 : i32
        %dma_start3A_487 = arith.constant 0 : i32
        %dma_start3A_488 = tpu.memref_slice %arg3[%dma_start3A_486, %dma_start3A_487] : memref<1300416x16xi32, #tpu.memory_space<hbm>> -> memref<1300416x16xi32, #tpu.memory_space<hbm>>
        tpu.enqueue_indirect_dma source(%dma_start3A_488 : memref<1300416x16xi32, #tpu.memory_space<hbm>>) target(%dma_start3A_482 : memref<128x16xi32, #tpu.memory_space<vmem>>) offsets(%dma_start3A_485 : memref<128xi32, #tpu.memory_space<vmem>>) semaphore(%arg10 : memref<!tpu.dma_semaphore, #tpu.memory_space<semaphore_mem>>)
        %dma_start3A_489 = arith.constant 5 : i32
        %dma_start3A_490 = arith.constant 640 : i32
        %dma_start3A_491 = arith.constant 0 : i32
        %dma_start3A_492 = tpu.memref_slice %arg7[%dma_start3A_490, %dma_start3A_491] : memref<1280x16xi32, #tpu.memory_space<vmem>> -> memref<128x16xi32, #tpu.memory_space<vmem>>
        %dma_start3A_493 = arith.constant 0 : i32
        %dma_start3A_494 = tpu.memref_slice %arg5[%dma_start3A_489, %dma_start3A_493] : memref<10x128xi32, #tpu.memory_space<vmem>> -> memref<1x128xi32, #tpu.memory_space<vmem>>
        %dma_start3A_495 = tpu.memref_squeeze %dma_start3A_494 : memref<1x128xi32, #tpu.memory_space<vmem>> -> memref<128xi32, #tpu.memory_space<vmem>>
        %dma_start3A_496 = arith.constant 0 : i32
        %dma_start3A_497 = arith.constant 0 : i32
        %dma_start3A_498 = tpu.memref_slice %arg3[%dma_start3A_496, %dma_start3A_497] : memref<1300416x16xi32, #tpu.memory_space<hbm>> -> memref<1300416x16xi32, #tpu.memory_space<hbm>>
        tpu.enqueue_indirect_dma source(%dma_start3A_498 : memref<1300416x16xi32, #tpu.memory_space<hbm>>) target(%dma_start3A_492 : memref<128x16xi32, #tpu.memory_space<vmem>>) offsets(%dma_start3A_495 : memref<128xi32, #tpu.memory_space<vmem>>) semaphore(%arg10 : memref<!tpu.dma_semaphore, #tpu.memory_space<semaphore_mem>>)
        %dma_start3A_499 = arith.constant 6 : i32
        %dma_start3A_500 = arith.constant 768 : i32
        %dma_start3A_501 = arith.constant 0 : i32
        %dma_start3A_502 = tpu.memref_slice %arg7[%dma_start3A_500, %dma_start3A_501] : memref<1280x16xi32, #tpu.memory_space<vmem>> -> memref<128x16xi32, #tpu.memory_space<vmem>>
        %dma_start3A_503 = arith.constant 0 : i32
        %dma_start3A_504 = tpu.memref_slice %arg5[%dma_start3A_499, %dma_start3A_503] : memref<10x128xi32, #tpu.memory_space<vmem>> -> memref<1x128xi32, #tpu.memory_space<vmem>>
        %dma_start3A_505 = tpu.memref_squeeze %dma_start3A_504 : memref<1x128xi32, #tpu.memory_space<vmem>> -> memref<128xi32, #tpu.memory_space<vmem>>
        %dma_start3A_506 = arith.constant 0 : i32
        %dma_start3A_507 = arith.constant 0 : i32
        %dma_start3A_508 = tpu.memref_slice %arg3[%dma_start3A_506, %dma_start3A_507] : memref<1300416x16xi32, #tpu.memory_space<hbm>> -> memref<1300416x16xi32, #tpu.memory_space<hbm>>
        tpu.enqueue_indirect_dma source(%dma_start3A_508 : memref<1300416x16xi32, #tpu.memory_space<hbm>>) target(%dma_start3A_502 : memref<128x16xi32, #tpu.memory_space<vmem>>) offsets(%dma_start3A_505 : memref<128xi32, #tpu.memory_space<vmem>>) semaphore(%arg10 : memref<!tpu.dma_semaphore, #tpu.memory_space<semaphore_mem>>)
        %dma_start3A_509 = arith.constant 7 : i32
        %dma_start3A_510 = arith.constant 896 : i32
        %dma_start3A_511 = arith.constant 0 : i32
        %dma_start3A_512 = tpu.memref_slice %arg7[%dma_start3A_510, %dma_start3A_511] : memref<1280x16xi32, #tpu.memory_space<vmem>> -> memref<128x16xi32, #tpu.memory_space<vmem>>
        %dma_start3A_513 = arith.constant 0 : i32
        %dma_start3A_514 = tpu.memref_slice %arg5[%dma_start3A_509, %dma_start3A_513] : memref<10x128xi32, #tpu.memory_space<vmem>> -> memref<1x128xi32, #tpu.memory_space<vmem>>
        %dma_start3A_515 = tpu.memref_squeeze %dma_start3A_514 : memref<1x128xi32, #tpu.memory_space<vmem>> -> memref<128xi32, #tpu.memory_space<vmem>>
        %dma_start3A_516 = arith.constant 0 : i32
        %dma_start3A_517 = arith.constant 0 : i32
        %dma_start3A_518 = tpu.memref_slice %arg3[%dma_start3A_516, %dma_start3A_517] : memref<1300416x16xi32, #tpu.memory_space<hbm>> -> memref<1300416x16xi32, #tpu.memory_space<hbm>>
        tpu.enqueue_indirect_dma source(%dma_start3A_518 : memref<1300416x16xi32, #tpu.memory_space<hbm>>) target(%dma_start3A_512 : memref<128x16xi32, #tpu.memory_space<vmem>>) offsets(%dma_start3A_515 : memref<128xi32, #tpu.memory_space<vmem>>) semaphore(%arg10 : memref<!tpu.dma_semaphore, #tpu.memory_space<semaphore_mem>>)
        %dma_start3A_519 = arith.constant 8 : i32
        %dma_start3A_520 = arith.constant 1024 : i32
        %dma_start3A_521 = arith.constant 0 : i32
        %dma_start3A_522 = tpu.memref_slice %arg7[%dma_start3A_520, %dma_start3A_521] : memref<1280x16xi32, #tpu.memory_space<vmem>> -> memref<128x16xi32, #tpu.memory_space<vmem>>
        %dma_start3A_523 = arith.constant 0 : i32
        %dma_start3A_524 = tpu.memref_slice %arg5[%dma_start3A_519, %dma_start3A_523] : memref<10x128xi32, #tpu.memory_space<vmem>> -> memref<1x128xi32, #tpu.memory_space<vmem>>
        %dma_start3A_525 = tpu.memref_squeeze %dma_start3A_524 : memref<1x128xi32, #tpu.memory_space<vmem>> -> memref<128xi32, #tpu.memory_space<vmem>>
        %dma_start3A_526 = arith.constant 0 : i32
        %dma_start3A_527 = arith.constant 0 : i32
        %dma_start3A_528 = tpu.memref_slice %arg3[%dma_start3A_526, %dma_start3A_527] : memref<1300416x16xi32, #tpu.memory_space<hbm>> -> memref<1300416x16xi32, #tpu.memory_space<hbm>>
        tpu.enqueue_indirect_dma source(%dma_start3A_528 : memref<1300416x16xi32, #tpu.memory_space<hbm>>) target(%dma_start3A_522 : memref<128x16xi32, #tpu.memory_space<vmem>>) offsets(%dma_start3A_525 : memref<128xi32, #tpu.memory_space<vmem>>) semaphore(%arg10 : memref<!tpu.dma_semaphore, #tpu.memory_space<semaphore_mem>>)
        %dma_start3A_529 = arith.constant 9 : i32
        %dma_start3A_530 = arith.constant 1152 : i32
        %dma_start3A_531 = arith.constant 0 : i32
        %dma_start3A_532 = tpu.memref_slice %arg7[%dma_start3A_530, %dma_start3A_531] : memref<1280x16xi32, #tpu.memory_space<vmem>> -> memref<128x16xi32, #tpu.memory_space<vmem>>
        %dma_start3A_533 = arith.constant 0 : i32
        %dma_start3A_534 = tpu.memref_slice %arg5[%dma_start3A_529, %dma_start3A_533] : memref<10x128xi32, #tpu.memory_space<vmem>> -> memref<1x128xi32, #tpu.memory_space<vmem>>
        %dma_start3A_535 = tpu.memref_squeeze %dma_start3A_534 : memref<1x128xi32, #tpu.memory_space<vmem>> -> memref<128xi32, #tpu.memory_space<vmem>>
        %dma_start3A_536 = arith.constant 0 : i32
        %dma_start3A_537 = arith.constant 0 : i32
        %dma_start3A_538 = tpu.memref_slice %arg3[%dma_start3A_536, %dma_start3A_537] : memref<1300416x16xi32, #tpu.memory_space<hbm>> -> memref<1300416x16xi32, #tpu.memory_space<hbm>>
        tpu.enqueue_indirect_dma source(%dma_start3A_538 : memref<1300416x16xi32, #tpu.memory_space<hbm>>) target(%dma_start3A_532 : memref<128x16xi32, #tpu.memory_space<vmem>>) offsets(%dma_start3A_535 : memref<128xi32, #tpu.memory_space<vmem>>) semaphore(%arg10 : memref<!tpu.dma_semaphore, #tpu.memory_space<semaphore_mem>>)
      } else {
      }
      %dma_wait3A_329 = arith.constant 0 : i32
      %dma_wait3A_330 = arith.constant 0 : i32
      %dma_wait3A_331 = arith.constant 0 : i32
      %dma_wait3A_332 = tpu.memref_slice %arg8[%dma_wait3A_330, %dma_wait3A_331] : memref<1280x16xi32, #tpu.memory_space<vmem>> -> memref<128x16xi32, #tpu.memory_space<vmem>>
      %dma_wait3A_333 = arith.constant 0 : i32
      %dma_wait3A_334 = tpu.memref_slice %arg6[%dma_wait3A_329, %dma_wait3A_333] : memref<10x128xi32, #tpu.memory_space<vmem>> -> memref<1x128xi32, #tpu.memory_space<vmem>>
      %dma_wait3A_335 = tpu.memref_squeeze %dma_wait3A_334 : memref<1x128xi32, #tpu.memory_space<vmem>> -> memref<128xi32, #tpu.memory_space<vmem>>
      %dma_wait3A_336 = arith.constant 0 : i32
      %dma_wait3A_337 = arith.constant 0 : i32
      %dma_wait3A_338 = tpu.memref_slice %arg3[%dma_wait3A_336, %dma_wait3A_337] : memref<1300416x16xi32, #tpu.memory_space<hbm>> -> memref<1300416x16xi32, #tpu.memory_space<hbm>>
      tpu.wait_indirect_dma semaphore(%arg11 : memref<!tpu.dma_semaphore, #tpu.memory_space<semaphore_mem>>) src(%dma_wait3A_338 : memref<1300416x16xi32, #tpu.memory_space<hbm>>) dst(%dma_wait3A_332 : memref<128x16xi32, #tpu.memory_space<vmem>>)
      %dma_wait3A_339 = arith.constant 0 : i32
      %dma_wait3A_340 = arith.constant 128 : i32
      %dma_wait3A_341 = arith.constant 0 : i32
      %dma_wait3A_342 = tpu.memref_slice %arg8[%dma_wait3A_340, %dma_wait3A_341] : memref<1280x16xi32, #tpu.memory_space<vmem>> -> memref<128x16xi32, #tpu.memory_space<vmem>>
      %dma_wait3A_343 = arith.constant 0 : i32
      %dma_wait3A_344 = tpu.memref_slice %arg6[%dma_wait3A_339, %dma_wait3A_343] : memref<10x128xi32, #tpu.memory_space<vmem>> -> memref<1x128xi32, #tpu.memory_space<vmem>>
      %dma_wait3A_345 = tpu.memref_squeeze %dma_wait3A_344 : memref<1x128xi32, #tpu.memory_space<vmem>> -> memref<128xi32, #tpu.memory_space<vmem>>
      %dma_wait3A_346 = arith.constant 0 : i32
      %dma_wait3A_347 = arith.constant 0 : i32
      %dma_wait3A_348 = tpu.memref_slice %arg3[%dma_wait3A_346, %dma_wait3A_347] : memref<1300416x16xi32, #tpu.memory_space<hbm>> -> memref<1300416x16xi32, #tpu.memory_space<hbm>>
      tpu.wait_indirect_dma semaphore(%arg11 : memref<!tpu.dma_semaphore, #tpu.memory_space<semaphore_mem>>) src(%dma_wait3A_348 : memref<1300416x16xi32, #tpu.memory_space<hbm>>) dst(%dma_wait3A_342 : memref<128x16xi32, #tpu.memory_space<vmem>>)
      %dma_wait3A_349 = arith.constant 0 : i32
      %dma_wait3A_350 = arith.constant 256 : i32
      %dma_wait3A_351 = arith.constant 0 : i32
      %dma_wait3A_352 = tpu.memref_slice %arg8[%dma_wait3A_350, %dma_wait3A_351] : memref<1280x16xi32, #tpu.memory_space<vmem>> -> memref<128x16xi32, #tpu.memory_space<vmem>>
      %dma_wait3A_353 = arith.constant 0 : i32
      %dma_wait3A_354 = tpu.memref_slice %arg6[%dma_wait3A_349, %dma_wait3A_353] : memref<10x128xi32, #tpu.memory_space<vmem>> -> memref<1x128xi32, #tpu.memory_space<vmem>>
      %dma_wait3A_355 = tpu.memref_squeeze %dma_wait3A_354 : memref<1x128xi32, #tpu.memory_space<vmem>> -> memref<128xi32, #tpu.memory_space<vmem>>
      %dma_wait3A_356 = arith.constant 0 : i32
      %dma_wait3A_357 = arith.constant 0 : i32
      %dma_wait3A_358 = tpu.memref_slice %arg3[%dma_wait3A_356, %dma_wait3A_357] : memref<1300416x16xi32, #tpu.memory_space<hbm>> -> memref<1300416x16xi32, #tpu.memory_space<hbm>>
      tpu.wait_indirect_dma semaphore(%arg11 : memref<!tpu.dma_semaphore, #tpu.memory_space<semaphore_mem>>) src(%dma_wait3A_358 : memref<1300416x16xi32, #tpu.memory_space<hbm>>) dst(%dma_wait3A_352 : memref<128x16xi32, #tpu.memory_space<vmem>>)
      %dma_wait3A_359 = arith.constant 0 : i32
      %dma_wait3A_360 = arith.constant 384 : i32
      %dma_wait3A_361 = arith.constant 0 : i32
      %dma_wait3A_362 = tpu.memref_slice %arg8[%dma_wait3A_360, %dma_wait3A_361] : memref<1280x16xi32, #tpu.memory_space<vmem>> -> memref<128x16xi32, #tpu.memory_space<vmem>>
      %dma_wait3A_363 = arith.constant 0 : i32
      %dma_wait3A_364 = tpu.memref_slice %arg6[%dma_wait3A_359, %dma_wait3A_363] : memref<10x128xi32, #tpu.memory_space<vmem>> -> memref<1x128xi32, #tpu.memory_space<vmem>>
      %dma_wait3A_365 = tpu.memref_squeeze %dma_wait3A_364 : memref<1x128xi32, #tpu.memory_space<vmem>> -> memref<128xi32, #tpu.memory_space<vmem>>
      %dma_wait3A_366 = arith.constant 0 : i32
      %dma_wait3A_367 = arith.constant 0 : i32
      %dma_wait3A_368 = tpu.memref_slice %arg3[%dma_wait3A_366, %dma_wait3A_367] : memref<1300416x16xi32, #tpu.memory_space<hbm>> -> memref<1300416x16xi32, #tpu.memory_space<hbm>>
      tpu.wait_indirect_dma semaphore(%arg11 : memref<!tpu.dma_semaphore, #tpu.memory_space<semaphore_mem>>) src(%dma_wait3A_368 : memref<1300416x16xi32, #tpu.memory_space<hbm>>) dst(%dma_wait3A_362 : memref<128x16xi32, #tpu.memory_space<vmem>>)
      %dma_wait3A_369 = arith.constant 0 : i32
      %dma_wait3A_370 = arith.constant 512 : i32
      %dma_wait3A_371 = arith.constant 0 : i32
      %dma_wait3A_372 = tpu.memref_slice %arg8[%dma_wait3A_370, %dma_wait3A_371] : memref<1280x16xi32, #tpu.memory_space<vmem>> -> memref<128x16xi32, #tpu.memory_space<vmem>>
      %dma_wait3A_373 = arith.constant 0 : i32
      %dma_wait3A_374 = tpu.memref_slice %arg6[%dma_wait3A_369, %dma_wait3A_373] : memref<10x128xi32, #tpu.memory_space<vmem>> -> memref<1x128xi32, #tpu.memory_space<vmem>>
      %dma_wait3A_375 = tpu.memref_squeeze %dma_wait3A_374 : memref<1x128xi32, #tpu.memory_space<vmem>> -> memref<128xi32, #tpu.memory_space<vmem>>
      %dma_wait3A_376 = arith.constant 0 : i32
      %dma_wait3A_377 = arith.constant 0 : i32
      %dma_wait3A_378 = tpu.memref_slice %arg3[%dma_wait3A_376, %dma_wait3A_377] : memref<1300416x16xi32, #tpu.memory_space<hbm>> -> memref<1300416x16xi32, #tpu.memory_space<hbm>>
      tpu.wait_indirect_dma semaphore(%arg11 : memref<!tpu.dma_semaphore, #tpu.memory_space<semaphore_mem>>) src(%dma_wait3A_378 : memref<1300416x16xi32, #tpu.memory_space<hbm>>) dst(%dma_wait3A_372 : memref<128x16xi32, #tpu.memory_space<vmem>>)
      %dma_wait3A_379 = arith.constant 0 : i32
      %dma_wait3A_380 = arith.constant 640 : i32
      %dma_wait3A_381 = arith.constant 0 : i32
      %dma_wait3A_382 = tpu.memref_slice %arg8[%dma_wait3A_380, %dma_wait3A_381] : memref<1280x16xi32, #tpu.memory_space<vmem>> -> memref<128x16xi32, #tpu.memory_space<vmem>>
      %dma_wait3A_383 = arith.constant 0 : i32
      %dma_wait3A_384 = tpu.memref_slice %arg6[%dma_wait3A_379, %dma_wait3A_383] : memref<10x128xi32, #tpu.memory_space<vmem>> -> memref<1x128xi32, #tpu.memory_space<vmem>>
      %dma_wait3A_385 = tpu.memref_squeeze %dma_wait3A_384 : memref<1x128xi32, #tpu.memory_space<vmem>> -> memref<128xi32, #tpu.memory_space<vmem>>
      %dma_wait3A_386 = arith.constant 0 : i32
      %dma_wait3A_387 = arith.constant 0 : i32
      %dma_wait3A_388 = tpu.memref_slice %arg3[%dma_wait3A_386, %dma_wait3A_387] : memref<1300416x16xi32, #tpu.memory_space<hbm>> -> memref<1300416x16xi32, #tpu.memory_space<hbm>>
      tpu.wait_indirect_dma semaphore(%arg11 : memref<!tpu.dma_semaphore, #tpu.memory_space<semaphore_mem>>) src(%dma_wait3A_388 : memref<1300416x16xi32, #tpu.memory_space<hbm>>) dst(%dma_wait3A_382 : memref<128x16xi32, #tpu.memory_space<vmem>>)
      %dma_wait3A_389 = arith.constant 0 : i32
      %dma_wait3A_390 = arith.constant 768 : i32
      %dma_wait3A_391 = arith.constant 0 : i32
      %dma_wait3A_392 = tpu.memref_slice %arg8[%dma_wait3A_390, %dma_wait3A_391] : memref<1280x16xi32, #tpu.memory_space<vmem>> -> memref<128x16xi32, #tpu.memory_space<vmem>>
      %dma_wait3A_393 = arith.constant 0 : i32
      %dma_wait3A_394 = tpu.memref_slice %arg6[%dma_wait3A_389, %dma_wait3A_393] : memref<10x128xi32, #tpu.memory_space<vmem>> -> memref<1x128xi32, #tpu.memory_space<vmem>>
      %dma_wait3A_395 = tpu.memref_squeeze %dma_wait3A_394 : memref<1x128xi32, #tpu.memory_space<vmem>> -> memref<128xi32, #tpu.memory_space<vmem>>
      %dma_wait3A_396 = arith.constant 0 : i32
      %dma_wait3A_397 = arith.constant 0 : i32
      %dma_wait3A_398 = tpu.memref_slice %arg3[%dma_wait3A_396, %dma_wait3A_397] : memref<1300416x16xi32, #tpu.memory_space<hbm>> -> memref<1300416x16xi32, #tpu.memory_space<hbm>>
      tpu.wait_indirect_dma semaphore(%arg11 : memref<!tpu.dma_semaphore, #tpu.memory_space<semaphore_mem>>) src(%dma_wait3A_398 : memref<1300416x16xi32, #tpu.memory_space<hbm>>) dst(%dma_wait3A_392 : memref<128x16xi32, #tpu.memory_space<vmem>>)
      %dma_wait3A_399 = arith.constant 0 : i32
      %dma_wait3A_400 = arith.constant 896 : i32
      %dma_wait3A_401 = arith.constant 0 : i32
      %dma_wait3A_402 = tpu.memref_slice %arg8[%dma_wait3A_400, %dma_wait3A_401] : memref<1280x16xi32, #tpu.memory_space<vmem>> -> memref<128x16xi32, #tpu.memory_space<vmem>>
      %dma_wait3A_403 = arith.constant 0 : i32
      %dma_wait3A_404 = tpu.memref_slice %arg6[%dma_wait3A_399, %dma_wait3A_403] : memref<10x128xi32, #tpu.memory_space<vmem>> -> memref<1x128xi32, #tpu.memory_space<vmem>>
      %dma_wait3A_405 = tpu.memref_squeeze %dma_wait3A_404 : memref<1x128xi32, #tpu.memory_space<vmem>> -> memref<128xi32, #tpu.memory_space<vmem>>
      %dma_wait3A_406 = arith.constant 0 : i32
      %dma_wait3A_407 = arith.constant 0 : i32
      %dma_wait3A_408 = tpu.memref_slice %arg3[%dma_wait3A_406, %dma_wait3A_407] : memref<1300416x16xi32, #tpu.memory_space<hbm>> -> memref<1300416x16xi32, #tpu.memory_space<hbm>>
      tpu.wait_indirect_dma semaphore(%arg11 : memref<!tpu.dma_semaphore, #tpu.memory_space<semaphore_mem>>) src(%dma_wait3A_408 : memref<1300416x16xi32, #tpu.memory_space<hbm>>) dst(%dma_wait3A_402 : memref<128x16xi32, #tpu.memory_space<vmem>>)
      %dma_wait3A_409 = arith.constant 0 : i32
      %dma_wait3A_410 = arith.constant 1024 : i32
      %dma_wait3A_411 = arith.constant 0 : i32
      %dma_wait3A_412 = tpu.memref_slice %arg8[%dma_wait3A_410, %dma_wait3A_411] : memref<1280x16xi32, #tpu.memory_space<vmem>> -> memref<128x16xi32, #tpu.memory_space<vmem>>
      %dma_wait3A_413 = arith.constant 0 : i32
      %dma_wait3A_414 = tpu.memref_slice %arg6[%dma_wait3A_409, %dma_wait3A_413] : memref<10x128xi32, #tpu.memory_space<vmem>> -> memref<1x128xi32, #tpu.memory_space<vmem>>
      %dma_wait3A_415 = tpu.memref_squeeze %dma_wait3A_414 : memref<1x128xi32, #tpu.memory_space<vmem>> -> memref<128xi32, #tpu.memory_space<vmem>>
      %dma_wait3A_416 = arith.constant 0 : i32
      %dma_wait3A_417 = arith.constant 0 : i32
      %dma_wait3A_418 = tpu.memref_slice %arg3[%dma_wait3A_416, %dma_wait3A_417] : memref<1300416x16xi32, #tpu.memory_space<hbm>> -> memref<1300416x16xi32, #tpu.memory_space<hbm>>
      tpu.wait_indirect_dma semaphore(%arg11 : memref<!tpu.dma_semaphore, #tpu.memory_space<semaphore_mem>>) src(%dma_wait3A_418 : memref<1300416x16xi32, #tpu.memory_space<hbm>>) dst(%dma_wait3A_412 : memref<128x16xi32, #tpu.memory_space<vmem>>)
      %dma_wait3A_419 = arith.constant 0 : i32
      %dma_wait3A_420 = arith.constant 1152 : i32
      %dma_wait3A_421 = arith.constant 0 : i32
      %dma_wait3A_422 = tpu.memref_slice %arg8[%dma_wait3A_420, %dma_wait3A_421] : memref<1280x16xi32, #tpu.memory_space<vmem>> -> memref<128x16xi32, #tpu.memory_space<vmem>>
      %dma_wait3A_423 = arith.constant 0 : i32
      %dma_wait3A_424 = tpu.memref_slice %arg6[%dma_wait3A_419, %dma_wait3A_423] : memref<10x128xi32, #tpu.memory_space<vmem>> -> memref<1x128xi32, #tpu.memory_space<vmem>>
      %dma_wait3A_425 = tpu.memref_squeeze %dma_wait3A_424 : memref<1x128xi32, #tpu.memory_space<vmem>> -> memref<128xi32, #tpu.memory_space<vmem>>
      %dma_wait3A_426 = arith.constant 0 : i32
      %dma_wait3A_427 = arith.constant 0 : i32
      %dma_wait3A_428 = tpu.memref_slice %arg3[%dma_wait3A_426, %dma_wait3A_427] : memref<1300416x16xi32, #tpu.memory_space<hbm>> -> memref<1300416x16xi32, #tpu.memory_space<hbm>>
      tpu.wait_indirect_dma semaphore(%arg11 : memref<!tpu.dma_semaphore, #tpu.memory_space<semaphore_mem>>) src(%dma_wait3A_428 : memref<1300416x16xi32, #tpu.memory_space<hbm>>) dst(%dma_wait3A_422 : memref<128x16xi32, #tpu.memory_space<vmem>>)
      %scan3A_429 = arith.constant 0 : i32
      %scan3A_430 = arith.constant 0 : i32
      %scan3A_431 = arith.constant 64 : i32
      %scan3A_432 = arith.addi %scan3A_430, %scan3A_431 : i32
      %scan3A_433 = arith.constant 1 : i32
      scf.for %scan3A_437 = %scan3A_430 to %scan3A_432 step %scan3A_433  : i32 {
        %mul3A_438 = arith.constant 20 : i32
        %mul3A_439 = arith.muli %scan3A_437, %mul3A_438 : i32
        %get3A = arith.index_cast %mul3A_439 : i32 to index
        %get3A_440 = arith.constant 0 : index
        %get3A_441 = tpu.vector_load %arg8[%get3A, %get3A_440] {strides = array<i32>} : memref<1280x16xi32, #tpu.memory_space<vmem>>, vector<1x16xi32>,
        %get3A_442 = vector.shape_cast %get3A_441 : vector<1x16xi32> to vector<16xi32>
        %shift_left3A = arith.shli %get3A_442, %broadcast_in_dim3A_3 : vector<16xi32>
        %bitcast_convert_type3A = tpu.bitcast %shift_left3A : vector<16xi32> -> vector<16xf32>
        %and3A = arith.andi %get3A_442, %broadcast_in_dim3A_1 : vector<16xi32>
        %bitcast_convert_type3A_443 = tpu.bitcast %and3A : vector<16xi32> -> vector<16xf32>
        %add3A_444 = arith.constant 1 : i32
        %add3A_445 = arith.addi %mul3A_439, %add3A_444 : i32
        %get3A_446 = arith.index_cast %add3A_445 : i32 to index
        %get3A_447 = arith.constant 0 : index
        %get3A_448 = tpu.vector_load %arg8[%get3A_446, %get3A_447] {strides = array<i32>} : memref<1280x16xi32, #tpu.memory_space<vmem>>, vector<1x16xi32>,
        %get3A_449 = vector.shape_cast %get3A_448 : vector<1x16xi32> to vector<16xi32>
        %shift_left3A_450 = arith.shli %get3A_449, %broadcast_in_dim3A_3 : vector<16xi32>
        %bitcast_convert_type3A_451 = tpu.bitcast %shift_left3A_450 : vector<16xi32> -> vector<16xf32>
        %and3A_452 = arith.andi %get3A_449, %broadcast_in_dim3A_1 : vector<16xi32>
        %bitcast_convert_type3A_453 = tpu.bitcast %and3A_452 : vector<16xi32> -> vector<16xf32>
        %add3A_454 = arith.constant 2 : i32
        %add3A_455 = arith.addi %mul3A_439, %add3A_454 : i32
        %get3A_456 = arith.index_cast %add3A_455 : i32 to index
        %get3A_457 = arith.constant 0 : index
        %get3A_458 = tpu.vector_load %arg8[%get3A_456, %get3A_457] {strides = array<i32>} : memref<1280x16xi32, #tpu.memory_space<vmem>>, vector<1x16xi32>,
        %get3A_459 = vector.shape_cast %get3A_458 : vector<1x16xi32> to vector<16xi32>
        %shift_left3A_460 = arith.shli %get3A_459, %broadcast_in_dim3A_3 : vector<16xi32>
        %bitcast_convert_type3A_461 = tpu.bitcast %shift_left3A_460 : vector<16xi32> -> vector<16xf32>
        %and3A_462 = arith.andi %get3A_459, %broadcast_in_dim3A_1 : vector<16xi32>
        %bitcast_convert_type3A_463 = tpu.bitcast %and3A_462 : vector<16xi32> -> vector<16xf32>
        %add3A_464 = arith.constant 2 : i32
        %add3A_465 = arith.addi %mul3A_439, %add3A_464 : i32
        %add3A_466 = arith.constant 1 : i32
        %add3A_467 = arith.addi %add3A_465, %add3A_466 : i32
        %get3A_468 = arith.index_cast %add3A_467 : i32 to index
        %get3A_469 = arith.constant 0 : index
        %get3A_470 = tpu.vector_load %arg8[%get3A_468, %get3A_469] {strides = array<i32>} : memref<1280x16xi32, #tpu.memory_space<vmem>>, vector<1x16xi32>,
        %get3A_471 = vector.shape_cast %get3A_470 : vector<1x16xi32> to vector<16xi32>
        %shift_left3A_472 = arith.shli %get3A_471, %broadcast_in_dim3A_3 : vector<16xi32>
        %bitcast_convert_type3A_473 = tpu.bitcast %shift_left3A_472 : vector<16xi32> -> vector<16xf32>
        %and3A_474 = arith.andi %get3A_471, %broadcast_in_dim3A_1 : vector<16xi32>
        %bitcast_convert_type3A_475 = tpu.bitcast %and3A_474 : vector<16xi32> -> vector<16xf32>
        %add3A_476 = arith.addf %bitcast_convert_type3A, %bitcast_convert_type3A_461 : vector<16xf32>
        %add3A_477 = arith.addf %bitcast_convert_type3A_443, %bitcast_convert_type3A_463 : vector<16xf32>
        %add3A_478 = arith.addf %bitcast_convert_type3A_451, %bitcast_convert_type3A_473 : vector<16xf32>
        %add3A_479 = arith.addf %bitcast_convert_type3A_453, %bitcast_convert_type3A_475 : vector<16xf32>
        %add3A_480 = arith.constant 4 : i32
        %add3A_481 = arith.addi %mul3A_439, %add3A_480 : i32
        %get3A_482 = arith.index_cast %add3A_481 : i32 to index
        %get3A_483 = arith.constant 0 : index
        %get3A_484 = tpu.vector_load %arg8[%get3A_482, %get3A_483] {strides = array<i32>} : memref<1280x16xi32, #tpu.memory_space<vmem>>, vector<1x16xi32>,
        %get3A_485 = vector.shape_cast %get3A_484 : vector<1x16xi32> to vector<16xi32>
        %shift_left3A_486 = arith.shli %get3A_485, %broadcast_in_dim3A_3 : vector<16xi32>
        %bitcast_convert_type3A_487 = tpu.bitcast %shift_left3A_486 : vector<16xi32> -> vector<16xf32>
        %and3A_488 = arith.andi %get3A_485, %broadcast_in_dim3A_1 : vector<16xi32>
        %bitcast_convert_type3A_489 = tpu.bitcast %and3A_488 : vector<16xi32> -> vector<16xf32>
        %add3A_490 = arith.constant 4 : i32
        %add3A_491 = arith.addi %mul3A_439, %add3A_490 : i32
        %add3A_492 = arith.constant 1 : i32
        %add3A_493 = arith.addi %add3A_491, %add3A_492 : i32
        %get3A_494 = arith.index_cast %add3A_493 : i32 to index
        %get3A_495 = arith.constant 0 : index
        %get3A_496 = tpu.vector_load %arg8[%get3A_494, %get3A_495] {strides = array<i32>} : memref<1280x16xi32, #tpu.memory_space<vmem>>, vector<1x16xi32>,
        %get3A_497 = vector.shape_cast %get3A_496 : vector<1x16xi32> to vector<16xi32>
        %shift_left3A_498 = arith.shli %get3A_497, %broadcast_in_dim3A_3 : vector<16xi32>
        %bitcast_convert_type3A_499 = tpu.bitcast %shift_left3A_498 : vector<16xi32> -> vector<16xf32>
        %and3A_500 = arith.andi %get3A_497, %broadcast_in_dim3A_1 : vector<16xi32>
        %bitcast_convert_type3A_501 = tpu.bitcast %and3A_500 : vector<16xi32> -> vector<16xf32>
        %add3A_502 = arith.addf %add3A_476, %bitcast_convert_type3A_487 : vector<16xf32>
        %add3A_503 = arith.addf %add3A_477, %bitcast_convert_type3A_489 : vector<16xf32>
        %add3A_504 = arith.addf %add3A_478, %bitcast_convert_type3A_499 : vector<16xf32>
        %add3A_505 = arith.addf %add3A_479, %bitcast_convert_type3A_501 : vector<16xf32>
        %add3A_506 = arith.constant 6 : i32
        %add3A_507 = arith.addi %mul3A_439, %add3A_506 : i32
        %get3A_508 = arith.index_cast %add3A_507 : i32 to index
        %get3A_509 = arith.constant 0 : index
        %get3A_510 = tpu.vector_load %arg8[%get3A_508, %get3A_509] {strides = array<i32>} : memref<1280x16xi32, #tpu.memory_space<vmem>>, vector<1x16xi32>,
        %get3A_511 = vector.shape_cast %get3A_510 : vector<1x16xi32> to vector<16xi32>
        %shift_left3A_512 = arith.shli %get3A_511, %broadcast_in_dim3A_3 : vector<16xi32>
        %bitcast_convert_type3A_513 = tpu.bitcast %shift_left3A_512 : vector<16xi32> -> vector<16xf32>
        %and3A_514 = arith.andi %get3A_511, %broadcast_in_dim3A_1 : vector<16xi32>
        %bitcast_convert_type3A_515 = tpu.bitcast %and3A_514 : vector<16xi32> -> vector<16xf32>
        %add3A_516 = arith.constant 6 : i32
        %add3A_517 = arith.addi %mul3A_439, %add3A_516 : i32
        %add3A_518 = arith.constant 1 : i32
        %add3A_519 = arith.addi %add3A_517, %add3A_518 : i32
        %get3A_520 = arith.index_cast %add3A_519 : i32 to index
        %get3A_521 = arith.constant 0 : index
        %get3A_522 = tpu.vector_load %arg8[%get3A_520, %get3A_521] {strides = array<i32>} : memref<1280x16xi32, #tpu.memory_space<vmem>>, vector<1x16xi32>,
        %get3A_523 = vector.shape_cast %get3A_522 : vector<1x16xi32> to vector<16xi32>
        %shift_left3A_524 = arith.shli %get3A_523, %broadcast_in_dim3A_3 : vector<16xi32>
        %bitcast_convert_type3A_525 = tpu.bitcast %shift_left3A_524 : vector<16xi32> -> vector<16xf32>
        %and3A_526 = arith.andi %get3A_523, %broadcast_in_dim3A_1 : vector<16xi32>
        %bitcast_convert_type3A_527 = tpu.bitcast %and3A_526 : vector<16xi32> -> vector<16xf32>
        %add3A_528 = arith.addf %add3A_502, %bitcast_convert_type3A_513 : vector<16xf32>
        %add3A_529 = arith.addf %add3A_503, %bitcast_convert_type3A_515 : vector<16xf32>
        %add3A_530 = arith.addf %add3A_504, %bitcast_convert_type3A_525 : vector<16xf32>
        %add3A_531 = arith.addf %add3A_505, %bitcast_convert_type3A_527 : vector<16xf32>
        %add3A_532 = arith.constant 8 : i32
        %add3A_533 = arith.addi %mul3A_439, %add3A_532 : i32
        %get3A_534 = arith.index_cast %add3A_533 : i32 to index
        %get3A_535 = arith.constant 0 : index
        %get3A_536 = tpu.vector_load %arg8[%get3A_534, %get3A_535] {strides = array<i32>} : memref<1280x16xi32, #tpu.memory_space<vmem>>, vector<1x16xi32>,
        %get3A_537 = vector.shape_cast %get3A_536 : vector<1x16xi32> to vector<16xi32>
        %shift_left3A_538 = arith.shli %get3A_537, %broadcast_in_dim3A_3 : vector<16xi32>
        %bitcast_convert_type3A_539 = tpu.bitcast %shift_left3A_538 : vector<16xi32> -> vector<16xf32>
        %and3A_540 = arith.andi %get3A_537, %broadcast_in_dim3A_1 : vector<16xi32>
        %bitcast_convert_type3A_541 = tpu.bitcast %and3A_540 : vector<16xi32> -> vector<16xf32>
        %add3A_542 = arith.constant 8 : i32
        %add3A_543 = arith.addi %mul3A_439, %add3A_542 : i32
        %add3A_544 = arith.constant 1 : i32
        %add3A_545 = arith.addi %add3A_543, %add3A_544 : i32
        %get3A_546 = arith.index_cast %add3A_545 : i32 to index
        %get3A_547 = arith.constant 0 : index
        %get3A_548 = tpu.vector_load %arg8[%get3A_546, %get3A_547] {strides = array<i32>} : memref<1280x16xi32, #tpu.memory_space<vmem>>, vector<1x16xi32>,
        %get3A_549 = vector.shape_cast %get3A_548 : vector<1x16xi32> to vector<16xi32>
        %shift_left3A_550 = arith.shli %get3A_549, %broadcast_in_dim3A_3 : vector<16xi32>
        %bitcast_convert_type3A_551 = tpu.bitcast %shift_left3A_550 : vector<16xi32> -> vector<16xf32>
        %and3A_552 = arith.andi %get3A_549, %broadcast_in_dim3A_1 : vector<16xi32>
        %bitcast_convert_type3A_553 = tpu.bitcast %and3A_552 : vector<16xi32> -> vector<16xf32>
        %add3A_554 = arith.addf %add3A_528, %bitcast_convert_type3A_539 : vector<16xf32>
        %add3A_555 = arith.addf %add3A_529, %bitcast_convert_type3A_541 : vector<16xf32>
        %add3A_556 = arith.addf %add3A_530, %bitcast_convert_type3A_551 : vector<16xf32>
        %add3A_557 = arith.addf %add3A_531, %bitcast_convert_type3A_553 : vector<16xf32>
        %add3A_558 = arith.constant 10 : i32
        %add3A_559 = arith.addi %mul3A_439, %add3A_558 : i32
        %get3A_560 = arith.index_cast %add3A_559 : i32 to index
        %get3A_561 = arith.constant 0 : index
        %get3A_562 = tpu.vector_load %arg8[%get3A_560, %get3A_561] {strides = array<i32>} : memref<1280x16xi32, #tpu.memory_space<vmem>>, vector<1x16xi32>,
        %get3A_563 = vector.shape_cast %get3A_562 : vector<1x16xi32> to vector<16xi32>
        %shift_left3A_564 = arith.shli %get3A_563, %broadcast_in_dim3A_3 : vector<16xi32>
        %bitcast_convert_type3A_565 = tpu.bitcast %shift_left3A_564 : vector<16xi32> -> vector<16xf32>
        %and3A_566 = arith.andi %get3A_563, %broadcast_in_dim3A_1 : vector<16xi32>
        %bitcast_convert_type3A_567 = tpu.bitcast %and3A_566 : vector<16xi32> -> vector<16xf32>
        %add3A_568 = arith.constant 10 : i32
        %add3A_569 = arith.addi %mul3A_439, %add3A_568 : i32
        %add3A_570 = arith.constant 1 : i32
        %add3A_571 = arith.addi %add3A_569, %add3A_570 : i32
        %get3A_572 = arith.index_cast %add3A_571 : i32 to index
        %get3A_573 = arith.constant 0 : index
        %get3A_574 = tpu.vector_load %arg8[%get3A_572, %get3A_573] {strides = array<i32>} : memref<1280x16xi32, #tpu.memory_space<vmem>>, vector<1x16xi32>,
        %get3A_575 = vector.shape_cast %get3A_574 : vector<1x16xi32> to vector<16xi32>
        %shift_left3A_576 = arith.shli %get3A_575, %broadcast_in_dim3A_3 : vector<16xi32>
        %bitcast_convert_type3A_577 = tpu.bitcast %shift_left3A_576 : vector<16xi32> -> vector<16xf32>
        %and3A_578 = arith.andi %get3A_575, %broadcast_in_dim3A_1 : vector<16xi32>
        %bitcast_convert_type3A_579 = tpu.bitcast %and3A_578 : vector<16xi32> -> vector<16xf32>
        %add3A_580 = arith.addf %add3A_554, %bitcast_convert_type3A_565 : vector<16xf32>
        %add3A_581 = arith.addf %add3A_555, %bitcast_convert_type3A_567 : vector<16xf32>
        %add3A_582 = arith.addf %add3A_556, %bitcast_convert_type3A_577 : vector<16xf32>
        %add3A_583 = arith.addf %add3A_557, %bitcast_convert_type3A_579 : vector<16xf32>
        %add3A_584 = arith.constant 12 : i32
        %add3A_585 = arith.addi %mul3A_439, %add3A_584 : i32
        %get3A_586 = arith.index_cast %add3A_585 : i32 to index
        %get3A_587 = arith.constant 0 : index
        %get3A_588 = tpu.vector_load %arg8[%get3A_586, %get3A_587] {strides = array<i32>} : memref<1280x16xi32, #tpu.memory_space<vmem>>, vector<1x16xi32>,
        %get3A_589 = vector.shape_cast %get3A_588 : vector<1x16xi32> to vector<16xi32>
        %shift_left3A_590 = arith.shli %get3A_589, %broadcast_in_dim3A_3 : vector<16xi32>
        %bitcast_convert_type3A_591 = tpu.bitcast %shift_left3A_590 : vector<16xi32> -> vector<16xf32>
        %and3A_592 = arith.andi %get3A_589, %broadcast_in_dim3A_1 : vector<16xi32>
        %bitcast_convert_type3A_593 = tpu.bitcast %and3A_592 : vector<16xi32> -> vector<16xf32>
        %add3A_594 = arith.constant 12 : i32
        %add3A_595 = arith.addi %mul3A_439, %add3A_594 : i32
        %add3A_596 = arith.constant 1 : i32
        %add3A_597 = arith.addi %add3A_595, %add3A_596 : i32
        %get3A_598 = arith.index_cast %add3A_597 : i32 to index
        %get3A_599 = arith.constant 0 : index
        %get3A_600 = tpu.vector_load %arg8[%get3A_598, %get3A_599] {strides = array<i32>} : memref<1280x16xi32, #tpu.memory_space<vmem>>, vector<1x16xi32>,
        %get3A_601 = vector.shape_cast %get3A_600 : vector<1x16xi32> to vector<16xi32>
        %shift_left3A_602 = arith.shli %get3A_601, %broadcast_in_dim3A_3 : vector<16xi32>
        %bitcast_convert_type3A_603 = tpu.bitcast %shift_left3A_602 : vector<16xi32> -> vector<16xf32>
        %and3A_604 = arith.andi %get3A_601, %broadcast_in_dim3A_1 : vector<16xi32>
        %bitcast_convert_type3A_605 = tpu.bitcast %and3A_604 : vector<16xi32> -> vector<16xf32>
        %add3A_606 = arith.addf %add3A_580, %bitcast_convert_type3A_591 : vector<16xf32>
        %add3A_607 = arith.addf %add3A_581, %bitcast_convert_type3A_593 : vector<16xf32>
        %add3A_608 = arith.addf %add3A_582, %bitcast_convert_type3A_603 : vector<16xf32>
        %add3A_609 = arith.addf %add3A_583, %bitcast_convert_type3A_605 : vector<16xf32>
        %add3A_610 = arith.constant 14 : i32
        %add3A_611 = arith.addi %mul3A_439, %add3A_610 : i32
        %get3A_612 = arith.index_cast %add3A_611 : i32 to index
        %get3A_613 = arith.constant 0 : index
        %get3A_614 = tpu.vector_load %arg8[%get3A_612, %get3A_613] {strides = array<i32>} : memref<1280x16xi32, #tpu.memory_space<vmem>>, vector<1x16xi32>,
        %get3A_615 = vector.shape_cast %get3A_614 : vector<1x16xi32> to vector<16xi32>
        %shift_left3A_616 = arith.shli %get3A_615, %broadcast_in_dim3A_3 : vector<16xi32>
        %bitcast_convert_type3A_617 = tpu.bitcast %shift_left3A_616 : vector<16xi32> -> vector<16xf32>
        %and3A_618 = arith.andi %get3A_615, %broadcast_in_dim3A_1 : vector<16xi32>
        %bitcast_convert_type3A_619 = tpu.bitcast %and3A_618 : vector<16xi32> -> vector<16xf32>
        %add3A_620 = arith.constant 14 : i32
        %add3A_621 = arith.addi %mul3A_439, %add3A_620 : i32
        %add3A_622 = arith.constant 1 : i32
        %add3A_623 = arith.addi %add3A_621, %add3A_622 : i32
        %get3A_624 = arith.index_cast %add3A_623 : i32 to index
        %get3A_625 = arith.constant 0 : index
        %get3A_626 = tpu.vector_load %arg8[%get3A_624, %get3A_625] {strides = array<i32>} : memref<1280x16xi32, #tpu.memory_space<vmem>>, vector<1x16xi32>,
        %get3A_627 = vector.shape_cast %get3A_626 : vector<1x16xi32> to vector<16xi32>
        %shift_left3A_628 = arith.shli %get3A_627, %broadcast_in_dim3A_3 : vector<16xi32>
        %bitcast_convert_type3A_629 = tpu.bitcast %shift_left3A_628 : vector<16xi32> -> vector<16xf32>
        %and3A_630 = arith.andi %get3A_627, %broadcast_in_dim3A_1 : vector<16xi32>
        %bitcast_convert_type3A_631 = tpu.bitcast %and3A_630 : vector<16xi32> -> vector<16xf32>
        %add3A_632 = arith.addf %add3A_606, %bitcast_convert_type3A_617 : vector<16xf32>
        %add3A_633 = arith.addf %add3A_607, %bitcast_convert_type3A_619 : vector<16xf32>
        %add3A_634 = arith.addf %add3A_608, %bitcast_convert_type3A_629 : vector<16xf32>
        %add3A_635 = arith.addf %add3A_609, %bitcast_convert_type3A_631 : vector<16xf32>
        %add3A_636 = arith.constant 16 : i32
        %add3A_637 = arith.addi %mul3A_439, %add3A_636 : i32
        %get3A_638 = arith.index_cast %add3A_637 : i32 to index
        %get3A_639 = arith.constant 0 : index
        %get3A_640 = tpu.vector_load %arg8[%get3A_638, %get3A_639] {strides = array<i32>} : memref<1280x16xi32, #tpu.memory_space<vmem>>, vector<1x16xi32>,
        %get3A_641 = vector.shape_cast %get3A_640 : vector<1x16xi32> to vector<16xi32>
        %shift_left3A_642 = arith.shli %get3A_641, %broadcast_in_dim3A_3 : vector<16xi32>
        %bitcast_convert_type3A_643 = tpu.bitcast %shift_left3A_642 : vector<16xi32> -> vector<16xf32>
        %and3A_644 = arith.andi %get3A_641, %broadcast_in_dim3A_1 : vector<16xi32>
        %bitcast_convert_type3A_645 = tpu.bitcast %and3A_644 : vector<16xi32> -> vector<16xf32>
        %add3A_646 = arith.constant 16 : i32
        %add3A_647 = arith.addi %mul3A_439, %add3A_646 : i32
        %add3A_648 = arith.constant 1 : i32
        %add3A_649 = arith.addi %add3A_647, %add3A_648 : i32
        %get3A_650 = arith.index_cast %add3A_649 : i32 to index
        %get3A_651 = arith.constant 0 : index
        %get3A_652 = tpu.vector_load %arg8[%get3A_650, %get3A_651] {strides = array<i32>} : memref<1280x16xi32, #tpu.memory_space<vmem>>, vector<1x16xi32>,
        %get3A_653 = vector.shape_cast %get3A_652 : vector<1x16xi32> to vector<16xi32>
        %shift_left3A_654 = arith.shli %get3A_653, %broadcast_in_dim3A_3 : vector<16xi32>
        %bitcast_convert_type3A_655 = tpu.bitcast %shift_left3A_654 : vector<16xi32> -> vector<16xf32>
        %and3A_656 = arith.andi %get3A_653, %broadcast_in_dim3A_1 : vector<16xi32>
        %bitcast_convert_type3A_657 = tpu.bitcast %and3A_656 : vector<16xi32> -> vector<16xf32>
        %add3A_658 = arith.addf %add3A_632, %bitcast_convert_type3A_643 : vector<16xf32>
        %add3A_659 = arith.addf %add3A_633, %bitcast_convert_type3A_645 : vector<16xf32>
        %add3A_660 = arith.addf %add3A_634, %bitcast_convert_type3A_655 : vector<16xf32>
        %add3A_661 = arith.addf %add3A_635, %bitcast_convert_type3A_657 : vector<16xf32>
        %add3A_662 = arith.constant 18 : i32
        %add3A_663 = arith.addi %mul3A_439, %add3A_662 : i32
        %get3A_664 = arith.index_cast %add3A_663 : i32 to index
        %get3A_665 = arith.constant 0 : index
        %get3A_666 = tpu.vector_load %arg8[%get3A_664, %get3A_665] {strides = array<i32>} : memref<1280x16xi32, #tpu.memory_space<vmem>>, vector<1x16xi32>,
        %get3A_667 = vector.shape_cast %get3A_666 : vector<1x16xi32> to vector<16xi32>
        %shift_left3A_668 = arith.shli %get3A_667, %broadcast_in_dim3A_3 : vector<16xi32>
        %bitcast_convert_type3A_669 = tpu.bitcast %shift_left3A_668 : vector<16xi32> -> vector<16xf32>
        %and3A_670 = arith.andi %get3A_667, %broadcast_in_dim3A_1 : vector<16xi32>
        %bitcast_convert_type3A_671 = tpu.bitcast %and3A_670 : vector<16xi32> -> vector<16xf32>
        %add3A_672 = arith.constant 18 : i32
        %add3A_673 = arith.addi %mul3A_439, %add3A_672 : i32
        %add3A_674 = arith.constant 1 : i32
        %add3A_675 = arith.addi %add3A_673, %add3A_674 : i32
        %get3A_676 = arith.index_cast %add3A_675 : i32 to index
        %get3A_677 = arith.constant 0 : index
        %get3A_678 = tpu.vector_load %arg8[%get3A_676, %get3A_677] {strides = array<i32>} : memref<1280x16xi32, #tpu.memory_space<vmem>>, vector<1x16xi32>,
        %get3A_679 = vector.shape_cast %get3A_678 : vector<1x16xi32> to vector<16xi32>
        %shift_left3A_680 = arith.shli %get3A_679, %broadcast_in_dim3A_3 : vector<16xi32>
        %bitcast_convert_type3A_681 = tpu.bitcast %shift_left3A_680 : vector<16xi32> -> vector<16xf32>
        %and3A_682 = arith.andi %get3A_679, %broadcast_in_dim3A_1 : vector<16xi32>
        %bitcast_convert_type3A_683 = tpu.bitcast %and3A_682 : vector<16xi32> -> vector<16xf32>
        %add3A_684 = arith.addf %add3A_658, %bitcast_convert_type3A_669 : vector<16xf32>
        %add3A_685 = arith.addf %add3A_659, %bitcast_convert_type3A_671 : vector<16xf32>
        %add3A_686 = arith.addf %add3A_660, %bitcast_convert_type3A_681 : vector<16xf32>
        %add3A_687 = arith.addf %add3A_661, %bitcast_convert_type3A_683 : vector<16xf32>
        %add3A_688 = arith.addf %add3A_684, %add3A_686 : vector<16xf32>
        %add3A_689 = arith.constant 64 : i32
        %add3A_690 = arith.addi %add3A_689, %scan3A_437 : i32
        %swap3A = arith.index_cast %add3A_690 : i32 to index
        %swap3A_691 = arith.constant 0 : index
        %swap3A_692 = tpu.vector_load %arg9[%swap3A, %swap3A_691] {strides = array<i32>} : memref<128x32xf32, #tpu.memory_space<vmem>>, vector<1x16xf32>,
        %swap3A_693 = vector.shape_cast %swap3A_692 : vector<1x16xf32> to vector<16xf32>
        %swap3A_694 = vector.shape_cast %add3A_688 : vector<16xf32> to vector<1x16xf32>
        tpu.vector_store %arg9[%swap3A, %swap3A_691], %swap3A_694 {strides = array<i32>} : memref<128x32xf32, #tpu.memory_space<vmem>>, vector<1x16xf32>,
        %add3A_695 = arith.addf %add3A_685, %add3A_687 : vector<16xf32>
        %add3A_696 = arith.constant 64 : i32
        %add3A_697 = arith.addi %add3A_696, %scan3A_437 : i32
        %swap3A_698 = arith.index_cast %add3A_697 : i32 to index
        %swap3A_699 = arith.constant 16 : index
        %swap3A_700 = tpu.vector_load %arg9[%swap3A_698, %swap3A_699] {strides = array<i32>} : memref<128x32xf32, #tpu.memory_space<vmem>>, vector<1x16xf32>,
        %swap3A_701 = vector.shape_cast %swap3A_700 : vector<1x16xf32> to vector<16xf32>
        %swap3A_702 = vector.shape_cast %add3A_695 : vector<16xf32> to vector<1x16xf32>
        tpu.vector_store %arg9[%swap3A_698, %swap3A_699], %swap3A_702 {strides = array<i32>} : memref<128x32xf32, #tpu.memory_space<vmem>>, vector<1x16xf32>,
      }
      %scan3A_434 = arith.constant 64 : i32
      %mul3A_435 = arith.constant 128 : i32
      %mul3A_436 = arith.muli %add3A, %mul3A_435 : i32
      "tpu.region"() ({
        %run_scoped3A = tpu.sem_alloc : memref<!tpu.dma_semaphore, #tpu.memory_space<semaphore_mem>>
        %dma_start3A_437 = arith.constant 0 : i32
        %dma_start3A_438 = tpu.memref_slice %arg4[%scan3A_112, %mul3A_436, %dma_start3A_437] : memref<13x4096x128xf32, #tpu.memory_space<hbm>> -> memref<1x128x32xf32, #tpu.memory_space<hbm>>
        %dma_start3A_439 = tpu.memref_squeeze %dma_start3A_438 : memref<1x128x32xf32, #tpu.memory_space<hbm>> -> memref<128x32xf32, #tpu.memory_space<hbm>>
        %dma_start3A_440 = arith.constant 0 : i32
        %dma_start3A_441 = tpu.memref_slice %arg4[%scan3A_112, %mul3A_436, %dma_start3A_440] : memref<13x4096x128xf32, #tpu.memory_space<hbm>> -> memref<1x128x32xf32, #tpu.memory_space<hbm>>
        %dma_start3A_442 = tpu.memref_squeeze %dma_start3A_441 : memref<1x128x32xf32, #tpu.memory_space<hbm>> -> memref<128x32xf32, #tpu.memory_space<hbm>>
        tpu.enqueue_dma source(%arg9 : memref<128x32xf32, #tpu.memory_space<vmem>>) target(%dma_start3A_442 : memref<128x32xf32, #tpu.memory_space<hbm>>) target_semaphore(%run_scoped3A : memref<!tpu.dma_semaphore, #tpu.memory_space<semaphore_mem>>)
        %dma_wait3A_443 = arith.constant 0 : i32
        %dma_wait3A_444 = tpu.memref_slice %arg4[%scan3A_112, %mul3A_436, %dma_wait3A_443] : memref<13x4096x128xf32, #tpu.memory_space<hbm>> -> memref<1x128x32xf32, #tpu.memory_space<hbm>>
        %dma_wait3A_445 = tpu.memref_squeeze %dma_wait3A_444 : memref<1x128x32xf32, #tpu.memory_space<hbm>> -> memref<128x32xf32, #tpu.memory_space<hbm>>
        %dma_wait3A_446 = arith.constant 0 : i32
        %dma_wait3A_447 = tpu.memref_slice %arg4[%scan3A_112, %mul3A_436, %dma_wait3A_446] : memref<13x4096x128xf32, #tpu.memory_space<hbm>> -> memref<1x128x32xf32, #tpu.memory_space<hbm>>
        %dma_wait3A_448 = tpu.memref_squeeze %dma_wait3A_447 : memref<1x128x32xf32, #tpu.memory_space<hbm>> -> memref<128x32xf32, #tpu.memory_space<hbm>>
        tpu.wait_dma2 semaphore(%run_scoped3A : memref<!tpu.dma_semaphore, #tpu.memory_space<semaphore_mem>>) src(%arg9 : memref<128x32xf32, #tpu.memory_space<vmem>>) dst(%dma_wait3A_448 : memref<128x32xf32, #tpu.memory_space<hbm>>)
        tpu.yield
      }) : () -> ()
    }
    %scan3A_111 = arith.constant 13 : i32
    return
  }
}

module attributes {stable_mosaic.version = 14 : i64} {
  func.func @_tc_transpose_body(%arg0: i32, %arg1: memref<1x32x100000xf32, #tpu.memory_space<vmem>>, %arg2: memref<1x12504x128xi32, #tpu.memory_space<vmem>>) attributes {dimension_semantics = [#tpu.dimension_semantics<arbitrary>], iteration_bounds = array<i64: 13>, scalar_prefetch = 0 : i64, scratch_operands = 0 : i64, tpu.core_type = #tpu.core_type<tc>, window_params = [{transform_indices = @transform_0, window_bounds = array<i64: 1, 32, 100000>}, {transform_indices = @transform_1, window_bounds = array<i64: 1, 12504, 128>}]} {
    %get3A = arith.constant 0 : index
    %get3A_0 = arith.constant 0 : index
    %get3A_1 = arith.constant 0 : index
    %get3A_2 = vector.load %arg1[%get3A, %get3A_0, %get3A_1] : memref<1x32x100000xf32, #tpu.memory_space<vmem>>, vector<1x32x100000xf32>
    %get3A_3 = vector.shape_cast %get3A_2 : vector<1x32x100000xf32> to vector<32x100000xf32>
    %bitcast_convert_type3A = tpu.bitcast %get3A_3 : vector<32x100000xf32> -> vector<32x100000xi32>
    %add3A = arith.constant 32768 : i32
    %add3A_4 = vector.broadcast %add3A : i32 to vector<32x100000xi32>
    %add3A_5 = arith.addi %bitcast_convert_type3A, %add3A_4 : vector<32x100000xi32>
    %slice3A = vector.extract_strided_slice %add3A_5 {offsets = [0, 0], sizes = [16, 100000], strides = [1, 1]} : vector<32x100000xi32> to vector<16x100000xi32>
    %shift_right_logical3A = arith.constant 16 : i32
    %shift_right_logical3A_6 = vector.broadcast %shift_right_logical3A : i32 to vector<16x100000xi32>
    %shift_right_logical3A_7 = arith.shrui %slice3A, %shift_right_logical3A_6 : vector<16x100000xi32>
    %slice3A_8 = vector.extract_strided_slice %add3A_5 {offsets = [16, 0], sizes = [16, 100000], strides = [1, 1]} : vector<32x100000xi32> to vector<16x100000xi32>
    %and3A = arith.constant -65536 : i32
    %and3A_9 = vector.broadcast %and3A : i32 to vector<16x100000xi32>
    %and3A_10 = arith.andi %slice3A_8, %and3A_9 : vector<16x100000xi32>
    %or3A = arith.ori %shift_right_logical3A_7, %and3A_10 : vector<16x100000xi32>
    %slice3A_11 = vector.extract_strided_slice %or3A {offsets = [0, 0], sizes = [16, 3125], strides = [1, 1]} : vector<16x100000xi32> to vector<16x3125xi32>
    %slice3A_12 = vector.extract_strided_slice %or3A {offsets = [0, 12500], sizes = [16, 3125], strides = [1, 1]} : vector<16x100000xi32> to vector<16x3125xi32>
    %slice3A_13 = vector.extract_strided_slice %or3A {offsets = [0, 25000], sizes = [16, 3125], strides = [1, 1]} : vector<16x100000xi32> to vector<16x3125xi32>
    %slice3A_14 = vector.extract_strided_slice %or3A {offsets = [0, 37500], sizes = [16, 3125], strides = [1, 1]} : vector<16x100000xi32> to vector<16x3125xi32>
    %slice3A_15 = vector.extract_strided_slice %or3A {offsets = [0, 50000], sizes = [16, 3125], strides = [1, 1]} : vector<16x100000xi32> to vector<16x3125xi32>
    %slice3A_16 = vector.extract_strided_slice %or3A {offsets = [0, 62500], sizes = [16, 3125], strides = [1, 1]} : vector<16x100000xi32> to vector<16x3125xi32>
    %slice3A_17 = vector.extract_strided_slice %or3A {offsets = [0, 75000], sizes = [16, 3125], strides = [1, 1]} : vector<16x100000xi32> to vector<16x3125xi32>
    %slice3A_18 = vector.extract_strided_slice %or3A {offsets = [0, 87500], sizes = [16, 3125], strides = [1, 1]} : vector<16x100000xi32> to vector<16x3125xi32>
    %concatenate3A = tpu.concatenate %slice3A_11, %slice3A_12, %slice3A_13, %slice3A_14, %slice3A_15, %slice3A_16, %slice3A_17, %slice3A_18 in 0 : vector<16x3125xi32>, vector<16x3125xi32>, vector<16x3125xi32>, vector<16x3125xi32>, vector<16x3125xi32>, vector<16x3125xi32>, vector<16x3125xi32>, vector<16x3125xi32> -> vector<128x3125xi32>
    %transpose3A = tpu.transpose %concatenate3A, [1, 0] : vector<128x3125xi32> -> vector<3125x128xi32>
    %swap3A = arith.constant 0 : index
    %swap3A_19 = arith.constant 0 : index
    %swap3A_20 = arith.constant 0 : index
    %swap3A_21 = vector.load %arg2[%swap3A, %swap3A_19, %swap3A_20] : memref<1x12504x128xi32, #tpu.memory_space<vmem>>, vector<1x3125x128xi32>
    %swap3A_22 = vector.shape_cast %swap3A_21 : vector<1x3125x128xi32> to vector<3125x128xi32>
    %swap3A_23 = vector.shape_cast %transpose3A : vector<3125x128xi32> to vector<1x3125x128xi32>
    tpu.vector_store %arg2[%swap3A, %swap3A_19, %swap3A_20], %swap3A_23 {strides = array<i32>} : memref<1x12504x128xi32, #tpu.memory_space<vmem>>, vector<1x3125x128xi32>,
    %slice3A_24 = vector.extract_strided_slice %or3A {offsets = [0, 3125], sizes = [16, 3125], strides = [1, 1]} : vector<16x100000xi32> to vector<16x3125xi32>
    %slice3A_25 = vector.extract_strided_slice %or3A {offsets = [0, 15625], sizes = [16, 3125], strides = [1, 1]} : vector<16x100000xi32> to vector<16x3125xi32>
    %slice3A_26 = vector.extract_strided_slice %or3A {offsets = [0, 28125], sizes = [16, 3125], strides = [1, 1]} : vector<16x100000xi32> to vector<16x3125xi32>
    %slice3A_27 = vector.extract_strided_slice %or3A {offsets = [0, 40625], sizes = [16, 3125], strides = [1, 1]} : vector<16x100000xi32> to vector<16x3125xi32>
    %slice3A_28 = vector.extract_strided_slice %or3A {offsets = [0, 53125], sizes = [16, 3125], strides = [1, 1]} : vector<16x100000xi32> to vector<16x3125xi32>
    %slice3A_29 = vector.extract_strided_slice %or3A {offsets = [0, 65625], sizes = [16, 3125], strides = [1, 1]} : vector<16x100000xi32> to vector<16x3125xi32>
    %slice3A_30 = vector.extract_strided_slice %or3A {offsets = [0, 78125], sizes = [16, 3125], strides = [1, 1]} : vector<16x100000xi32> to vector<16x3125xi32>
    %slice3A_31 = vector.extract_strided_slice %or3A {offsets = [0, 90625], sizes = [16, 3125], strides = [1, 1]} : vector<16x100000xi32> to vector<16x3125xi32>
    %concatenate3A_32 = tpu.concatenate %slice3A_24, %slice3A_25, %slice3A_26, %slice3A_27, %slice3A_28, %slice3A_29, %slice3A_30, %slice3A_31 in 0 : vector<16x3125xi32>, vector<16x3125xi32>, vector<16x3125xi32>, vector<16x3125xi32>, vector<16x3125xi32>, vector<16x3125xi32>, vector<16x3125xi32>, vector<16x3125xi32> -> vector<128x3125xi32>
    %transpose3A_33 = tpu.transpose %concatenate3A_32, [1, 0] : vector<128x3125xi32> -> vector<3125x128xi32>
    %swap3A_34 = arith.constant 0 : index
    %swap3A_35 = arith.constant 3125 : index
    %swap3A_36 = arith.constant 0 : index
    %swap3A_37 = vector.load %arg2[%swap3A_34, %swap3A_35, %swap3A_36] : memref<1x12504x128xi32, #tpu.memory_space<vmem>>, vector<1x3125x128xi32>
    %swap3A_38 = vector.shape_cast %swap3A_37 : vector<1x3125x128xi32> to vector<3125x128xi32>
    %swap3A_39 = vector.shape_cast %transpose3A_33 : vector<3125x128xi32> to vector<1x3125x128xi32>
    tpu.vector_store %arg2[%swap3A_34, %swap3A_35, %swap3A_36], %swap3A_39 {strides = array<i32>} : memref<1x12504x128xi32, #tpu.memory_space<vmem>>, vector<1x3125x128xi32>,
    %slice3A_40 = vector.extract_strided_slice %or3A {offsets = [0, 6250], sizes = [16, 3125], strides = [1, 1]} : vector<16x100000xi32> to vector<16x3125xi32>
    %slice3A_41 = vector.extract_strided_slice %or3A {offsets = [0, 18750], sizes = [16, 3125], strides = [1, 1]} : vector<16x100000xi32> to vector<16x3125xi32>
    %slice3A_42 = vector.extract_strided_slice %or3A {offsets = [0, 31250], sizes = [16, 3125], strides = [1, 1]} : vector<16x100000xi32> to vector<16x3125xi32>
    %slice3A_43 = vector.extract_strided_slice %or3A {offsets = [0, 43750], sizes = [16, 3125], strides = [1, 1]} : vector<16x100000xi32> to vector<16x3125xi32>
    %slice3A_44 = vector.extract_strided_slice %or3A {offsets = [0, 56250], sizes = [16, 3125], strides = [1, 1]} : vector<16x100000xi32> to vector<16x3125xi32>
    %slice3A_45 = vector.extract_strided_slice %or3A {offsets = [0, 68750], sizes = [16, 3125], strides = [1, 1]} : vector<16x100000xi32> to vector<16x3125xi32>
    %slice3A_46 = vector.extract_strided_slice %or3A {offsets = [0, 81250], sizes = [16, 3125], strides = [1, 1]} : vector<16x100000xi32> to vector<16x3125xi32>
    %slice3A_47 = vector.extract_strided_slice %or3A {offsets = [0, 93750], sizes = [16, 3125], strides = [1, 1]} : vector<16x100000xi32> to vector<16x3125xi32>
    %concatenate3A_48 = tpu.concatenate %slice3A_40, %slice3A_41, %slice3A_42, %slice3A_43, %slice3A_44, %slice3A_45, %slice3A_46, %slice3A_47 in 0 : vector<16x3125xi32>, vector<16x3125xi32>, vector<16x3125xi32>, vector<16x3125xi32>, vector<16x3125xi32>, vector<16x3125xi32>, vector<16x3125xi32>, vector<16x3125xi32> -> vector<128x3125xi32>
    %transpose3A_49 = tpu.transpose %concatenate3A_48, [1, 0] : vector<128x3125xi32> -> vector<3125x128xi32>
    %swap3A_50 = arith.constant 0 : index
    %swap3A_51 = arith.constant 6250 : index
    %swap3A_52 = arith.constant 0 : index
    %swap3A_53 = vector.load %arg2[%swap3A_50, %swap3A_51, %swap3A_52] : memref<1x12504x128xi32, #tpu.memory_space<vmem>>, vector<1x3125x128xi32>
    %swap3A_54 = vector.shape_cast %swap3A_53 : vector<1x3125x128xi32> to vector<3125x128xi32>
    %swap3A_55 = vector.shape_cast %transpose3A_49 : vector<3125x128xi32> to vector<1x3125x128xi32>
    tpu.vector_store %arg2[%swap3A_50, %swap3A_51, %swap3A_52], %swap3A_55 {strides = array<i32>} : memref<1x12504x128xi32, #tpu.memory_space<vmem>>, vector<1x3125x128xi32>,
    %slice3A_56 = vector.extract_strided_slice %or3A {offsets = [0, 9375], sizes = [16, 3125], strides = [1, 1]} : vector<16x100000xi32> to vector<16x3125xi32>
    %slice3A_57 = vector.extract_strided_slice %or3A {offsets = [0, 21875], sizes = [16, 3125], strides = [1, 1]} : vector<16x100000xi32> to vector<16x3125xi32>
    %slice3A_58 = vector.extract_strided_slice %or3A {offsets = [0, 34375], sizes = [16, 3125], strides = [1, 1]} : vector<16x100000xi32> to vector<16x3125xi32>
    %slice3A_59 = vector.extract_strided_slice %or3A {offsets = [0, 46875], sizes = [16, 3125], strides = [1, 1]} : vector<16x100000xi32> to vector<16x3125xi32>
    %slice3A_60 = vector.extract_strided_slice %or3A {offsets = [0, 59375], sizes = [16, 3125], strides = [1, 1]} : vector<16x100000xi32> to vector<16x3125xi32>
    %slice3A_61 = vector.extract_strided_slice %or3A {offsets = [0, 71875], sizes = [16, 3125], strides = [1, 1]} : vector<16x100000xi32> to vector<16x3125xi32>
    %slice3A_62 = vector.extract_strided_slice %or3A {offsets = [0, 84375], sizes = [16, 3125], strides = [1, 1]} : vector<16x100000xi32> to vector<16x3125xi32>
    %slice3A_63 = vector.extract_strided_slice %or3A {offsets = [0, 96875], sizes = [16, 3125], strides = [1, 1]} : vector<16x100000xi32> to vector<16x3125xi32>
    %concatenate3A_64 = tpu.concatenate %slice3A_56, %slice3A_57, %slice3A_58, %slice3A_59, %slice3A_60, %slice3A_61, %slice3A_62, %slice3A_63 in 0 : vector<16x3125xi32>, vector<16x3125xi32>, vector<16x3125xi32>, vector<16x3125xi32>, vector<16x3125xi32>, vector<16x3125xi32>, vector<16x3125xi32>, vector<16x3125xi32> -> vector<128x3125xi32>
    %transpose3A_65 = tpu.transpose %concatenate3A_64, [1, 0] : vector<128x3125xi32> -> vector<3125x128xi32>
    %swap3A_66 = arith.constant 0 : index
    %swap3A_67 = arith.constant 9375 : index
    %swap3A_68 = arith.constant 0 : index
    %swap3A_69 = vector.load %arg2[%swap3A_66, %swap3A_67, %swap3A_68] : memref<1x12504x128xi32, #tpu.memory_space<vmem>>, vector<1x3125x128xi32>
    %swap3A_70 = vector.shape_cast %swap3A_69 : vector<1x3125x128xi32> to vector<3125x128xi32>
    %swap3A_71 = vector.shape_cast %transpose3A_65 : vector<3125x128xi32> to vector<1x3125x128xi32>
    tpu.vector_store %arg2[%swap3A_66, %swap3A_67, %swap3A_68], %swap3A_71 {strides = array<i32>} : memref<1x12504x128xi32, #tpu.memory_space<vmem>>, vector<1x3125x128xi32>,
    return
  }
  func.func @transform_0(%arg0: i32) -> (i32, i32, i32) {
    %add3A = arith.constant 0 : i32
    %add3A_0 = arith.addi %add3A, %arg0 : i32
    %c0_i32 = arith.constant 0 : i32
    %c0_i32_1 = arith.constant 0 : i32
    %c0_i32_2 = arith.constant 0 : i32
    return %add3A_0, %c0_i32, %c0_i32_1 : i32, i32, i32
  }
  func.func @transform_1(%arg0: i32) -> (i32, i32, i32) {
    %c0_i32 = arith.constant 0 : i32
    %c0_i32_0 = arith.constant 0 : i32
    %c0_i32_1 = arith.constant 0 : i32
    return %arg0, %c0_i32, %c0_i32_0 : i32, i32, i32
  }
}

module attributes {stable_mosaic.version = 14 : i64} {
  func.func @_tc_transpose_body(%arg0: i32, %arg1: memref<1x32x100000xf32, #tpu.memory_space<vmem>>, %arg2: memref<1x12504x128xi32, #tpu.memory_space<vmem>>) attributes {dimension_semantics = [#tpu.dimension_semantics<arbitrary>], iteration_bounds = array<i64: 13>, scalar_prefetch = 0 : i64, scratch_operands = 0 : i64, tpu.core_type = #tpu.core_type<tc>, window_params = [{transform_indices = @transform_0, window_bounds = array<i64: 1, 32, 100000>}, {transform_indices = @transform_1, window_bounds = array<i64: 1, 12504, 128>}]} {
    %get3A = arith.constant 0 : index
    %get3A_0 = arith.constant 0 : index
    %get3A_1 = arith.constant 0 : index
    %get3A_2 = vector.load %arg1[%get3A, %get3A_0, %get3A_1] : memref<1x32x100000xf32, #tpu.memory_space<vmem>>, vector<1x32x100000xf32>
    %get3A_3 = vector.shape_cast %get3A_2 : vector<1x32x100000xf32> to vector<32x100000xf32>
    %bitcast_convert_type3A = tpu.bitcast %get3A_3 : vector<32x100000xf32> -> vector<32x100000xi32>
    %add3A = arith.constant 32768 : i32
    %add3A_4 = vector.broadcast %add3A : i32 to vector<32x100000xi32>
    %add3A_5 = arith.addi %bitcast_convert_type3A, %add3A_4 : vector<32x100000xi32>
    %slice3A = vector.extract_strided_slice %add3A_5 {offsets = [0, 0], sizes = [16, 100000], strides = [1, 1]} : vector<32x100000xi32> to vector<16x100000xi32>
    %shift_right_logical3A = arith.constant 16 : i32
    %shift_right_logical3A_6 = vector.broadcast %shift_right_logical3A : i32 to vector<16x100000xi32>
    %shift_right_logical3A_7 = arith.shrui %slice3A, %shift_right_logical3A_6 : vector<16x100000xi32>
    %slice3A_8 = vector.extract_strided_slice %add3A_5 {offsets = [16, 0], sizes = [16, 100000], strides = [1, 1]} : vector<32x100000xi32> to vector<16x100000xi32>
    %and3A = arith.constant -65536 : i32
    %and3A_9 = vector.broadcast %and3A : i32 to vector<16x100000xi32>
    %and3A_10 = arith.andi %slice3A_8, %and3A_9 : vector<16x100000xi32>
    %or3A = arith.ori %shift_right_logical3A_7, %and3A_10 : vector<16x100000xi32>
    %slice3A_11 = vector.extract_strided_slice %or3A {offsets = [0, 0], sizes = [16, 3125], strides = [1, 1]} : vector<16x100000xi32> to vector<16x3125xi32>
    %slice3A_12 = vector.extract_strided_slice %or3A {offsets = [0, 12500], sizes = [16, 3125], strides = [1, 1]} : vector<16x100000xi32> to vector<16x3125xi32>
    %slice3A_13 = vector.extract_strided_slice %or3A {offsets = [0, 25000], sizes = [16, 3125], strides = [1, 1]} : vector<16x100000xi32> to vector<16x3125xi32>
    %slice3A_14 = vector.extract_strided_slice %or3A {offsets = [0, 37500], sizes = [16, 3125], strides = [1, 1]} : vector<16x100000xi32> to vector<16x3125xi32>
    %slice3A_15 = vector.extract_strided_slice %or3A {offsets = [0, 50000], sizes = [16, 3125], strides = [1, 1]} : vector<16x100000xi32> to vector<16x3125xi32>
    %slice3A_16 = vector.extract_strided_slice %or3A {offsets = [0, 62500], sizes = [16, 3125], strides = [1, 1]} : vector<16x100000xi32> to vector<16x3125xi32>
    %slice3A_17 = vector.extract_strided_slice %or3A {offsets = [0, 75000], sizes = [16, 3125], strides = [1, 1]} : vector<16x100000xi32> to vector<16x3125xi32>
    %slice3A_18 = vector.extract_strided_slice %or3A {offsets = [0, 87500], sizes = [16, 3125], strides = [1, 1]} : vector<16x100000xi32> to vector<16x3125xi32>
    %concatenate3A = tpu.concatenate %slice3A_11, %slice3A_12, %slice3A_13, %slice3A_14, %slice3A_15, %slice3A_16, %slice3A_17, %slice3A_18 in 0 : vector<16x3125xi32>, vector<16x3125xi32>, vector<16x3125xi32>, vector<16x3125xi32>, vector<16x3125xi32>, vector<16x3125xi32>, vector<16x3125xi32>, vector<16x3125xi32> -> vector<128x3125xi32>
    %transpose3A = tpu.transpose %concatenate3A, [1, 0] : vector<128x3125xi32> -> vector<3125x128xi32>
    %swap3A = arith.constant 0 : index
    %swap3A_19 = arith.constant 0 : index
    %swap3A_20 = arith.constant 0 : index
    %swap3A_21 = vector.load %arg2[%swap3A, %swap3A_19, %swap3A_20] : memref<1x12504x128xi32, #tpu.memory_space<vmem>>, vector<1x3125x128xi32>
    %swap3A_22 = vector.shape_cast %swap3A_21 : vector<1x3125x128xi32> to vector<3125x128xi32>
    %swap3A_23 = vector.shape_cast %transpose3A : vector<3125x128xi32> to vector<1x3125x128xi32>
    tpu.vector_store %arg2[%swap3A, %swap3A_19, %swap3A_20], %swap3A_23 {strides = array<i32>} : memref<1x12504x128xi32, #tpu.memory_space<vmem>>, vector<1x3125x128xi32>,
    %slice3A_24 = vector.extract_strided_slice %or3A {offsets = [0, 3125], sizes = [16, 3125], strides = [1, 1]} : vector<16x100000xi32> to vector<16x3125xi32>
    %slice3A_25 = vector.extract_strided_slice %or3A {offsets = [0, 15625], sizes = [16, 3125], strides = [1, 1]} : vector<16x100000xi32> to vector<16x3125xi32>
    %slice3A_26 = vector.extract_strided_slice %or3A {offsets = [0, 28125], sizes = [16, 3125], strides = [1, 1]} : vector<16x100000xi32> to vector<16x3125xi32>
    %slice3A_27 = vector.extract_strided_slice %or3A {offsets = [0, 40625], sizes = [16, 3125], strides = [1, 1]} : vector<16x100000xi32> to vector<16x3125xi32>
    %slice3A_28 = vector.extract_strided_slice %or3A {offsets = [0, 53125], sizes = [16, 3125], strides = [1, 1]} : vector<16x100000xi32> to vector<16x3125xi32>
    %slice3A_29 = vector.extract_strided_slice %or3A {offsets = [0, 65625], sizes = [16, 3125], strides = [1, 1]} : vector<16x100000xi32> to vector<16x3125xi32>
    %slice3A_30 = vector.extract_strided_slice %or3A {offsets = [0, 78125], sizes = [16, 3125], strides = [1, 1]} : vector<16x100000xi32> to vector<16x3125xi32>
    %slice3A_31 = vector.extract_strided_slice %or3A {offsets = [0, 90625], sizes = [16, 3125], strides = [1, 1]} : vector<16x100000xi32> to vector<16x3125xi32>
    %concatenate3A_32 = tpu.concatenate %slice3A_24, %slice3A_25, %slice3A_26, %slice3A_27, %slice3A_28, %slice3A_29, %slice3A_30, %slice3A_31 in 0 : vector<16x3125xi32>, vector<16x3125xi32>, vector<16x3125xi32>, vector<16x3125xi32>, vector<16x3125xi32>, vector<16x3125xi32>, vector<16x3125xi32>, vector<16x3125xi32> -> vector<128x3125xi32>
    %transpose3A_33 = tpu.transpose %concatenate3A_32, [1, 0] : vector<128x3125xi32> -> vector<3125x128xi32>
    %swap3A_34 = arith.constant 0 : index
    %swap3A_35 = arith.constant 3125 : index
    %swap3A_36 = arith.constant 0 : index
    %swap3A_37 = vector.load %arg2[%swap3A_34, %swap3A_35, %swap3A_36] : memref<1x12504x128xi32, #tpu.memory_space<vmem>>, vector<1x3125x128xi32>
    %swap3A_38 = vector.shape_cast %swap3A_37 : vector<1x3125x128xi32> to vector<3125x128xi32>
    %swap3A_39 = vector.shape_cast %transpose3A_33 : vector<3125x128xi32> to vector<1x3125x128xi32>
    tpu.vector_store %arg2[%swap3A_34, %swap3A_35, %swap3A_36], %swap3A_39 {strides = array<i32>} : memref<1x12504x128xi32, #tpu.memory_space<vmem>>, vector<1x3125x128xi32>,
    %slice3A_40 = vector.extract_strided_slice %or3A {offsets = [0, 6250], sizes = [16, 3125], strides = [1, 1]} : vector<16x100000xi32> to vector<16x3125xi32>
    %slice3A_41 = vector.extract_strided_slice %or3A {offsets = [0, 18750], sizes = [16, 3125], strides = [1, 1]} : vector<16x100000xi32> to vector<16x3125xi32>
    %slice3A_42 = vector.extract_strided_slice %or3A {offsets = [0, 31250], sizes = [16, 3125], strides = [1, 1]} : vector<16x100000xi32> to vector<16x3125xi32>
    %slice3A_43 = vector.extract_strided_slice %or3A {offsets = [0, 43750], sizes = [16, 3125], strides = [1, 1]} : vector<16x100000xi32> to vector<16x3125xi32>
    %slice3A_44 = vector.extract_strided_slice %or3A {offsets = [0, 56250], sizes = [16, 3125], strides = [1, 1]} : vector<16x100000xi32> to vector<16x3125xi32>
    %slice3A_45 = vector.extract_strided_slice %or3A {offsets = [0, 68750], sizes = [16, 3125], strides = [1, 1]} : vector<16x100000xi32> to vector<16x3125xi32>
    %slice3A_46 = vector.extract_strided_slice %or3A {offsets = [0, 81250], sizes = [16, 3125], strides = [1, 1]} : vector<16x100000xi32> to vector<16x3125xi32>
    %slice3A_47 = vector.extract_strided_slice %or3A {offsets = [0, 93750], sizes = [16, 3125], strides = [1, 1]} : vector<16x100000xi32> to vector<16x3125xi32>
    %concatenate3A_48 = tpu.concatenate %slice3A_40, %slice3A_41, %slice3A_42, %slice3A_43, %slice3A_44, %slice3A_45, %slice3A_46, %slice3A_47 in 0 : vector<16x3125xi32>, vector<16x3125xi32>, vector<16x3125xi32>, vector<16x3125xi32>, vector<16x3125xi32>, vector<16x3125xi32>, vector<16x3125xi32>, vector<16x3125xi32> -> vector<128x3125xi32>
    %transpose3A_49 = tpu.transpose %concatenate3A_48, [1, 0] : vector<128x3125xi32> -> vector<3125x128xi32>
    %swap3A_50 = arith.constant 0 : index
    %swap3A_51 = arith.constant 6250 : index
    %swap3A_52 = arith.constant 0 : index
    %swap3A_53 = vector.load %arg2[%swap3A_50, %swap3A_51, %swap3A_52] : memref<1x12504x128xi32, #tpu.memory_space<vmem>>, vector<1x3125x128xi32>
    %swap3A_54 = vector.shape_cast %swap3A_53 : vector<1x3125x128xi32> to vector<3125x128xi32>
    %swap3A_55 = vector.shape_cast %transpose3A_49 : vector<3125x128xi32> to vector<1x3125x128xi32>
    tpu.vector_store %arg2[%swap3A_50, %swap3A_51, %swap3A_52], %swap3A_55 {strides = array<i32>} : memref<1x12504x128xi32, #tpu.memory_space<vmem>>, vector<1x3125x128xi32>,
    %slice3A_56 = vector.extract_strided_slice %or3A {offsets = [0, 9375], sizes = [16, 3125], strides = [1, 1]} : vector<16x100000xi32> to vector<16x3125xi32>
    %slice3A_57 = vector.extract_strided_slice %or3A {offsets = [0, 21875], sizes = [16, 3125], strides = [1, 1]} : vector<16x100000xi32> to vector<16x3125xi32>
    %slice3A_58 = vector.extract_strided_slice %or3A {offsets = [0, 34375], sizes = [16, 3125], strides = [1, 1]} : vector<16x100000xi32> to vector<16x3125xi32>
    %slice3A_59 = vector.extract_strided_slice %or3A {offsets = [0, 46875], sizes = [16, 3125], strides = [1, 1]} : vector<16x100000xi32> to vector<16x3125xi32>
    %slice3A_60 = vector.extract_strided_slice %or3A {offsets = [0, 59375], sizes = [16, 3125], strides = [1, 1]} : vector<16x100000xi32> to vector<16x3125xi32>
    %slice3A_61 = vector.extract_strided_slice %or3A {offsets = [0, 71875], sizes = [16, 3125], strides = [1, 1]} : vector<16x100000xi32> to vector<16x3125xi32>
    %slice3A_62 = vector.extract_strided_slice %or3A {offsets = [0, 84375], sizes = [16, 3125], strides = [1, 1]} : vector<16x100000xi32> to vector<16x3125xi32>
    %slice3A_63 = vector.extract_strided_slice %or3A {offsets = [0, 96875], sizes = [16, 3125], strides = [1, 1]} : vector<16x100000xi32> to vector<16x3125xi32>
    %concatenate3A_64 = tpu.concatenate %slice3A_56, %slice3A_57, %slice3A_58, %slice3A_59, %slice3A_60, %slice3A_61, %slice3A_62, %slice3A_63 in 0 : vector<16x3125xi32>, vector<16x3125xi32>, vector<16x3125xi32>, vector<16x3125xi32>, vector<16x3125xi32>, vector<16x3125xi32>, vector<16x3125xi32>, vector<16x3125xi32> -> vector<128x3125xi32>
    %transpose3A_65 = tpu.transpose %concatenate3A_64, [1, 0] : vector<128x3125xi32> -> vector<3125x128xi32>
    %swap3A_66 = arith.constant 0 : index
    %swap3A_67 = arith.constant 9375 : index
    %swap3A_68 = arith.constant 0 : index
    %swap3A_69 = vector.load %arg2[%swap3A_66, %swap3A_67, %swap3A_68] : memref<1x12504x128xi32, #tpu.memory_space<vmem>>, vector<1x3125x128xi32>
    %swap3A_70 = vector.shape_cast %swap3A_69 : vector<1x3125x128xi32> to vector<3125x128xi32>
    %swap3A_71 = vector.shape_cast %transpose3A_65 : vector<3125x128xi32> to vector<1x3125x128xi32>
    tpu.vector_store %arg2[%swap3A_66, %swap3A_67, %swap3A_68], %swap3A_71 {strides = array<i32>} : memref<1x12504x128xi32, #tpu.memory_space<vmem>>, vector<1x3125x128xi32>,
    return
  }
  func.func @transform_0(%arg0: i32) -> (i32, i32, i32) {
    %add3A = arith.constant 13 : i32
    %add3A_0 = arith.addi %add3A, %arg0 : i32
    %c0_i32 = arith.constant 0 : i32
    %c0_i32_1 = arith.constant 0 : i32
    %c0_i32_2 = arith.constant 0 : i32
    return %add3A_0, %c0_i32, %c0_i32_1 : i32, i32, i32
  }
  func.func @transform_1(%arg0: i32) -> (i32, i32, i32) {
    %c0_i32 = arith.constant 0 : i32
    %c0_i32_0 = arith.constant 0 : i32
    %c0_i32_1 = arith.constant 0 : i32
    return %arg0, %c0_i32, %c0_i32_0 : i32, i32, i32
  }
}

module attributes {stable_mosaic.version = 14 : i64} {
  func.func @_tc_dense_body(%arg0: i32, %arg1: memref<13x512xf32, #tpu.memory_space<vmem>>, %arg2: memref<13x512x128xf32, #tpu.memory_space<vmem>>, %arg3: memref<13x512x128xf32, #tpu.memory_space<vmem>>, %arg4: memref<512x13xf32, #tpu.memory_space<vmem>>, %arg5: memref<512xf32, #tpu.memory_space<vmem>>, %arg6: memref<256x512xf32, #tpu.memory_space<vmem>>, %arg7: memref<256xf32, #tpu.memory_space<vmem>>, %arg8: memref<32x256xf32, #tpu.memory_space<vmem>>, %arg9: memref<32xf32, #tpu.memory_space<vmem>>, %arg10: memref<512x383xf32, #tpu.memory_space<vmem>>, %arg11: memref<512xf32, #tpu.memory_space<vmem>>, %arg12: memref<256x512xf32, #tpu.memory_space<vmem>>, %arg13: memref<256xf32, #tpu.memory_space<vmem>>, %arg14: memref<1x256xf32, #tpu.memory_space<vmem>>, %arg15: memref<1xf32, #tpu.memory_space<vmem>>, %arg16: memref<512x1xf32, #tpu.memory_space<vmem>>) attributes {dimension_semantics = [#tpu.dimension_semantics<arbitrary>], iteration_bounds = array<i64: 8>, scalar_prefetch = 0 : i64, scratch_operands = 0 : i64, tpu.core_type = #tpu.core_type<tc>, window_params = [{transform_indices = @transform_0, window_bounds = array<i64: 13, 512>}, {transform_indices = @transform_1, window_bounds = array<i64: 13, 512, 128>}, {transform_indices = @transform_2, window_bounds = array<i64: 13, 512, 128>}, {pipeline_mode = #tpu.pipeline_mode<synchronous>, transform_indices = @transform_3, window_bounds = array<i64: 512, 13>}, {pipeline_mode = #tpu.pipeline_mode<synchronous>, transform_indices = @transform_4, window_bounds = array<i64: 512>}, {pipeline_mode = #tpu.pipeline_mode<synchronous>, transform_indices = @transform_5, window_bounds = array<i64: 256, 512>}, {pipeline_mode = #tpu.pipeline_mode<synchronous>, transform_indices = @transform_6, window_bounds = array<i64: 256>}, {pipeline_mode = #tpu.pipeline_mode<synchronous>, transform_indices = @transform_7, window_bounds = array<i64: 32, 256>}, {pipeline_mode = #tpu.pipeline_mode<synchronous>, transform_indices = @transform_8, window_bounds = array<i64: 32>}, {pipeline_mode = #tpu.pipeline_mode<synchronous>, transform_indices = @transform_9, window_bounds = array<i64: 512, 383>}, {pipeline_mode = #tpu.pipeline_mode<synchronous>, transform_indices = @transform_10, window_bounds = array<i64: 512>}, {pipeline_mode = #tpu.pipeline_mode<synchronous>, transform_indices = @transform_11, window_bounds = array<i64: 256, 512>}, {pipeline_mode = #tpu.pipeline_mode<synchronous>, transform_indices = @transform_12, window_bounds = array<i64: 256>}, {pipeline_mode = #tpu.pipeline_mode<synchronous>, transform_indices = @transform_13, window_bounds = array<i64: 1, 256>}, {pipeline_mode = #tpu.pipeline_mode<synchronous>, transform_indices = @transform_14, window_bounds = array<i64: 1>}, {transform_indices = @transform_15, window_bounds = array<i64: 512, 1>}]} {
    %get3A = arith.constant 0 : index
    %get3A_0 = arith.constant 0 : index
    %get3A_1 = vector.load %arg1[%get3A, %get3A_0] : memref<13x512xf32, #tpu.memory_space<vmem>>, vector<13x512xf32>
    %get3A_2 = arith.constant 0 : index
    %get3A_3 = arith.constant 0 : index
    %get3A_4 = vector.load %arg4[%get3A_2, %get3A_3] : memref<512x13xf32, #tpu.memory_space<vmem>>, vector<512x13xf32>
    %dot_general3A = arith.constant dense<0.000000e+00> : vector<512x512xf32>
    %dot_general3A_5 = tpu.matmul %get3A_4, %get3A_1, %dot_general3A {dimension_numbers = #tpu.dot_dimension_numbers<[1], [0], [0], [1], [0, 0, 1, 1], [], []>, transpose_lhs_hint = false} : vector<512x13xf32>, vector<13x512xf32>, vector<512x512xf32> -> vector<512x512xf32>
    %get3A_6 = arith.constant 0 : index
    %get3A_7 = vector.load %arg5[%get3A_6] : memref<512xf32, #tpu.memory_space<vmem>>, vector<512xf32>
    %broadcast_in_dim3A = vector.shape_cast %get3A_7 : vector<512xf32> to vector<512x1xf32>
    %add3A = vector.broadcast %broadcast_in_dim3A : vector<512x1xf32> to vector<512x512xf32>
    %add3A_8 = arith.addf %dot_general3A_5, %add3A : vector<512x512xf32>
    %max3A = arith.constant 0.000000e+00 : f32
    %max3A_9 = vector.broadcast %max3A : f32 to vector<512x512xf32>
    %max3A_10 = arith.maximumf %add3A_8, %max3A_9 : vector<512x512xf32>
    %get3A_11 = arith.constant 0 : index
    %get3A_12 = arith.constant 0 : index
    %get3A_13 = vector.load %arg6[%get3A_11, %get3A_12] : memref<256x512xf32, #tpu.memory_space<vmem>>, vector<256x512xf32>
    %dot_general3A_14 = arith.constant dense<0.000000e+00> : vector<256x512xf32>
    %dot_general3A_15 = tpu.matmul %get3A_13, %max3A_10, %dot_general3A_14 {dimension_numbers = #tpu.dot_dimension_numbers<[1], [0], [0], [1], [0, 0, 1, 1], [], []>, transpose_lhs_hint = false} : vector<256x512xf32>, vector<512x512xf32>, vector<256x512xf32> -> vector<256x512xf32>
    %get3A_16 = arith.constant 0 : index
    %get3A_17 = vector.load %arg7[%get3A_16] : memref<256xf32, #tpu.memory_space<vmem>>, vector<256xf32>
    %broadcast_in_dim3A_18 = vector.shape_cast %get3A_17 : vector<256xf32> to vector<256x1xf32>
    %add3A_19 = vector.broadcast %broadcast_in_dim3A_18 : vector<256x1xf32> to vector<256x512xf32>
    %add3A_20 = arith.addf %dot_general3A_15, %add3A_19 : vector<256x512xf32>
    %max3A_21 = arith.constant 0.000000e+00 : f32
    %max3A_22 = vector.broadcast %max3A_21 : f32 to vector<256x512xf32>
    %max3A_23 = arith.maximumf %add3A_20, %max3A_22 : vector<256x512xf32>
    %get3A_24 = arith.constant 0 : index
    %get3A_25 = arith.constant 0 : index
    %get3A_26 = vector.load %arg8[%get3A_24, %get3A_25] : memref<32x256xf32, #tpu.memory_space<vmem>>, vector<32x256xf32>
    %dot_general3A_27 = arith.constant dense<0.000000e+00> : vector<32x512xf32>
    %dot_general3A_28 = tpu.matmul %get3A_26, %max3A_23, %dot_general3A_27 {dimension_numbers = #tpu.dot_dimension_numbers<[1], [0], [0], [1], [0, 0, 1, 1], [], []>, transpose_lhs_hint = false} : vector<32x256xf32>, vector<256x512xf32>, vector<32x512xf32> -> vector<32x512xf32>
    %get3A_29 = arith.constant 0 : index
    %get3A_30 = vector.load %arg9[%get3A_29] : memref<32xf32, #tpu.memory_space<vmem>>, vector<32xf32>
    %broadcast_in_dim3A_31 = vector.shape_cast %get3A_30 : vector<32xf32> to vector<32x1xf32>
    %add3A_32 = vector.broadcast %broadcast_in_dim3A_31 : vector<32x1xf32> to vector<32x512xf32>
    %add3A_33 = arith.addf %dot_general3A_28, %add3A_32 : vector<32x512xf32>
    %max3A_34 = arith.constant 0.000000e+00 : f32
    %max3A_35 = vector.broadcast %max3A_34 : f32 to vector<32x512xf32>
    %max3A_36 = arith.maximumf %add3A_33, %max3A_35 : vector<32x512xf32>
    %get3A_37 = arith.constant 0 : index
    %get3A_38 = arith.constant 0 : index
    %get3A_39 = arith.constant 0 : index
    %get3A_40 = vector.load %arg2[%get3A_37, %get3A_38, %get3A_39] : memref<13x512x128xf32, #tpu.memory_space<vmem>>, vector<13x512x128xf32>
    %slice3A = vector.extract_strided_slice %get3A_40 {offsets = [0, 0, 0], sizes = [13, 512, 32], strides = [1, 1, 1]} : vector<13x512x128xf32> to vector<13x512x32xf32>
    %get3A_41 = arith.constant 0 : index
    %get3A_42 = arith.constant 0 : index
    %get3A_43 = arith.constant 0 : index
    %get3A_44 = vector.load %arg3[%get3A_41, %get3A_42, %get3A_43] : memref<13x512x128xf32, #tpu.memory_space<vmem>>, vector<13x512x128xf32>
    %slice3A_45 = vector.extract_strided_slice %get3A_44 {offsets = [0, 0, 0], sizes = [13, 512, 32], strides = [1, 1, 1]} : vector<13x512x128xf32> to vector<13x512x32xf32>
    %concatenate3A = tpu.concatenate %slice3A, %slice3A_45 in 0 : vector<13x512x32xf32>, vector<13x512x32xf32> -> vector<26x512x32xf32>
    %transpose3A = tpu.transpose %concatenate3A, [0, 2, 1] : vector<26x512x32xf32> -> vector<26x32x512xf32>
    %reshape3A = vector.shape_cast %transpose3A : vector<26x32x512xf32> to vector<832x512xf32>
    %concatenate3A_46 = tpu.concatenate %max3A_36, %reshape3A in 0 : vector<32x512xf32>, vector<832x512xf32> -> vector<864x512xf32>
    %slice3A_47 = vector.extract_strided_slice %concatenate3A_46 {offsets = [32, 0], sizes = [32, 512], strides = [1, 1]} : vector<864x512xf32> to vector<32x512xf32>
    %slice3A_48 = vector.extract_strided_slice %concatenate3A_46 {offsets = [0, 0], sizes = [32, 512], strides = [1, 1]} : vector<864x512xf32> to vector<32x512xf32>
    %reshape3A_49 = vector.shape_cast %slice3A_48 : vector<32x512xf32> to vector<1x32x512xf32>
    %broadcast_in_dim3A_50 = vector.shape_cast %slice3A_47 : vector<32x512xf32> to vector<1x32x512xf32>
    %mul3A = arith.mulf %reshape3A_49, %broadcast_in_dim3A_50 : vector<1x32x512xf32>
    %reduce_sum3A = arith.constant dense<0.000000e+00> : vector<1x512xf32>
    %reduce_sum3A_51 = vector.multi_reduction <add>, %mul3A, %reduce_sum3A [1] : vector<1x32x512xf32> to vector<1x512xf32>
    %slice3A_52 = vector.extract_strided_slice %concatenate3A_46 {offsets = [64, 0], sizes = [32, 512], strides = [1, 1]} : vector<864x512xf32> to vector<32x512xf32>
    %slice3A_53 = vector.extract_strided_slice %concatenate3A_46 {offsets = [0, 0], sizes = [64, 512], strides = [1, 1]} : vector<864x512xf32> to vector<64x512xf32>
    %reshape3A_54 = vector.shape_cast %slice3A_53 : vector<64x512xf32> to vector<2x32x512xf32>
    %broadcast_in_dim3A_55 = vector.shape_cast %slice3A_52 : vector<32x512xf32> to vector<1x32x512xf32>
    %mul3A_56 = vector.broadcast %broadcast_in_dim3A_55 : vector<1x32x512xf32> to vector<2x32x512xf32>
    %mul3A_57 = arith.mulf %reshape3A_54, %mul3A_56 : vector<2x32x512xf32>
    %reduce_sum3A_58 = arith.constant dense<0.000000e+00> : vector<2x512xf32>
    %reduce_sum3A_59 = vector.multi_reduction <add>, %mul3A_57, %reduce_sum3A_58 [1] : vector<2x32x512xf32> to vector<2x512xf32>
    %slice3A_60 = vector.extract_strided_slice %concatenate3A_46 {offsets = [96, 0], sizes = [32, 512], strides = [1, 1]} : vector<864x512xf32> to vector<32x512xf32>
    %slice3A_61 = vector.extract_strided_slice %concatenate3A_46 {offsets = [0, 0], sizes = [96, 512], strides = [1, 1]} : vector<864x512xf32> to vector<96x512xf32>
    %reshape3A_62 = vector.shape_cast %slice3A_61 : vector<96x512xf32> to vector<3x32x512xf32>
    %broadcast_in_dim3A_63 = vector.shape_cast %slice3A_60 : vector<32x512xf32> to vector<1x32x512xf32>
    %mul3A_64 = vector.broadcast %broadcast_in_dim3A_63 : vector<1x32x512xf32> to vector<3x32x512xf32>
    %mul3A_65 = arith.mulf %reshape3A_62, %mul3A_64 : vector<3x32x512xf32>
    %reduce_sum3A_66 = arith.constant dense<0.000000e+00> : vector<3x512xf32>
    %reduce_sum3A_67 = vector.multi_reduction <add>, %mul3A_65, %reduce_sum3A_66 [1] : vector<3x32x512xf32> to vector<3x512xf32>
    %slice3A_68 = vector.extract_strided_slice %concatenate3A_46 {offsets = [128, 0], sizes = [32, 512], strides = [1, 1]} : vector<864x512xf32> to vector<32x512xf32>
    %slice3A_69 = vector.extract_strided_slice %concatenate3A_46 {offsets = [0, 0], sizes = [128, 512], strides = [1, 1]} : vector<864x512xf32> to vector<128x512xf32>
    %reshape3A_70 = vector.shape_cast %slice3A_69 : vector<128x512xf32> to vector<4x32x512xf32>
    %broadcast_in_dim3A_71 = vector.shape_cast %slice3A_68 : vector<32x512xf32> to vector<1x32x512xf32>
    %mul3A_72 = vector.broadcast %broadcast_in_dim3A_71 : vector<1x32x512xf32> to vector<4x32x512xf32>
    %mul3A_73 = arith.mulf %reshape3A_70, %mul3A_72 : vector<4x32x512xf32>
    %reduce_sum3A_74 = arith.constant dense<0.000000e+00> : vector<4x512xf32>
    %reduce_sum3A_75 = vector.multi_reduction <add>, %mul3A_73, %reduce_sum3A_74 [1] : vector<4x32x512xf32> to vector<4x512xf32>
    %slice3A_76 = vector.extract_strided_slice %concatenate3A_46 {offsets = [160, 0], sizes = [32, 512], strides = [1, 1]} : vector<864x512xf32> to vector<32x512xf32>
    %slice3A_77 = vector.extract_strided_slice %concatenate3A_46 {offsets = [0, 0], sizes = [160, 512], strides = [1, 1]} : vector<864x512xf32> to vector<160x512xf32>
    %reshape3A_78 = vector.shape_cast %slice3A_77 : vector<160x512xf32> to vector<5x32x512xf32>
    %broadcast_in_dim3A_79 = vector.shape_cast %slice3A_76 : vector<32x512xf32> to vector<1x32x512xf32>
    %mul3A_80 = vector.broadcast %broadcast_in_dim3A_79 : vector<1x32x512xf32> to vector<5x32x512xf32>
    %mul3A_81 = arith.mulf %reshape3A_78, %mul3A_80 : vector<5x32x512xf32>
    %reduce_sum3A_82 = arith.constant dense<0.000000e+00> : vector<5x512xf32>
    %reduce_sum3A_83 = vector.multi_reduction <add>, %mul3A_81, %reduce_sum3A_82 [1] : vector<5x32x512xf32> to vector<5x512xf32>
    %slice3A_84 = vector.extract_strided_slice %concatenate3A_46 {offsets = [192, 0], sizes = [32, 512], strides = [1, 1]} : vector<864x512xf32> to vector<32x512xf32>
    %slice3A_85 = vector.extract_strided_slice %concatenate3A_46 {offsets = [0, 0], sizes = [192, 512], strides = [1, 1]} : vector<864x512xf32> to vector<192x512xf32>
    %reshape3A_86 = vector.shape_cast %slice3A_85 : vector<192x512xf32> to vector<6x32x512xf32>
    %broadcast_in_dim3A_87 = vector.shape_cast %slice3A_84 : vector<32x512xf32> to vector<1x32x512xf32>
    %mul3A_88 = vector.broadcast %broadcast_in_dim3A_87 : vector<1x32x512xf32> to vector<6x32x512xf32>
    %mul3A_89 = arith.mulf %reshape3A_86, %mul3A_88 : vector<6x32x512xf32>
    %reduce_sum3A_90 = arith.constant dense<0.000000e+00> : vector<6x512xf32>
    %reduce_sum3A_91 = vector.multi_reduction <add>, %mul3A_89, %reduce_sum3A_90 [1] : vector<6x32x512xf32> to vector<6x512xf32>
    %slice3A_92 = vector.extract_strided_slice %concatenate3A_46 {offsets = [224, 0], sizes = [32, 512], strides = [1, 1]} : vector<864x512xf32> to vector<32x512xf32>
    %slice3A_93 = vector.extract_strided_slice %concatenate3A_46 {offsets = [0, 0], sizes = [224, 512], strides = [1, 1]} : vector<864x512xf32> to vector<224x512xf32>
    %reshape3A_94 = vector.shape_cast %slice3A_93 : vector<224x512xf32> to vector<7x32x512xf32>
    %broadcast_in_dim3A_95 = vector.shape_cast %slice3A_92 : vector<32x512xf32> to vector<1x32x512xf32>
    %mul3A_96 = vector.broadcast %broadcast_in_dim3A_95 : vector<1x32x512xf32> to vector<7x32x512xf32>
    %mul3A_97 = arith.mulf %reshape3A_94, %mul3A_96 : vector<7x32x512xf32>
    %reduce_sum3A_98 = arith.constant dense<0.000000e+00> : vector<7x512xf32>
    %reduce_sum3A_99 = vector.multi_reduction <add>, %mul3A_97, %reduce_sum3A_98 [1] : vector<7x32x512xf32> to vector<7x512xf32>
    %slice3A_100 = vector.extract_strided_slice %concatenate3A_46 {offsets = [256, 0], sizes = [32, 512], strides = [1, 1]} : vector<864x512xf32> to vector<32x512xf32>
    %slice3A_101 = vector.extract_strided_slice %concatenate3A_46 {offsets = [0, 0], sizes = [256, 512], strides = [1, 1]} : vector<864x512xf32> to vector<256x512xf32>
    %reshape3A_102 = vector.shape_cast %slice3A_101 : vector<256x512xf32> to vector<8x32x512xf32>
    %broadcast_in_dim3A_103 = vector.shape_cast %slice3A_100 : vector<32x512xf32> to vector<1x32x512xf32>
    %mul3A_104 = vector.broadcast %broadcast_in_dim3A_103 : vector<1x32x512xf32> to vector<8x32x512xf32>
    %mul3A_105 = arith.mulf %reshape3A_102, %mul3A_104 : vector<8x32x512xf32>
    %reduce_sum3A_106 = arith.constant dense<0.000000e+00> : vector<8x512xf32>
    %reduce_sum3A_107 = vector.multi_reduction <add>, %mul3A_105, %reduce_sum3A_106 [1] : vector<8x32x512xf32> to vector<8x512xf32>
    %slice3A_108 = vector.extract_strided_slice %concatenate3A_46 {offsets = [288, 0], sizes = [32, 512], strides = [1, 1]} : vector<864x512xf32> to vector<32x512xf32>
    %slice3A_109 = vector.extract_strided_slice %concatenate3A_46 {offsets = [0, 0], sizes = [288, 512], strides = [1, 1]} : vector<864x512xf32> to vector<288x512xf32>
    %reshape3A_110 = vector.shape_cast %slice3A_109 : vector<288x512xf32> to vector<9x32x512xf32>
    %broadcast_in_dim3A_111 = vector.shape_cast %slice3A_108 : vector<32x512xf32> to vector<1x32x512xf32>
    %mul3A_112 = vector.broadcast %broadcast_in_dim3A_111 : vector<1x32x512xf32> to vector<9x32x512xf32>
    %mul3A_113 = arith.mulf %reshape3A_110, %mul3A_112 : vector<9x32x512xf32>
    %reduce_sum3A_114 = arith.constant dense<0.000000e+00> : vector<9x512xf32>
    %reduce_sum3A_115 = vector.multi_reduction <add>, %mul3A_113, %reduce_sum3A_114 [1] : vector<9x32x512xf32> to vector<9x512xf32>
    %slice3A_116 = vector.extract_strided_slice %concatenate3A_46 {offsets = [320, 0], sizes = [32, 512], strides = [1, 1]} : vector<864x512xf32> to vector<32x512xf32>
    %slice3A_117 = vector.extract_strided_slice %concatenate3A_46 {offsets = [0, 0], sizes = [320, 512], strides = [1, 1]} : vector<864x512xf32> to vector<320x512xf32>
    %reshape3A_118 = vector.shape_cast %slice3A_117 : vector<320x512xf32> to vector<10x32x512xf32>
    %broadcast_in_dim3A_119 = vector.shape_cast %slice3A_116 : vector<32x512xf32> to vector<1x32x512xf32>
    %mul3A_120 = vector.broadcast %broadcast_in_dim3A_119 : vector<1x32x512xf32> to vector<10x32x512xf32>
    %mul3A_121 = arith.mulf %reshape3A_118, %mul3A_120 : vector<10x32x512xf32>
    %reduce_sum3A_122 = arith.constant dense<0.000000e+00> : vector<10x512xf32>
    %reduce_sum3A_123 = vector.multi_reduction <add>, %mul3A_121, %reduce_sum3A_122 [1] : vector<10x32x512xf32> to vector<10x512xf32>
    %slice3A_124 = vector.extract_strided_slice %concatenate3A_46 {offsets = [352, 0], sizes = [32, 512], strides = [1, 1]} : vector<864x512xf32> to vector<32x512xf32>
    %slice3A_125 = vector.extract_strided_slice %concatenate3A_46 {offsets = [0, 0], sizes = [352, 512], strides = [1, 1]} : vector<864x512xf32> to vector<352x512xf32>
    %reshape3A_126 = vector.shape_cast %slice3A_125 : vector<352x512xf32> to vector<11x32x512xf32>
    %broadcast_in_dim3A_127 = vector.shape_cast %slice3A_124 : vector<32x512xf32> to vector<1x32x512xf32>
    %mul3A_128 = vector.broadcast %broadcast_in_dim3A_127 : vector<1x32x512xf32> to vector<11x32x512xf32>
    %mul3A_129 = arith.mulf %reshape3A_126, %mul3A_128 : vector<11x32x512xf32>
    %reduce_sum3A_130 = arith.constant dense<0.000000e+00> : vector<11x512xf32>
    %reduce_sum3A_131 = vector.multi_reduction <add>, %mul3A_129, %reduce_sum3A_130 [1] : vector<11x32x512xf32> to vector<11x512xf32>
    %slice3A_132 = vector.extract_strided_slice %concatenate3A_46 {offsets = [384, 0], sizes = [32, 512], strides = [1, 1]} : vector<864x512xf32> to vector<32x512xf32>
    %slice3A_133 = vector.extract_strided_slice %concatenate3A_46 {offsets = [0, 0], sizes = [384, 512], strides = [1, 1]} : vector<864x512xf32> to vector<384x512xf32>
    %reshape3A_134 = vector.shape_cast %slice3A_133 : vector<384x512xf32> to vector<12x32x512xf32>
    %broadcast_in_dim3A_135 = vector.shape_cast %slice3A_132 : vector<32x512xf32> to vector<1x32x512xf32>
    %mul3A_136 = vector.broadcast %broadcast_in_dim3A_135 : vector<1x32x512xf32> to vector<12x32x512xf32>
    %mul3A_137 = arith.mulf %reshape3A_134, %mul3A_136 : vector<12x32x512xf32>
    %reduce_sum3A_138 = arith.constant dense<0.000000e+00> : vector<12x512xf32>
    %reduce_sum3A_139 = vector.multi_reduction <add>, %mul3A_137, %reduce_sum3A_138 [1] : vector<12x32x512xf32> to vector<12x512xf32>
    %slice3A_140 = vector.extract_strided_slice %concatenate3A_46 {offsets = [416, 0], sizes = [32, 512], strides = [1, 1]} : vector<864x512xf32> to vector<32x512xf32>
    %slice3A_141 = vector.extract_strided_slice %concatenate3A_46 {offsets = [0, 0], sizes = [416, 512], strides = [1, 1]} : vector<864x512xf32> to vector<416x512xf32>
    %reshape3A_142 = vector.shape_cast %slice3A_141 : vector<416x512xf32> to vector<13x32x512xf32>
    %broadcast_in_dim3A_143 = vector.shape_cast %slice3A_140 : vector<32x512xf32> to vector<1x32x512xf32>
    %mul3A_144 = vector.broadcast %broadcast_in_dim3A_143 : vector<1x32x512xf32> to vector<13x32x512xf32>
    %mul3A_145 = arith.mulf %reshape3A_142, %mul3A_144 : vector<13x32x512xf32>
    %reduce_sum3A_146 = arith.constant dense<0.000000e+00> : vector<13x512xf32>
    %reduce_sum3A_147 = vector.multi_reduction <add>, %mul3A_145, %reduce_sum3A_146 [1] : vector<13x32x512xf32> to vector<13x512xf32>
    %slice3A_148 = vector.extract_strided_slice %concatenate3A_46 {offsets = [448, 0], sizes = [32, 512], strides = [1, 1]} : vector<864x512xf32> to vector<32x512xf32>
    %slice3A_149 = vector.extract_strided_slice %concatenate3A_46 {offsets = [0, 0], sizes = [448, 512], strides = [1, 1]} : vector<864x512xf32> to vector<448x512xf32>
    %reshape3A_150 = vector.shape_cast %slice3A_149 : vector<448x512xf32> to vector<14x32x512xf32>
    %broadcast_in_dim3A_151 = vector.shape_cast %slice3A_148 : vector<32x512xf32> to vector<1x32x512xf32>
    %mul3A_152 = vector.broadcast %broadcast_in_dim3A_151 : vector<1x32x512xf32> to vector<14x32x512xf32>
    %mul3A_153 = arith.mulf %reshape3A_150, %mul3A_152 : vector<14x32x512xf32>
    %reduce_sum3A_154 = arith.constant dense<0.000000e+00> : vector<14x512xf32>
    %reduce_sum3A_155 = vector.multi_reduction <add>, %mul3A_153, %reduce_sum3A_154 [1] : vector<14x32x512xf32> to vector<14x512xf32>
    %slice3A_156 = vector.extract_strided_slice %concatenate3A_46 {offsets = [480, 0], sizes = [32, 512], strides = [1, 1]} : vector<864x512xf32> to vector<32x512xf32>
    %slice3A_157 = vector.extract_strided_slice %concatenate3A_46 {offsets = [0, 0], sizes = [480, 512], strides = [1, 1]} : vector<864x512xf32> to vector<480x512xf32>
    %reshape3A_158 = vector.shape_cast %slice3A_157 : vector<480x512xf32> to vector<15x32x512xf32>
    %broadcast_in_dim3A_159 = vector.shape_cast %slice3A_156 : vector<32x512xf32> to vector<1x32x512xf32>
    %mul3A_160 = vector.broadcast %broadcast_in_dim3A_159 : vector<1x32x512xf32> to vector<15x32x512xf32>
    %mul3A_161 = arith.mulf %reshape3A_158, %mul3A_160 : vector<15x32x512xf32>
    %reduce_sum3A_162 = arith.constant dense<0.000000e+00> : vector<15x512xf32>
    %reduce_sum3A_163 = vector.multi_reduction <add>, %mul3A_161, %reduce_sum3A_162 [1] : vector<15x32x512xf32> to vector<15x512xf32>
    %slice3A_164 = vector.extract_strided_slice %concatenate3A_46 {offsets = [512, 0], sizes = [32, 512], strides = [1, 1]} : vector<864x512xf32> to vector<32x512xf32>
    %slice3A_165 = vector.extract_strided_slice %concatenate3A_46 {offsets = [0, 0], sizes = [512, 512], strides = [1, 1]} : vector<864x512xf32> to vector<512x512xf32>
    %reshape3A_166 = vector.shape_cast %slice3A_165 : vector<512x512xf32> to vector<16x32x512xf32>
    %broadcast_in_dim3A_167 = vector.shape_cast %slice3A_164 : vector<32x512xf32> to vector<1x32x512xf32>
    %mul3A_168 = vector.broadcast %broadcast_in_dim3A_167 : vector<1x32x512xf32> to vector<16x32x512xf32>
    %mul3A_169 = arith.mulf %reshape3A_166, %mul3A_168 : vector<16x32x512xf32>
    %reduce_sum3A_170 = arith.constant dense<0.000000e+00> : vector<16x512xf32>
    %reduce_sum3A_171 = vector.multi_reduction <add>, %mul3A_169, %reduce_sum3A_170 [1] : vector<16x32x512xf32> to vector<16x512xf32>
    %slice3A_172 = vector.extract_strided_slice %concatenate3A_46 {offsets = [544, 0], sizes = [32, 512], strides = [1, 1]} : vector<864x512xf32> to vector<32x512xf32>
    %slice3A_173 = vector.extract_strided_slice %concatenate3A_46 {offsets = [0, 0], sizes = [544, 512], strides = [1, 1]} : vector<864x512xf32> to vector<544x512xf32>
    %reshape3A_174 = vector.shape_cast %slice3A_173 : vector<544x512xf32> to vector<17x32x512xf32>
    %broadcast_in_dim3A_175 = vector.shape_cast %slice3A_172 : vector<32x512xf32> to vector<1x32x512xf32>
    %mul3A_176 = vector.broadcast %broadcast_in_dim3A_175 : vector<1x32x512xf32> to vector<17x32x512xf32>
    %mul3A_177 = arith.mulf %reshape3A_174, %mul3A_176 : vector<17x32x512xf32>
    %reduce_sum3A_178 = arith.constant dense<0.000000e+00> : vector<17x512xf32>
    %reduce_sum3A_179 = vector.multi_reduction <add>, %mul3A_177, %reduce_sum3A_178 [1] : vector<17x32x512xf32> to vector<17x512xf32>
    %slice3A_180 = vector.extract_strided_slice %concatenate3A_46 {offsets = [576, 0], sizes = [32, 512], strides = [1, 1]} : vector<864x512xf32> to vector<32x512xf32>
    %slice3A_181 = vector.extract_strided_slice %concatenate3A_46 {offsets = [0, 0], sizes = [576, 512], strides = [1, 1]} : vector<864x512xf32> to vector<576x512xf32>
    %reshape3A_182 = vector.shape_cast %slice3A_181 : vector<576x512xf32> to vector<18x32x512xf32>
    %broadcast_in_dim3A_183 = vector.shape_cast %slice3A_180 : vector<32x512xf32> to vector<1x32x512xf32>
    %mul3A_184 = vector.broadcast %broadcast_in_dim3A_183 : vector<1x32x512xf32> to vector<18x32x512xf32>
    %mul3A_185 = arith.mulf %reshape3A_182, %mul3A_184 : vector<18x32x512xf32>
    %reduce_sum3A_186 = arith.constant dense<0.000000e+00> : vector<18x512xf32>
    %reduce_sum3A_187 = vector.multi_reduction <add>, %mul3A_185, %reduce_sum3A_186 [1] : vector<18x32x512xf32> to vector<18x512xf32>
    %slice3A_188 = vector.extract_strided_slice %concatenate3A_46 {offsets = [608, 0], sizes = [32, 512], strides = [1, 1]} : vector<864x512xf32> to vector<32x512xf32>
    %slice3A_189 = vector.extract_strided_slice %concatenate3A_46 {offsets = [0, 0], sizes = [608, 512], strides = [1, 1]} : vector<864x512xf32> to vector<608x512xf32>
    %reshape3A_190 = vector.shape_cast %slice3A_189 : vector<608x512xf32> to vector<19x32x512xf32>
    %broadcast_in_dim3A_191 = vector.shape_cast %slice3A_188 : vector<32x512xf32> to vector<1x32x512xf32>
    %mul3A_192 = vector.broadcast %broadcast_in_dim3A_191 : vector<1x32x512xf32> to vector<19x32x512xf32>
    %mul3A_193 = arith.mulf %reshape3A_190, %mul3A_192 : vector<19x32x512xf32>
    %reduce_sum3A_194 = arith.constant dense<0.000000e+00> : vector<19x512xf32>
    %reduce_sum3A_195 = vector.multi_reduction <add>, %mul3A_193, %reduce_sum3A_194 [1] : vector<19x32x512xf32> to vector<19x512xf32>
    %slice3A_196 = vector.extract_strided_slice %concatenate3A_46 {offsets = [640, 0], sizes = [32, 512], strides = [1, 1]} : vector<864x512xf32> to vector<32x512xf32>
    %slice3A_197 = vector.extract_strided_slice %concatenate3A_46 {offsets = [0, 0], sizes = [640, 512], strides = [1, 1]} : vector<864x512xf32> to vector<640x512xf32>
    %reshape3A_198 = vector.shape_cast %slice3A_197 : vector<640x512xf32> to vector<20x32x512xf32>
    %broadcast_in_dim3A_199 = vector.shape_cast %slice3A_196 : vector<32x512xf32> to vector<1x32x512xf32>
    %mul3A_200 = vector.broadcast %broadcast_in_dim3A_199 : vector<1x32x512xf32> to vector<20x32x512xf32>
    %mul3A_201 = arith.mulf %reshape3A_198, %mul3A_200 : vector<20x32x512xf32>
    %reduce_sum3A_202 = arith.constant dense<0.000000e+00> : vector<20x512xf32>
    %reduce_sum3A_203 = vector.multi_reduction <add>, %mul3A_201, %reduce_sum3A_202 [1] : vector<20x32x512xf32> to vector<20x512xf32>
    %slice3A_204 = vector.extract_strided_slice %concatenate3A_46 {offsets = [672, 0], sizes = [32, 512], strides = [1, 1]} : vector<864x512xf32> to vector<32x512xf32>
    %slice3A_205 = vector.extract_strided_slice %concatenate3A_46 {offsets = [0, 0], sizes = [672, 512], strides = [1, 1]} : vector<864x512xf32> to vector<672x512xf32>
    %reshape3A_206 = vector.shape_cast %slice3A_205 : vector<672x512xf32> to vector<21x32x512xf32>
    %broadcast_in_dim3A_207 = vector.shape_cast %slice3A_204 : vector<32x512xf32> to vector<1x32x512xf32>
    %mul3A_208 = vector.broadcast %broadcast_in_dim3A_207 : vector<1x32x512xf32> to vector<21x32x512xf32>
    %mul3A_209 = arith.mulf %reshape3A_206, %mul3A_208 : vector<21x32x512xf32>
    %reduce_sum3A_210 = arith.constant dense<0.000000e+00> : vector<21x512xf32>
    %reduce_sum3A_211 = vector.multi_reduction <add>, %mul3A_209, %reduce_sum3A_210 [1] : vector<21x32x512xf32> to vector<21x512xf32>
    %slice3A_212 = vector.extract_strided_slice %concatenate3A_46 {offsets = [704, 0], sizes = [32, 512], strides = [1, 1]} : vector<864x512xf32> to vector<32x512xf32>
    %slice3A_213 = vector.extract_strided_slice %concatenate3A_46 {offsets = [0, 0], sizes = [704, 512], strides = [1, 1]} : vector<864x512xf32> to vector<704x512xf32>
    %reshape3A_214 = vector.shape_cast %slice3A_213 : vector<704x512xf32> to vector<22x32x512xf32>
    %broadcast_in_dim3A_215 = vector.shape_cast %slice3A_212 : vector<32x512xf32> to vector<1x32x512xf32>
    %mul3A_216 = vector.broadcast %broadcast_in_dim3A_215 : vector<1x32x512xf32> to vector<22x32x512xf32>
    %mul3A_217 = arith.mulf %reshape3A_214, %mul3A_216 : vector<22x32x512xf32>
    %reduce_sum3A_218 = arith.constant dense<0.000000e+00> : vector<22x512xf32>
    %reduce_sum3A_219 = vector.multi_reduction <add>, %mul3A_217, %reduce_sum3A_218 [1] : vector<22x32x512xf32> to vector<22x512xf32>
    %slice3A_220 = vector.extract_strided_slice %concatenate3A_46 {offsets = [736, 0], sizes = [32, 512], strides = [1, 1]} : vector<864x512xf32> to vector<32x512xf32>
    %slice3A_221 = vector.extract_strided_slice %concatenate3A_46 {offsets = [0, 0], sizes = [736, 512], strides = [1, 1]} : vector<864x512xf32> to vector<736x512xf32>
    %reshape3A_222 = vector.shape_cast %slice3A_221 : vector<736x512xf32> to vector<23x32x512xf32>
    %broadcast_in_dim3A_223 = vector.shape_cast %slice3A_220 : vector<32x512xf32> to vector<1x32x512xf32>
    %mul3A_224 = vector.broadcast %broadcast_in_dim3A_223 : vector<1x32x512xf32> to vector<23x32x512xf32>
    %mul3A_225 = arith.mulf %reshape3A_222, %mul3A_224 : vector<23x32x512xf32>
    %reduce_sum3A_226 = arith.constant dense<0.000000e+00> : vector<23x512xf32>
    %reduce_sum3A_227 = vector.multi_reduction <add>, %mul3A_225, %reduce_sum3A_226 [1] : vector<23x32x512xf32> to vector<23x512xf32>
    %slice3A_228 = vector.extract_strided_slice %concatenate3A_46 {offsets = [768, 0], sizes = [32, 512], strides = [1, 1]} : vector<864x512xf32> to vector<32x512xf32>
    %slice3A_229 = vector.extract_strided_slice %concatenate3A_46 {offsets = [0, 0], sizes = [768, 512], strides = [1, 1]} : vector<864x512xf32> to vector<768x512xf32>
    %reshape3A_230 = vector.shape_cast %slice3A_229 : vector<768x512xf32> to vector<24x32x512xf32>
    %broadcast_in_dim3A_231 = vector.shape_cast %slice3A_228 : vector<32x512xf32> to vector<1x32x512xf32>
    %mul3A_232 = vector.broadcast %broadcast_in_dim3A_231 : vector<1x32x512xf32> to vector<24x32x512xf32>
    %mul3A_233 = arith.mulf %reshape3A_230, %mul3A_232 : vector<24x32x512xf32>
    %reduce_sum3A_234 = arith.constant dense<0.000000e+00> : vector<24x512xf32>
    %reduce_sum3A_235 = vector.multi_reduction <add>, %mul3A_233, %reduce_sum3A_234 [1] : vector<24x32x512xf32> to vector<24x512xf32>
    %slice3A_236 = vector.extract_strided_slice %concatenate3A_46 {offsets = [800, 0], sizes = [32, 512], strides = [1, 1]} : vector<864x512xf32> to vector<32x512xf32>
    %slice3A_237 = vector.extract_strided_slice %concatenate3A_46 {offsets = [0, 0], sizes = [800, 512], strides = [1, 1]} : vector<864x512xf32> to vector<800x512xf32>
    %reshape3A_238 = vector.shape_cast %slice3A_237 : vector<800x512xf32> to vector<25x32x512xf32>
    %broadcast_in_dim3A_239 = vector.shape_cast %slice3A_236 : vector<32x512xf32> to vector<1x32x512xf32>
    %mul3A_240 = vector.broadcast %broadcast_in_dim3A_239 : vector<1x32x512xf32> to vector<25x32x512xf32>
    %mul3A_241 = arith.mulf %reshape3A_238, %mul3A_240 : vector<25x32x512xf32>
    %reduce_sum3A_242 = arith.constant dense<0.000000e+00> : vector<25x512xf32>
    %reduce_sum3A_243 = vector.multi_reduction <add>, %mul3A_241, %reduce_sum3A_242 [1] : vector<25x32x512xf32> to vector<25x512xf32>
    %slice3A_244 = vector.extract_strided_slice %concatenate3A_46 {offsets = [832, 0], sizes = [32, 512], strides = [1, 1]} : vector<864x512xf32> to vector<32x512xf32>
    %slice3A_245 = vector.extract_strided_slice %concatenate3A_46 {offsets = [0, 0], sizes = [832, 512], strides = [1, 1]} : vector<864x512xf32> to vector<832x512xf32>
    %reshape3A_246 = vector.shape_cast %slice3A_245 : vector<832x512xf32> to vector<26x32x512xf32>
    %broadcast_in_dim3A_247 = vector.shape_cast %slice3A_244 : vector<32x512xf32> to vector<1x32x512xf32>
    %mul3A_248 = vector.broadcast %broadcast_in_dim3A_247 : vector<1x32x512xf32> to vector<26x32x512xf32>
    %mul3A_249 = arith.mulf %reshape3A_246, %mul3A_248 : vector<26x32x512xf32>
    %reduce_sum3A_250 = arith.constant dense<0.000000e+00> : vector<26x512xf32>
    %reduce_sum3A_251 = vector.multi_reduction <add>, %mul3A_249, %reduce_sum3A_250 [1] : vector<26x32x512xf32> to vector<26x512xf32>
    %concatenate3A_252 = tpu.concatenate %max3A_36, %reduce_sum3A_51, %reduce_sum3A_59, %reduce_sum3A_67, %reduce_sum3A_75, %reduce_sum3A_83, %reduce_sum3A_91, %reduce_sum3A_99, %reduce_sum3A_107, %reduce_sum3A_115, %reduce_sum3A_123, %reduce_sum3A_131, %reduce_sum3A_139, %reduce_sum3A_147, %reduce_sum3A_155, %reduce_sum3A_163, %reduce_sum3A_171, %reduce_sum3A_179, %reduce_sum3A_187, %reduce_sum3A_195, %reduce_sum3A_203, %reduce_sum3A_211, %reduce_sum3A_219, %reduce_sum3A_227, %reduce_sum3A_235, %reduce_sum3A_243, %reduce_sum3A_251 in 0 : vector<32x512xf32>, vector<1x512xf32>, vector<2x512xf32>, vector<3x512xf32>, vector<4x512xf32>, vector<5x512xf32>, vector<6x512xf32>, vector<7x512xf32>, vector<8x512xf32>, vector<9x512xf32>, vector<10x512xf32>, vector<11x512xf32>, vector<12x512xf32>, vector<13x512xf32>, vector<14x512xf32>, vector<15x512xf32>, vector<16x512xf32>, vector<17x512xf32>, vector<18x512xf32>, vector<19x512xf32>, vector<20x512xf32>, vector<21x512xf32>, vector<22x512xf32>, vector<23x512xf32>, vector<24x512xf32>, vector<25x512xf32>, vector<26x512xf32> -> vector<383x512xf32>
    %get3A_253 = arith.constant 0 : index
    %get3A_254 = arith.constant 0 : index
    %get3A_255 = vector.load %arg10[%get3A_253, %get3A_254] : memref<512x383xf32, #tpu.memory_space<vmem>>, vector<512x383xf32>
    %dot_general3A_256 = arith.constant dense<0.000000e+00> : vector<512x512xf32>
    %dot_general3A_257 = tpu.matmul %get3A_255, %concatenate3A_252, %dot_general3A_256 {dimension_numbers = #tpu.dot_dimension_numbers<[1], [0], [0], [1], [0, 0, 1, 1], [], []>, transpose_lhs_hint = false} : vector<512x383xf32>, vector<383x512xf32>, vector<512x512xf32> -> vector<512x512xf32>
    %get3A_258 = arith.constant 0 : index
    %get3A_259 = vector.load %arg11[%get3A_258] : memref<512xf32, #tpu.memory_space<vmem>>, vector<512xf32>
    %broadcast_in_dim3A_260 = vector.shape_cast %get3A_259 : vector<512xf32> to vector<512x1xf32>
    %add3A_261 = vector.broadcast %broadcast_in_dim3A_260 : vector<512x1xf32> to vector<512x512xf32>
    %add3A_262 = arith.addf %dot_general3A_257, %add3A_261 : vector<512x512xf32>
    %max3A_263 = arith.constant 0.000000e+00 : f32
    %max3A_264 = vector.broadcast %max3A_263 : f32 to vector<512x512xf32>
    %max3A_265 = arith.maximumf %add3A_262, %max3A_264 : vector<512x512xf32>
    %get3A_266 = arith.constant 0 : index
    %get3A_267 = arith.constant 0 : index
    %get3A_268 = vector.load %arg12[%get3A_266, %get3A_267] : memref<256x512xf32, #tpu.memory_space<vmem>>, vector<256x512xf32>
    %dot_general3A_269 = arith.constant dense<0.000000e+00> : vector<256x512xf32>
    %dot_general3A_270 = tpu.matmul %get3A_268, %max3A_265, %dot_general3A_269 {dimension_numbers = #tpu.dot_dimension_numbers<[1], [0], [0], [1], [0, 0, 1, 1], [], []>, transpose_lhs_hint = false} : vector<256x512xf32>, vector<512x512xf32>, vector<256x512xf32> -> vector<256x512xf32>
    %get3A_271 = arith.constant 0 : index
    %get3A_272 = vector.load %arg13[%get3A_271] : memref<256xf32, #tpu.memory_space<vmem>>, vector<256xf32>
    %broadcast_in_dim3A_273 = vector.shape_cast %get3A_272 : vector<256xf32> to vector<256x1xf32>
    %add3A_274 = vector.broadcast %broadcast_in_dim3A_273 : vector<256x1xf32> to vector<256x512xf32>
    %add3A_275 = arith.addf %dot_general3A_270, %add3A_274 : vector<256x512xf32>
    %max3A_276 = arith.constant 0.000000e+00 : f32
    %max3A_277 = vector.broadcast %max3A_276 : f32 to vector<256x512xf32>
    %max3A_278 = arith.maximumf %add3A_275, %max3A_277 : vector<256x512xf32>
    %get3A_279 = arith.constant 0 : index
    %get3A_280 = arith.constant 0 : index
    %get3A_281 = vector.load %arg14[%get3A_279, %get3A_280] : memref<1x256xf32, #tpu.memory_space<vmem>>, vector<1x256xf32>
    %dot_general3A_282 = arith.constant dense<0.000000e+00> : vector<1x512xf32>
    %dot_general3A_283 = tpu.matmul %get3A_281, %max3A_278, %dot_general3A_282 {dimension_numbers = #tpu.dot_dimension_numbers<[1], [0], [0], [1], [0, 0, 1, 1], [], []>, transpose_lhs_hint = false} : vector<1x256xf32>, vector<256x512xf32>, vector<1x512xf32> -> vector<1x512xf32>
    %get3A_284 = arith.constant 0 : index
    %get3A_285 = vector.load %arg15[%get3A_284] : memref<1xf32, #tpu.memory_space<vmem>>, vector<1xf32>
    %broadcast_in_dim3A_286 = vector.shape_cast %get3A_285 : vector<1xf32> to vector<1x1xf32>
    %add3A_287 = vector.broadcast %broadcast_in_dim3A_286 : vector<1x1xf32> to vector<1x512xf32>
    %add3A_288 = arith.addf %dot_general3A_283, %add3A_287 : vector<1x512xf32>
    %logistic3A = arith.negf %add3A_288 : vector<1x512xf32>
    %logistic3A_289 = math.exp %logistic3A : vector<1x512xf32>
    %logistic3A_290 = arith.constant 1.000000e+00 : f32
    %logistic3A_291 = vector.broadcast %logistic3A_290 : f32 to vector<1x512xf32>
    %logistic3A_292 = arith.addf %logistic3A_291, %logistic3A_289 : vector<1x512xf32>
    %logistic3A_293 = arith.divf %logistic3A_291, %logistic3A_292 : vector<1x512xf32>
    %transpose3A_294 = tpu.transpose %logistic3A_293, [1, 0] : vector<1x512xf32> -> vector<512x1xf32>
    %swap3A = arith.constant 0 : index
    %swap3A_295 = arith.constant 0 : index
    %swap3A_296 = vector.load %arg16[%swap3A, %swap3A_295] : memref<512x1xf32, #tpu.memory_space<vmem>>, vector<512x1xf32>
    tpu.vector_store %arg16[%swap3A, %swap3A_295], %transpose3A_294 {strides = array<i32>} : memref<512x1xf32, #tpu.memory_space<vmem>>, vector<512x1xf32>,
    return
  }
  func.func @transform_0(%arg0: i32) -> (i32, i32) {
    %c0_i32 = arith.constant 0 : i32
    %c0_i32_0 = arith.constant 0 : i32
    return %c0_i32, %arg0 : i32, i32
  }
  func.func @transform_1(%arg0: i32) -> (i32, i32, i32) {
    %c0_i32 = arith.constant 0 : i32
    %c0_i32_0 = arith.constant 0 : i32
    %c0_i32_1 = arith.constant 0 : i32
    return %c0_i32, %arg0, %c0_i32_0 : i32, i32, i32
  }
  func.func @transform_2(%arg0: i32) -> (i32, i32, i32) {
    %c0_i32 = arith.constant 0 : i32
    %c0_i32_0 = arith.constant 0 : i32
    %c0_i32_1 = arith.constant 0 : i32
    return %c0_i32, %arg0, %c0_i32_0 : i32, i32, i32
  }
  func.func @transform_3(%arg0: i32) -> (i32, i32) {
    %c0_i32 = arith.constant 0 : i32
    %c0_i32_0 = arith.constant 0 : i32
    %c0_i32_1 = arith.constant 0 : i32
    return %c0_i32, %c0_i32_0 : i32, i32
  }
  func.func @transform_4(%arg0: i32) -> i32 {
    %c0_i32 = arith.constant 0 : i32
    %c0_i32_0 = arith.constant 0 : i32
    return %c0_i32 : i32
  }
  func.func @transform_5(%arg0: i32) -> (i32, i32) {
    %c0_i32 = arith.constant 0 : i32
    %c0_i32_0 = arith.constant 0 : i32
    %c0_i32_1 = arith.constant 0 : i32
    return %c0_i32, %c0_i32_0 : i32, i32
  }
  func.func @transform_6(%arg0: i32) -> i32 {
    %c0_i32 = arith.constant 0 : i32
    %c0_i32_0 = arith.constant 0 : i32
    return %c0_i32 : i32
  }
  func.func @transform_7(%arg0: i32) -> (i32, i32) {
    %c0_i32 = arith.constant 0 : i32
    %c0_i32_0 = arith.constant 0 : i32
    %c0_i32_1 = arith.constant 0 : i32
    return %c0_i32, %c0_i32_0 : i32, i32
  }
  func.func @transform_8(%arg0: i32) -> i32 {
    %c0_i32 = arith.constant 0 : i32
    %c0_i32_0 = arith.constant 0 : i32
    return %c0_i32 : i32
  }
  func.func @transform_9(%arg0: i32) -> (i32, i32) {
    %c0_i32 = arith.constant 0 : i32
    %c0_i32_0 = arith.constant 0 : i32
    %c0_i32_1 = arith.constant 0 : i32
    return %c0_i32, %c0_i32_0 : i32, i32
  }
  func.func @transform_10(%arg0: i32) -> i32 {
    %c0_i32 = arith.constant 0 : i32
    %c0_i32_0 = arith.constant 0 : i32
    return %c0_i32 : i32
  }
  func.func @transform_11(%arg0: i32) -> (i32, i32) {
    %c0_i32 = arith.constant 0 : i32
    %c0_i32_0 = arith.constant 0 : i32
    %c0_i32_1 = arith.constant 0 : i32
    return %c0_i32, %c0_i32_0 : i32, i32
  }
  func.func @transform_12(%arg0: i32) -> i32 {
    %c0_i32 = arith.constant 0 : i32
    %c0_i32_0 = arith.constant 0 : i32
    return %c0_i32 : i32
  }
  func.func @transform_13(%arg0: i32) -> (i32, i32) {
    %c0_i32 = arith.constant 0 : i32
    %c0_i32_0 = arith.constant 0 : i32
    %c0_i32_1 = arith.constant 0 : i32
    return %c0_i32, %c0_i32_0 : i32, i32
  }
  func.func @transform_14(%arg0: i32) -> i32 {
    %c0_i32 = arith.constant 0 : i32
    %c0_i32_0 = arith.constant 0 : i32
    return %c0_i32 : i32
  }
  func.func @transform_15(%arg0: i32) -> (i32, i32) {
    %c0_i32 = arith.constant 0 : i32
    %c0_i32_0 = arith.constant 0 : i32
    return %arg0, %c0_i32 : i32, i32
  }
}

</mosaic_0001>

<sc_bundles>
// kernel: kernel.10.cloned.1.call-start
scs
__scs_entry_jumppad:
0x0: {  	(pc) =	sbr.rel $0x88, $3  }
0x1: {  	(tag) =	ssettag $0x0;
	lr =	simm.s32 $0x1  }
0x2: {  	[smem:$0x3F92] =	sst lr;
	_ =	strace $0xD0000000  }
0x3: {  	_ = 	snop  }
0x4: {  	_ = 	snop  }
0x5: {  	_ = 	snop  }
0x6: {  	_ = 	snop  }
0x7: {  	_ = 	snop  }
__scs_overlays_trampoline_lowered:
0x8: {  	[smem:$0x3FA1] =	sst s0  }
0x9: {  	[smem:$0x3FA2] =	sst s1  }
0xa: {  	[smem:$0x3FA3] =	sst s2  }
0xb: {  	[smem:$0x3FA4] =	sst s3  }
0xc: {  	[smem:$0x3FA5] =	sst s4  }
0xd: {  	[smem:$0x3FA6] =	sst s5  }
0xe: {  	[smem:$0x3FA7] =	sst s6  }
0xf: {  	[smem:$0x3FA8] =	sst s7  }
0x10: {  	[smem:$0x3FA9] =	sst s8  }
0x11: {  	[smem:$0x3FAA] =	sst s9;
	s0 =	simm.s32 @!p0 $0x0  }
0x12: {  	s1 =	sld [smem:$0x3F90];
	s0 =	simm.s32 @p0 $0x1  }
0x13: {  	[smem:$0x3FAB] =	sst s0;
	s0 =	simm.s32 @!p1 $0x0  }
0x14: {  	s2 =	sld [smem:$0x3F8F];
	s0 =	simm.s32 @p1 $0x1  }
0x15: {  	[smem:$0x3FAC] =	sst s0;
	s0 =	simm.s32 @!p2 $0x0  }
0x16: {  	s3 =	sld [smem:$0x3FDB];
	s0 =	simm.s32 @p2 $0x1  }
0x17: {  	s4 =	simm.s32 $0x1BF5;
	[smem:$0x3FAE] =	sst s0  }
0x18: {  	s0 =	sld [smem:$0x3F91];
	_ =	swait.ge [sflag:s4], $0x0  }
0x19: {  	s7 =	sld [smem:$0x3F92]  }
0x1a: {  	s8 =	sadd.s32 $0xFFFFE003, lr  }
0x1b: {  	s9 =	sadd.s32 $0xFFFFFEF7, lr;
	s5 =	simm.s32 $0xFFFFFFFF;
	p2 =	slt.u32 s8, $0xFFFFF086  }
0x1c: {  	p1 =	slt.u32 s9, $0xF7A;
	s5 =	simm.s32 @!p2 $0x0  }
0x1d: {  	s5 =	simm.s32 @p1 $0x1;
	p0 =	seq.s32 s7, s2  }
0x1e: {  	s7 =	smul.u32 @!p0 $0xF7A, s2;
	p2 =	seq.s32 @!p0 s5, $0x0  }
0x1f: {  	s9 =	smul.u32 $0xF7A, s1;
	s8 =	simm.s32 @!p0 $0x1BF5;
	p2 =	por !p2, p0  }
0x20: {  	[sflag:s8] =	ssyncset.s32 @!p0 $0xFFFFF086;
	s6 =	sadd.s32 @!p0 s3, s7;
	s7 =	simm.s32 @!p0 $0x108  }
0x21: {  	s3 =	sadd.s32 s3, s9;
	s6 =	sadd.s32 @!p0 $0x88, s6;
	s7 =	simm.s32 @p2 $0x1082  }
0x22: {  	[simem:s7], [sflag:s8] =	dma.local @!p0 [hbm:s6], $0xF7A  }
0x23: {  	s9 =	sor.u32 $0xD0000000, s2;
	s6 =	simm.s32 $0x108;
	_ =	swait.ge @!p0 [sflag:s8], $0x0  }
0x24: {  	s3 =	sadd.s32 $0x88, s3;
	s6 =	simm.s32 @!p1 $0x1082;
	[sflag:s4] =	ssyncset.s32 $0xFFFFF086  }
0x25: {  	[simem:s6], [sflag:s4] =	dma.local [hbm:s3], $0xF7A  }
0x26: {  	[smem:$0x3F92] =	sst s1;
	(tag) =	ssettag s2;
	_ =	strace s9  }
0x27: {  	s1 =	sld [smem:$0x3FA2]  }
0x28: {  	s2 =	sld [smem:$0x3FA3]  }
0x29: {  	s4 =	sld [smem:$0x3FA5]  }
0x2a: {  	p0 =	seq.s32 s5, $0x0;
	s5 =	sld [smem:$0x3FA6]  }
0x2b: {  	s6 =	sld [smem:$0x3FA7]  }
0x2c: {  	s7 =	sld [smem:$0x3FA8]  }
0x2d: {  	s3 =	simm.s32 $0x108;
	s8 =	sld [smem:$0x3FA9]  }
0x2e: {  	s3 =	simm.s32 @!p0 $0x1082;
	s9 =	sld [smem:$0x3FAA]  }
0x2f: {  	lr =	sadd.s32 s0, s3;
	s0 =	sld [smem:$0x3FA1]  }
0x30: {  	s3 =	sld [smem:$0x3FA4]  }
0x31: {  	[smem:$0x3FAD] =	sst s10  }
0x32: {  	s10 =	sld [smem:$0x3FAB];
	_ =	sdelay $0x3  }
0x33: {  	p0 =	seq.s32 s10, $0x1;
	s10 =	sld [smem:$0x3FAD];
	_ =	sdelay $0x3  }
0x34: {  	[smem:$0x3FAD] =	sst s10  }
0x35: {  	s10 =	sld [smem:$0x3FAC];
	_ =	sdelay $0x3  }
0x36: {  	p1 =	seq.s32 s10, $0x1;
	s10 =	sld [smem:$0x3FAD];
	_ =	sdelay $0x3  }
0x37: {  	[smem:$0x3FAD] =	sst s10  }
0x38: {  	s10 =	sld [smem:$0x3FAE]  }
0x39: {  	_ = 	snop;
	(pc) =	sbr.ind lr, $3  }
0x3a: {  	_ = 	snop  }
0x3b: {  	_ = 	snop  }
0x3c: {  	p2 =	seq.s32 s10, $0x1;
	s10 =	sld [smem:$0x3FAD]  }
0x3d: {  	_ =	shalt  }
0x3e: {  	_ =	shalt  }
0x3f: {  	_ =	shalt  }
0x40: {  	_ =	shalt  }
0x41: {  	_ =	shalt  }
0x42: {  	_ =	shalt  }
0x43: {  	_ =	shalt  }
0x44: {  	_ =	shalt  }
0x45: {  	_ =	shalt  }
0x46: {  	_ =	shalt  }
0x47: {  	_ =	shalt  }
0x48: {  	_ =	shalt  }
0x49: {  	_ =	shalt  }
0x4a: {  	_ =	shalt  }
0x4b: {  	_ =	shalt  }
0x4c: {  	_ =	shalt  }
0x4d: {  	_ =	shalt  }
0x4e: {  	_ =	shalt  }
0x4f: {  	_ =	shalt  }
0x50: {  	_ =	shalt  }
0x51: {  	_ =	shalt  }
0x52: {  	_ =	shalt  }
0x53: {  	_ =	shalt  }
0x54: {  	_ =	shalt  }
0x55: {  	_ =	shalt  }
0x56: {  	_ =	shalt  }
0x57: {  	_ =	shalt  }
0x58: {  	_ =	shalt  }
0x59: {  	_ =	shalt  }
0x5a: {  	_ =	shalt  }
0x5b: {  	_ =	shalt  }
0x5c: {  	_ =	shalt  }
0x5d: {  	_ =	shalt  }
0x5e: {  	_ =	shalt  }
0x5f: {  	_ =	shalt  }
0x60: {  	_ =	shalt  }
0x61: {  	_ =	shalt  }
0x62: {  	_ =	shalt  }
0x63: {  	_ =	shalt  }
0x64: {  	_ =	shalt  }
0x65: {  	_ =	shalt  }
0x66: {  	_ =	shalt  }
0x67: {  	_ =	shalt  }
0x68: {  	_ =	shalt  }
0x69: {  	_ =	shalt  }
0x6a: {  	_ =	shalt  }
0x6b: {  	_ =	shalt  }
0x6c: {  	_ =	shalt  }
0x6d: {  	_ =	shalt  }
0x6e: {  	_ =	shalt  }
0x6f: {  	_ =	shalt  }
0x70: {  	_ =	shalt  }
0x71: {  	_ =	shalt  }
0x72: {  	_ =	shalt  }
0x73: {  	_ =	shalt  }
0x74: {  	_ =	shalt  }
0x75: {  	_ =	shalt  }
0x76: {  	_ =	shalt  }
0x77: {  	_ =	shalt  }
0x78: {  	_ =	shalt  }
0x79: {  	_ =	shalt  }
0x7a: {  	_ =	shalt  }
0x7b: {  	_ =	shalt  }
0x7c: {  	_ =	shalt  }
0x7d: {  	_ =	shalt  }
0x7e: {  	_ =	shalt  }
0x7f: {  	_ =	shalt  }
0x80: {  	_ =	shalt  }
0x81: {  	_ =	shalt  }
0x82: {  	_ =	shalt  }
0x83: {  	_ =	shalt  }
0x84: {  	_ =	shalt  }
0x85: {  	_ =	shalt  }
0x86: {  	_ =	shalt  }
0x87: {  	_ =	shalt  }
.Lfunc_end0:
.L_simem_size_0:
called_computation.1_lowered:
.L_overlay_start_0:
0x88: {  	s2 =	sld [smem:$0x3FD9]  }
0x89: {  	s3 =	sld [smem:$0x3FFE];
	_ =	sdelay $0x1  }
0x8a: {  	s1 =	srdreg.scid  }
0x8b: {  	s0 =	sand.u32 $0x1, s1  }
0x8c: {  	s17 =	sshll.u32 s0, $0xA;
	s2 =	sadd.s32 s3, s2  }
0x8d: {  	s2 =	sadd.s32 s2, s17  }
0x8e: {  	[smem:$0x3FB9] =	sst s2  }
0x8f: {  	_ = 	snop  }
0x90: {  	(tm) =	ssettm $0x1  }
0x91: {  	s18 =	sld [smem:$0x3FFB];
	_ =	sdelay $0x3  }
0x92: {  	_ =	strace s18  }
0x93: {  	s2 =	sld [smem:$0x3FFC];
	_ =	sdelay $0x3  }
0x94: {  	_ =	strace s2  }
0x95: {  	s2 =	sld [smem:$0x3FFD];
	_ =	sdelay $0x3  }
0x96: {  	_ =	strace s2  }
0x97: {  	_ =	strace $0x8FFFFFFF  }
0x98: {  	s19 =	sld [smem:$0x3FDB];
	_ =	sdelay $0x1  }
0x99: {  	s20 =	simm.s32 $_scs_section_size  }
0x9a: {  	s4 =	simm.s32 $_size__tile_overlayer_lowered;
	s5 =	simm.s32 $_tile_overlayer_lowered  }
0x9b: {  	s6 =	simm.s32 $0x1BFF;
	s21 =	sshll.u32 s5, $0x1;
	s3 =	sadd.s32 s20, s19  }
0x9c: {  	s22 =	simm.s32 $0x0;
	s4 =	sshll.u32 s4, $0x1;
	s5 =	sadd.s32 s21, s3  }
0x9d: {  	[timem:s22], [sflag:s6] =	dma.local [hbm:s5], s4  }
0x9e: {  	_ =	swait.ge [sflag:s6], s4  }
0x9f: {  	s4 =	ssub.s32 $0x0, s4;
	[sflag:s6] =	ssyncset.done $0x0  }
0xa0: {  	[sflag:s6] =	ssyncadd.s32 s4;
	_ =	sdelay $0x1  }
0xa1: {  	s23 =	simm.s32 $0x1B8B  }
0xa2: {  	_ =	swait.ge [sflag:s23], $0x1  }
0xa3: {  	[sflag:s23] =	ssyncset.done $0x0  }
0xa4: {  	[sflag:s23] =	ssyncadd.s32 $0xFFFFFFFF  }
0xa5: {  	s4 =	sld [smem:$0x0]  }
0xa6: {  	s5 =	sand.u32 $0xFFFFFFFE, s1  }
0xa7: {  	p0 =	sne.s32 s1, s5  }
0xa8: {  	s5 =	sshll.u32 @p0 s5, $0xE  }
0xa9: {  	s5 =	sadd.s32 @p0 $0x11B8D, s5;
	s6 =	sshll.u32 @p0 s4, $0x11  }
0xaa: {  	s5 =	sor.u32 @p0 s6, s5  }
0xab: {  	[sflag:s5] =	ssyncadd.remote.s32 @p0 $0x1;
	_ =	sdelay $0x1  }
0xac: {  	s5 =	simm.s32 @p0 $0x1B8D  }
0xad: {  	_ =	swait.eq @p0 [sflag:s5], $0x1  }
0xae: {  	[sflag:s5] =	ssyncadd.s32 @p0 $0xFFFFFFFF  }
0xaf: {  	s6 =	sshll.u32 @!p0 s1, $0xE  }
0xb0: {  	s6 =	sor.u32 @!p0 $0x4000, s6;
	s5 =	simm.s32 @!p0 $0x1B8D  }
0xb1: {  	s4 =	sshll.u32 @!p0 s4, $0x11;
	s6 =	sadd.s32 @!p0 $0x11B8D, s6;
	_ =	swait.eq @!p0 [sflag:s5], $0x1  }
0xb2: {  	s4 =	sor.u32 @!p0 s4, s6;
	[sflag:s5] =	ssyncadd.s32 @!p0 $0xFFFFFFFF  }
0xb3: {  	s25 =	simm.s32 $0x1B8E;
	s24 =	sld [smem:$0x3FFE];
	[sflag:s4] =	ssyncadd.remote.s32 @!p0 $0x1  }
0xb4: {  	s26 =	simm.s32 $execute0_lowered;
	[smem:$0x3FD2] =	sst s25  }
0xb5: {  	s5 =	sshll.u32 s26, $0x1;
	_ =	strace $0x80000049;
	[dreg:$0x1] =	wrdreg $0xFFFFFFFF  }
0xb6: {  	s28 =	simm.s32 $_size_execute0_lowered;
	s3 =	sadd.s32 s3, s5;
	[dreg:$0x0] =	wrdreg $0x0  }
0xb7: {  	s5 =	sshll.u32 s28, $0x1;
	[dreg:$0x2] =	wrdreg s3  }
0xb8: {  	[dreg:$0x3] =	wrdreg s5  }
0xb9: {  	[dreg:$0x4] =	wrdreg $0xC0  }
0xba: {  	_ =	task [dreg:s22], $0x5FFFF  }
0xbb: {  	[dreg:$0x1] =	wrdreg $0xFFFFFFFF  }
0xbc: {  	[dreg:$0x0] =	wrdreg $0x60  }
0xbd: {  	[dreg:$0x2] =	wrdreg s24  }
0xbe: {  	[dreg:$0x3] =	wrdreg $0xA  }
0xbf: {  	_ =	task.clear_ibuf [dreg:s22], $0x4FFFF;
	_ =	strace $0x90000049  }
0xc0: {  	s29 =	simm.s32 $0xA;
	_ =	strace $0x8000004B  }
0xc1: {  	_ =	swait.ge [sflag:s29], $0x1  }
0xc2: {  	[sflag:s29] =	ssyncadd.s32 $0xFFFFFFFF  }
0xc3: {  	_ =	strace $0x9000004B  }
0xc4: {  	_ =	sfence  }
0xc5: {  	s30 =	sld [smem:$0x0];
	_ =	sdelay $0x2  }
0xc6: {  	s31 =	sshll.u32 s1, $0xD;
	s1 =	sshrl.u32 s1, $0x2  }
0xc7: {  	s4 =	sand.u32 $0x4000, s31;
	s1 =	sadd.s32 s1, s30  }
0xc8: {  	s0 =	sor.u32 s4, s0;
	s1 =	sshll.u32 s1, $0x11  }
0xc9: {  	s0 =	sor.u32 s1, s0  }
0xca: {  	s0 =	sadd.s32 $0x8F2B, s0  }
0xcb: {  	[sflag:s0] =	ssyncadd.remote.s32 $0x1  }
0xcc: {  	_ =	sfence.sel $0xFFFF  }
0xcd: {  	[dreg:$0x0] =	wrdreg $0xFFFFFFFF;
	(pc) =	sbr.abs _section_cstart, $3  }
0xce: {  	[dreg:$0x1] =	wrdreg $0xFFFFFFFF  }
0xcf: {  	_ =	task.clear_ibuf [dreg:s22], $0x2FFFF;
	_ =	strace $0x9FFFFFFF  }
0xd0: {  	(tm) =	ssettm $0x7FFFFFFF  }
0xd1: {  	_ =	shalt  }
tec
execute0_lowered:
.L_overlay_start_1:
0x0: {  	(tag) =	ssettag $0x1  }
0x1: {  	s0 =	srdreg.scid  }
0x2: {  	s2 =	stileid.u32;
	s1 =	rddreg [dreg:$0x0];
	s3 =	simm.s32 $0x0  }
0x3: {  	s9 =	simm.s32 $0x3;
	s10 =	simm.s32 $0x80;
	s30 =	simm.s32 $0x500  }
0x4: {  	s14 =	simm.s32 $0x7200;
	s15 =	simm.s32 $0x700;
	s16 =	simm.s32 $0x7A00  }
0x5: {  	s17 =	simm.s32 $0x780;
	s18 =	simm.s32 $0x8200;
	s19 =	simm.s32 $0x800  }
0x6: {  	s20 =	simm.s32 $0x8A00;
	s21 =	simm.s32 $0x880;
	s22 =	simm.s32 $0x9200  }
0x7: {  	s23 =	simm.s32 $0x900;
	s24 =	simm.s32 $0x9A00;
	s25 =	simm.s32 $0x980  }
0x8: {  	s26 =	simm.s32 $0xA200;
	s28 =	simm.s32 $0x1;
	s29 =	simm.s32 $0x2  }
0x9: {  	s0 =	sand.u32 $0x1, s0;
	s2 =	sshll.u32 s2, $0x1;
	[smem:$0x7FF] =	sst s3  }
0xa: {  	s3 =	sadd.s32 $0x27BA00, s1;
	s4 =	sadd.s32 $0x38CA00, s1;
	s2 =	sor.u32 s0, s2  }
0xb: {  	s0 =	ssub.s32 $0x2, s0;
	s5 =	smul.u32 $0xA00, s2;
	s6 =	sshll.u32 s2, $0xB  }
0xc: {  	_ =	strace $0x8000004A;
	s7 =	sshrl.u32 s0, $0x1;
	s1 =	sadd.s32 s6, s1  }
0xd: {  	s0 =	ssub.s32 s0, s7;
	s6 =	sor.u32 $0x1A0, s2;
	s5 =	sshrl.u32 s5, $0x3  }
0xe: {  	s2 =	simm.s32 $0x20;
	s0 =	smax.u32 s0, $0x1;
	s5 =	sadd.s32 s3, s5  }
0xf: {  	s7 =	sadd.s32 $0x607A00, s1;
	[dreg:$0x3] =	wrdreg s0;
	s5 =	sadd.s32 $0x20800, s5  }
0x10: {  	s1 =	simm.s32 $0x0;
	[dreg:$0x2] =	wrdreg s5;
	s5 =	simm.s32 $0xAA00  }
.LBB2_1:
0x11: {  	[dreg:$0x4] =	wrdreg s1  }
0x12: {  	s0 =	simm.s32 $0x0;
	s13 =	rddreg [dreg:$0x2]  }
0x13: {  	[tilespmem:s0], [sflag:$0x3] =	stream.linear.gather [hbm4b:s13+s0], $0x500, $0x38;
	[tilespmem:$0xBA00] =	vst v63  }
0x14: {  	_ =	swait.ge [sflag:s9], $0x500  }
0x15: {  	[sflag:s9] =	ssyncset.done $0x0  }
0x16: {  	s31 =	simm.s32 $0xA00;
	[sflag:s9] =	ssyncadd.s32 $0xFFFFFB00  }
0x17: {  	[tilespmem:s31], [sflag:$0x1] =	stream.indirect.gather [hbm4b:s4+s10], $0x10, s0, s10, $0xb8;
	[tilespmem:$0xBA00] =	vst v63  }
0x18: {  	s8 =	simm.s32 $0x1200  }
0x19: {  	[tilespmem:s8], [sflag:$0x1] =	stream.indirect.gather [hbm4b:s4+s10], $0x10, s10, s10, $0xb8;
	[tilespmem:$0xBA00] =	vst v63  }
0x1a: {  	s11 =	simm.s32 $0x100;
	s12 =	simm.s32 $0x1A00  }
0x1b: {  	[tilespmem:s12], [sflag:$0x1] =	stream.indirect.gather [hbm4b:s4+s10], $0x10, s11, s10, $0xb8;
	[tilespmem:$0xBA00] =	vst v63  }
0x1c: {  	s13 =	simm.s32 $0x180;
	s31 =	simm.s32 $0x2200  }
0x1d: {  	[tilespmem:s31], [sflag:$0x1] =	stream.indirect.gather [hbm4b:s4+s10], $0x10, s13, s10, $0xb8;
	[tilespmem:$0xBA00] =	vst v63  }
0x1e: {  	s1 =	simm.s32 $0x200;
	s8 =	simm.s32 $0x2A00  }
0x1f: {  	[tilespmem:s8], [sflag:$0x1] =	stream.indirect.gather [hbm4b:s4+s10], $0x10, s1, s10, $0xb8;
	[tilespmem:$0xBA00] =	vst v63  }
0x20: {  	s11 =	simm.s32 $0x280;
	s12 =	simm.s32 $0x3200  }
0x21: {  	[tilespmem:s12], [sflag:$0x1] =	stream.indirect.gather [hbm4b:s4+s10], $0x10, s11, s10, $0xb8;
	[tilespmem:$0xBA00] =	vst v63  }
0x22: {  	s13 =	simm.s32 $0x300;
	s31 =	simm.s32 $0x3A00  }
0x23: {  	[tilespmem:s31], [sflag:$0x1] =	stream.indirect.gather [hbm4b:s4+s10], $0x10, s13, s10, $0xb8;
	[tilespmem:$0xBA00] =	vst v63  }
0x24: {  	s1 =	simm.s32 $0x380;
	s8 =	simm.s32 $0x4200  }
0x25: {  	[tilespmem:s8], [sflag:$0x1] =	stream.indirect.gather [hbm4b:s4+s10], $0x10, s1, s10, $0xb8;
	[tilespmem:$0xBA00] =	vst v63  }
0x26: {  	s11 =	simm.s32 $0x400;
	s12 =	simm.s32 $0x4A00  }
0x27: {  	[tilespmem:s12], [sflag:$0x1] =	stream.indirect.gather [hbm4b:s4+s10], $0x10, s11, s10, $0xb8;
	[tilespmem:$0xBA00] =	vst v63  }
0x28: {  	s13 =	simm.s32 $0x480;
	s31 =	simm.s32 $0x5200;
	s8 =	simm.s32 $0x0  }
0x29: {  	[tilespmem:s31], [sflag:$0x1] =	stream.indirect.gather [hbm4b:s4+s10], $0x10, s13, s10, $0xb8;
	[tilespmem:$0xBA00] =	vst v63  }
.LBB2_2:
0x2a: {  	s0 =	sshll.u32 s8, $0x5  }
0x2b: {  	s0 =	sadd.s32 s6, s0  }
0x2c: {  	s31 =	smul.u32 $0xA00, s0;
	_ =	sdelay $0x1  }
0x2d: {  	s0 =	sshrl.u32 s31, $0x3  }
0x2e: {  	s0 =	sadd.s32 s3, s0  }
0x2f: {  	s1 =	simm.s32 $0x0;
	s0 =	sadd.s32 $0xA0, s0  }
0x30: {  	[tilespmem:s30], [sflag:$0x3] =	stream.linear.gather [hbm4b:s0+s1], $0x500, $0x38;
	[tilespmem:$0xBA00] =	vst v63  }
0x31: {  	_ =	swait.ge [sflag:s9], $0x500  }
0x32: {  	[sflag:s9] =	ssyncset.done $0x0  }
0x33: {  	s12 =	simm.s32 $0x5A00;
	[sflag:s9] =	ssyncadd.s32 $0xFFFFFB00  }
0x34: {  	[tilespmem:s12], [sflag:$0x2] =	stream.indirect.gather [hbm4b:s4+s10], $0x10, s30, s10, $0xb8;
	[tilespmem:$0xBA00] =	vst v63  }
0x35: {  	s13 =	simm.s32 $0x580;
	s11 =	simm.s32 $0x6200  }
0x36: {  	[tilespmem:s11], [sflag:$0x2] =	stream.indirect.gather [hbm4b:s4+s10], $0x10, s13, s10, $0xb8;
	[tilespmem:$0xBA00] =	vst v63  }
0x37: {  	s12 =	simm.s32 $0x6A00;
	s11 =	simm.s32 $0x600  }
0x38: {  	[tilespmem:s12], [sflag:$0x2] =	stream.indirect.gather [hbm4b:s4+s10], $0x10, s11, s10, $0xb8;
	[tilespmem:$0xBA00] =	vst v63  }
0x39: {  	s13 =	simm.s32 $0x680  }
0x3a: {  	[tilespmem:s14], [sflag:$0x2] =	stream.indirect.gather [hbm4b:s4+s10], $0x10, s13, s10, $0xb8;
	[tilespmem:$0xBA00] =	vst v63  }
0x3b: {  	_ = 	snop  }
0x3c: {  	[tilespmem:s16], [sflag:$0x2] =	stream.indirect.gather [hbm4b:s4+s10], $0x10, s15, s10, $0xb8;
	[tilespmem:$0xBA00] =	vst v63  }
0x3d: {  	_ = 	snop  }
0x3e: {  	[tilespmem:s18], [sflag:$0x2] =	stream.indirect.gather [hbm4b:s4+s10], $0x10, s17, s10, $0xb8;
	[tilespmem:$0xBA00] =	vst v63  }
0x3f: {  	_ = 	snop  }
0x40: {  	[tilespmem:s20], [sflag:$0x2] =	stream.indirect.gather [hbm4b:s4+s10], $0x10, s19, s10, $0xb8;
	[tilespmem:$0xBA00] =	vst v63  }
0x41: {  	_ = 	snop  }
0x42: {  	[tilespmem:s22], [sflag:$0x2] =	stream.indirect.gather [hbm4b:s4+s10], $0x10, s21, s10, $0xb8;
	[tilespmem:$0xBA00] =	vst v63  }
0x43: {  	_ = 	snop  }
0x44: {  	[tilespmem:s24], [sflag:$0x2] =	stream.indirect.gather [hbm4b:s4+s10], $0x10, s23, s10, $0xb8;
	[tilespmem:$0xBA00] =	vst v63  }
0x45: {  	_ = 	snop  }
0x46: {  	[tilespmem:s26], [sflag:$0x2] =	stream.indirect.gather [hbm4b:s4+s10], $0x10, s25, s10, $0xb8;
	[tilespmem:$0xBA00] =	vst v63  }
0x47: {  	_ =	swait.ge [sflag:s28], $0x800  }
0x48: {  	[sflag:s28] =	ssyncset.done $0x0  }
0x49: {  	[sflag:s28] =	ssyncadd.s32 $0xFFFFF800  }
0x4a: {  	_ =	swait.ge [sflag:s28], $0x800  }
0x4b: {  	[sflag:s28] =	ssyncset.done $0x0  }
0x4c: {  	[sflag:s28] =	ssyncadd.s32 $0xFFFFF800  }
0x4d: {  	_ =	swait.ge [sflag:s28], $0x800  }
0x4e: {  	[sflag:s28] =	ssyncset.done $0x0  }
0x4f: {  	[sflag:s28] =	ssyncadd.s32 $0xFFFFF800  }
0x50: {  	_ =	swait.ge [sflag:s28], $0x800  }
0x51: {  	[sflag:s28] =	ssyncset.done $0x0  }
0x52: {  	[sflag:s28] =	ssyncadd.s32 $0xFFFFF800  }
0x53: {  	_ =	swait.ge [sflag:s28], $0x800  }
0x54: {  	[sflag:s28] =	ssyncset.done $0x0  }
0x55: {  	[sflag:s28] =	ssyncadd.s32 $0xFFFFF800  }
0x56: {  	_ =	swait.ge [sflag:s28], $0x800  }
0x57: {  	[sflag:s28] =	ssyncset.done $0x0  }
0x58: {  	[sflag:s28] =	ssyncadd.s32 $0xFFFFF800  }
0x59: {  	_ =	swait.ge [sflag:s28], $0x800  }
0x5a: {  	[sflag:s28] =	ssyncset.done $0x0  }
0x5b: {  	[sflag:s28] =	ssyncadd.s32 $0xFFFFF800  }
0x5c: {  	_ =	swait.ge [sflag:s28], $0x800  }
0x5d: {  	[sflag:s28] =	ssyncset.done $0x0  }
0x5e: {  	[sflag:s28] =	ssyncadd.s32 $0xFFFFF800  }
0x5f: {  	_ =	swait.ge [sflag:s28], $0x800  }
0x60: {  	[sflag:s28] =	ssyncset.done $0x0  }
0x61: {  	[sflag:s28] =	ssyncadd.s32 $0xFFFFF800  }
0x62: {  	_ =	swait.ge [sflag:s28], $0x800  }
0x63: {  	[sflag:s28] =	ssyncset.done $0x0  }
0x64: {  	s0 =	simm.s32 $0xAA0;
	[sflag:s28] =	ssyncadd.s32 $0xFFFFF800  }
0x65: {  	v0 =	vld [tilespmem:s0+$0xFFFFFFC0]  }
0x66: {  	v1 =	vld [tilespmem:s0+$0xFFFFFF60]  }
0x67: {  	v2 =	vld [tilespmem:s0+$0xFFFFFF80]  }
0x68: {  	v3 =	vld [tilespmem:s0+$0xFFFFFFA0]  }
0x69: {  	v4 =	vld [tilespmem:s0+$0xFFFFFFE0]  }
0x6a: {  	v5 =	vld [tilespmem:s0+$0xFFFFFF90]  }
0x6b: {  	v7 =	vld [tilespmem:s0+$0xFFFFFF70]  }
0x6c: {  	v11 =	vld [tilespmem:s0+$0xFFFFFFB0];
	v6 =	vshll.u32 v1, $0x10;
	v1 =	vand.u32 $0xFFFF0000, v1;
	v8 =	vand.u32 $0xFFFF0000, v2  }
0x6d: {  	v9 =	vshll.u32 v0, $0x10;
	v0 =	vand.u32 $0xFFFF0000, v0;
	v2 =	vshll.u32 v2, $0x10  }
0x6e: {  	v46 =	vld [tilespmem:s0+$0xFFFFFFD0];
	v44 =	vand.u32 $0xFFFF0000, v3;
	v45 =	vshll.u32 v4, $0x10;
	v4 =	vand.u32 $0xFFFF0000, v4  }
0x6f: {  	v12 =	vld [tilespmem:s0+$0x20];
	v13 =	vand.u32 $0xFFFF0000, v5;
	v3 =	vshll.u32 v3, $0x10;
	v1 =	vadd.f32 v8, v1  }
0x70: {  	v10 =	vld [tilespmem:s0+$0x0];
	v14 =	vshll.u32 v7, $0x10;
	v7 =	vand.u32 $0xFFFF0000, v7;
	v2 =	vadd.f32 v2, v6  }
0x71: {  	v5 =	vshll.u32 v5, $0x10;
	v47 =	vshll.u32 v11, $0x10;
	v1 =	vadd.f32 v44, v1  }
0x72: {  	v11 =	vand.u32 $0xFFFF0000, v11;
	v5 =	vadd.f32 v5, v14;
	v2 =	vadd.f32 v3, v2;
	v3 =	vld [tilespmem:s0+$0xFFFFFFF0]  }
0x73: {  	v50 =	vshll.u32 v46, $0x10;
	v7 =	vadd.f32 v13, v7;
	v0 =	vadd.f32 v0, v1  }
0x74: {  	v51 =	vand.u32 $0xFFFF0000, v12;
	v8 =	vand.u32 $0xFFFF0000, v46;
	v5 =	vadd.f32 v47, v5  }
0x75: {  	v7 =	vadd.f32 v11, v7;
	v1 =	vshll.u32 v10, $0x10;
	v0 =	vadd.f32 v4, v0;
	v4 =	vld [tilespmem:s0+$0x40]  }
0x76: {  	v49 =	vld [tilespmem:s0+$0x10];
	v10 =	vand.u32 $0xFFFF0000, v10;
	v2 =	vadd.f32 v9, v2;
	v5 =	vadd.f32 v50, v5  }
0x77: {  	v52 =	vld [tilespmem:s0+$0x60];
	v7 =	vadd.f32 v8, v7;
	v53 =	vshll.u32 v3, $0x10;
	v0 =	vadd.f32 v10, v0  }
0x78: {  	v54 =	vld [tilespmem:s0+$0x30];
	v2 =	vadd.f32 v45, v2;
	v3 =	vand.u32 $0xFFFF0000, v3;
	v5 =	vadd.f32 v53, v5  }
0x79: {  	v3 =	vadd.f32 v3, v7;
	v0 =	vadd.f32 v51, v0  }
0x7a: {  	v56 =	vld [tilespmem:s0+$0x50];
	v1 =	vadd.f32 v1, v2;
	v55 =	vshll.u32 v4, $0x10;
	v4 =	vand.u32 $0xFFFF0000, v4  }
0x7b: {  	v57 =	vld [tilespmem:s0+$0x70];
	v2 =	vand.u32 $0xFFFF0000, v49;
	v0 =	vadd.f32 v4, v0;
	v4 =	vshll.u32 v49, $0x10  }
0x7c: {  	v58 =	vld [tilespmem:s0+$0x80];
	v48 =	vshll.u32 v12, $0x10;
	v2 =	vadd.f32 v2, v3;
	v4 =	vadd.f32 v4, v5  }
0x7d: {  	v3 =	vshll.u32 v54, $0x10;
	v1 =	vadd.f32 v48, v1;
	v5 =	vand.u32 $0xFFFF0000, v52  }
0x7e: {  	v6 =	vand.u32 $0xFFFF0000, v54;
	v3 =	vadd.f32 v3, v4;
	v4 =	vadd.f32 v5, v0;
	v5 =	vld [tilespmem:s0+$0x90]  }
0x7f: {  	v59 =	vand.u32 $0xFFFF0000, v56;
	v0 =	vadd.f32 v6, v2;
	v2 =	vshll.u32 v56, $0x10  }
0x80: {  	v60 =	vshll.u32 v57, $0x10;
	v1 =	vadd.f32 v55, v1;
	v2 =	vadd.f32 v2, v3  }
0x81: {  	v61 =	vshll.u32 v58, $0x10;
	v3 =	vshll.u32 v52, $0x10;
	v0 =	vadd.f32 v59, v0  }
0x82: {  	v1 =	vadd.f32 v3, v1;
	v3 =	vand.u32 $0xFFFF0000, v57;
	v2 =	vadd.f32 v60, v2  }
0x83: {  	v63 =	vand.u32 $0xFFFF0000, v58;
	v3 =	vadd.f32 v3, v0;
	v62 =	vshll.u32 v5, $0x10  }
0x84: {  	v0 =	vadd.f32 v61, v1;
	v5 =	vand.u32 $0xFFFF0000, v5;
	v1 =	vadd.f32 v62, v2  }
0x85: {  	s11 =	simm.s32 $0x80;
	v2 =	vadd.f32 v63, v4;
	v3 =	vadd.f32 v5, v3  }
.LBB2_3:
0x86: {  	p0 =	sne.s32 s11, $0x1F80  }
0x87: {  	s0 =	sadd.s32 $0x140, s0;
	s12 =	smov.u32 s11;
	s11 =	sadd.s32 $0x80, s11  }
0x88: {  	v2 =	vadd.f32 v3, v2  }
0x89: {  	v0 =	vadd.f32 v1, v0;
	s13 =	sshra.s32 s1, $0x2;
	s1 =	smov.u32 s12  }
0x8a: {  	[tilespmem:s13+$0xAA10] =	vst v2  }
0x8b: {  	[tilespmem:s13+$0xAA00] =	vst v0  }
0x8c: {  	v0 =	vld [tilespmem:s0+$0xFFFFFFC0]  }
0x8d: {  	v1 =	vld [tilespmem:s0+$0xFFFFFF60]  }
0x8e: {  	v2 =	vld [tilespmem:s0+$0xFFFFFF80]  }
0x8f: {  	v3 =	vld [tilespmem:s0+$0xFFFFFFA0]  }
0x90: {  	v4 =	vld [tilespmem:s0+$0xFFFFFFE0]  }
0x91: {  	v5 =	vld [tilespmem:s0+$0xFFFFFF90]  }
0x92: {  	v6 =	vshll.u32 v1, $0x10;
	v1 =	vand.u32 $0xFFFF0000, v1;
	v7 =	vld [tilespmem:s0+$0xFFFFFF70]  }
0x93: {  	v9 =	vshll.u32 v0, $0x10;
	v0 =	vand.u32 $0xFFFF0000, v0;
	v8 =	vand.u32 $0xFFFF0000, v2;
	v10 =	vld [tilespmem:s0+$0x0]  }
0x94: {  	v2 =	vshll.u32 v2, $0x10;
	v1 =	vadd.f32 v8, v1;
	v8 =	vand.u32 $0xFFFF0000, v3;
	v11 =	vld [tilespmem:s0+$0xFFFFFFB0]  }
0x95: {  	v2 =	vadd.f32 v2, v6;
	v6 =	vshll.u32 v4, $0x10;
	v4 =	vand.u32 $0xFFFF0000, v4;
	v12 =	vld [tilespmem:s0+$0x20]  }
0x96: {  	v3 =	vshll.u32 v3, $0x10;
	v13 =	vand.u32 $0xFFFF0000, v5;
	v1 =	vadd.f32 v8, v1;
	v8 =	vld [tilespmem:s0+$0xFFFFFFD0]  }
0x97: {  	v5 =	vshll.u32 v5, $0x10;
	v14 =	vshll.u32 v7, $0x10;
	v7 =	vand.u32 $0xFFFF0000, v7  }
0x98: {  	v5 =	vadd.f32 v5, v14;
	v0 =	vadd.f32 v0, v1;
	v1 =	vshll.u32 v10, $0x10  }
0x99: {  	v2 =	vadd.f32 v3, v2;
	v10 =	vand.u32 $0xFFFF0000, v10;
	v14 =	vshll.u32 v11, $0x10;
	v3 =	vld [tilespmem:s0+$0xFFFFFFF0]  }
0x9a: {  	v11 =	vand.u32 $0xFFFF0000, v11;
	v5 =	vadd.f32 v14, v5;
	v0 =	vadd.f32 v4, v0;
	v4 =	vld [tilespmem:s0+$0x40]  }
0x9b: {  	v7 =	vadd.f32 v13, v7;
	v2 =	vadd.f32 v9, v2;
	v13 =	vshll.u32 v12, $0x10;
	v9 =	vld [tilespmem:s0+$0x10]  }
0x9c: {  	v14 =	vshll.u32 v8, $0x10;
	v0 =	vadd.f32 v10, v0;
	v10 =	vand.u32 $0xFFFF0000, v12;
	v12 =	vld [tilespmem:s0+$0x60]  }
0x9d: {  	v7 =	vadd.f32 v11, v7;
	v8 =	vand.u32 $0xFFFF0000, v8;
	v5 =	vadd.f32 v14, v5  }
0x9e: {  	v2 =	vadd.f32 v6, v2;
	v11 =	vshll.u32 v3, $0x10;
	v6 =	vld [tilespmem:s0+$0x30];
	v0 =	vadd.f32 v10, v0  }
0x9f: {  	v7 =	vadd.f32 v8, v7;
	v8 =	vshll.u32 v4, $0x10;
	v4 =	vand.u32 $0xFFFF0000, v4  }
0xa0: {  	v3 =	vand.u32 $0xFFFF0000, v3;
	v5 =	vadd.f32 v11, v5;
	v10 =	vld [tilespmem:s0+$0x50];
	v0 =	vadd.f32 v4, v0  }
0xa1: {  	v1 =	vadd.f32 v1, v2;
	v3 =	vadd.f32 v3, v7;
	v4 =	vshll.u32 v9, $0x10  }
0xa2: {  	v2 =	vand.u32 $0xFFFF0000, v9;
	v4 =	vadd.f32 v4, v5;
	v5 =	vand.u32 $0xFFFF0000, v12;
	v7 =	vld [tilespmem:s0+$0x70]  }
0xa3: {  	v1 =	vadd.f32 v13, v1;
	v2 =	vadd.f32 v2, v3;
	v3 =	vshll.u32 v6, $0x10;
	v9 =	vld [tilespmem:s0+$0x80]  }
0xa4: {  	v6 =	vand.u32 $0xFFFF0000, v6;
	v3 =	vadd.f32 v3, v4;
	v4 =	vadd.f32 v5, v0;
	v5 =	vld [tilespmem:s0+$0x90]  }
0xa5: {  	v1 =	vadd.f32 v8, v1;
	v0 =	vadd.f32 v6, v2;
	v2 =	vshll.u32 v10, $0x10  }
0xa6: {  	v6 =	vand.u32 $0xFFFF0000, v10;
	v2 =	vadd.f32 v2, v3;
	v3 =	vshll.u32 v12, $0x10  }
.Ltmp0:
0xa7: {  	v0 =	vadd.f32 v6, v0;
	v6 =	vshll.u32 v7, $0x10;
	v1 =	vadd.f32 v3, v1;
	(pc) =	sbr.rel @p0 .LBB2_3-.Ltmp0, $4  }
0xa8: {  	v3 =	vand.u32 $0xFFFF0000, v7;
	v2 =	vadd.f32 v6, v2;
	v6 =	vshll.u32 v9, $0x10  }
0xa9: {  	v3 =	vadd.f32 v3, v0;
	v7 =	vshll.u32 v5, $0x10;
	v0 =	vadd.f32 v6, v1  }
0xaa: {  	v6 =	vand.u32 $0xFFFF0000, v9;
	v5 =	vand.u32 $0xFFFF0000, v5;
	v1 =	vadd.f32 v7, v2  }
0xab: {  	v2 =	vadd.f32 v6, v4;
	v3 =	vadd.f32 v5, v3  }
0xac: {  	p0 =	seq.s32 s8, $0xC;
	v0 =	vadd.f32 v1, v0  }
0xad: {  	s0 =	sshra.s32 s1, $0x2;
	v2 =	vadd.f32 v3, v2;
	s1 =	sshrl.u32 @!p0 s31, $0x3  }
0xae: {  	s1 =	sadd.s32 @!p0 s3, s1;
	[tilespmem:s0+$0xAA00] =	vst v0  }
0xaf: {  	[tilespmem:s0+$0xAA10] =	vst v2;
	s0 =	sadd.s32 @!p0 $0x2800, s1;
	s1 =	simm.s32 @!p0 $0x0  }
0xb0: {  	[tilespmem:s1], [sflag:$0x3] =	stream.linear.gather @!p0 [hbm4b:s0+s1], $0x500, $0x38;
	[tilespmem:$0xBA00] =	vst v63  }
0xb1: {  	s0 =	simm.s32 @!p0 $0x3  }
0xb2: {  	_ =	swait.ge @!p0 [sflag:s0], $0x500  }
0xb3: {  	[sflag:s0] =	ssyncset.done @!p0 $0x0  }
0xb4: {  	s11 =	simm.s32 @!p0 $0xA00;
	[sflag:s0] =	ssyncadd.s32 @!p0 $0xFFFFFB00;
	s0 =	simm.s32 @!p0 $0x80  }
0xb5: {  	[tilespmem:s11], [sflag:$0x1] =	stream.indirect.gather @!p0 [hbm4b:s4+s0], $0x10, s1, s0, $0xb8;
	[tilespmem:$0xBA00] =	vst v63  }
0xb6: {  	s1 =	simm.s32 @!p0 $0x1200  }
0xb7: {  	[tilespmem:s1], [sflag:$0x1] =	stream.indirect.gather @!p0 [hbm4b:s4+s0], $0x10, s0, s0, $0xb8;
	[tilespmem:$0xBA00] =	vst v63  }
0xb8: {  	s11 =	simm.s32 @!p0 $0x1A00;
	s1 =	simm.s32 @!p0 $0x100  }
0xb9: {  	[tilespmem:s11], [sflag:$0x1] =	stream.indirect.gather @!p0 [hbm4b:s4+s0], $0x10, s1, s0, $0xb8;
	[tilespmem:$0xBA00] =	vst v63  }
0xba: {  	s1 =	simm.s32 @!p0 $0x180;
	s11 =	simm.s32 @!p0 $0x2200  }
0xbb: {  	[tilespmem:s11], [sflag:$0x1] =	stream.indirect.gather @!p0 [hbm4b:s4+s0], $0x10, s1, s0, $0xb8;
	[tilespmem:$0xBA00] =	vst v63  }
0xbc: {  	s1 =	simm.s32 @!p0 $0x200;
	s11 =	simm.s32 @!p0 $0x2A00  }
0xbd: {  	[tilespmem:s11], [sflag:$0x1] =	stream.indirect.gather @!p0 [hbm4b:s4+s0], $0x10, s1, s0, $0xb8;
	[tilespmem:$0xBA00] =	vst v63  }
0xbe: {  	s1 =	simm.s32 @!p0 $0x280;
	s11 =	simm.s32 @!p0 $0x3200  }
0xbf: {  	[tilespmem:s11], [sflag:$0x1] =	stream.indirect.gather @!p0 [hbm4b:s4+s0], $0x10, s1, s0, $0xb8;
	[tilespmem:$0xBA00] =	vst v63  }
0xc0: {  	s1 =	simm.s32 @!p0 $0x300;
	s11 =	simm.s32 @!p0 $0x3A00  }
0xc1: {  	[tilespmem:s11], [sflag:$0x1] =	stream.indirect.gather @!p0 [hbm4b:s4+s0], $0x10, s1, s0, $0xb8;
	[tilespmem:$0xBA00] =	vst v63  }
0xc2: {  	s1 =	simm.s32 @!p0 $0x380;
	s11 =	simm.s32 @!p0 $0x4200  }
0xc3: {  	[tilespmem:s11], [sflag:$0x1] =	stream.indirect.gather @!p0 [hbm4b:s4+s0], $0x10, s1, s0, $0xb8;
	[tilespmem:$0xBA00] =	vst v63  }
0xc4: {  	s1 =	simm.s32 @!p0 $0x400;
	s11 =	simm.s32 @!p0 $0x4A00  }
0xc5: {  	[tilespmem:s11], [sflag:$0x1] =	stream.indirect.gather @!p0 [hbm4b:s4+s0], $0x10, s1, s0, $0xb8;
	[tilespmem:$0xBA00] =	vst v63  }
0xc6: {  	s1 =	simm.s32 @!p0 $0x480;
	s11 =	simm.s32 @!p0 $0x5200  }
0xc7: {  	[tilespmem:s11], [sflag:$0x1] =	stream.indirect.gather @!p0 [hbm4b:s4+s0], $0x10, s1, s0, $0xb8;
	[tilespmem:$0xBA00] =	vst v63  }
0xc8: {  	_ =	swait.ge [sflag:s29], $0x800  }
0xc9: {  	[sflag:s29] =	ssyncset.done $0x0  }
0xca: {  	[sflag:s29] =	ssyncadd.s32 $0xFFFFF800  }
0xcb: {  	_ =	swait.ge [sflag:s29], $0x800  }
0xcc: {  	[sflag:s29] =	ssyncset.done $0x0  }
0xcd: {  	[sflag:s29] =	ssyncadd.s32 $0xFFFFF800  }
0xce: {  	_ =	swait.ge [sflag:s29], $0x800  }
0xcf: {  	[sflag:s29] =	ssyncset.done $0x0  }
0xd0: {  	[sflag:s29] =	ssyncadd.s32 $0xFFFFF800  }
0xd1: {  	_ =	swait.ge [sflag:s29], $0x800  }
0xd2: {  	[sflag:s29] =	ssyncset.done $0x0  }
0xd3: {  	[sflag:s29] =	ssyncadd.s32 $0xFFFFF800  }
0xd4: {  	_ =	swait.ge [sflag:s29], $0x800  }
0xd5: {  	[sflag:s29] =	ssyncset.done $0x0  }
0xd6: {  	[sflag:s29] =	ssyncadd.s32 $0xFFFFF800  }
0xd7: {  	_ =	swait.ge [sflag:s29], $0x800  }
0xd8: {  	[sflag:s29] =	ssyncset.done $0x0  }
0xd9: {  	[sflag:s29] =	ssyncadd.s32 $0xFFFFF800  }
0xda: {  	_ =	swait.ge [sflag:s29], $0x800  }
0xdb: {  	[sflag:s29] =	ssyncset.done $0x0  }
0xdc: {  	[sflag:s29] =	ssyncadd.s32 $0xFFFFF800  }
0xdd: {  	_ =	swait.ge [sflag:s29], $0x800  }
0xde: {  	[sflag:s29] =	ssyncset.done $0x0  }
0xdf: {  	[sflag:s29] =	ssyncadd.s32 $0xFFFFF800  }
0xe0: {  	_ =	swait.ge [sflag:s29], $0x800  }
0xe1: {  	[sflag:s29] =	ssyncset.done $0x0  }
0xe2: {  	[sflag:s29] =	ssyncadd.s32 $0xFFFFF800  }
0xe3: {  	_ =	swait.ge [sflag:s29], $0x800  }
0xe4: {  	[sflag:s29] =	ssyncset.done $0x0  }
0xe5: {  	s1 =	simm.s32 $0x5AA0;
	[sflag:s29] =	ssyncadd.s32 $0xFFFFF800  }
0xe6: {  	v0 =	vld [tilespmem:s1+$0xFFFFFFC0]  }
0xe7: {  	v1 =	vld [tilespmem:s1+$0xFFFFFF60]  }
0xe8: {  	v2 =	vld [tilespmem:s1+$0xFFFFFF80]  }
0xe9: {  	v3 =	vld [tilespmem:s1+$0xFFFFFFA0]  }
0xea: {  	v4 =	vld [tilespmem:s1+$0xFFFFFFE0]  }
0xeb: {  	v5 =	vld [tilespmem:s1+$0xFFFFFF90]  }
0xec: {  	v7 =	vld [tilespmem:s1+$0xFFFFFF70]  }
0xed: {  	v11 =	vld [tilespmem:s1+$0xFFFFFFB0];
	v6 =	vshll.u32 v1, $0x10;
	v1 =	vand.u32 $0xFFFF0000, v1;
	v8 =	vand.u32 $0xFFFF0000, v2  }
0xee: {  	v9 =	vshll.u32 v0, $0x10;
	v0 =	vand.u32 $0xFFFF0000, v0;
	v2 =	vshll.u32 v2, $0x10  }
0xef: {  	v46 =	vld [tilespmem:s1+$0xFFFFFFD0];
	v44 =	vand.u32 $0xFFFF0000, v3;
	v45 =	vshll.u32 v4, $0x10;
	v4 =	vand.u32 $0xFFFF0000, v4  }
0xf0: {  	v12 =	vld [tilespmem:s1+$0x20];
	v13 =	vand.u32 $0xFFFF0000, v5;
	v3 =	vshll.u32 v3, $0x10;
	v1 =	vadd.f32 v8, v1  }
0xf1: {  	v10 =	vld [tilespmem:s1+$0x0];
	v14 =	vshll.u32 v7, $0x10;
	v7 =	vand.u32 $0xFFFF0000, v7;
	v2 =	vadd.f32 v2, v6  }
0xf2: {  	v5 =	vshll.u32 v5, $0x10;
	v47 =	vshll.u32 v11, $0x10;
	v1 =	vadd.f32 v44, v1  }
0xf3: {  	v11 =	vand.u32 $0xFFFF0000, v11;
	v5 =	vadd.f32 v5, v14;
	v2 =	vadd.f32 v3, v2;
	v3 =	vld [tilespmem:s1+$0xFFFFFFF0]  }
0xf4: {  	v50 =	vshll.u32 v46, $0x10;
	v7 =	vadd.f32 v13, v7;
	v0 =	vadd.f32 v0, v1  }
0xf5: {  	v51 =	vand.u32 $0xFFFF0000, v12;
	v8 =	vand.u32 $0xFFFF0000, v46;
	v5 =	vadd.f32 v47, v5  }
0xf6: {  	v7 =	vadd.f32 v11, v7;
	v1 =	vshll.u32 v10, $0x10;
	v0 =	vadd.f32 v4, v0;
	v4 =	vld [tilespmem:s1+$0x40]  }
0xf7: {  	v49 =	vld [tilespmem:s1+$0x10];
	v10 =	vand.u32 $0xFFFF0000, v10;
	v2 =	vadd.f32 v9, v2;
	v5 =	vadd.f32 v50, v5  }
0xf8: {  	v52 =	vld [tilespmem:s1+$0x60];
	v7 =	vadd.f32 v8, v7;
	v53 =	vshll.u32 v3, $0x10;
	v0 =	vadd.f32 v10, v0  }
0xf9: {  	v54 =	vld [tilespmem:s1+$0x30];
	v2 =	vadd.f32 v45, v2;
	v3 =	vand.u32 $0xFFFF0000, v3;
	v5 =	vadd.f32 v53, v5  }
0xfa: {  	v3 =	vadd.f32 v3, v7;
	v0 =	vadd.f32 v51, v0  }
0xfb: {  	v56 =	vld [tilespmem:s1+$0x50];
	v1 =	vadd.f32 v1, v2;
	v55 =	vshll.u32 v4, $0x10;
	v4 =	vand.u32 $0xFFFF0000, v4  }
0xfc: {  	v57 =	vld [tilespmem:s1+$0x70];
	v2 =	vand.u32 $0xFFFF0000, v49;
	v0 =	vadd.f32 v4, v0;
	v4 =	vshll.u32 v49, $0x10  }
0xfd: {  	v58 =	vld [tilespmem:s1+$0x80];
	v48 =	vshll.u32 v12, $0x10;
	v2 =	vadd.f32 v2, v3;
	v4 =	vadd.f32 v4, v5  }
0xfe: {  	v3 =	vshll.u32 v54, $0x10;
	v1 =	vadd.f32 v48, v1;
	v5 =	vand.u32 $0xFFFF0000, v52  }
0xff: {  	v6 =	vand.u32 $0xFFFF0000, v54;
	v3 =	vadd.f32 v3, v4;
	v4 =	vadd.f32 v5, v0;
	v5 =	vld [tilespmem:s1+$0x90]  }
0x100: {  	v59 =	vand.u32 $0xFFFF0000, v56;
	v0 =	vadd.f32 v6, v2;
	v2 =	vshll.u32 v56, $0x10  }
0x101: {  	v60 =	vshll.u32 v57, $0x10;
	v1 =	vadd.f32 v55, v1;
	v2 =	vadd.f32 v2, v3  }
0x102: {  	v61 =	vshll.u32 v58, $0x10;
	v3 =	vshll.u32 v52, $0x10;
	v0 =	vadd.f32 v59, v0  }
0x103: {  	v1 =	vadd.f32 v3, v1;
	v3 =	vand.u32 $0xFFFF0000, v57;
	v2 =	vadd.f32 v60, v2  }
0x104: {  	v63 =	vand.u32 $0xFFFF0000, v58;
	v3 =	vadd.f32 v3, v0;
	v62 =	vshll.u32 v5, $0x10  }
0x105: {  	v0 =	vadd.f32 v61, v1;
	v5 =	vand.u32 $0xFFFF0000, v5;
	v1 =	vadd.f32 v62, v2  }
0x106: {  	s0 =	simm.s32 $0x0;
	s11 =	simm.s32 $0x80;
	v2 =	vadd.f32 v63, v4;
	v3 =	vadd.f32 v5, v3  }
.LBB2_5:
0x107: {  	p0 =	sne.s32 s11, $0x1F80  }
0x108: {  	s1 =	sadd.s32 $0x140, s1;
	s12 =	smov.u32 s11;
	s11 =	sadd.s32 $0x80, s11  }
0x109: {  	v2 =	vadd.f32 v3, v2  }
0x10a: {  	v0 =	vadd.f32 v1, v0;
	s13 =	sshra.s32 s0, $0x2;
	s0 =	smov.u32 s12  }
0x10b: {  	[tilespmem:s13+$0xB210] =	vst v2  }
0x10c: {  	[tilespmem:s13+$0xB200] =	vst v0  }
0x10d: {  	v0 =	vld [tilespmem:s1+$0xFFFFFFC0]  }
0x10e: {  	v1 =	vld [tilespmem:s1+$0xFFFFFF60]  }
0x10f: {  	v2 =	vld [tilespmem:s1+$0xFFFFFF80]  }
0x110: {  	v3 =	vld [tilespmem:s1+$0xFFFFFFA0]  }
0x111: {  	v4 =	vld [tilespmem:s1+$0xFFFFFFE0]  }
0x112: {  	v5 =	vld [tilespmem:s1+$0xFFFFFF90]  }
0x113: {  	v6 =	vshll.u32 v1, $0x10;
	v1 =	vand.u32 $0xFFFF0000, v1;
	v7 =	vld [tilespmem:s1+$0xFFFFFF70]  }
0x114: {  	v9 =	vshll.u32 v0, $0x10;
	v0 =	vand.u32 $0xFFFF0000, v0;
	v8 =	vand.u32 $0xFFFF0000, v2;
	v10 =	vld [tilespmem:s1+$0x0]  }
0x115: {  	v2 =	vshll.u32 v2, $0x10;
	v1 =	vadd.f32 v8, v1;
	v8 =	vand.u32 $0xFFFF0000, v3;
	v11 =	vld [tilespmem:s1+$0xFFFFFFB0]  }
0x116: {  	v2 =	vadd.f32 v2, v6;
	v6 =	vshll.u32 v4, $0x10;
	v4 =	vand.u32 $0xFFFF0000, v4;
	v12 =	vld [tilespmem:s1+$0x20]  }
0x117: {  	v3 =	vshll.u32 v3, $0x10;
	v13 =	vand.u32 $0xFFFF0000, v5;
	v1 =	vadd.f32 v8, v1;
	v8 =	vld [tilespmem:s1+$0xFFFFFFD0]  }
0x118: {  	v5 =	vshll.u32 v5, $0x10;
	v14 =	vshll.u32 v7, $0x10;
	v7 =	vand.u32 $0xFFFF0000, v7  }
0x119: {  	v5 =	vadd.f32 v5, v14;
	v0 =	vadd.f32 v0, v1;
	v1 =	vshll.u32 v10, $0x10  }
0x11a: {  	v2 =	vadd.f32 v3, v2;
	v10 =	vand.u32 $0xFFFF0000, v10;
	v14 =	vshll.u32 v11, $0x10;
	v3 =	vld [tilespmem:s1+$0xFFFFFFF0]  }
0x11b: {  	v11 =	vand.u32 $0xFFFF0000, v11;
	v5 =	vadd.f32 v14, v5;
	v0 =	vadd.f32 v4, v0;
	v4 =	vld [tilespmem:s1+$0x40]  }
0x11c: {  	v7 =	vadd.f32 v13, v7;
	v2 =	vadd.f32 v9, v2;
	v13 =	vshll.u32 v12, $0x10;
	v9 =	vld [tilespmem:s1+$0x10]  }
0x11d: {  	v14 =	vshll.u32 v8, $0x10;
	v0 =	vadd.f32 v10, v0;
	v10 =	vand.u32 $0xFFFF0000, v12;
	v12 =	vld [tilespmem:s1+$0x60]  }
0x11e: {  	v7 =	vadd.f32 v11, v7;
	v8 =	vand.u32 $0xFFFF0000, v8;
	v5 =	vadd.f32 v14, v5  }
0x11f: {  	v2 =	vadd.f32 v6, v2;
	v11 =	vshll.u32 v3, $0x10;
	v6 =	vld [tilespmem:s1+$0x30];
	v0 =	vadd.f32 v10, v0  }
0x120: {  	v7 =	vadd.f32 v8, v7;
	v8 =	vshll.u32 v4, $0x10;
	v4 =	vand.u32 $0xFFFF0000, v4  }
0x121: {  	v3 =	vand.u32 $0xFFFF0000, v3;
	v5 =	vadd.f32 v11, v5;
	v10 =	vld [tilespmem:s1+$0x50];
	v0 =	vadd.f32 v4, v0  }
0x122: {  	v1 =	vadd.f32 v1, v2;
	v3 =	vadd.f32 v3, v7;
	v4 =	vshll.u32 v9, $0x10  }
0x123: {  	v2 =	vand.u32 $0xFFFF0000, v9;
	v4 =	vadd.f32 v4, v5;
	v5 =	vand.u32 $0xFFFF0000, v12;
	v7 =	vld [tilespmem:s1+$0x70]  }
0x124: {  	v1 =	vadd.f32 v13, v1;
	v2 =	vadd.f32 v2, v3;
	v3 =	vshll.u32 v6, $0x10;
	v9 =	vld [tilespmem:s1+$0x80]  }
0x125: {  	v6 =	vand.u32 $0xFFFF0000, v6;
	v3 =	vadd.f32 v3, v4;
	v4 =	vadd.f32 v5, v0;
	v5 =	vld [tilespmem:s1+$0x90]  }
0x126: {  	v1 =	vadd.f32 v8, v1;
	v0 =	vadd.f32 v6, v2;
	v2 =	vshll.u32 v10, $0x10  }
0x127: {  	v6 =	vand.u32 $0xFFFF0000, v10;
	v2 =	vadd.f32 v2, v3;
	v3 =	vshll.u32 v12, $0x10  }
.Ltmp1:
0x128: {  	v0 =	vadd.f32 v6, v0;
	v6 =	vshll.u32 v7, $0x10;
	v1 =	vadd.f32 v3, v1;
	(pc) =	sbr.rel @p0 .LBB2_5-.Ltmp1, $4  }
0x129: {  	v3 =	vand.u32 $0xFFFF0000, v7;
	v2 =	vadd.f32 v6, v2;
	v6 =	vshll.u32 v9, $0x10  }
0x12a: {  	v3 =	vadd.f32 v3, v0;
	v7 =	vshll.u32 v5, $0x10;
	v0 =	vadd.f32 v6, v1  }
0x12b: {  	v6 =	vand.u32 $0xFFFF0000, v9;
	v5 =	vand.u32 $0xFFFF0000, v5;
	v1 =	vadd.f32 v7, v2  }
0x12c: {  	v2 =	vadd.f32 v6, v4;
	v3 =	vadd.f32 v5, v3  }
0x12d: {  	v0 =	vadd.f32 v1, v0  }
0x12e: {  	s0 =	sshra.s32 s0, $0x2;
	s1 =	sshll.u32 s8, $0x10;
	s8 =	sadd.s32 $0x1, s8;
	v2 =	vadd.f32 v3, v2  }
0x12f: {  	p0 =	sne.s32 s8, $0xD;
	[tilespmem:s0+$0xB200] =	vst v0  }
.Ltmp2:
0x130: {  	s31 =	sadd.s32 s1, s7;
	[tilespmem:s0+$0xB210] =	vst v2;
	(pc) =	sbr.rel @p0 .LBB2_2-.Ltmp2, $4  }
0x131: {  	[hbm4b:s31+s2] =	stream.strided.scatter [tilespmem:s5], [sflag:$0x3], $0x1000, s10, s2, $0x38;
	[tilespmem:$0xBA00] =	vst v63  }
0x132: {  	_ =	swait.ge [sflag:s9], $0x1000  }
0x133: {  	[sflag:s9] =	ssyncset.done $0x0  }
0x134: {  	[sflag:s9] =	ssyncadd.s32 $0xFFFFF000  }
0x135: {  	s1 =	rddreg [dreg:$0x4]  }
0x136: {  	s0 =	rddreg [dreg:$0x3];
	s1 =	sadd.s32 $0x1, s1  }
0x137: {  	p0 =	sne.s32 s1, s0  }
.Ltmp3:
0x138: {  	_ = 	snop;
	(pc) =	sbr.rel @p0 .LBB2_1-.Ltmp3, $1  }
0x139: {  	_ =	sdelay $0x3  }
0x13a: {  	_ =	sfence.sel $0x180000  }
0x13b: {  	[bflag:$0x0] =	sbarrier.arrive $0xFFFF  }
0x13c: {  	_ =	strace $0x9000004A  }
0x13d: {  	s0 =	stileid.u32;
	[bflag:$0x2] =	sbarrier.arrive $0xFFFF  }
0x13e: {  	p0 =	sne.s32 s0, $0x0;
	s0 =	rddreg [dreg:$0x1]  }
0x13f: {  	s0 =	sadd.s32 @!p0 $0x100000, s0  }
0x140: {  	[sflag:s0] =	ssyncadd.tile.s32 @!p0 $0x1;
	_ =	shalt  }
.Lfunc_end2:
_tile_overlayer_lowered:
.L_overlay_start_2:
0x141: {  	(tag) =	ssettag $0x2  }
0x142: {  	s0 =	rddreg [dreg:$0x0];
	s2 =	stileid.u32  }
0x143: {  	s1 =	rddreg [dreg:$0x1];
	p0 =	sne.s32 s2, $0x0  }
0x144: {  	s3 =	rddreg [dreg:$0x2];
	[bflag:$0x3] =	sbarrier.arrive $0xFFFF;
	s2 =	simm.s32 @!p0 $0x1C03  }
0x145: {  	[timem:s3], [sflag:s2] =	dma.local @!p0 [hbm:s0], s1  }
0x146: {  	s0 =	simm.s32 @!p0 $0x3  }
0x147: {  	_ =	swait.ge @!p0 [sflag:s0], s1  }
0x148: {  	s1 =	ssub.s32 @!p0 $0x0, s1;
	[sflag:s0] =	ssyncset.done @!p0 $0x0  }
0x149: {  	[sflag:s0] =	ssyncadd.s32 @!p0 s1  }
0x14a: {  	[bflag:$0x3] =	sbarrier.arrive $0xFFFF  }
0x14b: {  	_ =	shalt  }

// kernel: kernel.7.cloned.1.call-start
scs
__scs_entry_jumppad:
0x0: {  	(pc) =	sbr.rel $0x88, $3  }
0x1: {  	(tag) =	ssettag $0x0;
	lr =	simm.s32 $0x1  }
0x2: {  	[smem:$0x3F92] =	sst lr;
	_ =	strace $0xD0000000  }
0x3: {  	_ = 	snop  }
0x4: {  	_ = 	snop  }
0x5: {  	_ = 	snop  }
0x6: {  	_ = 	snop  }
0x7: {  	_ = 	snop  }
__scs_overlays_trampoline_lowered:
0x8: {  	[smem:$0x3FA1] =	sst s0  }
0x9: {  	[smem:$0x3FA2] =	sst s1  }
0xa: {  	[smem:$0x3FA3] =	sst s2  }
0xb: {  	[smem:$0x3FA4] =	sst s3  }
0xc: {  	[smem:$0x3FA5] =	sst s4  }
0xd: {  	[smem:$0x3FA6] =	sst s5  }
0xe: {  	[smem:$0x3FA7] =	sst s6  }
0xf: {  	[smem:$0x3FA8] =	sst s7  }
0x10: {  	[smem:$0x3FA9] =	sst s8  }
0x11: {  	[smem:$0x3FAA] =	sst s9;
	s0 =	simm.s32 @!p0 $0x0  }
0x12: {  	s1 =	sld [smem:$0x3F90];
	s0 =	simm.s32 @p0 $0x1  }
0x13: {  	[smem:$0x3FAB] =	sst s0;
	s0 =	simm.s32 @!p1 $0x0  }
0x14: {  	s2 =	sld [smem:$0x3F8F];
	s0 =	simm.s32 @p1 $0x1  }
0x15: {  	[smem:$0x3FAC] =	sst s0;
	s0 =	simm.s32 @!p2 $0x0  }
0x16: {  	s3 =	sld [smem:$0x3FDB];
	s0 =	simm.s32 @p2 $0x1  }
0x17: {  	s4 =	simm.s32 $0x1BF5;
	[smem:$0x3FAE] =	sst s0  }
0x18: {  	s0 =	sld [smem:$0x3F91];
	_ =	swait.ge [sflag:s4], $0x0  }
0x19: {  	s7 =	sld [smem:$0x3F92]  }
0x1a: {  	s8 =	sadd.s32 $0xFFFFE003, lr  }
0x1b: {  	s9 =	sadd.s32 $0xFFFFFEF7, lr;
	s5 =	simm.s32 $0xFFFFFFFF;
	p2 =	slt.u32 s8, $0xFFFFF086  }
0x1c: {  	p1 =	slt.u32 s9, $0xF7A;
	s5 =	simm.s32 @!p2 $0x0  }
0x1d: {  	s5 =	simm.s32 @p1 $0x1;
	p0 =	seq.s32 s7, s2  }
0x1e: {  	s7 =	smul.u32 @!p0 $0xF7A, s2;
	p2 =	seq.s32 @!p0 s5, $0x0  }
0x1f: {  	s9 =	smul.u32 $0xF7A, s1;
	s8 =	simm.s32 @!p0 $0x1BF5;
	p2 =	por !p2, p0  }
0x20: {  	[sflag:s8] =	ssyncset.s32 @!p0 $0xFFFFF086;
	s6 =	sadd.s32 @!p0 s3, s7;
	s7 =	simm.s32 @!p0 $0x108  }
0x21: {  	s3 =	sadd.s32 s3, s9;
	s6 =	sadd.s32 @!p0 $0x88, s6;
	s7 =	simm.s32 @p2 $0x1082  }
0x22: {  	[simem:s7], [sflag:s8] =	dma.local @!p0 [hbm:s6], $0xF7A  }
0x23: {  	s9 =	sor.u32 $0xD0000000, s2;
	s6 =	simm.s32 $0x108;
	_ =	swait.ge @!p0 [sflag:s8], $0x0  }
0x24: {  	s3 =	sadd.s32 $0x88, s3;
	s6 =	simm.s32 @!p1 $0x1082;
	[sflag:s4] =	ssyncset.s32 $0xFFFFF086  }
0x25: {  	[simem:s6], [sflag:s4] =	dma.local [hbm:s3], $0xF7A  }
0x26: {  	[smem:$0x3F92] =	sst s1;
	(tag) =	ssettag s2;
	_ =	strace s9  }
0x27: {  	s1 =	sld [smem:$0x3FA2]  }
0x28: {  	s2 =	sld [smem:$0x3FA3]  }
0x29: {  	s4 =	sld [smem:$0x3FA5]  }
0x2a: {  	p0 =	seq.s32 s5, $0x0;
	s5 =	sld [smem:$0x3FA6]  }
0x2b: {  	s6 =	sld [smem:$0x3FA7]  }
0x2c: {  	s7 =	sld [smem:$0x3FA8]  }
0x2d: {  	s3 =	simm.s32 $0x108;
	s8 =	sld [smem:$0x3FA9]  }
0x2e: {  	s3 =	simm.s32 @!p0 $0x1082;
	s9 =	sld [smem:$0x3FAA]  }
0x2f: {  	lr =	sadd.s32 s0, s3;
	s0 =	sld [smem:$0x3FA1]  }
0x30: {  	s3 =	sld [smem:$0x3FA4]  }
0x31: {  	[smem:$0x3FAD] =	sst s10  }
0x32: {  	s10 =	sld [smem:$0x3FAB];
	_ =	sdelay $0x3  }
0x33: {  	p0 =	seq.s32 s10, $0x1;
	s10 =	sld [smem:$0x3FAD];
	_ =	sdelay $0x3  }
0x34: {  	[smem:$0x3FAD] =	sst s10  }
0x35: {  	s10 =	sld [smem:$0x3FAC];
	_ =	sdelay $0x3  }
0x36: {  	p1 =	seq.s32 s10, $0x1;
	s10 =	sld [smem:$0x3FAD];
	_ =	sdelay $0x3  }
0x37: {  	[smem:$0x3FAD] =	sst s10  }
0x38: {  	s10 =	sld [smem:$0x3FAE]  }
0x39: {  	_ = 	snop;
	(pc) =	sbr.ind lr, $3  }
0x3a: {  	_ = 	snop  }
0x3b: {  	_ = 	snop  }
0x3c: {  	p2 =	seq.s32 s10, $0x1;
	s10 =	sld [smem:$0x3FAD]  }
0x3d: {  	_ =	shalt  }
0x3e: {  	_ =	shalt  }
0x3f: {  	_ =	shalt  }
0x40: {  	_ =	shalt  }
0x41: {  	_ =	shalt  }
0x42: {  	_ =	shalt  }
0x43: {  	_ =	shalt  }
0x44: {  	_ =	shalt  }
0x45: {  	_ =	shalt  }
0x46: {  	_ =	shalt  }
0x47: {  	_ =	shalt  }
0x48: {  	_ =	shalt  }
0x49: {  	_ =	shalt  }
0x4a: {  	_ =	shalt  }
0x4b: {  	_ =	shalt  }
0x4c: {  	_ =	shalt  }
0x4d: {  	_ =	shalt  }
0x4e: {  	_ =	shalt  }
0x4f: {  	_ =	shalt  }
0x50: {  	_ =	shalt  }
0x51: {  	_ =	shalt  }
0x52: {  	_ =	shalt  }
0x53: {  	_ =	shalt  }
0x54: {  	_ =	shalt  }
0x55: {  	_ =	shalt  }
0x56: {  	_ =	shalt  }
0x57: {  	_ =	shalt  }
0x58: {  	_ =	shalt  }
0x59: {  	_ =	shalt  }
0x5a: {  	_ =	shalt  }
0x5b: {  	_ =	shalt  }
0x5c: {  	_ =	shalt  }
0x5d: {  	_ =	shalt  }
0x5e: {  	_ =	shalt  }
0x5f: {  	_ =	shalt  }
0x60: {  	_ =	shalt  }
0x61: {  	_ =	shalt  }
0x62: {  	_ =	shalt  }
0x63: {  	_ =	shalt  }
0x64: {  	_ =	shalt  }
0x65: {  	_ =	shalt  }
0x66: {  	_ =	shalt  }
0x67: {  	_ =	shalt  }
0x68: {  	_ =	shalt  }
0x69: {  	_ =	shalt  }
0x6a: {  	_ =	shalt  }
0x6b: {  	_ =	shalt  }
0x6c: {  	_ =	shalt  }
0x6d: {  	_ =	shalt  }
0x6e: {  	_ =	shalt  }
0x6f: {  	_ =	shalt  }
0x70: {  	_ =	shalt  }
0x71: {  	_ =	shalt  }
0x72: {  	_ =	shalt  }
0x73: {  	_ =	shalt  }
0x74: {  	_ =	shalt  }
0x75: {  	_ =	shalt  }
0x76: {  	_ =	shalt  }
0x77: {  	_ =	shalt  }
0x78: {  	_ =	shalt  }
0x79: {  	_ =	shalt  }
0x7a: {  	_ =	shalt  }
0x7b: {  	_ =	shalt  }
0x7c: {  	_ =	shalt  }
0x7d: {  	_ =	shalt  }
0x7e: {  	_ =	shalt  }
0x7f: {  	_ =	shalt  }
0x80: {  	_ =	shalt  }
0x81: {  	_ =	shalt  }
0x82: {  	_ =	shalt  }
0x83: {  	_ =	shalt  }
0x84: {  	_ =	shalt  }
0x85: {  	_ =	shalt  }
0x86: {  	_ =	shalt  }
0x87: {  	_ =	shalt  }
.Lfunc_end0:
.L_simem_size_0:
called_computation_lowered:
.L_overlay_start_0:
0x88: {  	s2 =	sld [smem:$0x3FD9]  }
0x89: {  	s3 =	sld [smem:$0x3FFE];
	_ =	sdelay $0x1  }
0x8a: {  	s1 =	srdreg.scid  }
0x8b: {  	s0 =	sand.u32 $0x1, s1  }
0x8c: {  	s16 =	sshll.u32 s0, $0xA;
	s2 =	sadd.s32 s3, s2  }
0x8d: {  	s2 =	sadd.s32 s2, s16  }
0x8e: {  	[smem:$0x3FB9] =	sst s2  }
0x8f: {  	_ = 	snop  }
0x90: {  	(tm) =	ssettm $0x1  }
0x91: {  	s17 =	sld [smem:$0x3FFB];
	_ =	sdelay $0x3  }
0x92: {  	_ =	strace s17  }
0x93: {  	s2 =	sld [smem:$0x3FFC];
	_ =	sdelay $0x3  }
0x94: {  	_ =	strace s2  }
0x95: {  	s2 =	sld [smem:$0x3FFD];
	_ =	sdelay $0x3  }
0x96: {  	_ =	strace s2  }
0x97: {  	_ =	strace $0x8FFFFFFF  }
0x98: {  	s18 =	sld [smem:$0x3FDB];
	_ =	sdelay $0x1  }
0x99: {  	s19 =	simm.s32 $_scs_section_size  }
0x9a: {  	s4 =	simm.s32 $_size__tile_overlayer_lowered;
	s5 =	simm.s32 $_tile_overlayer_lowered  }
0x9b: {  	s22 =	simm.s32 $0x1BFF;
	s21 =	sshll.u32 s5, $0x1;
	s2 =	sadd.s32 s19, s18  }
0x9c: {  	s6 =	simm.s32 $0x0;
	s20 =	sshll.u32 s4, $0x1;
	s4 =	sadd.s32 s21, s2  }
0x9d: {  	[timem:s6], [sflag:s22] =	dma.local [hbm:s4], s20  }
0x9e: {  	_ =	swait.ge [sflag:s22], s20  }
0x9f: {  	s3 =	ssub.s32 $0x0, s20;
	[sflag:s22] =	ssyncset.done $0x0  }
0xa0: {  	[sflag:s22] =	ssyncadd.s32 s3;
	_ =	sdelay $0x1  }
0xa1: {  	s23 =	simm.s32 $0x1B8B  }
0xa2: {  	_ =	swait.ge [sflag:s23], $0x1  }
0xa3: {  	[sflag:s23] =	ssyncset.done $0x0  }
0xa4: {  	s25 =	simm.s32 $0x1B8E;
	s24 =	sld [smem:$0x3FFE];
	[sflag:s23] =	ssyncadd.s32 $0xFFFFFFFF  }
0xa5: {  	s26 =	simm.s32 $execute0_lowered;
	[smem:$0x3FD2] =	sst s25  }
0xa6: {  	s4 =	sshll.u32 s26, $0x1;
	_ =	strace $0x80000046;
	[dreg:$0x1] =	wrdreg $0xFFFFFFFF  }
0xa7: {  	s28 =	simm.s32 $_size_execute0_lowered;
	s2 =	sadd.s32 s2, s4;
	[dreg:$0x0] =	wrdreg $0x0  }
0xa8: {  	s4 =	sshll.u32 s28, $0x1;
	[dreg:$0x2] =	wrdreg s2  }
0xa9: {  	[dreg:$0x3] =	wrdreg s4  }
0xaa: {  	[dreg:$0x4] =	wrdreg $0xC0  }
0xab: {  	_ =	task [dreg:s6], $0x5FFFF  }
0xac: {  	[dreg:$0x1] =	wrdreg $0xFFFFFFFF  }
0xad: {  	[dreg:$0x0] =	wrdreg $0x60  }
0xae: {  	[dreg:$0x2] =	wrdreg s24  }
0xaf: {  	[dreg:$0x3] =	wrdreg $0x9  }
0xb0: {  	_ =	task.clear_ibuf [dreg:s6], $0x4FFFF;
	_ =	strace $0x90000046  }
0xb1: {  	s29 =	simm.s32 $0x9;
	_ =	strace $0x80000048  }
0xb2: {  	_ =	swait.ge [sflag:s29], $0x1  }
0xb3: {  	[sflag:s29] =	ssyncadd.s32 $0xFFFFFFFF  }
0xb4: {  	_ =	strace $0x90000048  }
0xb5: {  	_ =	sfence  }
0xb6: {  	s30 =	sld [smem:$0x0];
	_ =	sdelay $0x2  }
0xb7: {  	s31 =	sshll.u32 s1, $0xD;
	s1 =	sshrl.u32 s1, $0x2  }
0xb8: {  	s3 =	sand.u32 $0x4000, s31;
	s1 =	sadd.s32 s1, s30  }
0xb9: {  	s0 =	sor.u32 s3, s0;
	s1 =	sshll.u32 s1, $0x11  }
0xba: {  	s0 =	sor.u32 s1, s0  }
0xbb: {  	s0 =	sadd.s32 $0x8F2B, s0  }
0xbc: {  	[sflag:s0] =	ssyncadd.remote.s32 $0x1  }
0xbd: {  	_ =	sfence.sel $0xFFFF  }
0xbe: {  	[dreg:$0x0] =	wrdreg $0xFFFFFFFF;
	(pc) =	sbr.abs _section_cstart, $3  }
0xbf: {  	[dreg:$0x1] =	wrdreg $0xFFFFFFFF  }
0xc0: {  	_ =	task.clear_ibuf [dreg:s6], $0x2FFFF;
	_ =	strace $0x9FFFFFFF  }
0xc1: {  	(tm) =	ssettm $0x7FFFFFFF  }
tec
execute0_lowered:
.L_overlay_start_1:
0x0: {  	(tag) =	ssettag $0x1  }
0x1: {  	s0 =	rddreg [dreg:$0x0];
	s3 =	simm.s32 $0x0  }
0x2: {  	s1 =	srdreg.scid;
	s2 =	stileid.u32;
	s9 =	simm.s32 $0x3  }
0x3: {  	s10 =	simm.s32 $0x80;
	s30 =	simm.s32 $0x500;
	s14 =	simm.s32 $0x7200  }
0x4: {  	s15 =	simm.s32 $0x700;
	s16 =	simm.s32 $0x7A00;
	s17 =	simm.s32 $0x780  }
0x5: {  	s18 =	simm.s32 $0x8200;
	s19 =	simm.s32 $0x800;
	s20 =	simm.s32 $0x8A00  }
0x6: {  	s21 =	simm.s32 $0x880;
	s22 =	simm.s32 $0x9200;
	s23 =	simm.s32 $0x900  }
0x7: {  	s24 =	simm.s32 $0x9A00;
	s25 =	simm.s32 $0x980;
	s26 =	simm.s32 $0xA200  }
0x8: {  	s28 =	simm.s32 $0x1;
	s29 =	simm.s32 $0x2;
	[smem:$0x7FF] =	sst s3  }
0x9: {  	s1 =	sand.u32 $0x1, s1;
	s2 =	sshll.u32 s2, $0x1;
	s3 =	sadd.s32 $0x27BA00, s0  }
0xa: {  	s4 =	sadd.s32 $0xA00, s0;
	s2 =	sor.u32 s1, s2;
	s1 =	ssub.s32 $0x2, s1  }
0xb: {  	s5 =	smul.u32 $0x140, s2;
	s6 =	sshll.u32 s2, $0xB;
	s7 =	sshrl.u32 s1, $0x1  }
0xc: {  	_ =	strace $0x80000047;
	s0 =	sadd.s32 s6, s0;
	s1 =	ssub.s32 s1, s7  }
0xd: {  	s6 =	sshll.u32 s2, $0x1;
	s2 =	simm.s32 $0x20;
	s5 =	sadd.s32 s3, s5  }
0xe: {  	s7 =	sadd.s32 $0x2BCA00, s0;
	s31 =	smax.u32 s1, $0x1;
	[dreg:$0x2] =	wrdreg s5  }
0xf: {  	s1 =	simm.s32 $0x0;
	[dreg:$0x3] =	wrdreg s31;
	s5 =	simm.s32 $0xAA00  }
.LBB2_1:
0x10: {  	[dreg:$0x4] =	wrdreg s1  }
0x11: {  	s0 =	simm.s32 $0x0;
	s13 =	rddreg [dreg:$0x2]  }
0x12: {  	[tilespmem:s0], [sflag:$0x3] =	stream.linear.gather [hbm4b:s13+s0], $0x500, $0x38;
	[tilespmem:$0xBA00] =	vst v63  }
0x13: {  	_ =	swait.ge [sflag:s9], $0x500  }
0x14: {  	[sflag:s9] =	ssyncset.done $0x0  }
0x15: {  	s31 =	simm.s32 $0xA00;
	[sflag:s9] =	ssyncadd.s32 $0xFFFFFB00  }
0x16: {  	[tilespmem:s31], [sflag:$0x1] =	stream.indirect.gather [hbm4b:s4+s10], $0x10, s0, s10, $0xb8;
	[tilespmem:$0xBA00] =	vst v63  }
0x17: {  	s8 =	simm.s32 $0x1200  }
0x18: {  	[tilespmem:s8], [sflag:$0x1] =	stream.indirect.gather [hbm4b:s4+s10], $0x10, s10, s10, $0xb8;
	[tilespmem:$0xBA00] =	vst v63  }
0x19: {  	s11 =	simm.s32 $0x100;
	s12 =	simm.s32 $0x1A00  }
0x1a: {  	[tilespmem:s12], [sflag:$0x1] =	stream.indirect.gather [hbm4b:s4+s10], $0x10, s11, s10, $0xb8;
	[tilespmem:$0xBA00] =	vst v63  }
0x1b: {  	s13 =	simm.s32 $0x180;
	s31 =	simm.s32 $0x2200  }
0x1c: {  	[tilespmem:s31], [sflag:$0x1] =	stream.indirect.gather [hbm4b:s4+s10], $0x10, s13, s10, $0xb8;
	[tilespmem:$0xBA00] =	vst v63  }
0x1d: {  	s1 =	simm.s32 $0x200;
	s8 =	simm.s32 $0x2A00  }
0x1e: {  	[tilespmem:s8], [sflag:$0x1] =	stream.indirect.gather [hbm4b:s4+s10], $0x10, s1, s10, $0xb8;
	[tilespmem:$0xBA00] =	vst v63  }
0x1f: {  	s11 =	simm.s32 $0x280;
	s12 =	simm.s32 $0x3200  }
0x20: {  	[tilespmem:s12], [sflag:$0x1] =	stream.indirect.gather [hbm4b:s4+s10], $0x10, s11, s10, $0xb8;
	[tilespmem:$0xBA00] =	vst v63  }
0x21: {  	s13 =	simm.s32 $0x300;
	s31 =	simm.s32 $0x3A00  }
0x22: {  	[tilespmem:s31], [sflag:$0x1] =	stream.indirect.gather [hbm4b:s4+s10], $0x10, s13, s10, $0xb8;
	[tilespmem:$0xBA00] =	vst v63  }
0x23: {  	s1 =	simm.s32 $0x380;
	s8 =	simm.s32 $0x4200  }
0x24: {  	[tilespmem:s8], [sflag:$0x1] =	stream.indirect.gather [hbm4b:s4+s10], $0x10, s1, s10, $0xb8;
	[tilespmem:$0xBA00] =	vst v63  }
0x25: {  	s11 =	simm.s32 $0x400;
	s12 =	simm.s32 $0x4A00  }
0x26: {  	[tilespmem:s12], [sflag:$0x1] =	stream.indirect.gather [hbm4b:s4+s10], $0x10, s11, s10, $0xb8;
	[tilespmem:$0xBA00] =	vst v63  }
0x27: {  	s13 =	simm.s32 $0x480;
	s31 =	simm.s32 $0x5200;
	s8 =	simm.s32 $0x0  }
0x28: {  	[tilespmem:s31], [sflag:$0x1] =	stream.indirect.gather [hbm4b:s4+s10], $0x10, s13, s10, $0xb8;
	[tilespmem:$0xBA00] =	vst v63  }
.LBB2_2:
0x29: {  	s0 =	sshll.u32 s8, $0x6  }
0x2a: {  	s0 =	sor.u32 s6, s0  }
0x2b: {  	s31 =	smul.u32 $0x500, s0;
	_ =	sdelay $0x1  }
0x2c: {  	s0 =	sshrl.u32 s31, $0x3  }
0x2d: {  	s0 =	sadd.s32 s3, s0  }
0x2e: {  	s1 =	sadd.s32 $0xA0, s0;
	s0 =	simm.s32 $0x0  }
0x2f: {  	[tilespmem:s30], [sflag:$0x3] =	stream.linear.gather [hbm4b:s1+s0], $0x500, $0x38;
	[tilespmem:$0xBA00] =	vst v63  }
0x30: {  	_ =	swait.ge [sflag:s9], $0x500  }
0x31: {  	[sflag:s9] =	ssyncset.done $0x0  }
0x32: {  	s12 =	simm.s32 $0x5A00;
	[sflag:s9] =	ssyncadd.s32 $0xFFFFFB00  }
0x33: {  	[tilespmem:s12], [sflag:$0x2] =	stream.indirect.gather [hbm4b:s4+s10], $0x10, s30, s10, $0xb8;
	[tilespmem:$0xBA00] =	vst v63  }
0x34: {  	s13 =	simm.s32 $0x580;
	s11 =	simm.s32 $0x6200  }
0x35: {  	[tilespmem:s11], [sflag:$0x2] =	stream.indirect.gather [hbm4b:s4+s10], $0x10, s13, s10, $0xb8;
	[tilespmem:$0xBA00] =	vst v63  }
0x36: {  	s12 =	simm.s32 $0x6A00;
	s11 =	simm.s32 $0x600  }
0x37: {  	[tilespmem:s12], [sflag:$0x2] =	stream.indirect.gather [hbm4b:s4+s10], $0x10, s11, s10, $0xb8;
	[tilespmem:$0xBA00] =	vst v63  }
0x38: {  	s13 =	simm.s32 $0x680  }
0x39: {  	[tilespmem:s14], [sflag:$0x2] =	stream.indirect.gather [hbm4b:s4+s10], $0x10, s13, s10, $0xb8;
	[tilespmem:$0xBA00] =	vst v63  }
0x3a: {  	_ = 	snop  }
0x3b: {  	[tilespmem:s16], [sflag:$0x2] =	stream.indirect.gather [hbm4b:s4+s10], $0x10, s15, s10, $0xb8;
	[tilespmem:$0xBA00] =	vst v63  }
0x3c: {  	_ = 	snop  }
0x3d: {  	[tilespmem:s18], [sflag:$0x2] =	stream.indirect.gather [hbm4b:s4+s10], $0x10, s17, s10, $0xb8;
	[tilespmem:$0xBA00] =	vst v63  }
0x3e: {  	_ = 	snop  }
0x3f: {  	[tilespmem:s20], [sflag:$0x2] =	stream.indirect.gather [hbm4b:s4+s10], $0x10, s19, s10, $0xb8;
	[tilespmem:$0xBA00] =	vst v63  }
0x40: {  	_ = 	snop  }
0x41: {  	[tilespmem:s22], [sflag:$0x2] =	stream.indirect.gather [hbm4b:s4+s10], $0x10, s21, s10, $0xb8;
	[tilespmem:$0xBA00] =	vst v63  }
0x42: {  	_ = 	snop  }
0x43: {  	[tilespmem:s24], [sflag:$0x2] =	stream.indirect.gather [hbm4b:s4+s10], $0x10, s23, s10, $0xb8;
	[tilespmem:$0xBA00] =	vst v63  }
0x44: {  	_ = 	snop  }
0x45: {  	[tilespmem:s26], [sflag:$0x2] =	stream.indirect.gather [hbm4b:s4+s10], $0x10, s25, s10, $0xb8;
	[tilespmem:$0xBA00] =	vst v63  }
0x46: {  	_ =	swait.ge [sflag:s28], $0x800  }
0x47: {  	[sflag:s28] =	ssyncset.done $0x0  }
0x48: {  	[sflag:s28] =	ssyncadd.s32 $0xFFFFF800  }
0x49: {  	_ =	swait.ge [sflag:s28], $0x800  }
0x4a: {  	[sflag:s28] =	ssyncset.done $0x0  }
0x4b: {  	[sflag:s28] =	ssyncadd.s32 $0xFFFFF800  }
0x4c: {  	_ =	swait.ge [sflag:s28], $0x800  }
0x4d: {  	[sflag:s28] =	ssyncset.done $0x0  }
0x4e: {  	[sflag:s28] =	ssyncadd.s32 $0xFFFFF800  }
0x4f: {  	_ =	swait.ge [sflag:s28], $0x800  }
0x50: {  	[sflag:s28] =	ssyncset.done $0x0  }
0x51: {  	[sflag:s28] =	ssyncadd.s32 $0xFFFFF800  }
0x52: {  	_ =	swait.ge [sflag:s28], $0x800  }
0x53: {  	[sflag:s28] =	ssyncset.done $0x0  }
0x54: {  	[sflag:s28] =	ssyncadd.s32 $0xFFFFF800  }
0x55: {  	_ =	swait.ge [sflag:s28], $0x800  }
0x56: {  	[sflag:s28] =	ssyncset.done $0x0  }
0x57: {  	[sflag:s28] =	ssyncadd.s32 $0xFFFFF800  }
0x58: {  	_ =	swait.ge [sflag:s28], $0x800  }
0x59: {  	[sflag:s28] =	ssyncset.done $0x0  }
0x5a: {  	[sflag:s28] =	ssyncadd.s32 $0xFFFFF800  }
0x5b: {  	_ =	swait.ge [sflag:s28], $0x800  }
0x5c: {  	[sflag:s28] =	ssyncset.done $0x0  }
0x5d: {  	[sflag:s28] =	ssyncadd.s32 $0xFFFFF800  }
0x5e: {  	_ =	swait.ge [sflag:s28], $0x800  }
0x5f: {  	[sflag:s28] =	ssyncset.done $0x0  }
0x60: {  	[sflag:s28] =	ssyncadd.s32 $0xFFFFF800  }
0x61: {  	_ =	swait.ge [sflag:s28], $0x800  }
0x62: {  	[sflag:s28] =	ssyncset.done $0x0  }
0x63: {  	s1 =	simm.s32 $0xAA0;
	[sflag:s28] =	ssyncadd.s32 $0xFFFFF800  }
0x64: {  	v0 =	vld [tilespmem:s1+$0xFFFFFFC0]  }
0x65: {  	v1 =	vld [tilespmem:s1+$0xFFFFFF60]  }
0x66: {  	v2 =	vld [tilespmem:s1+$0xFFFFFF80]  }
0x67: {  	v3 =	vld [tilespmem:s1+$0xFFFFFFA0]  }
0x68: {  	v4 =	vld [tilespmem:s1+$0xFFFFFFE0]  }
0x69: {  	v5 =	vld [tilespmem:s1+$0xFFFFFF90]  }
0x6a: {  	v7 =	vld [tilespmem:s1+$0xFFFFFF70]  }
0x6b: {  	v11 =	vld [tilespmem:s1+$0xFFFFFFB0];
	v6 =	vshll.u32 v1, $0x10;
	v1 =	vand.u32 $0xFFFF0000, v1;
	v8 =	vand.u32 $0xFFFF0000, v2  }
0x6c: {  	v9 =	vshll.u32 v0, $0x10;
	v0 =	vand.u32 $0xFFFF0000, v0;
	v2 =	vshll.u32 v2, $0x10  }
0x6d: {  	v46 =	vld [tilespmem:s1+$0xFFFFFFD0];
	v44 =	vand.u32 $0xFFFF0000, v3;
	v45 =	vshll.u32 v4, $0x10;
	v4 =	vand.u32 $0xFFFF0000, v4  }
0x6e: {  	v12 =	vld [tilespmem:s1+$0x20];
	v13 =	vand.u32 $0xFFFF0000, v5;
	v3 =	vshll.u32 v3, $0x10;
	v1 =	vadd.f32 v8, v1  }
0x6f: {  	v10 =	vld [tilespmem:s1+$0x0];
	v14 =	vshll.u32 v7, $0x10;
	v7 =	vand.u32 $0xFFFF0000, v7;
	v2 =	vadd.f32 v2, v6  }
0x70: {  	v5 =	vshll.u32 v5, $0x10;
	v47 =	vshll.u32 v11, $0x10;
	v1 =	vadd.f32 v44, v1  }
0x71: {  	v11 =	vand.u32 $0xFFFF0000, v11;
	v5 =	vadd.f32 v5, v14;
	v2 =	vadd.f32 v3, v2;
	v3 =	vld [tilespmem:s1+$0xFFFFFFF0]  }
0x72: {  	v50 =	vshll.u32 v46, $0x10;
	v7 =	vadd.f32 v13, v7;
	v0 =	vadd.f32 v0, v1  }
0x73: {  	v51 =	vand.u32 $0xFFFF0000, v12;
	v8 =	vand.u32 $0xFFFF0000, v46;
	v5 =	vadd.f32 v47, v5  }
0x74: {  	v7 =	vadd.f32 v11, v7;
	v1 =	vshll.u32 v10, $0x10;
	v0 =	vadd.f32 v4, v0;
	v4 =	vld [tilespmem:s1+$0x40]  }
0x75: {  	v49 =	vld [tilespmem:s1+$0x10];
	v10 =	vand.u32 $0xFFFF0000, v10;
	v2 =	vadd.f32 v9, v2;
	v5 =	vadd.f32 v50, v5  }
0x76: {  	v52 =	vld [tilespmem:s1+$0x60];
	v7 =	vadd.f32 v8, v7;
	v53 =	vshll.u32 v3, $0x10;
	v0 =	vadd.f32 v10, v0  }
0x77: {  	v54 =	vld [tilespmem:s1+$0x30];
	v2 =	vadd.f32 v45, v2;
	v3 =	vand.u32 $0xFFFF0000, v3;
	v5 =	vadd.f32 v53, v5  }
0x78: {  	v3 =	vadd.f32 v3, v7;
	v0 =	vadd.f32 v51, v0  }
0x79: {  	v56 =	vld [tilespmem:s1+$0x50];
	v1 =	vadd.f32 v1, v2;
	v55 =	vshll.u32 v4, $0x10;
	v4 =	vand.u32 $0xFFFF0000, v4  }
0x7a: {  	v57 =	vld [tilespmem:s1+$0x70];
	v2 =	vand.u32 $0xFFFF0000, v49;
	v0 =	vadd.f32 v4, v0;
	v4 =	vshll.u32 v49, $0x10  }
0x7b: {  	v58 =	vld [tilespmem:s1+$0x80];
	v48 =	vshll.u32 v12, $0x10;
	v2 =	vadd.f32 v2, v3;
	v4 =	vadd.f32 v4, v5  }
0x7c: {  	v3 =	vshll.u32 v54, $0x10;
	v1 =	vadd.f32 v48, v1;
	v5 =	vand.u32 $0xFFFF0000, v52  }
0x7d: {  	v6 =	vand.u32 $0xFFFF0000, v54;
	v3 =	vadd.f32 v3, v4;
	v4 =	vadd.f32 v5, v0;
	v5 =	vld [tilespmem:s1+$0x90]  }
0x7e: {  	v59 =	vand.u32 $0xFFFF0000, v56;
	v0 =	vadd.f32 v6, v2;
	v2 =	vshll.u32 v56, $0x10  }
0x7f: {  	v60 =	vshll.u32 v57, $0x10;
	v1 =	vadd.f32 v55, v1;
	v2 =	vadd.f32 v2, v3  }
0x80: {  	v61 =	vshll.u32 v58, $0x10;
	v3 =	vshll.u32 v52, $0x10;
	v0 =	vadd.f32 v59, v0  }
0x81: {  	v1 =	vadd.f32 v3, v1;
	v3 =	vand.u32 $0xFFFF0000, v57;
	v2 =	vadd.f32 v60, v2  }
0x82: {  	v63 =	vand.u32 $0xFFFF0000, v58;
	v3 =	vadd.f32 v3, v0;
	v62 =	vshll.u32 v5, $0x10  }
0x83: {  	v0 =	vadd.f32 v61, v1;
	v5 =	vand.u32 $0xFFFF0000, v5;
	v1 =	vadd.f32 v62, v2  }
0x84: {  	s11 =	simm.s32 $0x80;
	v2 =	vadd.f32 v63, v4;
	v3 =	vadd.f32 v5, v3  }
.LBB2_3:
0x85: {  	p0 =	sne.s32 s11, $0x1F80  }
0x86: {  	s1 =	sadd.s32 $0x140, s1;
	s12 =	smov.u32 s11;
	s11 =	sadd.s32 $0x80, s11  }
0x87: {  	v2 =	vadd.f32 v3, v2  }
0x88: {  	v0 =	vadd.f32 v1, v0;
	s13 =	sshra.s32 s0, $0x2;
	s0 =	smov.u32 s12  }
0x89: {  	[tilespmem:s13+$0xAA10] =	vst v2  }
0x8a: {  	[tilespmem:s13+$0xAA00] =	vst v0  }
0x8b: {  	v0 =	vld [tilespmem:s1+$0xFFFFFFC0]  }
0x8c: {  	v1 =	vld [tilespmem:s1+$0xFFFFFF60]  }
0x8d: {  	v2 =	vld [tilespmem:s1+$0xFFFFFF80]  }
0x8e: {  	v3 =	vld [tilespmem:s1+$0xFFFFFFA0]  }
0x8f: {  	v4 =	vld [tilespmem:s1+$0xFFFFFFE0]  }
0x90: {  	v5 =	vld [tilespmem:s1+$0xFFFFFF90]  }
0x91: {  	v6 =	vshll.u32 v1, $0x10;
	v1 =	vand.u32 $0xFFFF0000, v1;
	v7 =	vld [tilespmem:s1+$0xFFFFFF70]  }
0x92: {  	v9 =	vshll.u32 v0, $0x10;
	v0 =	vand.u32 $0xFFFF0000, v0;
	v8 =	vand.u32 $0xFFFF0000, v2;
	v10 =	vld [tilespmem:s1+$0x0]  }
0x93: {  	v2 =	vshll.u32 v2, $0x10;
	v1 =	vadd.f32 v8, v1;
	v8 =	vand.u32 $0xFFFF0000, v3;
	v11 =	vld [tilespmem:s1+$0xFFFFFFB0]  }
0x94: {  	v2 =	vadd.f32 v2, v6;
	v6 =	vshll.u32 v4, $0x10;
	v4 =	vand.u32 $0xFFFF0000, v4;
	v12 =	vld [tilespmem:s1+$0x20]  }
0x95: {  	v3 =	vshll.u32 v3, $0x10;
	v13 =	vand.u32 $0xFFFF0000, v5;
	v1 =	vadd.f32 v8, v1;
	v8 =	vld [tilespmem:s1+$0xFFFFFFD0]  }
0x96: {  	v5 =	vshll.u32 v5, $0x10;
	v14 =	vshll.u32 v7, $0x10;
	v7 =	vand.u32 $0xFFFF0000, v7  }
0x97: {  	v5 =	vadd.f32 v5, v14;
	v0 =	vadd.f32 v0, v1;
	v1 =	vshll.u32 v10, $0x10  }
0x98: {  	v2 =	vadd.f32 v3, v2;
	v10 =	vand.u32 $0xFFFF0000, v10;
	v14 =	vshll.u32 v11, $0x10;
	v3 =	vld [tilespmem:s1+$0xFFFFFFF0]  }
0x99: {  	v11 =	vand.u32 $0xFFFF0000, v11;
	v5 =	vadd.f32 v14, v5;
	v0 =	vadd.f32 v4, v0;
	v4 =	vld [tilespmem:s1+$0x40]  }
0x9a: {  	v7 =	vadd.f32 v13, v7;
	v2 =	vadd.f32 v9, v2;
	v13 =	vshll.u32 v12, $0x10;
	v9 =	vld [tilespmem:s1+$0x10]  }
0x9b: {  	v14 =	vshll.u32 v8, $0x10;
	v0 =	vadd.f32 v10, v0;
	v10 =	vand.u32 $0xFFFF0000, v12;
	v12 =	vld [tilespmem:s1+$0x60]  }
0x9c: {  	v7 =	vadd.f32 v11, v7;
	v8 =	vand.u32 $0xFFFF0000, v8;
	v5 =	vadd.f32 v14, v5  }
0x9d: {  	v2 =	vadd.f32 v6, v2;
	v11 =	vshll.u32 v3, $0x10;
	v6 =	vld [tilespmem:s1+$0x30];
	v0 =	vadd.f32 v10, v0  }
0x9e: {  	v7 =	vadd.f32 v8, v7;
	v8 =	vshll.u32 v4, $0x10;
	v4 =	vand.u32 $0xFFFF0000, v4  }
0x9f: {  	v3 =	vand.u32 $0xFFFF0000, v3;
	v5 =	vadd.f32 v11, v5;
	v10 =	vld [tilespmem:s1+$0x50];
	v0 =	vadd.f32 v4, v0  }
0xa0: {  	v1 =	vadd.f32 v1, v2;
	v3 =	vadd.f32 v3, v7;
	v4 =	vshll.u32 v9, $0x10  }
0xa1: {  	v2 =	vand.u32 $0xFFFF0000, v9;
	v4 =	vadd.f32 v4, v5;
	v5 =	vand.u32 $0xFFFF0000, v12;
	v7 =	vld [tilespmem:s1+$0x70]  }
0xa2: {  	v1 =	vadd.f32 v13, v1;
	v2 =	vadd.f32 v2, v3;
	v3 =	vshll.u32 v6, $0x10;
	v9 =	vld [tilespmem:s1+$0x80]  }
0xa3: {  	v6 =	vand.u32 $0xFFFF0000, v6;
	v3 =	vadd.f32 v3, v4;
	v4 =	vadd.f32 v5, v0;
	v5 =	vld [tilespmem:s1+$0x90]  }
0xa4: {  	v1 =	vadd.f32 v8, v1;
	v0 =	vadd.f32 v6, v2;
	v2 =	vshll.u32 v10, $0x10  }
0xa5: {  	v6 =	vand.u32 $0xFFFF0000, v10;
	v2 =	vadd.f32 v2, v3;
	v3 =	vshll.u32 v12, $0x10  }
.Ltmp0:
0xa6: {  	v0 =	vadd.f32 v6, v0;
	v6 =	vshll.u32 v7, $0x10;
	v1 =	vadd.f32 v3, v1;
	(pc) =	sbr.rel @p0 .LBB2_3-.Ltmp0, $4  }
0xa7: {  	v3 =	vand.u32 $0xFFFF0000, v7;
	v2 =	vadd.f32 v6, v2;
	v6 =	vshll.u32 v9, $0x10  }
0xa8: {  	v3 =	vadd.f32 v3, v0;
	v7 =	vshll.u32 v5, $0x10;
	v0 =	vadd.f32 v6, v1  }
0xa9: {  	v6 =	vand.u32 $0xFFFF0000, v9;
	v5 =	vand.u32 $0xFFFF0000, v5;
	v1 =	vadd.f32 v7, v2  }
0xaa: {  	v2 =	vadd.f32 v6, v4;
	v3 =	vadd.f32 v5, v3  }
0xab: {  	p0 =	seq.s32 s8, $0xC;
	v0 =	vadd.f32 v1, v0  }
0xac: {  	s0 =	sshra.s32 s0, $0x2;
	v2 =	vadd.f32 v3, v2;
	s1 =	sshrl.u32 @!p0 s31, $0x3  }
0xad: {  	s1 =	sadd.s32 @!p0 s3, s1;
	[tilespmem:s0+$0xAA00] =	vst v0  }
0xae: {  	[tilespmem:s0+$0xAA10] =	vst v2;
	s0 =	sadd.s32 @!p0 $0x2800, s1;
	s1 =	simm.s32 @!p0 $0x0  }
0xaf: {  	[tilespmem:s1], [sflag:$0x3] =	stream.linear.gather @!p0 [hbm4b:s0+s1], $0x500, $0x38;
	[tilespmem:$0xBA00] =	vst v63  }
0xb0: {  	s0 =	simm.s32 @!p0 $0x3  }
0xb1: {  	_ =	swait.ge @!p0 [sflag:s0], $0x500  }
0xb2: {  	[sflag:s0] =	ssyncset.done @!p0 $0x0  }
0xb3: {  	s11 =	simm.s32 @!p0 $0xA00;
	[sflag:s0] =	ssyncadd.s32 @!p0 $0xFFFFFB00;
	s0 =	simm.s32 @!p0 $0x80  }
0xb4: {  	[tilespmem:s11], [sflag:$0x1] =	stream.indirect.gather @!p0 [hbm4b:s4+s0], $0x10, s1, s0, $0xb8;
	[tilespmem:$0xBA00] =	vst v63  }
0xb5: {  	s1 =	simm.s32 @!p0 $0x1200  }
0xb6: {  	[tilespmem:s1], [sflag:$0x1] =	stream.indirect.gather @!p0 [hbm4b:s4+s0], $0x10, s0, s0, $0xb8;
	[tilespmem:$0xBA00] =	vst v63  }
0xb7: {  	s11 =	simm.s32 @!p0 $0x1A00;
	s1 =	simm.s32 @!p0 $0x100  }
0xb8: {  	[tilespmem:s11], [sflag:$0x1] =	stream.indirect.gather @!p0 [hbm4b:s4+s0], $0x10, s1, s0, $0xb8;
	[tilespmem:$0xBA00] =	vst v63  }
0xb9: {  	s1 =	simm.s32 @!p0 $0x180;
	s11 =	simm.s32 @!p0 $0x2200  }
0xba: {  	[tilespmem:s11], [sflag:$0x1] =	stream.indirect.gather @!p0 [hbm4b:s4+s0], $0x10, s1, s0, $0xb8;
	[tilespmem:$0xBA00] =	vst v63  }
0xbb: {  	s1 =	simm.s32 @!p0 $0x200;
	s11 =	simm.s32 @!p0 $0x2A00  }
0xbc: {  	[tilespmem:s11], [sflag:$0x1] =	stream.indirect.gather @!p0 [hbm4b:s4+s0], $0x10, s1, s0, $0xb8;
	[tilespmem:$0xBA00] =	vst v63  }
0xbd: {  	s1 =	simm.s32 @!p0 $0x280;
	s11 =	simm.s32 @!p0 $0x3200  }
0xbe: {  	[tilespmem:s11], [sflag:$0x1] =	stream.indirect.gather @!p0 [hbm4b:s4+s0], $0x10, s1, s0, $0xb8;
	[tilespmem:$0xBA00] =	vst v63  }
0xbf: {  	s1 =	simm.s32 @!p0 $0x300;
	s11 =	simm.s32 @!p0 $0x3A00  }
0xc0: {  	[tilespmem:s11], [sflag:$0x1] =	stream.indirect.gather @!p0 [hbm4b:s4+s0], $0x10, s1, s0, $0xb8;
	[tilespmem:$0xBA00] =	vst v63  }
0xc1: {  	s1 =	simm.s32 @!p0 $0x380;
	s11 =	simm.s32 @!p0 $0x4200  }
0xc2: {  	[tilespmem:s11], [sflag:$0x1] =	stream.indirect.gather @!p0 [hbm4b:s4+s0], $0x10, s1, s0, $0xb8;
	[tilespmem:$0xBA00] =	vst v63  }
0xc3: {  	s1 =	simm.s32 @!p0 $0x400;
	s11 =	simm.s32 @!p0 $0x4A00  }
0xc4: {  	[tilespmem:s11], [sflag:$0x1] =	stream.indirect.gather @!p0 [hbm4b:s4+s0], $0x10, s1, s0, $0xb8;
	[tilespmem:$0xBA00] =	vst v63  }
0xc5: {  	s1 =	simm.s32 @!p0 $0x480;
	s11 =	simm.s32 @!p0 $0x5200  }
0xc6: {  	[tilespmem:s11], [sflag:$0x1] =	stream.indirect.gather @!p0 [hbm4b:s4+s0], $0x10, s1, s0, $0xb8;
	[tilespmem:$0xBA00] =	vst v63  }
0xc7: {  	_ =	swait.ge [sflag:s29], $0x800  }
0xc8: {  	[sflag:s29] =	ssyncset.done $0x0  }
0xc9: {  	[sflag:s29] =	ssyncadd.s32 $0xFFFFF800  }
0xca: {  	_ =	swait.ge [sflag:s29], $0x800  }
0xcb: {  	[sflag:s29] =	ssyncset.done $0x0  }
0xcc: {  	[sflag:s29] =	ssyncadd.s32 $0xFFFFF800  }
0xcd: {  	_ =	swait.ge [sflag:s29], $0x800  }
0xce: {  	[sflag:s29] =	ssyncset.done $0x0  }
0xcf: {  	[sflag:s29] =	ssyncadd.s32 $0xFFFFF800  }
0xd0: {  	_ =	swait.ge [sflag:s29], $0x800  }
0xd1: {  	[sflag:s29] =	ssyncset.done $0x0  }
0xd2: {  	[sflag:s29] =	ssyncadd.s32 $0xFFFFF800  }
0xd3: {  	_ =	swait.ge [sflag:s29], $0x800  }
0xd4: {  	[sflag:s29] =	ssyncset.done $0x0  }
0xd5: {  	[sflag:s29] =	ssyncadd.s32 $0xFFFFF800  }
0xd6: {  	_ =	swait.ge [sflag:s29], $0x800  }
0xd7: {  	[sflag:s29] =	ssyncset.done $0x0  }
0xd8: {  	[sflag:s29] =	ssyncadd.s32 $0xFFFFF800  }
0xd9: {  	_ =	swait.ge [sflag:s29], $0x800  }
0xda: {  	[sflag:s29] =	ssyncset.done $0x0  }
0xdb: {  	[sflag:s29] =	ssyncadd.s32 $0xFFFFF800  }
0xdc: {  	_ =	swait.ge [sflag:s29], $0x800  }
0xdd: {  	[sflag:s29] =	ssyncset.done $0x0  }
0xde: {  	[sflag:s29] =	ssyncadd.s32 $0xFFFFF800  }
0xdf: {  	_ =	swait.ge [sflag:s29], $0x800  }
0xe0: {  	[sflag:s29] =	ssyncset.done $0x0  }
0xe1: {  	[sflag:s29] =	ssyncadd.s32 $0xFFFFF800  }
0xe2: {  	_ =	swait.ge [sflag:s29], $0x800  }
0xe3: {  	[sflag:s29] =	ssyncset.done $0x0  }
0xe4: {  	s0 =	simm.s32 $0x5AA0;
	[sflag:s29] =	ssyncadd.s32 $0xFFFFF800  }
0xe5: {  	v0 =	vld [tilespmem:s0+$0xFFFFFFC0]  }
0xe6: {  	v1 =	vld [tilespmem:s0+$0xFFFFFF60]  }
0xe7: {  	v2 =	vld [tilespmem:s0+$0xFFFFFF80]  }
0xe8: {  	v3 =	vld [tilespmem:s0+$0xFFFFFFA0]  }
0xe9: {  	v4 =	vld [tilespmem:s0+$0xFFFFFFE0]  }
0xea: {  	v5 =	vld [tilespmem:s0+$0xFFFFFF90]  }
0xeb: {  	v7 =	vld [tilespmem:s0+$0xFFFFFF70]  }
0xec: {  	v11 =	vld [tilespmem:s0+$0xFFFFFFB0];
	v6 =	vshll.u32 v1, $0x10;
	v1 =	vand.u32 $0xFFFF0000, v1;
	v8 =	vand.u32 $0xFFFF0000, v2  }
0xed: {  	v9 =	vshll.u32 v0, $0x10;
	v0 =	vand.u32 $0xFFFF0000, v0;
	v2 =	vshll.u32 v2, $0x10  }
0xee: {  	v46 =	vld [tilespmem:s0+$0xFFFFFFD0];
	v44 =	vand.u32 $0xFFFF0000, v3;
	v45 =	vshll.u32 v4, $0x10;
	v4 =	vand.u32 $0xFFFF0000, v4  }
0xef: {  	v12 =	vld [tilespmem:s0+$0x20];
	v13 =	vand.u32 $0xFFFF0000, v5;
	v3 =	vshll.u32 v3, $0x10;
	v1 =	vadd.f32 v8, v1  }
0xf0: {  	v10 =	vld [tilespmem:s0+$0x0];
	v14 =	vshll.u32 v7, $0x10;
	v7 =	vand.u32 $0xFFFF0000, v7;
	v2 =	vadd.f32 v2, v6  }
0xf1: {  	v5 =	vshll.u32 v5, $0x10;
	v47 =	vshll.u32 v11, $0x10;
	v1 =	vadd.f32 v44, v1  }
0xf2: {  	v11 =	vand.u32 $0xFFFF0000, v11;
	v5 =	vadd.f32 v5, v14;
	v2 =	vadd.f32 v3, v2;
	v3 =	vld [tilespmem:s0+$0xFFFFFFF0]  }
0xf3: {  	v50 =	vshll.u32 v46, $0x10;
	v7 =	vadd.f32 v13, v7;
	v0 =	vadd.f32 v0, v1  }
0xf4: {  	v51 =	vand.u32 $0xFFFF0000, v12;
	v8 =	vand.u32 $0xFFFF0000, v46;
	v5 =	vadd.f32 v47, v5  }
0xf5: {  	v7 =	vadd.f32 v11, v7;
	v1 =	vshll.u32 v10, $0x10;
	v0 =	vadd.f32 v4, v0;
	v4 =	vld [tilespmem:s0+$0x40]  }
0xf6: {  	v49 =	vld [tilespmem:s0+$0x10];
	v10 =	vand.u32 $0xFFFF0000, v10;
	v2 =	vadd.f32 v9, v2;
	v5 =	vadd.f32 v50, v5  }
0xf7: {  	v52 =	vld [tilespmem:s0+$0x60];
	v7 =	vadd.f32 v8, v7;
	v53 =	vshll.u32 v3, $0x10;
	v0 =	vadd.f32 v10, v0  }
0xf8: {  	v54 =	vld [tilespmem:s0+$0x30];
	v2 =	vadd.f32 v45, v2;
	v3 =	vand.u32 $0xFFFF0000, v3;
	v5 =	vadd.f32 v53, v5  }
0xf9: {  	v3 =	vadd.f32 v3, v7;
	v0 =	vadd.f32 v51, v0  }
0xfa: {  	v56 =	vld [tilespmem:s0+$0x50];
	v1 =	vadd.f32 v1, v2;
	v55 =	vshll.u32 v4, $0x10;
	v4 =	vand.u32 $0xFFFF0000, v4  }
0xfb: {  	v57 =	vld [tilespmem:s0+$0x70];
	v2 =	vand.u32 $0xFFFF0000, v49;
	v0 =	vadd.f32 v4, v0;
	v4 =	vshll.u32 v49, $0x10  }
0xfc: {  	v58 =	vld [tilespmem:s0+$0x80];
	v48 =	vshll.u32 v12, $0x10;
	v2 =	vadd.f32 v2, v3;
	v4 =	vadd.f32 v4, v5  }
0xfd: {  	v3 =	vshll.u32 v54, $0x10;
	v1 =	vadd.f32 v48, v1;
	v5 =	vand.u32 $0xFFFF0000, v52  }
0xfe: {  	v6 =	vand.u32 $0xFFFF0000, v54;
	v3 =	vadd.f32 v3, v4;
	v4 =	vadd.f32 v5, v0;
	v5 =	vld [tilespmem:s0+$0x90]  }
0xff: {  	v59 =	vand.u32 $0xFFFF0000, v56;
	v0 =	vadd.f32 v6, v2;
	v2 =	vshll.u32 v56, $0x10  }
0x100: {  	v60 =	vshll.u32 v57, $0x10;
	v1 =	vadd.f32 v55, v1;
	v2 =	vadd.f32 v2, v3  }
0x101: {  	v61 =	vshll.u32 v58, $0x10;
	v3 =	vshll.u32 v52, $0x10;
	v0 =	vadd.f32 v59, v0  }
0x102: {  	v1 =	vadd.f32 v3, v1;
	v3 =	vand.u32 $0xFFFF0000, v57;
	v2 =	vadd.f32 v60, v2  }
0x103: {  	v63 =	vand.u32 $0xFFFF0000, v58;
	v3 =	vadd.f32 v3, v0;
	v62 =	vshll.u32 v5, $0x10  }
0x104: {  	v0 =	vadd.f32 v61, v1;
	v5 =	vand.u32 $0xFFFF0000, v5;
	v1 =	vadd.f32 v62, v2  }
0x105: {  	s1 =	simm.s32 $0x0;
	s11 =	simm.s32 $0x80;
	v2 =	vadd.f32 v63, v4;
	v3 =	vadd.f32 v5, v3  }
.LBB2_5:
0x106: {  	p0 =	sne.s32 s11, $0x1F80  }
0x107: {  	s0 =	sadd.s32 $0x140, s0;
	s12 =	smov.u32 s11;
	s11 =	sadd.s32 $0x80, s11  }
0x108: {  	v2 =	vadd.f32 v3, v2  }
0x109: {  	v0 =	vadd.f32 v1, v0;
	s13 =	sshra.s32 s1, $0x2;
	s1 =	smov.u32 s12  }
0x10a: {  	[tilespmem:s13+$0xB210] =	vst v2  }
0x10b: {  	[tilespmem:s13+$0xB200] =	vst v0  }
0x10c: {  	v0 =	vld [tilespmem:s0+$0xFFFFFFC0]  }
0x10d: {  	v1 =	vld [tilespmem:s0+$0xFFFFFF60]  }
0x10e: {  	v2 =	vld [tilespmem:s0+$0xFFFFFF80]  }
0x10f: {  	v3 =	vld [tilespmem:s0+$0xFFFFFFA0]  }
0x110: {  	v4 =	vld [tilespmem:s0+$0xFFFFFFE0]  }
0x111: {  	v5 =	vld [tilespmem:s0+$0xFFFFFF90]  }
0x112: {  	v6 =	vshll.u32 v1, $0x10;
	v1 =	vand.u32 $0xFFFF0000, v1;
	v7 =	vld [tilespmem:s0+$0xFFFFFF70]  }
0x113: {  	v9 =	vshll.u32 v0, $0x10;
	v0 =	vand.u32 $0xFFFF0000, v0;
	v8 =	vand.u32 $0xFFFF0000, v2;
	v10 =	vld [tilespmem:s0+$0x0]  }
0x114: {  	v2 =	vshll.u32 v2, $0x10;
	v1 =	vadd.f32 v8, v1;
	v8 =	vand.u32 $0xFFFF0000, v3;
	v11 =	vld [tilespmem:s0+$0xFFFFFFB0]  }
0x115: {  	v2 =	vadd.f32 v2, v6;
	v6 =	vshll.u32 v4, $0x10;
	v4 =	vand.u32 $0xFFFF0000, v4;
	v12 =	vld [tilespmem:s0+$0x20]  }
0x116: {  	v3 =	vshll.u32 v3, $0x10;
	v13 =	vand.u32 $0xFFFF0000, v5;
	v1 =	vadd.f32 v8, v1;
	v8 =	vld [tilespmem:s0+$0xFFFFFFD0]  }
0x117: {  	v5 =	vshll.u32 v5, $0x10;
	v14 =	vshll.u32 v7, $0x10;
	v7 =	vand.u32 $0xFFFF0000, v7  }
0x118: {  	v5 =	vadd.f32 v5, v14;
	v0 =	vadd.f32 v0, v1;
	v1 =	vshll.u32 v10, $0x10  }
0x119: {  	v2 =	vadd.f32 v3, v2;
	v10 =	vand.u32 $0xFFFF0000, v10;
	v14 =	vshll.u32 v11, $0x10;
	v3 =	vld [tilespmem:s0+$0xFFFFFFF0]  }
0x11a: {  	v11 =	vand.u32 $0xFFFF0000, v11;
	v5 =	vadd.f32 v14, v5;
	v0 =	vadd.f32 v4, v0;
	v4 =	vld [tilespmem:s0+$0x40]  }
0x11b: {  	v7 =	vadd.f32 v13, v7;
	v2 =	vadd.f32 v9, v2;
	v13 =	vshll.u32 v12, $0x10;
	v9 =	vld [tilespmem:s0+$0x10]  }
0x11c: {  	v14 =	vshll.u32 v8, $0x10;
	v0 =	vadd.f32 v10, v0;
	v10 =	vand.u32 $0xFFFF0000, v12;
	v12 =	vld [tilespmem:s0+$0x60]  }
0x11d: {  	v7 =	vadd.f32 v11, v7;
	v8 =	vand.u32 $0xFFFF0000, v8;
	v5 =	vadd.f32 v14, v5  }
0x11e: {  	v2 =	vadd.f32 v6, v2;
	v11 =	vshll.u32 v3, $0x10;
	v6 =	vld [tilespmem:s0+$0x30];
	v0 =	vadd.f32 v10, v0  }
0x11f: {  	v7 =	vadd.f32 v8, v7;
	v8 =	vshll.u32 v4, $0x10;
	v4 =	vand.u32 $0xFFFF0000, v4  }
0x120: {  	v3 =	vand.u32 $0xFFFF0000, v3;
	v5 =	vadd.f32 v11, v5;
	v10 =	vld [tilespmem:s0+$0x50];
	v0 =	vadd.f32 v4, v0  }
0x121: {  	v1 =	vadd.f32 v1, v2;
	v3 =	vadd.f32 v3, v7;
	v4 =	vshll.u32 v9, $0x10  }
0x122: {  	v2 =	vand.u32 $0xFFFF0000, v9;
	v4 =	vadd.f32 v4, v5;
	v5 =	vand.u32 $0xFFFF0000, v12;
	v7 =	vld [tilespmem:s0+$0x70]  }
0x123: {  	v1 =	vadd.f32 v13, v1;
	v2 =	vadd.f32 v2, v3;
	v3 =	vshll.u32 v6, $0x10;
	v9 =	vld [tilespmem:s0+$0x80]  }
0x124: {  	v6 =	vand.u32 $0xFFFF0000, v6;
	v3 =	vadd.f32 v3, v4;
	v4 =	vadd.f32 v5, v0;
	v5 =	vld [tilespmem:s0+$0x90]  }
0x125: {  	v1 =	vadd.f32 v8, v1;
	v0 =	vadd.f32 v6, v2;
	v2 =	vshll.u32 v10, $0x10  }
0x126: {  	v6 =	vand.u32 $0xFFFF0000, v10;
	v2 =	vadd.f32 v2, v3;
	v3 =	vshll.u32 v12, $0x10  }
.Ltmp1:
0x127: {  	v0 =	vadd.f32 v6, v0;
	v6 =	vshll.u32 v7, $0x10;
	v1 =	vadd.f32 v3, v1;
	(pc) =	sbr.rel @p0 .LBB2_5-.Ltmp1, $4  }
0x128: {  	v3 =	vand.u32 $0xFFFF0000, v7;
	v2 =	vadd.f32 v6, v2;
	v6 =	vshll.u32 v9, $0x10  }
0x129: {  	v3 =	vadd.f32 v3, v0;
	v7 =	vshll.u32 v5, $0x10;
	v0 =	vadd.f32 v6, v1  }
0x12a: {  	v6 =	vand.u32 $0xFFFF0000, v9;
	v5 =	vand.u32 $0xFFFF0000, v5;
	v1 =	vadd.f32 v7, v2  }
0x12b: {  	v2 =	vadd.f32 v6, v4;
	v3 =	vadd.f32 v5, v3  }
0x12c: {  	v0 =	vadd.f32 v1, v0  }
0x12d: {  	s0 =	sshra.s32 s1, $0x2;
	s13 =	sshll.u32 s8, $0x10;
	s8 =	sadd.s32 $0x1, s8;
	v2 =	vadd.f32 v3, v2  }
0x12e: {  	p0 =	sne.s32 s8, $0xD;
	[tilespmem:s0+$0xB200] =	vst v0  }
.Ltmp2:
0x12f: {  	s31 =	sadd.s32 s13, s7;
	[tilespmem:s0+$0xB210] =	vst v2;
	(pc) =	sbr.rel @p0 .LBB2_2-.Ltmp2, $4  }
0x130: {  	[hbm4b:s31+s2] =	stream.strided.scatter [tilespmem:s5], [sflag:$0x3], $0x1000, s10, s2, $0x38;
	[tilespmem:$0xBA00] =	vst v63  }
0x131: {  	_ =	swait.ge [sflag:s9], $0x1000  }
0x132: {  	[sflag:s9] =	ssyncset.done $0x0  }
0x133: {  	[sflag:s9] =	ssyncadd.s32 $0xFFFFF000  }
0x134: {  	s1 =	rddreg [dreg:$0x4]  }
0x135: {  	s0 =	rddreg [dreg:$0x3];
	s1 =	sadd.s32 $0x1, s1  }
0x136: {  	p0 =	sne.s32 s1, s0  }
.Ltmp3:
0x137: {  	_ = 	snop;
	(pc) =	sbr.rel @p0 .LBB2_1-.Ltmp3, $1  }
0x138: {  	_ =	sdelay $0x3  }
0x139: {  	_ =	sfence.sel $0x180000  }
0x13a: {  	[bflag:$0x0] =	sbarrier.arrive $0xFFFF  }
0x13b: {  	_ =	strace $0x90000047  }
0x13c: {  	s0 =	stileid.u32;
	[bflag:$0x2] =	sbarrier.arrive $0xFFFF  }
0x13d: {  	p0 =	sne.s32 s0, $0x0;
	s0 =	rddreg [dreg:$0x1]  }
0x13e: {  	s0 =	sadd.s32 @!p0 $0x100000, s0  }
0x13f: {  	[sflag:s0] =	ssyncadd.tile.s32 @!p0 $0x1;
	_ =	shalt  }
.Lfunc_end2:
_tile_overlayer_lowered:
.L_overlay_start_2:
0x140: {  	(tag) =	ssettag $0x2  }
0x141: {  	s0 =	rddreg [dreg:$0x0];
	s2 =	stileid.u32  }
0x142: {  	s1 =	rddreg [dreg:$0x1];
	p0 =	sne.s32 s2, $0x0  }
0x143: {  	s3 =	rddreg [dreg:$0x2];
	[bflag:$0x3] =	sbarrier.arrive $0xFFFF;
	s2 =	simm.s32 @!p0 $0x1C03  }
0x144: {  	[timem:s3], [sflag:s2] =	dma.local @!p0 [hbm:s0], s1  }
0x145: {  	s0 =	simm.s32 @!p0 $0x3  }
0x146: {  	_ =	swait.ge @!p0 [sflag:s0], s1  }
0x147: {  	s1 =	ssub.s32 @!p0 $0x0, s1;
	[sflag:s0] =	ssyncset.done @!p0 $0x0  }
0x148: {  	[sflag:s0] =	ssyncadd.s32 @!p0 s1  }
0x149: {  	[bflag:$0x3] =	sbarrier.arrive $0xFFFF  }
0x14a: {  	_ =	shalt  }

</sc_bundles>
